<compile_context>
chip_gen: v7x
topology: tpu7x:2x2x1
jax: 0.10.2.dev20260603
libtpu: 0.0.44.dev20260713+nightly
codegen_flags: <defaults>
</compile_context>

<pallas_src>
import functools

import jax
import jax.numpy as jnp
from jax import lax
from jax.experimental import pallas as pl
from jax.experimental.pallas import tpu as pltpu
from jax.experimental.pallas import tpu_sc as plsc

_FP = 32


def _transpose_sc(V, D):
    info = plsc.get_sparse_core_info()
    NC, NS, L = info.num_cores, info.num_subcores, info.num_lanes
    NW = NC * NS
    NT = V // 128
    TAIL = V - NT * 128
    per_w = NT // NW
    extra = NT - per_w * NW
    WB = 8
    NB = ((per_w + 1 + WB - 1) // WB + 1) // 2 * 2
    NPAIR = NB // 2
    mesh = plsc.VectorSubcoreMesh(core_axis_name="c", subcore_axis_name="s")

    @functools.partial(
        pl.kernel,
        mesh=mesh,
        out_type=jax.ShapeDtypeStruct((V // 8, 128), jnp.float32),
        compiler_params=pltpu.CompilerParams(needs_layout_passes=False),
        scratch_types=[
            pltpu.VMEM((D, WB * 128), jnp.float32),
            pltpu.VMEM((D, WB * 128), jnp.float32),
            pltpu.VMEM((WB * 16, 128), jnp.float32),
            pltpu.VMEM((WB * 16, 128), jnp.float32),
            pltpu.SemaphoreType.DMA,
            pltpu.SemaphoreType.DMA,
            pltpu.SemaphoreType.DMA,
            pltpu.SemaphoreType.DMA,
        ],
    )
    def tr(tt_hbm, tail_hbm, out_hbm,
           blk0, blk1, out0, out1, si0, si1, so0, so1):
        wid = lax.axis_index("s") * NC + lax.axis_index("c")
        lane = lax.iota(jnp.int32, L)
        start = wid * per_w + jnp.minimum(wid, extra)
        end = start + per_w + jnp.where(wid < extra, 1, 0)

        def cp_in(k, blk, sem):
            bs = jnp.minimum(start + k * WB, end - WB)
            return pltpu.make_async_copy(
                tt_hbm.at[:, pl.ds(bs * 128, WB * 128)], blk, sem
            )

        def cp_out(k, out_v, sem):
            bs = jnp.minimum(start + k * WB, end - WB)
            return pltpu.make_async_copy(
                out_v, out_hbm.at[pl.ds(bs * 16, WB * 16)], sem
            )

        cp_in(0, blk0, si0).start()
        cp_in(1, blk1, si1).start()

        def pair_body(kk, carry):
            for phase, blk, out_v, si, so in (
                (0, blk0, out0, si0, so0),
                (1, blk1, out1, si1, so1),
            ):
                k = 2 * kk + phase
                cp_in(k, blk, si).wait()

                @pl.when(kk > 0)
                def _():
                    cp_out(k - 2, out_v, so).wait()

                rowp = lane // 8
                colp = (lane % 8) * L

                @plsc.parallel_loop(0, WB * 8, unroll=4)
                def col_body(k):
                    rbase = rowp + 2 * k
                    for d in range(D):
                        v = blk[d, pl.ds(k * L, L)]
                        plsc.store_scatter(out_v, [rbase, colp + d], v)

                cp_out(k, out_v, so).start()

                @pl.when(kk < NPAIR - 1)
                def _():
                    cp_in(k + 2, blk, si).start()
            return carry

        lax.fori_loop(0, NPAIR, pair_body, 0)
        cp_out(NB - 2, out0, so0).wait()
        cp_out(NB - 1, out1, so1).wait()

        if TAIL:
            @pl.when(wid == NW - 1)
            def _():
                pltpu.sync_copy(tail_hbm, out_hbm.at[pl.ds(NT * 16, TAIL // 8)])

    return tr


def _fm_sc(B, F, D):
    info = plsc.get_sparse_core_info()
    NC, NS, L = info.num_cores, info.num_subcores, info.num_lanes
    NW = NC * NS
    assert D == L and B % NW == 0
    b_per_w = B // NW
    C = 8
    n_chunks = b_per_w // C
    NPAIR = n_chunks // 2
    CF = C * F
    FP = _FP

    mesh = plsc.VectorSubcoreMesh(core_axis_name="c", subcore_axis_name="s")

    @functools.partial(
        pl.kernel,
        mesh=mesh,
        out_type=jax.ShapeDtypeStruct((B,), jnp.float32),
        compiler_params=pltpu.CompilerParams(needs_layout_passes=False),
        scratch_types=[
            pltpu.VMEM((b_per_w * F,), jnp.int32),
            pltpu.VMEM((b_per_w * FP,), jnp.float32),
            pltpu.VMEM((b_per_w * FP,), jnp.int32),
            pltpu.VMEM((CF, 128), jnp.float32),
            pltpu.VMEM((CF, 128), jnp.float32),
            pltpu.VMEM((b_per_w * D,), jnp.float32),
            pltpu.VMEM((b_per_w,), jnp.float32),
            pltpu.SemaphoreType.DMA,
            pltpu.SemaphoreType.DMA,
        ],
    )
    def fm(table_hbm, idxh_hbm, idxlo_hbm, vals_hbm, out_hbm,
           idxh_v, vals_v, idxlo_v, rows0, rows1, diffs_v, out_v, sg0, sg1):
        wid = lax.axis_index("s") * NC + lax.axis_index("c")
        lane = lax.iota(jnp.int32, L)
        base_s = wid * b_per_w

        pltpu.sync_copy(idxh_hbm.at[pl.ds(base_s * F, b_per_w * F)], idxh_v)
        pltpu.sync_copy(idxlo_hbm.at[pl.ds(base_s * FP, b_per_w * FP)], idxlo_v)
        pltpu.sync_copy(vals_hbm.at[pl.ds(base_s * FP, b_per_w * FP)], vals_v)

        def cp_g(j, rows, sem):
            return pltpu.make_async_copy(
                table_hbm.at[idxh_v.at[pl.ds(j * CF, CF)]], rows, sem
            )

        cp_g(0, rows0, sg0).start()
        cp_g(1, rows1, sg1).start()

        def pair_body(kk, carry):
            for phase, rows, sg in ((0, rows0, sg0), (1, rows1, sg1)):
                j = 2 * kk + phase
                cp_g(j, rows, sg).wait()

                @plsc.parallel_loop(0, C, unroll=2)
                def sample_body(b):
                    bg = j * C + b
                    p0 = b * F
                    v0 = vals_v[pl.ds(bg * FP, L)]
                    v1 = vals_v[pl.ds(bg * FP + L, L)]
                    o0 = idxlo_v[pl.ds(bg * FP, L)]
                    o1 = idxlo_v[pl.ds(bg * FP + L, L)]
                    acc = jnp.zeros((L,), jnp.float32)
                    acc2 = jnp.zeros((L,), jnp.float32)
                    for f in range(F):
                        vf = v0[f] if f < L else v1[f - L]
                        of = o0[f] if f < L else o1[f - L]
                        row = rows[p0 + f, pl.ds(of, L)]
                        w = row * vf
                        acc = acc + w
                        acc2 = acc2 + w * w
                    diffs_v[pl.ds(bg * D, D)] = acc * acc - acc2

                @pl.when(kk < NPAIR - 1)
                def _():
                    cp_g(j + 2, rows, sg).start()
            return carry

        lax.fori_loop(0, NPAIR, pair_body, 0)

        @plsc.parallel_loop(0, b_per_w // L, unroll=2)
        def group_body(g):
            row = (g * L + lane) * D
            tot = jnp.zeros((L,), jnp.float32)
            for d in range(D):
                tot = tot + plsc.load_gather(diffs_v, [row + d])
            out_v[pl.ds(g * L, L)] = 0.5 * tot

        pltpu.sync_copy(out_v, out_hbm.at[pl.ds(base_s, b_per_w)])

    return fm


def kernel(feature_indices, feature_values, embedding_weight):
    B, F = feature_indices.shape
    V, D = embedding_weight.shape
    tail = embedding_weight[(V // 128) * 128:].reshape(-1, 128)
    table128 = _transpose_sc(V, D)(embedding_weight.T, tail)
    idx_flat = feature_indices.reshape(B * F).astype(jnp.int32)
    idx_hi = idx_flat >> 3
    idx_lo = jnp.pad(
        (feature_indices.astype(jnp.int32) & 7) << 4, ((0, 0), (0, _FP - F))
    ).reshape(B * _FP)
    vals_pad = jnp.pad(feature_values, ((0, 0), (0, _FP - F))).reshape(B * _FP)
    out = _fm_sc(B, F, D)(table128, idx_hi, idx_lo, vals_pad)
    return out.reshape(B, 1)

# --- scband reference (transcript-rebuilt; emitter-appended) ---
"""Pipeline reference for scband-fmlayer-17257178596027 (READ-ONLY COPY).

The authoritative reference and input builder live on the scoring server;
editing this copy changes nothing except your own understanding.
"""

import jax, jax.numpy as jnp
import numpy as np

NUM_FEATURES = 1000000
EMBED_DIM = 16
BATCH = 16384
FIELDS = 26


def setup_inputs(seed: int = 0) -> dict:
    key = jax.random.key(seed)
    k1, k2, k3 = jax.random.split(key, 3)
    feature_indices = jax.random.randint(k1, (BATCH, FIELDS), 0, NUM_FEATURES, dtype=jnp.int64) if jax.config.jax_enable_x64 else jax.random.randint(k1, (BATCH, FIELDS), 0, NUM_FEATURES, dtype=jnp.int32)
    feature_values = jax.random.uniform(k2, (BATCH, FIELDS), dtype=jnp.float32)
    # xavier_uniform init for embedding table: bound = sqrt(6 / (fan_in + fan_out))
    bound = float(np.sqrt(6.0 / (NUM_FEATURES + EMBED_DIM)))
    embedding_weight = jax.random.uniform(k3, (NUM_FEATURES, EMBED_DIM), minval=-bound, maxval=bound, dtype=jnp.float32)
    return {
        "feature_indices": feature_indices,
        "feature_values": feature_values,
        "embedding_weight": embedding_weight,
    }


def reference(feature_indices, feature_values, embedding_weight):
    # embedding lookup: (B, F, D)
    embeddings = jnp.take(embedding_weight, feature_indices, axis=0)
    weighted = embeddings * feature_values[..., None]
    sum_of_square = jnp.sum(weighted, axis=1) ** 2          # (B, D)
    square_of_sum = jnp.sum(weighted ** 2, axis=1)          # (B, D)
    interaction = 0.5 * jnp.sum(sum_of_square - square_of_sum, axis=-1, keepdims=True)  # (B, 1)
    return interaction

if __name__ == "__main__":
    import jax
    _d = setup_inputs()
    print(jax.jit(kernel)(*tuple(_d.values())))

</pallas_src>

<mosaic_0001>
#map = affine_map<(d0, d1) -> (0, 0)>
module attributes {stable_mosaic.version = 14 : i64} {
  func.func @tr(%arg0: i32, %arg1: i32, %arg2: memref<16x1000000xf32, #tpu.memory_space<hbm>>, %arg3: memref<8x128xf32, #tpu.memory_space<hbm>>, %arg4: memref<125000x128xf32, #tpu.memory_space<hbm>>, %arg5: memref<16x1024xf32, #tpu.memory_space<vmem>>, %arg6: memref<16x1024xf32, #tpu.memory_space<vmem>>, %arg7: memref<128x128xf32, #tpu.memory_space<vmem>>, %arg8: memref<128x128xf32, #tpu.memory_space<vmem>>, %arg9: memref<!tpu.dma_semaphore, #tpu.memory_space<semaphore_mem>>, %arg10: memref<!tpu.dma_semaphore, #tpu.memory_space<semaphore_mem>>, %arg11: memref<!tpu.dma_semaphore, #tpu.memory_space<semaphore_mem>>, %arg12: memref<!tpu.dma_semaphore, #tpu.memory_space<semaphore_mem>>) attributes {dimension_semantics = [#tpu.dimension_semantics<core_parallel>, #tpu.dimension_semantics<subcore_parallel>], iteration_bounds = array<i64: 2, 16>, scalar_prefetch = 0 : i64, scratch_operands = 8 : i64, tpu.core_type = #tpu.core_type<sc_vector_subcore>, window_params = [{transform_indices = #map}, {transform_indices = #map}, {transform_indices = #map}]} {
    %mul3A = arith.constant 2 : i32
    %mul3A_0 = arith.muli %arg1, %mul3A : i32
    %add3A = arith.addi %mul3A_0, %arg0 : i32
    %iota3A = tpu.iota {dimensions = array<i32: 0>} : vector<16xi32>
    %mul3A_1 = arith.constant 244 : i32
    %mul3A_2 = arith.muli %add3A, %mul3A_1 : i32
    %min3A = arith.constant 4 : i32
    %min3A_3 = arith.minsi %add3A, %min3A : i32
    %add3A_4 = arith.addi %mul3A_2, %min3A_3 : i32
    %add3A_5 = arith.constant 244 : i32
    %add3A_6 = arith.addi %add3A_4, %add3A_5 : i32
    %lt3A = arith.constant 4 : i32
    %lt3A_7 = arith.cmpi slt, %add3A, %lt3A : i32
    %jit3A = arith.constant 1 : i32
    %jit3A_8 = arith.constant 0 : i32
    %select_n3A = arith.select %lt3A_7, %jit3A, %jit3A_8 : i32
    %add3A_9 = arith.addi %add3A_6, %select_n3A : i32
    %add3A_10 = arith.constant 0 : i32
    %add3A_11 = arith.addi %add3A_4, %add3A_10 : i32
    %sub3A = arith.constant 8 : i32
    %sub3A_12 = arith.subi %add3A_9, %sub3A : i32
    %min3A_13 = arith.minsi %add3A_11, %sub3A_12 : i32
    %mul3A_14 = arith.constant 128 : i32
    %mul3A_15 = arith.muli %min3A_13, %mul3A_14 : i32
    %dma_start3A = arith.constant 0 : i32
    %dma_start3A_16 = tpu.memref_slice %arg2[%dma_start3A, %mul3A_15] : memref<16x1000000xf32, #tpu.memory_space<hbm>> -> memref<16x1024xf32, #tpu.memory_space<hbm>>
    %dma_start3A_17 = arith.constant 0 : i32
    %dma_start3A_18 = tpu.memref_slice %arg2[%dma_start3A_17, %mul3A_15] : memref<16x1000000xf32, #tpu.memory_space<hbm>> -> memref<16x1024xf32, #tpu.memory_space<hbm>>
    tpu.enqueue_dma source(%dma_start3A_18 : memref<16x1024xf32, #tpu.memory_space<hbm>>) target(%arg5 : memref<16x1024xf32, #tpu.memory_space<vmem>>) target_semaphore(%arg9 : memref<!tpu.dma_semaphore, #tpu.memory_space<semaphore_mem>>)
    %add3A_19 = arith.constant 8 : i32
    %add3A_20 = arith.addi %add3A_4, %add3A_19 : i32
    %sub3A_21 = arith.constant 8 : i32
    %sub3A_22 = arith.subi %add3A_9, %sub3A_21 : i32
    %min3A_23 = arith.minsi %add3A_20, %sub3A_22 : i32
    %mul3A_24 = arith.constant 128 : i32
    %mul3A_25 = arith.muli %min3A_23, %mul3A_24 : i32
    %dma_start3A_26 = arith.constant 0 : i32
    %dma_start3A_27 = tpu.memref_slice %arg2[%dma_start3A_26, %mul3A_25] : memref<16x1000000xf32, #tpu.memory_space<hbm>> -> memref<16x1024xf32, #tpu.memory_space<hbm>>
    %dma_start3A_28 = arith.constant 0 : i32
    %dma_start3A_29 = tpu.memref_slice %arg2[%dma_start3A_28, %mul3A_25] : memref<16x1000000xf32, #tpu.memory_space<hbm>> -> memref<16x1024xf32, #tpu.memory_space<hbm>>
    tpu.enqueue_dma source(%dma_start3A_29 : memref<16x1024xf32, #tpu.memory_space<hbm>>) target(%arg6 : memref<16x1024xf32, #tpu.memory_space<vmem>>) target_semaphore(%arg10 : memref<!tpu.dma_semaphore, #tpu.memory_space<semaphore_mem>>)
    %scan3A = arith.constant 0 : i32
    %scan3A_30 = arith.constant 0 : i32
    %scan3A_31 = arith.constant 16 : i32
    %scan3A_32 = arith.addi %scan3A_30, %scan3A_31 : i32
    %scan3A_33 = arith.constant 1 : i32
    scf.for %scan3A_58 = %scan3A_30 to %scan3A_32 step %scan3A_33  : i32 {
      %mul3A_59 = arith.constant 2 : i32
      %mul3A_60 = arith.muli %mul3A_59, %scan3A_58 : i32
      %add3A_61 = arith.constant 0 : i32
      %add3A_62 = arith.addi %mul3A_60, %add3A_61 : i32
      %mul3A_63 = arith.constant 8 : i32
      %mul3A_64 = arith.muli %add3A_62, %mul3A_63 : i32
      %add3A_65 = arith.addi %add3A_4, %mul3A_64 : i32
      %sub3A_66 = arith.constant 8 : i32
      %sub3A_67 = arith.subi %add3A_9, %sub3A_66 : i32
      %min3A_68 = arith.minsi %add3A_65, %sub3A_67 : i32
      %mul3A_69 = arith.constant 128 : i32
      %mul3A_70 = arith.muli %min3A_68, %mul3A_69 : i32
      %dma_wait3A_71 = arith.constant 0 : i32
      %dma_wait3A_72 = tpu.memref_slice %arg2[%dma_wait3A_71, %mul3A_70] : memref<16x1000000xf32, #tpu.memory_space<hbm>> -> memref<16x1024xf32, #tpu.memory_space<hbm>>
      %dma_wait3A_73 = arith.constant 0 : i32
      %dma_wait3A_74 = tpu.memref_slice %arg2[%dma_wait3A_73, %mul3A_70] : memref<16x1000000xf32, #tpu.memory_space<hbm>> -> memref<16x1024xf32, #tpu.memory_space<hbm>>
      tpu.wait_dma2 semaphore(%arg9 : memref<!tpu.dma_semaphore, #tpu.memory_space<semaphore_mem>>) src(%dma_wait3A_74 : memref<16x1024xf32, #tpu.memory_space<hbm>>) dst(%arg5 : memref<16x1024xf32, #tpu.memory_space<vmem>>)
      %gt3A = arith.constant 0 : i32
      %gt3A_75 = arith.cmpi sgt, %scan3A_58, %gt3A : i32
      %convert_element_type3A_76 = arith.extui %gt3A_75 : i1 to i32
      %cond3A_77 = arith.constant 0 : i32
      %cond3A_78 = arith.cmpi ne, %convert_element_type3A_76, %cond3A_77 : i32
      scf.if %cond3A_78 {
        %sub3A_246 = arith.constant 2 : i32
        %sub3A_247 = arith.subi %add3A_62, %sub3A_246 : i32
        %mul3A_248 = arith.constant 8 : i32
        %mul3A_249 = arith.muli %sub3A_247, %mul3A_248 : i32
        %add3A_250 = arith.addi %add3A_4, %mul3A_249 : i32
        %sub3A_251 = arith.constant 8 : i32
        %sub3A_252 = arith.subi %add3A_9, %sub3A_251 : i32
        %min3A_253 = arith.minsi %add3A_250, %sub3A_252 : i32
        %mul3A_254 = arith.constant 16 : i32
        %mul3A_255 = arith.muli %min3A_253, %mul3A_254 : i32
        %dma_wait3A_256 = arith.constant 0 : i32
        %dma_wait3A_257 = tpu.memref_slice %arg4[%mul3A_255, %dma_wait3A_256] : memref<125000x128xf32, #tpu.memory_space<hbm>> -> memref<128x128xf32, #tpu.memory_space<hbm>>
        %dma_wait3A_258 = arith.constant 0 : i32
        %dma_wait3A_259 = tpu.memref_slice %arg4[%mul3A_255, %dma_wait3A_258] : memref<125000x128xf32, #tpu.memory_space<hbm>> -> memref<128x128xf32, #tpu.memory_space<hbm>>
        tpu.wait_dma2 semaphore(%arg11 : memref<!tpu.dma_semaphore, #tpu.memory_space<semaphore_mem>>) src(%arg7 : memref<128x128xf32, #tpu.memory_space<vmem>>) dst(%dma_wait3A_259 : memref<128x128xf32, #tpu.memory_space<hbm>>)
      } else {
      }
      %jit3A_79 = arith.constant 8 : i32
      %div3A = vector.broadcast %jit3A_79 : i32 to vector<16xi32>
      %div3A_80 = arith.divsi %iota3A, %div3A : vector<16xi32>
      %sign3A = arith.constant 0 : i32
      %sign3A_81 = vector.broadcast %sign3A : i32 to vector<16xi32>
      %sign3A_82 = arith.cmpi sgt, %iota3A, %sign3A_81 : vector<16xi32>
      %sign3A_83 = arith.extui %sign3A_82 : vector<16xi1> to vector<16xi32>
      %sign3A_84 = arith.constant 0 : i32
      %sign3A_85 = vector.broadcast %sign3A_84 : i32 to vector<16xi32>
      %sign3A_86 = arith.cmpi slt, %iota3A, %sign3A_85 : vector<16xi32>
      %sign3A_87 = arith.extui %sign3A_86 : vector<16xi1> to vector<16xi32>
      %sign3A_88 = arith.subi %sign3A_83, %sign3A_87 : vector<16xi32>
      %sign3A_89 = arith.constant 0 : i32
      %sign3A_90 = arith.cmpi sgt, %jit3A_79, %sign3A_89 : i32
      %sign3A_91 = arith.extui %sign3A_90 : i1 to i32
      %sign3A_92 = arith.constant 0 : i32
      %sign3A_93 = arith.cmpi slt, %jit3A_79, %sign3A_92 : i32
      %sign3A_94 = arith.extui %sign3A_93 : i1 to i32
      %sign3A_95 = arith.subi %sign3A_91, %sign3A_94 : i32
      %ne3A = vector.broadcast %sign3A_95 : i32 to vector<16xi32>
      %ne3A_96 = arith.cmpi ne, %sign3A_88, %ne3A : vector<16xi32>
      %rem3A = vector.broadcast %jit3A_79 : i32 to vector<16xi32>
      %rem3A_97 = arith.remsi %iota3A, %rem3A : vector<16xi32>
      %ne3A_98 = arith.constant 0 : i32
      %ne3A_99 = vector.broadcast %ne3A_98 : i32 to vector<16xi32>
      %ne3A_100 = arith.cmpi ne, %rem3A_97, %ne3A_99 : vector<16xi32>
      %and3A = arith.andi %ne3A_96, %ne3A_100 : vector<16xi1>
      %sub3A_101 = arith.constant 1 : i32
      %sub3A_102 = vector.broadcast %sub3A_101 : i32 to vector<16xi32>
      %sub3A_103 = arith.subi %div3A_80, %sub3A_102 : vector<16xi32>
      %select_n3A_104 = arith.select %and3A, %sub3A_103, %div3A_80 : vector<16xi1>, vector<16xi32>
      %jit3A_105 = arith.constant 8 : i32
      %eq3A_106 = arith.constant 0 : i32
      %eq3A_107 = arith.cmpi eq, %jit3A_105, %eq3A_106 : i32
      %jit3A_108 = arith.constant 1 : i32
      %select_n3A_109 = arith.select %eq3A_107, %jit3A_108, %jit3A_105 : i32
      %rem3A_110 = vector.broadcast %select_n3A_109 : i32 to vector<16xi32>
      %rem3A_111 = arith.remsi %iota3A, %rem3A_110 : vector<16xi32>
      %ne3A_112 = arith.constant 0 : i32
      %ne3A_113 = vector.broadcast %ne3A_112 : i32 to vector<16xi32>
      %ne3A_114 = arith.cmpi ne, %rem3A_111, %ne3A_113 : vector<16xi32>
      %lt3A_115 = arith.constant 0 : i32
      %lt3A_116 = vector.broadcast %lt3A_115 : i32 to vector<16xi32>
      %lt3A_117 = arith.cmpi slt, %rem3A_111, %lt3A_116 : vector<16xi32>
      %lt3A_118 = arith.constant 0 : i32
      %lt3A_119 = arith.cmpi slt, %select_n3A_109, %lt3A_118 : i32
      %ne3A_120 = vector.broadcast %lt3A_119 : i1 to vector<16xi1>
      %ne3A_121 = vector.broadcast %ne3A_120 : vector<16xi1> to vector<16xi1>
      %ne3A_122 = arith.xori %lt3A_117, %ne3A_121 : vector<16xi1>
      %and3A_123 = arith.andi %ne3A_122, %ne3A_114 : vector<16xi1>
      %add3A_124 = vector.broadcast %select_n3A_109 : i32 to vector<16xi32>
      %add3A_125 = arith.addi %rem3A_111, %add3A_124 : vector<16xi32>
      %select_n3A_126 = arith.select %and3A_123, %add3A_125, %rem3A_111 : vector<16xi1>, vector<16xi32>
      %mul3A_127 = arith.constant 16 : i32
      %mul3A_128 = vector.broadcast %mul3A_127 : i32 to vector<16xi32>
      %mul3A_129 = arith.muli %select_n3A_126, %mul3A_128 : vector<16xi32>
      %parallel_loop3A = arith.constant 0 : i32
      %parallel_loop3A_130 = arith.constant 64 : i32
      %parallel_loop3A_131 = arith.constant 1 : i32
      scf.for %parallel_loop3A_246 = %parallel_loop3A to %parallel_loop3A_130 step %parallel_loop3A_131  : i32 {
        %parallel_loop3A_247 = arith.constant 2 : i32
        %parallel_loop3A_248 = arith.muli %parallel_loop3A_247, %parallel_loop3A_246 : i32
        %parallel_loop3A_249 = vector.broadcast %parallel_loop3A_248 : i32 to vector<16xi32>
        %parallel_loop3A_250 = arith.addi %select_n3A_104, %parallel_loop3A_249 : vector<16xi32>
        %parallel_loop3A_251 = arith.constant 16 : i32
        %parallel_loop3A_252 = arith.muli %parallel_loop3A_246, %parallel_loop3A_251 : i32
        %parallel_loop3A_253 = arith.constant 0 : i32
        %parallel_loop3A_254 = arith.index_cast %parallel_loop3A_253 : i32 to index
        %parallel_loop3A_255 = arith.index_cast %parallel_loop3A_252 : i32 to index
        %parallel_loop3A_256 = tpu.vector_load %arg5[%parallel_loop3A_254, %parallel_loop3A_255] {strides = array<i32>} : memref<16x1024xf32, #tpu.memory_space<vmem>>, vector<16xf32>,
        %parallel_loop3A_257 = arith.constant 0 : i32
        %parallel_loop3A_258 = vector.broadcast %parallel_loop3A_257 : i32 to vector<16xi32>
        %parallel_loop3A_259 = arith.addi %mul3A_129, %parallel_loop3A_258 : vector<16xi32>
        tpu.vector_store_idx %arg7[%parallel_loop3A_250, %parallel_loop3A_259], %parallel_loop3A_256 : memref<128x128xf32, #tpu.memory_space<vmem>>[vector<16xi32>, vector<16xi32>], vector<16xf32>,
        %parallel_loop3A_260 = arith.constant 16 : i32
        %parallel_loop3A_261 = arith.muli %parallel_loop3A_246, %parallel_loop3A_260 : i32
        %parallel_loop3A_262 = arith.constant 1 : i32
        %parallel_loop3A_263 = arith.index_cast %parallel_loop3A_262 : i32 to index
        %parallel_loop3A_264 = arith.index_cast %parallel_loop3A_261 : i32 to index
        %parallel_loop3A_265 = tpu.vector_load %arg5[%parallel_loop3A_263, %parallel_loop3A_264] {strides = array<i32>} : memref<16x1024xf32, #tpu.memory_space<vmem>>, vector<16xf32>,
        %parallel_loop3A_266 = arith.constant 1 : i32
        %parallel_loop3A_267 = vector.broadcast %parallel_loop3A_266 : i32 to vector<16xi32>
        %parallel_loop3A_268 = arith.addi %mul3A_129, %parallel_loop3A_267 : vector<16xi32>
        tpu.vector_store_idx %arg7[%parallel_loop3A_250, %parallel_loop3A_268], %parallel_loop3A_265 : memref<128x128xf32, #tpu.memory_space<vmem>>[vector<16xi32>, vector<16xi32>], vector<16xf32>,
        %parallel_loop3A_269 = arith.constant 16 : i32
        %parallel_loop3A_270 = arith.muli %parallel_loop3A_246, %parallel_loop3A_269 : i32
        %parallel_loop3A_271 = arith.constant 2 : i32
        %parallel_loop3A_272 = arith.index_cast %parallel_loop3A_271 : i32 to index
        %parallel_loop3A_273 = arith.index_cast %parallel_loop3A_270 : i32 to index
        %parallel_loop3A_274 = tpu.vector_load %arg5[%parallel_loop3A_272, %parallel_loop3A_273] {strides = array<i32>} : memref<16x1024xf32, #tpu.memory_space<vmem>>, vector<16xf32>,
        %parallel_loop3A_275 = arith.constant 2 : i32
        %parallel_loop3A_276 = vector.broadcast %parallel_loop3A_275 : i32 to vector<16xi32>
        %parallel_loop3A_277 = arith.addi %mul3A_129, %parallel_loop3A_276 : vector<16xi32>
        tpu.vector_store_idx %arg7[%parallel_loop3A_250, %parallel_loop3A_277], %parallel_loop3A_274 : memref<128x128xf32, #tpu.memory_space<vmem>>[vector<16xi32>, vector<16xi32>], vector<16xf32>,
        %parallel_loop3A_278 = arith.constant 16 : i32
        %parallel_loop3A_279 = arith.muli %parallel_loop3A_246, %parallel_loop3A_278 : i32
        %parallel_loop3A_280 = arith.constant 3 : i32
        %parallel_loop3A_281 = arith.index_cast %parallel_loop3A_280 : i32 to index
        %parallel_loop3A_282 = arith.index_cast %parallel_loop3A_279 : i32 to index
        %parallel_loop3A_283 = tpu.vector_load %arg5[%parallel_loop3A_281, %parallel_loop3A_282] {strides = array<i32>} : memref<16x1024xf32, #tpu.memory_space<vmem>>, vector<16xf32>,
        %parallel_loop3A_284 = arith.constant 3 : i32
        %parallel_loop3A_285 = vector.broadcast %parallel_loop3A_284 : i32 to vector<16xi32>
        %parallel_loop3A_286 = arith.addi %mul3A_129, %parallel_loop3A_285 : vector<16xi32>
        tpu.vector_store_idx %arg7[%parallel_loop3A_250, %parallel_loop3A_286], %parallel_loop3A_283 : memref<128x128xf32, #tpu.memory_space<vmem>>[vector<16xi32>, vector<16xi32>], vector<16xf32>,
        %parallel_loop3A_287 = arith.constant 16 : i32
        %parallel_loop3A_288 = arith.muli %parallel_loop3A_246, %parallel_loop3A_287 : i32
        %parallel_loop3A_289 = arith.constant 4 : i32
        %parallel_loop3A_290 = arith.index_cast %parallel_loop3A_289 : i32 to index
        %parallel_loop3A_291 = arith.index_cast %parallel_loop3A_288 : i32 to index
        %parallel_loop3A_292 = tpu.vector_load %arg5[%parallel_loop3A_290, %parallel_loop3A_291] {strides = array<i32>} : memref<16x1024xf32, #tpu.memory_space<vmem>>, vector<16xf32>,
        %parallel_loop3A_293 = arith.constant 4 : i32
        %parallel_loop3A_294 = vector.broadcast %parallel_loop3A_293 : i32 to vector<16xi32>
        %parallel_loop3A_295 = arith.addi %mul3A_129, %parallel_loop3A_294 : vector<16xi32>
        tpu.vector_store_idx %arg7[%parallel_loop3A_250, %parallel_loop3A_295], %parallel_loop3A_292 : memref<128x128xf32, #tpu.memory_space<vmem>>[vector<16xi32>, vector<16xi32>], vector<16xf32>,
        %parallel_loop3A_296 = arith.constant 16 : i32
        %parallel_loop3A_297 = arith.muli %parallel_loop3A_246, %parallel_loop3A_296 : i32
        %parallel_loop3A_298 = arith.constant 5 : i32
        %parallel_loop3A_299 = arith.index_cast %parallel_loop3A_298 : i32 to index
        %parallel_loop3A_300 = arith.index_cast %parallel_loop3A_297 : i32 to index
        %parallel_loop3A_301 = tpu.vector_load %arg5[%parallel_loop3A_299, %parallel_loop3A_300] {strides = array<i32>} : memref<16x1024xf32, #tpu.memory_space<vmem>>, vector<16xf32>,
        %parallel_loop3A_302 = arith.constant 5 : i32
        %parallel_loop3A_303 = vector.broadcast %parallel_loop3A_302 : i32 to vector<16xi32>
        %parallel_loop3A_304 = arith.addi %mul3A_129, %parallel_loop3A_303 : vector<16xi32>
        tpu.vector_store_idx %arg7[%parallel_loop3A_250, %parallel_loop3A_304], %parallel_loop3A_301 : memref<128x128xf32, #tpu.memory_space<vmem>>[vector<16xi32>, vector<16xi32>], vector<16xf32>,
        %parallel_loop3A_305 = arith.constant 16 : i32
        %parallel_loop3A_306 = arith.muli %parallel_loop3A_246, %parallel_loop3A_305 : i32
        %parallel_loop3A_307 = arith.constant 6 : i32
        %parallel_loop3A_308 = arith.index_cast %parallel_loop3A_307 : i32 to index
        %parallel_loop3A_309 = arith.index_cast %parallel_loop3A_306 : i32 to index
        %parallel_loop3A_310 = tpu.vector_load %arg5[%parallel_loop3A_308, %parallel_loop3A_309] {strides = array<i32>} : memref<16x1024xf32, #tpu.memory_space<vmem>>, vector<16xf32>,
        %parallel_loop3A_311 = arith.constant 6 : i32
        %parallel_loop3A_312 = vector.broadcast %parallel_loop3A_311 : i32 to vector<16xi32>
        %parallel_loop3A_313 = arith.addi %mul3A_129, %parallel_loop3A_312 : vector<16xi32>
        tpu.vector_store_idx %arg7[%parallel_loop3A_250, %parallel_loop3A_313], %parallel_loop3A_310 : memref<128x128xf32, #tpu.memory_space<vmem>>[vector<16xi32>, vector<16xi32>], vector<16xf32>,
        %parallel_loop3A_314 = arith.constant 16 : i32
        %parallel_loop3A_315 = arith.muli %parallel_loop3A_246, %parallel_loop3A_314 : i32
        %parallel_loop3A_316 = arith.constant 7 : i32
        %parallel_loop3A_317 = arith.index_cast %parallel_loop3A_316 : i32 to index
        %parallel_loop3A_318 = arith.index_cast %parallel_loop3A_315 : i32 to index
        %parallel_loop3A_319 = tpu.vector_load %arg5[%parallel_loop3A_317, %parallel_loop3A_318] {strides = array<i32>} : memref<16x1024xf32, #tpu.memory_space<vmem>>, vector<16xf32>,
        %parallel_loop3A_320 = arith.constant 7 : i32
        %parallel_loop3A_321 = vector.broadcast %parallel_loop3A_320 : i32 to vector<16xi32>
        %parallel_loop3A_322 = arith.addi %mul3A_129, %parallel_loop3A_321 : vector<16xi32>
        tpu.vector_store_idx %arg7[%parallel_loop3A_250, %parallel_loop3A_322], %parallel_loop3A_319 : memref<128x128xf32, #tpu.memory_space<vmem>>[vector<16xi32>, vector<16xi32>], vector<16xf32>,
        %parallel_loop3A_323 = arith.constant 16 : i32
        %parallel_loop3A_324 = arith.muli %parallel_loop3A_246, %parallel_loop3A_323 : i32
        %parallel_loop3A_325 = arith.constant 8 : i32
        %parallel_loop3A_326 = arith.index_cast %parallel_loop3A_325 : i32 to index
        %parallel_loop3A_327 = arith.index_cast %parallel_loop3A_324 : i32 to index
        %parallel_loop3A_328 = tpu.vector_load %arg5[%parallel_loop3A_326, %parallel_loop3A_327] {strides = array<i32>} : memref<16x1024xf32, #tpu.memory_space<vmem>>, vector<16xf32>,
        %parallel_loop3A_329 = arith.constant 8 : i32
        %parallel_loop3A_330 = vector.broadcast %parallel_loop3A_329 : i32 to vector<16xi32>
        %parallel_loop3A_331 = arith.addi %mul3A_129, %parallel_loop3A_330 : vector<16xi32>
        tpu.vector_store_idx %arg7[%parallel_loop3A_250, %parallel_loop3A_331], %parallel_loop3A_328 : memref<128x128xf32, #tpu.memory_space<vmem>>[vector<16xi32>, vector<16xi32>], vector<16xf32>,
        %parallel_loop3A_332 = arith.constant 16 : i32
        %parallel_loop3A_333 = arith.muli %parallel_loop3A_246, %parallel_loop3A_332 : i32
        %parallel_loop3A_334 = arith.constant 9 : i32
        %parallel_loop3A_335 = arith.index_cast %parallel_loop3A_334 : i32 to index
        %parallel_loop3A_336 = arith.index_cast %parallel_loop3A_333 : i32 to index
        %parallel_loop3A_337 = tpu.vector_load %arg5[%parallel_loop3A_335, %parallel_loop3A_336] {strides = array<i32>} : memref<16x1024xf32, #tpu.memory_space<vmem>>, vector<16xf32>,
        %parallel_loop3A_338 = arith.constant 9 : i32
        %parallel_loop3A_339 = vector.broadcast %parallel_loop3A_338 : i32 to vector<16xi32>
        %parallel_loop3A_340 = arith.addi %mul3A_129, %parallel_loop3A_339 : vector<16xi32>
        tpu.vector_store_idx %arg7[%parallel_loop3A_250, %parallel_loop3A_340], %parallel_loop3A_337 : memref<128x128xf32, #tpu.memory_space<vmem>>[vector<16xi32>, vector<16xi32>], vector<16xf32>,
        %parallel_loop3A_341 = arith.constant 16 : i32
        %parallel_loop3A_342 = arith.muli %parallel_loop3A_246, %parallel_loop3A_341 : i32
        %parallel_loop3A_343 = arith.constant 10 : i32
        %parallel_loop3A_344 = arith.index_cast %parallel_loop3A_343 : i32 to index
        %parallel_loop3A_345 = arith.index_cast %parallel_loop3A_342 : i32 to index
        %parallel_loop3A_346 = tpu.vector_load %arg5[%parallel_loop3A_344, %parallel_loop3A_345] {strides = array<i32>} : memref<16x1024xf32, #tpu.memory_space<vmem>>, vector<16xf32>,
        %parallel_loop3A_347 = arith.constant 10 : i32
        %parallel_loop3A_348 = vector.broadcast %parallel_loop3A_347 : i32 to vector<16xi32>
        %parallel_loop3A_349 = arith.addi %mul3A_129, %parallel_loop3A_348 : vector<16xi32>
        tpu.vector_store_idx %arg7[%parallel_loop3A_250, %parallel_loop3A_349], %parallel_loop3A_346 : memref<128x128xf32, #tpu.memory_space<vmem>>[vector<16xi32>, vector<16xi32>], vector<16xf32>,
        %parallel_loop3A_350 = arith.constant 16 : i32
        %parallel_loop3A_351 = arith.muli %parallel_loop3A_246, %parallel_loop3A_350 : i32
        %parallel_loop3A_352 = arith.constant 11 : i32
        %parallel_loop3A_353 = arith.index_cast %parallel_loop3A_352 : i32 to index
        %parallel_loop3A_354 = arith.index_cast %parallel_loop3A_351 : i32 to index
        %parallel_loop3A_355 = tpu.vector_load %arg5[%parallel_loop3A_353, %parallel_loop3A_354] {strides = array<i32>} : memref<16x1024xf32, #tpu.memory_space<vmem>>, vector<16xf32>,
        %parallel_loop3A_356 = arith.constant 11 : i32
        %parallel_loop3A_357 = vector.broadcast %parallel_loop3A_356 : i32 to vector<16xi32>
        %parallel_loop3A_358 = arith.addi %mul3A_129, %parallel_loop3A_357 : vector<16xi32>
        tpu.vector_store_idx %arg7[%parallel_loop3A_250, %parallel_loop3A_358], %parallel_loop3A_355 : memref<128x128xf32, #tpu.memory_space<vmem>>[vector<16xi32>, vector<16xi32>], vector<16xf32>,
        %parallel_loop3A_359 = arith.constant 16 : i32
        %parallel_loop3A_360 = arith.muli %parallel_loop3A_246, %parallel_loop3A_359 : i32
        %parallel_loop3A_361 = arith.constant 12 : i32
        %parallel_loop3A_362 = arith.index_cast %parallel_loop3A_361 : i32 to index
        %parallel_loop3A_363 = arith.index_cast %parallel_loop3A_360 : i32 to index
        %parallel_loop3A_364 = tpu.vector_load %arg5[%parallel_loop3A_362, %parallel_loop3A_363] {strides = array<i32>} : memref<16x1024xf32, #tpu.memory_space<vmem>>, vector<16xf32>,
        %parallel_loop3A_365 = arith.constant 12 : i32
        %parallel_loop3A_366 = vector.broadcast %parallel_loop3A_365 : i32 to vector<16xi32>
        %parallel_loop3A_367 = arith.addi %mul3A_129, %parallel_loop3A_366 : vector<16xi32>
        tpu.vector_store_idx %arg7[%parallel_loop3A_250, %parallel_loop3A_367], %parallel_loop3A_364 : memref<128x128xf32, #tpu.memory_space<vmem>>[vector<16xi32>, vector<16xi32>], vector<16xf32>,
        %parallel_loop3A_368 = arith.constant 16 : i32
        %parallel_loop3A_369 = arith.muli %parallel_loop3A_246, %parallel_loop3A_368 : i32
        %parallel_loop3A_370 = arith.constant 13 : i32
        %parallel_loop3A_371 = arith.index_cast %parallel_loop3A_370 : i32 to index
        %parallel_loop3A_372 = arith.index_cast %parallel_loop3A_369 : i32 to index
        %parallel_loop3A_373 = tpu.vector_load %arg5[%parallel_loop3A_371, %parallel_loop3A_372] {strides = array<i32>} : memref<16x1024xf32, #tpu.memory_space<vmem>>, vector<16xf32>,
        %parallel_loop3A_374 = arith.constant 13 : i32
        %parallel_loop3A_375 = vector.broadcast %parallel_loop3A_374 : i32 to vector<16xi32>
        %parallel_loop3A_376 = arith.addi %mul3A_129, %parallel_loop3A_375 : vector<16xi32>
        tpu.vector_store_idx %arg7[%parallel_loop3A_250, %parallel_loop3A_376], %parallel_loop3A_373 : memref<128x128xf32, #tpu.memory_space<vmem>>[vector<16xi32>, vector<16xi32>], vector<16xf32>,
        %parallel_loop3A_377 = arith.constant 16 : i32
        %parallel_loop3A_378 = arith.muli %parallel_loop3A_246, %parallel_loop3A_377 : i32
        %parallel_loop3A_379 = arith.constant 14 : i32
        %parallel_loop3A_380 = arith.index_cast %parallel_loop3A_379 : i32 to index
        %parallel_loop3A_381 = arith.index_cast %parallel_loop3A_378 : i32 to index
        %parallel_loop3A_382 = tpu.vector_load %arg5[%parallel_loop3A_380, %parallel_loop3A_381] {strides = array<i32>} : memref<16x1024xf32, #tpu.memory_space<vmem>>, vector<16xf32>,
        %parallel_loop3A_383 = arith.constant 14 : i32
        %parallel_loop3A_384 = vector.broadcast %parallel_loop3A_383 : i32 to vector<16xi32>
        %parallel_loop3A_385 = arith.addi %mul3A_129, %parallel_loop3A_384 : vector<16xi32>
        tpu.vector_store_idx %arg7[%parallel_loop3A_250, %parallel_loop3A_385], %parallel_loop3A_382 : memref<128x128xf32, #tpu.memory_space<vmem>>[vector<16xi32>, vector<16xi32>], vector<16xf32>,
        %parallel_loop3A_386 = arith.constant 16 : i32
        %parallel_loop3A_387 = arith.muli %parallel_loop3A_246, %parallel_loop3A_386 : i32
        %parallel_loop3A_388 = arith.constant 15 : i32
        %parallel_loop3A_389 = arith.index_cast %parallel_loop3A_388 : i32 to index
        %parallel_loop3A_390 = arith.index_cast %parallel_loop3A_387 : i32 to index
        %parallel_loop3A_391 = tpu.vector_load %arg5[%parallel_loop3A_389, %parallel_loop3A_390] {strides = array<i32>} : memref<16x1024xf32, #tpu.memory_space<vmem>>, vector<16xf32>,
        %parallel_loop3A_392 = arith.constant 15 : i32
        %parallel_loop3A_393 = vector.broadcast %parallel_loop3A_392 : i32 to vector<16xi32>
        %parallel_loop3A_394 = arith.addi %mul3A_129, %parallel_loop3A_393 : vector<16xi32>
        tpu.vector_store_idx %arg7[%parallel_loop3A_250, %parallel_loop3A_394], %parallel_loop3A_391 : memref<128x128xf32, #tpu.memory_space<vmem>>[vector<16xi32>, vector<16xi32>], vector<16xf32>,
      } {sc.loop_unroll_factor = 4 : i64, sc.parallel_access}
      %mul3A_132 = arith.constant 8 : i32
      %mul3A_133 = arith.muli %add3A_62, %mul3A_132 : i32
      %add3A_134 = arith.addi %add3A_4, %mul3A_133 : i32
      %sub3A_135 = arith.constant 8 : i32
      %sub3A_136 = arith.subi %add3A_9, %sub3A_135 : i32
      %min3A_137 = arith.minsi %add3A_134, %sub3A_136 : i32
      %mul3A_138 = arith.constant 16 : i32
      %mul3A_139 = arith.muli %min3A_137, %mul3A_138 : i32
      %dma_start3A_140 = arith.constant 0 : i32
      %dma_start3A_141 = tpu.memref_slice %arg4[%mul3A_139, %dma_start3A_140] : memref<125000x128xf32, #tpu.memory_space<hbm>> -> memref<128x128xf32, #tpu.memory_space<hbm>>
      %dma_start3A_142 = arith.constant 0 : i32
      %dma_start3A_143 = tpu.memref_slice %arg4[%mul3A_139, %dma_start3A_142] : memref<125000x128xf32, #tpu.memory_space<hbm>> -> memref<128x128xf32, #tpu.memory_space<hbm>>
      tpu.enqueue_dma source(%arg7 : memref<128x128xf32, #tpu.memory_space<vmem>>) target(%dma_start3A_143 : memref<128x128xf32, #tpu.memory_space<hbm>>) target_semaphore(%arg11 : memref<!tpu.dma_semaphore, #tpu.memory_space<semaphore_mem>>)
      %lt3A_144 = arith.constant 15 : i32
      %lt3A_145 = arith.cmpi slt, %scan3A_58, %lt3A_144 : i32
      %convert_element_type3A_146 = arith.extui %lt3A_145 : i1 to i32
      %cond3A_147 = arith.constant 0 : i32
      %cond3A_148 = arith.cmpi ne, %convert_element_type3A_146, %cond3A_147 : i32
      scf.if %cond3A_148 {
        %add3A_246 = arith.constant 2 : i32
        %add3A_247 = arith.addi %add3A_62, %add3A_246 : i32
        %mul3A_248 = arith.constant 8 : i32
        %mul3A_249 = arith.muli %add3A_247, %mul3A_248 : i32
        %add3A_250 = arith.addi %add3A_4, %mul3A_249 : i32
        %sub3A_251 = arith.constant 8 : i32
        %sub3A_252 = arith.subi %add3A_9, %sub3A_251 : i32
        %min3A_253 = arith.minsi %add3A_250, %sub3A_252 : i32
        %mul3A_254 = arith.constant 128 : i32
        %mul3A_255 = arith.muli %min3A_253, %mul3A_254 : i32
        %dma_start3A_256 = arith.constant 0 : i32
        %dma_start3A_257 = tpu.memref_slice %arg2[%dma_start3A_256, %mul3A_255] : memref<16x1000000xf32, #tpu.memory_space<hbm>> -> memref<16x1024xf32, #tpu.memory_space<hbm>>
        %dma_start3A_258 = arith.constant 0 : i32
        %dma_start3A_259 = tpu.memref_slice %arg2[%dma_start3A_258, %mul3A_255] : memref<16x1000000xf32, #tpu.memory_space<hbm>> -> memref<16x1024xf32, #tpu.memory_space<hbm>>
        tpu.enqueue_dma source(%dma_start3A_259 : memref<16x1024xf32, #tpu.memory_space<hbm>>) target(%arg5 : memref<16x1024xf32, #tpu.memory_space<vmem>>) target_semaphore(%arg9 : memref<!tpu.dma_semaphore, #tpu.memory_space<semaphore_mem>>)
      } else {
      }
      %mul3A_149 = arith.constant 2 : i32
      %mul3A_150 = arith.muli %mul3A_149, %scan3A_58 : i32
      %add3A_151 = arith.constant 1 : i32
      %add3A_152 = arith.addi %mul3A_150, %add3A_151 : i32
      %mul3A_153 = arith.constant 8 : i32
      %mul3A_154 = arith.muli %add3A_152, %mul3A_153 : i32
      %add3A_155 = arith.addi %add3A_4, %mul3A_154 : i32
      %sub3A_156 = arith.constant 8 : i32
      %sub3A_157 = arith.subi %add3A_9, %sub3A_156 : i32
      %min3A_158 = arith.minsi %add3A_155, %sub3A_157 : i32
      %mul3A_159 = arith.constant 128 : i32
      %mul3A_160 = arith.muli %min3A_158, %mul3A_159 : i32
      %dma_wait3A_161 = arith.constant 0 : i32
      %dma_wait3A_162 = tpu.memref_slice %arg2[%dma_wait3A_161, %mul3A_160] : memref<16x1000000xf32, #tpu.memory_space<hbm>> -> memref<16x1024xf32, #tpu.memory_space<hbm>>
      %dma_wait3A_163 = arith.constant 0 : i32
      %dma_wait3A_164 = tpu.memref_slice %arg2[%dma_wait3A_163, %mul3A_160] : memref<16x1000000xf32, #tpu.memory_space<hbm>> -> memref<16x1024xf32, #tpu.memory_space<hbm>>
      tpu.wait_dma2 semaphore(%arg10 : memref<!tpu.dma_semaphore, #tpu.memory_space<semaphore_mem>>) src(%dma_wait3A_164 : memref<16x1024xf32, #tpu.memory_space<hbm>>) dst(%arg6 : memref<16x1024xf32, #tpu.memory_space<vmem>>)
      %gt3A_165 = arith.constant 0 : i32
      %gt3A_166 = arith.cmpi sgt, %scan3A_58, %gt3A_165 : i32
      %convert_element_type3A_167 = arith.extui %gt3A_166 : i1 to i32
      %cond3A_168 = arith.constant 0 : i32
      %cond3A_169 = arith.cmpi ne, %convert_element_type3A_167, %cond3A_168 : i32
      scf.if %cond3A_169 {
        %sub3A_246 = arith.constant 2 : i32
        %sub3A_247 = arith.subi %add3A_152, %sub3A_246 : i32
        %mul3A_248 = arith.constant 8 : i32
        %mul3A_249 = arith.muli %sub3A_247, %mul3A_248 : i32
        %add3A_250 = arith.addi %add3A_4, %mul3A_249 : i32
        %sub3A_251 = arith.constant 8 : i32
        %sub3A_252 = arith.subi %add3A_9, %sub3A_251 : i32
        %min3A_253 = arith.minsi %add3A_250, %sub3A_252 : i32
        %mul3A_254 = arith.constant 16 : i32
        %mul3A_255 = arith.muli %min3A_253, %mul3A_254 : i32
        %dma_wait3A_256 = arith.constant 0 : i32
        %dma_wait3A_257 = tpu.memref_slice %arg4[%mul3A_255, %dma_wait3A_256] : memref<125000x128xf32, #tpu.memory_space<hbm>> -> memref<128x128xf32, #tpu.memory_space<hbm>>
        %dma_wait3A_258 = arith.constant 0 : i32
        %dma_wait3A_259 = tpu.memref_slice %arg4[%mul3A_255, %dma_wait3A_258] : memref<125000x128xf32, #tpu.memory_space<hbm>> -> memref<128x128xf32, #tpu.memory_space<hbm>>
        tpu.wait_dma2 semaphore(%arg12 : memref<!tpu.dma_semaphore, #tpu.memory_space<semaphore_mem>>) src(%arg8 : memref<128x128xf32, #tpu.memory_space<vmem>>) dst(%dma_wait3A_259 : memref<128x128xf32, #tpu.memory_space<hbm>>)
      } else {
      }
      %jit3A_170 = arith.constant 8 : i32
      %div3A_171 = vector.broadcast %jit3A_170 : i32 to vector<16xi32>
      %div3A_172 = arith.divsi %iota3A, %div3A_171 : vector<16xi32>
      %sign3A_173 = arith.constant 0 : i32
      %sign3A_174 = vector.broadcast %sign3A_173 : i32 to vector<16xi32>
      %sign3A_175 = arith.cmpi sgt, %iota3A, %sign3A_174 : vector<16xi32>
      %sign3A_176 = arith.extui %sign3A_175 : vector<16xi1> to vector<16xi32>
      %sign3A_177 = arith.constant 0 : i32
      %sign3A_178 = vector.broadcast %sign3A_177 : i32 to vector<16xi32>
      %sign3A_179 = arith.cmpi slt, %iota3A, %sign3A_178 : vector<16xi32>
      %sign3A_180 = arith.extui %sign3A_179 : vector<16xi1> to vector<16xi32>
      %sign3A_181 = arith.subi %sign3A_176, %sign3A_180 : vector<16xi32>
      %sign3A_182 = arith.constant 0 : i32
      %sign3A_183 = arith.cmpi sgt, %jit3A_170, %sign3A_182 : i32
      %sign3A_184 = arith.extui %sign3A_183 : i1 to i32
      %sign3A_185 = arith.constant 0 : i32
      %sign3A_186 = arith.cmpi slt, %jit3A_170, %sign3A_185 : i32
      %sign3A_187 = arith.extui %sign3A_186 : i1 to i32
      %sign3A_188 = arith.subi %sign3A_184, %sign3A_187 : i32
      %ne3A_189 = vector.broadcast %sign3A_188 : i32 to vector<16xi32>
      %ne3A_190 = arith.cmpi ne, %sign3A_181, %ne3A_189 : vector<16xi32>
      %rem3A_191 = vector.broadcast %jit3A_170 : i32 to vector<16xi32>
      %rem3A_192 = arith.remsi %iota3A, %rem3A_191 : vector<16xi32>
      %ne3A_193 = arith.constant 0 : i32
      %ne3A_194 = vector.broadcast %ne3A_193 : i32 to vector<16xi32>
      %ne3A_195 = arith.cmpi ne, %rem3A_192, %ne3A_194 : vector<16xi32>
      %and3A_196 = arith.andi %ne3A_190, %ne3A_195 : vector<16xi1>
      %sub3A_197 = arith.constant 1 : i32
      %sub3A_198 = vector.broadcast %sub3A_197 : i32 to vector<16xi32>
      %sub3A_199 = arith.subi %div3A_172, %sub3A_198 : vector<16xi32>
      %select_n3A_200 = arith.select %and3A_196, %sub3A_199, %div3A_172 : vector<16xi1>, vector<16xi32>
      %jit3A_201 = arith.constant 8 : i32
      %eq3A_202 = arith.constant 0 : i32
      %eq3A_203 = arith.cmpi eq, %jit3A_201, %eq3A_202 : i32
      %jit3A_204 = arith.constant 1 : i32
      %select_n3A_205 = arith.select %eq3A_203, %jit3A_204, %jit3A_201 : i32
      %rem3A_206 = vector.broadcast %select_n3A_205 : i32 to vector<16xi32>
      %rem3A_207 = arith.remsi %iota3A, %rem3A_206 : vector<16xi32>
      %ne3A_208 = arith.constant 0 : i32
      %ne3A_209 = vector.broadcast %ne3A_208 : i32 to vector<16xi32>
      %ne3A_210 = arith.cmpi ne, %rem3A_207, %ne3A_209 : vector<16xi32>
      %lt3A_211 = arith.constant 0 : i32
      %lt3A_212 = vector.broadcast %lt3A_211 : i32 to vector<16xi32>
      %lt3A_213 = arith.cmpi slt, %rem3A_207, %lt3A_212 : vector<16xi32>
      %lt3A_214 = arith.constant 0 : i32
      %lt3A_215 = arith.cmpi slt, %select_n3A_205, %lt3A_214 : i32
      %ne3A_216 = vector.broadcast %lt3A_215 : i1 to vector<16xi1>
      %ne3A_217 = vector.broadcast %ne3A_216 : vector<16xi1> to vector<16xi1>
      %ne3A_218 = arith.xori %lt3A_213, %ne3A_217 : vector<16xi1>
      %and3A_219 = arith.andi %ne3A_218, %ne3A_210 : vector<16xi1>
      %add3A_220 = vector.broadcast %select_n3A_205 : i32 to vector<16xi32>
      %add3A_221 = arith.addi %rem3A_207, %add3A_220 : vector<16xi32>
      %select_n3A_222 = arith.select %and3A_219, %add3A_221, %rem3A_207 : vector<16xi1>, vector<16xi32>
      %mul3A_223 = arith.constant 16 : i32
      %mul3A_224 = vector.broadcast %mul3A_223 : i32 to vector<16xi32>
      %mul3A_225 = arith.muli %select_n3A_222, %mul3A_224 : vector<16xi32>
      %parallel_loop3A_226 = arith.constant 0 : i32
      %parallel_loop3A_227 = arith.constant 64 : i32
      %parallel_loop3A_228 = arith.constant 1 : i32
      scf.for %parallel_loop3A_246 = %parallel_loop3A_226 to %parallel_loop3A_227 step %parallel_loop3A_228  : i32 {
        %parallel_loop3A_247 = arith.constant 2 : i32
        %parallel_loop3A_248 = arith.muli %parallel_loop3A_247, %parallel_loop3A_246 : i32
        %parallel_loop3A_249 = vector.broadcast %parallel_loop3A_248 : i32 to vector<16xi32>
        %parallel_loop3A_250 = arith.addi %select_n3A_200, %parallel_loop3A_249 : vector<16xi32>
        %parallel_loop3A_251 = arith.constant 16 : i32
        %parallel_loop3A_252 = arith.muli %parallel_loop3A_246, %parallel_loop3A_251 : i32
        %parallel_loop3A_253 = arith.constant 0 : i32
        %parallel_loop3A_254 = arith.index_cast %parallel_loop3A_253 : i32 to index
        %parallel_loop3A_255 = arith.index_cast %parallel_loop3A_252 : i32 to index
        %parallel_loop3A_256 = tpu.vector_load %arg6[%parallel_loop3A_254, %parallel_loop3A_255] {strides = array<i32>} : memref<16x1024xf32, #tpu.memory_space<vmem>>, vector<16xf32>,
        %parallel_loop3A_257 = arith.constant 0 : i32
        %parallel_loop3A_258 = vector.broadcast %parallel_loop3A_257 : i32 to vector<16xi32>
        %parallel_loop3A_259 = arith.addi %mul3A_225, %parallel_loop3A_258 : vector<16xi32>
        tpu.vector_store_idx %arg8[%parallel_loop3A_250, %parallel_loop3A_259], %parallel_loop3A_256 : memref<128x128xf32, #tpu.memory_space<vmem>>[vector<16xi32>, vector<16xi32>], vector<16xf32>,
        %parallel_loop3A_260 = arith.constant 16 : i32
        %parallel_loop3A_261 = arith.muli %parallel_loop3A_246, %parallel_loop3A_260 : i32
        %parallel_loop3A_262 = arith.constant 1 : i32
        %parallel_loop3A_263 = arith.index_cast %parallel_loop3A_262 : i32 to index
        %parallel_loop3A_264 = arith.index_cast %parallel_loop3A_261 : i32 to index
        %parallel_loop3A_265 = tpu.vector_load %arg6[%parallel_loop3A_263, %parallel_loop3A_264] {strides = array<i32>} : memref<16x1024xf32, #tpu.memory_space<vmem>>, vector<16xf32>,
        %parallel_loop3A_266 = arith.constant 1 : i32
        %parallel_loop3A_267 = vector.broadcast %parallel_loop3A_266 : i32 to vector<16xi32>
        %parallel_loop3A_268 = arith.addi %mul3A_225, %parallel_loop3A_267 : vector<16xi32>
        tpu.vector_store_idx %arg8[%parallel_loop3A_250, %parallel_loop3A_268], %parallel_loop3A_265 : memref<128x128xf32, #tpu.memory_space<vmem>>[vector<16xi32>, vector<16xi32>], vector<16xf32>,
        %parallel_loop3A_269 = arith.constant 16 : i32
        %parallel_loop3A_270 = arith.muli %parallel_loop3A_246, %parallel_loop3A_269 : i32
        %parallel_loop3A_271 = arith.constant 2 : i32
        %parallel_loop3A_272 = arith.index_cast %parallel_loop3A_271 : i32 to index
        %parallel_loop3A_273 = arith.index_cast %parallel_loop3A_270 : i32 to index
        %parallel_loop3A_274 = tpu.vector_load %arg6[%parallel_loop3A_272, %parallel_loop3A_273] {strides = array<i32>} : memref<16x1024xf32, #tpu.memory_space<vmem>>, vector<16xf32>,
        %parallel_loop3A_275 = arith.constant 2 : i32
        %parallel_loop3A_276 = vector.broadcast %parallel_loop3A_275 : i32 to vector<16xi32>
        %parallel_loop3A_277 = arith.addi %mul3A_225, %parallel_loop3A_276 : vector<16xi32>
        tpu.vector_store_idx %arg8[%parallel_loop3A_250, %parallel_loop3A_277], %parallel_loop3A_274 : memref<128x128xf32, #tpu.memory_space<vmem>>[vector<16xi32>, vector<16xi32>], vector<16xf32>,
        %parallel_loop3A_278 = arith.constant 16 : i32
        %parallel_loop3A_279 = arith.muli %parallel_loop3A_246, %parallel_loop3A_278 : i32
        %parallel_loop3A_280 = arith.constant 3 : i32
        %parallel_loop3A_281 = arith.index_cast %parallel_loop3A_280 : i32 to index
        %parallel_loop3A_282 = arith.index_cast %parallel_loop3A_279 : i32 to index
        %parallel_loop3A_283 = tpu.vector_load %arg6[%parallel_loop3A_281, %parallel_loop3A_282] {strides = array<i32>} : memref<16x1024xf32, #tpu.memory_space<vmem>>, vector<16xf32>,
        %parallel_loop3A_284 = arith.constant 3 : i32
        %parallel_loop3A_285 = vector.broadcast %parallel_loop3A_284 : i32 to vector<16xi32>
        %parallel_loop3A_286 = arith.addi %mul3A_225, %parallel_loop3A_285 : vector<16xi32>
        tpu.vector_store_idx %arg8[%parallel_loop3A_250, %parallel_loop3A_286], %parallel_loop3A_283 : memref<128x128xf32, #tpu.memory_space<vmem>>[vector<16xi32>, vector<16xi32>], vector<16xf32>,
        %parallel_loop3A_287 = arith.constant 16 : i32
        %parallel_loop3A_288 = arith.muli %parallel_loop3A_246, %parallel_loop3A_287 : i32
        %parallel_loop3A_289 = arith.constant 4 : i32
        %parallel_loop3A_290 = arith.index_cast %parallel_loop3A_289 : i32 to index
        %parallel_loop3A_291 = arith.index_cast %parallel_loop3A_288 : i32 to index
        %parallel_loop3A_292 = tpu.vector_load %arg6[%parallel_loop3A_290, %parallel_loop3A_291] {strides = array<i32>} : memref<16x1024xf32, #tpu.memory_space<vmem>>, vector<16xf32>,
        %parallel_loop3A_293 = arith.constant 4 : i32
        %parallel_loop3A_294 = vector.broadcast %parallel_loop3A_293 : i32 to vector<16xi32>
        %parallel_loop3A_295 = arith.addi %mul3A_225, %parallel_loop3A_294 : vector<16xi32>
        tpu.vector_store_idx %arg8[%parallel_loop3A_250, %parallel_loop3A_295], %parallel_loop3A_292 : memref<128x128xf32, #tpu.memory_space<vmem>>[vector<16xi32>, vector<16xi32>], vector<16xf32>,
        %parallel_loop3A_296 = arith.constant 16 : i32
        %parallel_loop3A_297 = arith.muli %parallel_loop3A_246, %parallel_loop3A_296 : i32
        %parallel_loop3A_298 = arith.constant 5 : i32
        %parallel_loop3A_299 = arith.index_cast %parallel_loop3A_298 : i32 to index
        %parallel_loop3A_300 = arith.index_cast %parallel_loop3A_297 : i32 to index
        %parallel_loop3A_301 = tpu.vector_load %arg6[%parallel_loop3A_299, %parallel_loop3A_300] {strides = array<i32>} : memref<16x1024xf32, #tpu.memory_space<vmem>>, vector<16xf32>,
        %parallel_loop3A_302 = arith.constant 5 : i32
        %parallel_loop3A_303 = vector.broadcast %parallel_loop3A_302 : i32 to vector<16xi32>
        %parallel_loop3A_304 = arith.addi %mul3A_225, %parallel_loop3A_303 : vector<16xi32>
        tpu.vector_store_idx %arg8[%parallel_loop3A_250, %parallel_loop3A_304], %parallel_loop3A_301 : memref<128x128xf32, #tpu.memory_space<vmem>>[vector<16xi32>, vector<16xi32>], vector<16xf32>,
        %parallel_loop3A_305 = arith.constant 16 : i32
        %parallel_loop3A_306 = arith.muli %parallel_loop3A_246, %parallel_loop3A_305 : i32
        %parallel_loop3A_307 = arith.constant 6 : i32
        %parallel_loop3A_308 = arith.index_cast %parallel_loop3A_307 : i32 to index
        %parallel_loop3A_309 = arith.index_cast %parallel_loop3A_306 : i32 to index
        %parallel_loop3A_310 = tpu.vector_load %arg6[%parallel_loop3A_308, %parallel_loop3A_309] {strides = array<i32>} : memref<16x1024xf32, #tpu.memory_space<vmem>>, vector<16xf32>,
        %parallel_loop3A_311 = arith.constant 6 : i32
        %parallel_loop3A_312 = vector.broadcast %parallel_loop3A_311 : i32 to vector<16xi32>
        %parallel_loop3A_313 = arith.addi %mul3A_225, %parallel_loop3A_312 : vector<16xi32>
        tpu.vector_store_idx %arg8[%parallel_loop3A_250, %parallel_loop3A_313], %parallel_loop3A_310 : memref<128x128xf32, #tpu.memory_space<vmem>>[vector<16xi32>, vector<16xi32>], vector<16xf32>,
        %parallel_loop3A_314 = arith.constant 16 : i32
        %parallel_loop3A_315 = arith.muli %parallel_loop3A_246, %parallel_loop3A_314 : i32
        %parallel_loop3A_316 = arith.constant 7 : i32
        %parallel_loop3A_317 = arith.index_cast %parallel_loop3A_316 : i32 to index
        %parallel_loop3A_318 = arith.index_cast %parallel_loop3A_315 : i32 to index
        %parallel_loop3A_319 = tpu.vector_load %arg6[%parallel_loop3A_317, %parallel_loop3A_318] {strides = array<i32>} : memref<16x1024xf32, #tpu.memory_space<vmem>>, vector<16xf32>,
        %parallel_loop3A_320 = arith.constant 7 : i32
        %parallel_loop3A_321 = vector.broadcast %parallel_loop3A_320 : i32 to vector<16xi32>
        %parallel_loop3A_322 = arith.addi %mul3A_225, %parallel_loop3A_321 : vector<16xi32>
        tpu.vector_store_idx %arg8[%parallel_loop3A_250, %parallel_loop3A_322], %parallel_loop3A_319 : memref<128x128xf32, #tpu.memory_space<vmem>>[vector<16xi32>, vector<16xi32>], vector<16xf32>,
        %parallel_loop3A_323 = arith.constant 16 : i32
        %parallel_loop3A_324 = arith.muli %parallel_loop3A_246, %parallel_loop3A_323 : i32
        %parallel_loop3A_325 = arith.constant 8 : i32
        %parallel_loop3A_326 = arith.index_cast %parallel_loop3A_325 : i32 to index
        %parallel_loop3A_327 = arith.index_cast %parallel_loop3A_324 : i32 to index
        %parallel_loop3A_328 = tpu.vector_load %arg6[%parallel_loop3A_326, %parallel_loop3A_327] {strides = array<i32>} : memref<16x1024xf32, #tpu.memory_space<vmem>>, vector<16xf32>,
        %parallel_loop3A_329 = arith.constant 8 : i32
        %parallel_loop3A_330 = vector.broadcast %parallel_loop3A_329 : i32 to vector<16xi32>
        %parallel_loop3A_331 = arith.addi %mul3A_225, %parallel_loop3A_330 : vector<16xi32>
        tpu.vector_store_idx %arg8[%parallel_loop3A_250, %parallel_loop3A_331], %parallel_loop3A_328 : memref<128x128xf32, #tpu.memory_space<vmem>>[vector<16xi32>, vector<16xi32>], vector<16xf32>,
        %parallel_loop3A_332 = arith.constant 16 : i32
        %parallel_loop3A_333 = arith.muli %parallel_loop3A_246, %parallel_loop3A_332 : i32
        %parallel_loop3A_334 = arith.constant 9 : i32
        %parallel_loop3A_335 = arith.index_cast %parallel_loop3A_334 : i32 to index
        %parallel_loop3A_336 = arith.index_cast %parallel_loop3A_333 : i32 to index
        %parallel_loop3A_337 = tpu.vector_load %arg6[%parallel_loop3A_335, %parallel_loop3A_336] {strides = array<i32>} : memref<16x1024xf32, #tpu.memory_space<vmem>>, vector<16xf32>,
        %parallel_loop3A_338 = arith.constant 9 : i32
        %parallel_loop3A_339 = vector.broadcast %parallel_loop3A_338 : i32 to vector<16xi32>
        %parallel_loop3A_340 = arith.addi %mul3A_225, %parallel_loop3A_339 : vector<16xi32>
        tpu.vector_store_idx %arg8[%parallel_loop3A_250, %parallel_loop3A_340], %parallel_loop3A_337 : memref<128x128xf32, #tpu.memory_space<vmem>>[vector<16xi32>, vector<16xi32>], vector<16xf32>,
        %parallel_loop3A_341 = arith.constant 16 : i32
        %parallel_loop3A_342 = arith.muli %parallel_loop3A_246, %parallel_loop3A_341 : i32
        %parallel_loop3A_343 = arith.constant 10 : i32
        %parallel_loop3A_344 = arith.index_cast %parallel_loop3A_343 : i32 to index
        %parallel_loop3A_345 = arith.index_cast %parallel_loop3A_342 : i32 to index
        %parallel_loop3A_346 = tpu.vector_load %arg6[%parallel_loop3A_344, %parallel_loop3A_345] {strides = array<i32>} : memref<16x1024xf32, #tpu.memory_space<vmem>>, vector<16xf32>,
        %parallel_loop3A_347 = arith.constant 10 : i32
        %parallel_loop3A_348 = vector.broadcast %parallel_loop3A_347 : i32 to vector<16xi32>
        %parallel_loop3A_349 = arith.addi %mul3A_225, %parallel_loop3A_348 : vector<16xi32>
        tpu.vector_store_idx %arg8[%parallel_loop3A_250, %parallel_loop3A_349], %parallel_loop3A_346 : memref<128x128xf32, #tpu.memory_space<vmem>>[vector<16xi32>, vector<16xi32>], vector<16xf32>,
        %parallel_loop3A_350 = arith.constant 16 : i32
        %parallel_loop3A_351 = arith.muli %parallel_loop3A_246, %parallel_loop3A_350 : i32
        %parallel_loop3A_352 = arith.constant 11 : i32
        %parallel_loop3A_353 = arith.index_cast %parallel_loop3A_352 : i32 to index
        %parallel_loop3A_354 = arith.index_cast %parallel_loop3A_351 : i32 to index
        %parallel_loop3A_355 = tpu.vector_load %arg6[%parallel_loop3A_353, %parallel_loop3A_354] {strides = array<i32>} : memref<16x1024xf32, #tpu.memory_space<vmem>>, vector<16xf32>,
        %parallel_loop3A_356 = arith.constant 11 : i32
        %parallel_loop3A_357 = vector.broadcast %parallel_loop3A_356 : i32 to vector<16xi32>
        %parallel_loop3A_358 = arith.addi %mul3A_225, %parallel_loop3A_357 : vector<16xi32>
        tpu.vector_store_idx %arg8[%parallel_loop3A_250, %parallel_loop3A_358], %parallel_loop3A_355 : memref<128x128xf32, #tpu.memory_space<vmem>>[vector<16xi32>, vector<16xi32>], vector<16xf32>,
        %parallel_loop3A_359 = arith.constant 16 : i32
        %parallel_loop3A_360 = arith.muli %parallel_loop3A_246, %parallel_loop3A_359 : i32
        %parallel_loop3A_361 = arith.constant 12 : i32
        %parallel_loop3A_362 = arith.index_cast %parallel_loop3A_361 : i32 to index
        %parallel_loop3A_363 = arith.index_cast %parallel_loop3A_360 : i32 to index
        %parallel_loop3A_364 = tpu.vector_load %arg6[%parallel_loop3A_362, %parallel_loop3A_363] {strides = array<i32>} : memref<16x1024xf32, #tpu.memory_space<vmem>>, vector<16xf32>,
        %parallel_loop3A_365 = arith.constant 12 : i32
        %parallel_loop3A_366 = vector.broadcast %parallel_loop3A_365 : i32 to vector<16xi32>
        %parallel_loop3A_367 = arith.addi %mul3A_225, %parallel_loop3A_366 : vector<16xi32>
        tpu.vector_store_idx %arg8[%parallel_loop3A_250, %parallel_loop3A_367], %parallel_loop3A_364 : memref<128x128xf32, #tpu.memory_space<vmem>>[vector<16xi32>, vector<16xi32>], vector<16xf32>,
        %parallel_loop3A_368 = arith.constant 16 : i32
        %parallel_loop3A_369 = arith.muli %parallel_loop3A_246, %parallel_loop3A_368 : i32
        %parallel_loop3A_370 = arith.constant 13 : i32
        %parallel_loop3A_371 = arith.index_cast %parallel_loop3A_370 : i32 to index
        %parallel_loop3A_372 = arith.index_cast %parallel_loop3A_369 : i32 to index
        %parallel_loop3A_373 = tpu.vector_load %arg6[%parallel_loop3A_371, %parallel_loop3A_372] {strides = array<i32>} : memref<16x1024xf32, #tpu.memory_space<vmem>>, vector<16xf32>,
        %parallel_loop3A_374 = arith.constant 13 : i32
        %parallel_loop3A_375 = vector.broadcast %parallel_loop3A_374 : i32 to vector<16xi32>
        %parallel_loop3A_376 = arith.addi %mul3A_225, %parallel_loop3A_375 : vector<16xi32>
        tpu.vector_store_idx %arg8[%parallel_loop3A_250, %parallel_loop3A_376], %parallel_loop3A_373 : memref<128x128xf32, #tpu.memory_space<vmem>>[vector<16xi32>, vector<16xi32>], vector<16xf32>,
        %parallel_loop3A_377 = arith.constant 16 : i32
        %parallel_loop3A_378 = arith.muli %parallel_loop3A_246, %parallel_loop3A_377 : i32
        %parallel_loop3A_379 = arith.constant 14 : i32
        %parallel_loop3A_380 = arith.index_cast %parallel_loop3A_379 : i32 to index
        %parallel_loop3A_381 = arith.index_cast %parallel_loop3A_378 : i32 to index
        %parallel_loop3A_382 = tpu.vector_load %arg6[%parallel_loop3A_380, %parallel_loop3A_381] {strides = array<i32>} : memref<16x1024xf32, #tpu.memory_space<vmem>>, vector<16xf32>,
        %parallel_loop3A_383 = arith.constant 14 : i32
        %parallel_loop3A_384 = vector.broadcast %parallel_loop3A_383 : i32 to vector<16xi32>
        %parallel_loop3A_385 = arith.addi %mul3A_225, %parallel_loop3A_384 : vector<16xi32>
        tpu.vector_store_idx %arg8[%parallel_loop3A_250, %parallel_loop3A_385], %parallel_loop3A_382 : memref<128x128xf32, #tpu.memory_space<vmem>>[vector<16xi32>, vector<16xi32>], vector<16xf32>,
        %parallel_loop3A_386 = arith.constant 16 : i32
        %parallel_loop3A_387 = arith.muli %parallel_loop3A_246, %parallel_loop3A_386 : i32
        %parallel_loop3A_388 = arith.constant 15 : i32
        %parallel_loop3A_389 = arith.index_cast %parallel_loop3A_388 : i32 to index
        %parallel_loop3A_390 = arith.index_cast %parallel_loop3A_387 : i32 to index
        %parallel_loop3A_391 = tpu.vector_load %arg6[%parallel_loop3A_389, %parallel_loop3A_390] {strides = array<i32>} : memref<16x1024xf32, #tpu.memory_space<vmem>>, vector<16xf32>,
        %parallel_loop3A_392 = arith.constant 15 : i32
        %parallel_loop3A_393 = vector.broadcast %parallel_loop3A_392 : i32 to vector<16xi32>
        %parallel_loop3A_394 = arith.addi %mul3A_225, %parallel_loop3A_393 : vector<16xi32>
        tpu.vector_store_idx %arg8[%parallel_loop3A_250, %parallel_loop3A_394], %parallel_loop3A_391 : memref<128x128xf32, #tpu.memory_space<vmem>>[vector<16xi32>, vector<16xi32>], vector<16xf32>,
      } {sc.loop_unroll_factor = 4 : i64, sc.parallel_access}
      %mul3A_229 = arith.constant 8 : i32
      %mul3A_230 = arith.muli %add3A_152, %mul3A_229 : i32
      %add3A_231 = arith.addi %add3A_4, %mul3A_230 : i32
      %sub3A_232 = arith.constant 8 : i32
      %sub3A_233 = arith.subi %add3A_9, %sub3A_232 : i32
      %min3A_234 = arith.minsi %add3A_231, %sub3A_233 : i32
      %mul3A_235 = arith.constant 16 : i32
      %mul3A_236 = arith.muli %min3A_234, %mul3A_235 : i32
      %dma_start3A_237 = arith.constant 0 : i32
      %dma_start3A_238 = tpu.memref_slice %arg4[%mul3A_236, %dma_start3A_237] : memref<125000x128xf32, #tpu.memory_space<hbm>> -> memref<128x128xf32, #tpu.memory_space<hbm>>
      %dma_start3A_239 = arith.constant 0 : i32
      %dma_start3A_240 = tpu.memref_slice %arg4[%mul3A_236, %dma_start3A_239] : memref<125000x128xf32, #tpu.memory_space<hbm>> -> memref<128x128xf32, #tpu.memory_space<hbm>>
      tpu.enqueue_dma source(%arg8 : memref<128x128xf32, #tpu.memory_space<vmem>>) target(%dma_start3A_240 : memref<128x128xf32, #tpu.memory_space<hbm>>) target_semaphore(%arg12 : memref<!tpu.dma_semaphore, #tpu.memory_space<semaphore_mem>>)
      %lt3A_241 = arith.constant 15 : i32
      %lt3A_242 = arith.cmpi slt, %scan3A_58, %lt3A_241 : i32
      %convert_element_type3A_243 = arith.extui %lt3A_242 : i1 to i32
      %cond3A_244 = arith.constant 0 : i32
      %cond3A_245 = arith.cmpi ne, %convert_element_type3A_243, %cond3A_244 : i32
      scf.if %cond3A_245 {
        %add3A_246 = arith.constant 2 : i32
        %add3A_247 = arith.addi %add3A_152, %add3A_246 : i32
        %mul3A_248 = arith.constant 8 : i32
        %mul3A_249 = arith.muli %add3A_247, %mul3A_248 : i32
        %add3A_250 = arith.addi %add3A_4, %mul3A_249 : i32
        %sub3A_251 = arith.constant 8 : i32
        %sub3A_252 = arith.subi %add3A_9, %sub3A_251 : i32
        %min3A_253 = arith.minsi %add3A_250, %sub3A_252 : i32
        %mul3A_254 = arith.constant 128 : i32
        %mul3A_255 = arith.muli %min3A_253, %mul3A_254 : i32
        %dma_start3A_256 = arith.constant 0 : i32
        %dma_start3A_257 = tpu.memref_slice %arg2[%dma_start3A_256, %mul3A_255] : memref<16x1000000xf32, #tpu.memory_space<hbm>> -> memref<16x1024xf32, #tpu.memory_space<hbm>>
        %dma_start3A_258 = arith.constant 0 : i32
        %dma_start3A_259 = tpu.memref_slice %arg2[%dma_start3A_258, %mul3A_255] : memref<16x1000000xf32, #tpu.memory_space<hbm>> -> memref<16x1024xf32, #tpu.memory_space<hbm>>
        tpu.enqueue_dma source(%dma_start3A_259 : memref<16x1024xf32, #tpu.memory_space<hbm>>) target(%arg6 : memref<16x1024xf32, #tpu.memory_space<vmem>>) target_semaphore(%arg10 : memref<!tpu.dma_semaphore, #tpu.memory_space<semaphore_mem>>)
      } else {
      }
    }
    %scan3A_34 = arith.constant 16 : i32
    %add3A_35 = arith.constant 240 : i32
    %add3A_36 = arith.addi %add3A_4, %add3A_35 : i32
    %sub3A_37 = arith.constant 8 : i32
    %sub3A_38 = arith.subi %add3A_9, %sub3A_37 : i32
    %min3A_39 = arith.minsi %add3A_36, %sub3A_38 : i32
    %mul3A_40 = arith.constant 16 : i32
    %mul3A_41 = arith.muli %min3A_39, %mul3A_40 : i32
    %dma_wait3A = arith.constant 0 : i32
    %dma_wait3A_42 = tpu.memref_slice %arg4[%mul3A_41, %dma_wait3A] : memref<125000x128xf32, #tpu.memory_space<hbm>> -> memref<128x128xf32, #tpu.memory_space<hbm>>
    %dma_wait3A_43 = arith.constant 0 : i32
    %dma_wait3A_44 = tpu.memref_slice %arg4[%mul3A_41, %dma_wait3A_43] : memref<125000x128xf32, #tpu.memory_space<hbm>> -> memref<128x128xf32, #tpu.memory_space<hbm>>
    tpu.wait_dma2 semaphore(%arg11 : memref<!tpu.dma_semaphore, #tpu.memory_space<semaphore_mem>>) src(%arg7 : memref<128x128xf32, #tpu.memory_space<vmem>>) dst(%dma_wait3A_44 : memref<128x128xf32, #tpu.memory_space<hbm>>)
    %add3A_45 = arith.constant 248 : i32
    %add3A_46 = arith.addi %add3A_4, %add3A_45 : i32
    %sub3A_47 = arith.constant 8 : i32
    %sub3A_48 = arith.subi %add3A_9, %sub3A_47 : i32
    %min3A_49 = arith.minsi %add3A_46, %sub3A_48 : i32
    %mul3A_50 = arith.constant 16 : i32
    %mul3A_51 = arith.muli %min3A_49, %mul3A_50 : i32
    %dma_wait3A_52 = arith.constant 0 : i32
    %dma_wait3A_53 = tpu.memref_slice %arg4[%mul3A_51, %dma_wait3A_52] : memref<125000x128xf32, #tpu.memory_space<hbm>> -> memref<128x128xf32, #tpu.memory_space<hbm>>
    %dma_wait3A_54 = arith.constant 0 : i32
    %dma_wait3A_55 = tpu.memref_slice %arg4[%mul3A_51, %dma_wait3A_54] : memref<125000x128xf32, #tpu.memory_space<hbm>> -> memref<128x128xf32, #tpu.memory_space<hbm>>
    tpu.wait_dma2 semaphore(%arg12 : memref<!tpu.dma_semaphore, #tpu.memory_space<semaphore_mem>>) src(%arg8 : memref<128x128xf32, #tpu.memory_space<vmem>>) dst(%dma_wait3A_55 : memref<128x128xf32, #tpu.memory_space<hbm>>)
    %eq3A = arith.constant 31 : i32
    %eq3A_56 = arith.cmpi eq, %add3A, %eq3A : i32
    %convert_element_type3A = arith.extui %eq3A_56 : i1 to i32
    %cond3A = arith.constant 0 : i32
    %cond3A_57 = arith.cmpi ne, %convert_element_type3A, %cond3A : i32
    scf.if %cond3A_57 {
      "tpu.region"() ({
        %run_scoped3A = tpu.sem_alloc : memref<!tpu.dma_semaphore, #tpu.memory_space<semaphore_mem>>
        %dma_start3A_58 = arith.constant 124992 : i32
        %dma_start3A_59 = arith.constant 0 : i32
        %dma_start3A_60 = tpu.memref_slice %arg4[%dma_start3A_58, %dma_start3A_59] : memref<125000x128xf32, #tpu.memory_space<hbm>> -> memref<8x128xf32, #tpu.memory_space<hbm>>
        tpu.enqueue_dma source(%arg3 : memref<8x128xf32, #tpu.memory_space<hbm>>) target(%dma_start3A_60 : memref<8x128xf32, #tpu.memory_space<hbm>>) target_semaphore(%run_scoped3A : memref<!tpu.dma_semaphore, #tpu.memory_space<semaphore_mem>>)
        %dma_wait3A_61 = arith.constant 124992 : i32
        %dma_wait3A_62 = arith.constant 0 : i32
        %dma_wait3A_63 = tpu.memref_slice %arg4[%dma_wait3A_61, %dma_wait3A_62] : memref<125000x128xf32, #tpu.memory_space<hbm>> -> memref<8x128xf32, #tpu.memory_space<hbm>>
        tpu.wait_dma2 semaphore(%run_scoped3A : memref<!tpu.dma_semaphore, #tpu.memory_space<semaphore_mem>>) src(%arg3 : memref<8x128xf32, #tpu.memory_space<hbm>>) dst(%dma_wait3A_63 : memref<8x128xf32, #tpu.memory_space<hbm>>)
        tpu.yield
      }) : () -> ()
    } else {
    }
    return
  }
}

#map = affine_map<(d0, d1) -> (0, 0)>
#map1 = affine_map<(d0, d1) -> (0)>
module attributes {stable_mosaic.version = 14 : i64} {
  func.func @fm(%arg0: i32, %arg1: i32, %arg2: memref<125000x128xf32, #tpu.memory_space<hbm>>, %arg3: memref<425984xi32, #tpu.memory_space<hbm>>, %arg4: memref<524288xi32, #tpu.memory_space<hbm>>, %arg5: memref<524288xf32, #tpu.memory_space<hbm>>, %arg6: memref<16384xf32, #tpu.memory_space<hbm>>, %arg7: memref<13312xi32, #tpu.memory_space<vmem>>, %arg8: memref<16384xf32, #tpu.memory_space<vmem>>, %arg9: memref<16384xi32, #tpu.memory_space<vmem>>, %arg10: memref<208x128xf32, #tpu.memory_space<vmem>>, %arg11: memref<208x128xf32, #tpu.memory_space<vmem>>, %arg12: memref<8192xf32, #tpu.memory_space<vmem>>, %arg13: memref<512xf32, #tpu.memory_space<vmem>>, %arg14: memref<!tpu.dma_semaphore, #tpu.memory_space<semaphore_mem>>, %arg15: memref<!tpu.dma_semaphore, #tpu.memory_space<semaphore_mem>>) attributes {dimension_semantics = [#tpu.dimension_semantics<core_parallel>, #tpu.dimension_semantics<subcore_parallel>], iteration_bounds = array<i64: 2, 16>, scalar_prefetch = 0 : i64, scratch_operands = 9 : i64, tpu.core_type = #tpu.core_type<sc_vector_subcore>, window_params = [{transform_indices = #map}, {transform_indices = #map1}, {transform_indices = #map1}, {transform_indices = #map1}, {transform_indices = #map1}]} {
    %mul3A = arith.constant 2 : i32
    %mul3A_0 = arith.muli %arg1, %mul3A : i32
    %add3A = arith.addi %mul3A_0, %arg0 : i32
    %iota3A = tpu.iota {dimensions = array<i32: 0>} : vector<16xi32>
    %mul3A_1 = arith.constant 512 : i32
    %mul3A_2 = arith.muli %add3A, %mul3A_1 : i32
    %mul3A_3 = arith.constant 26 : i32
    %mul3A_4 = arith.muli %mul3A_2, %mul3A_3 : i32
    "tpu.region"() ({
      %run_scoped3A = tpu.sem_alloc : memref<!tpu.dma_semaphore, #tpu.memory_space<semaphore_mem>>
      %dma_start3A_25 = tpu.memref_slice %arg3[%mul3A_4] : memref<425984xi32, #tpu.memory_space<hbm>> -> memref<13312xi32, #tpu.memory_space<hbm>>
      %dma_start3A_26 = tpu.memref_slice %arg3[%mul3A_4] : memref<425984xi32, #tpu.memory_space<hbm>> -> memref<13312xi32, #tpu.memory_space<hbm>>
      tpu.enqueue_dma source(%dma_start3A_26 : memref<13312xi32, #tpu.memory_space<hbm>>) target(%arg7 : memref<13312xi32, #tpu.memory_space<vmem>>) target_semaphore(%run_scoped3A : memref<!tpu.dma_semaphore, #tpu.memory_space<semaphore_mem>>)
      %dma_wait3A = tpu.memref_slice %arg3[%mul3A_4] : memref<425984xi32, #tpu.memory_space<hbm>> -> memref<13312xi32, #tpu.memory_space<hbm>>
      %dma_wait3A_27 = tpu.memref_slice %arg3[%mul3A_4] : memref<425984xi32, #tpu.memory_space<hbm>> -> memref<13312xi32, #tpu.memory_space<hbm>>
      tpu.wait_dma2 semaphore(%run_scoped3A : memref<!tpu.dma_semaphore, #tpu.memory_space<semaphore_mem>>) src(%dma_wait3A_27 : memref<13312xi32, #tpu.memory_space<hbm>>) dst(%arg7 : memref<13312xi32, #tpu.memory_space<vmem>>)
      tpu.yield
    }) : () -> ()
    %mul3A_5 = arith.constant 32 : i32
    %mul3A_6 = arith.muli %mul3A_2, %mul3A_5 : i32
    "tpu.region"() ({
      %run_scoped3A = tpu.sem_alloc : memref<!tpu.dma_semaphore, #tpu.memory_space<semaphore_mem>>
      %dma_start3A_25 = tpu.memref_slice %arg4[%mul3A_6] : memref<524288xi32, #tpu.memory_space<hbm>> -> memref<16384xi32, #tpu.memory_space<hbm>>
      %dma_start3A_26 = tpu.memref_slice %arg4[%mul3A_6] : memref<524288xi32, #tpu.memory_space<hbm>> -> memref<16384xi32, #tpu.memory_space<hbm>>
      tpu.enqueue_dma source(%dma_start3A_26 : memref<16384xi32, #tpu.memory_space<hbm>>) target(%arg9 : memref<16384xi32, #tpu.memory_space<vmem>>) target_semaphore(%run_scoped3A : memref<!tpu.dma_semaphore, #tpu.memory_space<semaphore_mem>>)
      %dma_wait3A = tpu.memref_slice %arg4[%mul3A_6] : memref<524288xi32, #tpu.memory_space<hbm>> -> memref<16384xi32, #tpu.memory_space<hbm>>
      %dma_wait3A_27 = tpu.memref_slice %arg4[%mul3A_6] : memref<524288xi32, #tpu.memory_space<hbm>> -> memref<16384xi32, #tpu.memory_space<hbm>>
      tpu.wait_dma2 semaphore(%run_scoped3A : memref<!tpu.dma_semaphore, #tpu.memory_space<semaphore_mem>>) src(%dma_wait3A_27 : memref<16384xi32, #tpu.memory_space<hbm>>) dst(%arg9 : memref<16384xi32, #tpu.memory_space<vmem>>)
      tpu.yield
    }) : () -> ()
    %mul3A_7 = arith.constant 32 : i32
    %mul3A_8 = arith.muli %mul3A_2, %mul3A_7 : i32
    "tpu.region"() ({
      %run_scoped3A = tpu.sem_alloc : memref<!tpu.dma_semaphore, #tpu.memory_space<semaphore_mem>>
      %dma_start3A_25 = tpu.memref_slice %arg5[%mul3A_8] : memref<524288xf32, #tpu.memory_space<hbm>> -> memref<16384xf32, #tpu.memory_space<hbm>>
      %dma_start3A_26 = tpu.memref_slice %arg5[%mul3A_8] : memref<524288xf32, #tpu.memory_space<hbm>> -> memref<16384xf32, #tpu.memory_space<hbm>>
      tpu.enqueue_dma source(%dma_start3A_26 : memref<16384xf32, #tpu.memory_space<hbm>>) target(%arg8 : memref<16384xf32, #tpu.memory_space<vmem>>) target_semaphore(%run_scoped3A : memref<!tpu.dma_semaphore, #tpu.memory_space<semaphore_mem>>)
      %dma_wait3A = tpu.memref_slice %arg5[%mul3A_8] : memref<524288xf32, #tpu.memory_space<hbm>> -> memref<16384xf32, #tpu.memory_space<hbm>>
      %dma_wait3A_27 = tpu.memref_slice %arg5[%mul3A_8] : memref<524288xf32, #tpu.memory_space<hbm>> -> memref<16384xf32, #tpu.memory_space<hbm>>
      tpu.wait_dma2 semaphore(%run_scoped3A : memref<!tpu.dma_semaphore, #tpu.memory_space<semaphore_mem>>) src(%dma_wait3A_27 : memref<16384xf32, #tpu.memory_space<hbm>>) dst(%arg8 : memref<16384xf32, #tpu.memory_space<vmem>>)
      tpu.yield
    }) : () -> ()
    %dma_start3A = arith.constant 0 : i32
    %dma_start3A_9 = tpu.memref_slice %arg7[%dma_start3A] : memref<13312xi32, #tpu.memory_space<vmem>> -> memref<208xi32, #tpu.memory_space<vmem>>
    %dma_start3A_10 = arith.constant 0 : i32
    %dma_start3A_11 = arith.constant 0 : i32
    %dma_start3A_12 = tpu.memref_slice %arg2[%dma_start3A_10, %dma_start3A_11] : memref<125000x128xf32, #tpu.memory_space<hbm>> -> memref<125000x128xf32, #tpu.memory_space<hbm>>
    tpu.enqueue_indirect_dma source(%dma_start3A_12 : memref<125000x128xf32, #tpu.memory_space<hbm>>) target(%arg10 : memref<208x128xf32, #tpu.memory_space<vmem>>) offsets(%dma_start3A_9 : memref<208xi32, #tpu.memory_space<vmem>>) semaphore(%arg14 : memref<!tpu.dma_semaphore, #tpu.memory_space<semaphore_mem>>)
    %dma_start3A_13 = arith.constant 208 : i32
    %dma_start3A_14 = tpu.memref_slice %arg7[%dma_start3A_13] : memref<13312xi32, #tpu.memory_space<vmem>> -> memref<208xi32, #tpu.memory_space<vmem>>
    %dma_start3A_15 = arith.constant 0 : i32
    %dma_start3A_16 = arith.constant 0 : i32
    %dma_start3A_17 = tpu.memref_slice %arg2[%dma_start3A_15, %dma_start3A_16] : memref<125000x128xf32, #tpu.memory_space<hbm>> -> memref<125000x128xf32, #tpu.memory_space<hbm>>
    tpu.enqueue_indirect_dma source(%dma_start3A_17 : memref<125000x128xf32, #tpu.memory_space<hbm>>) target(%arg11 : memref<208x128xf32, #tpu.memory_space<vmem>>) offsets(%dma_start3A_14 : memref<208xi32, #tpu.memory_space<vmem>>) semaphore(%arg15 : memref<!tpu.dma_semaphore, #tpu.memory_space<semaphore_mem>>)
    %scan3A = arith.constant 0 : i32
    %scan3A_18 = arith.constant 0 : i32
    %scan3A_19 = arith.constant 32 : i32
    %scan3A_20 = arith.addi %scan3A_18, %scan3A_19 : i32
    %scan3A_21 = arith.constant 1 : i32
    scf.for %scan3A_25 = %scan3A_18 to %scan3A_20 step %scan3A_21  : i32 {
      %mul3A_26 = arith.constant 2 : i32
      %mul3A_27 = arith.muli %mul3A_26, %scan3A_25 : i32
      %add3A_28 = arith.constant 0 : i32
      %add3A_29 = arith.addi %mul3A_27, %add3A_28 : i32
      %mul3A_30 = arith.constant 208 : i32
      %mul3A_31 = arith.muli %add3A_29, %mul3A_30 : i32
      %dma_wait3A = tpu.memref_slice %arg7[%mul3A_31] : memref<13312xi32, #tpu.memory_space<vmem>> -> memref<208xi32, #tpu.memory_space<vmem>>
      %dma_wait3A_32 = arith.constant 0 : i32
      %dma_wait3A_33 = arith.constant 0 : i32
      %dma_wait3A_34 = tpu.memref_slice %arg2[%dma_wait3A_32, %dma_wait3A_33] : memref<125000x128xf32, #tpu.memory_space<hbm>> -> memref<125000x128xf32, #tpu.memory_space<hbm>>
      tpu.wait_indirect_dma semaphore(%arg14 : memref<!tpu.dma_semaphore, #tpu.memory_space<semaphore_mem>>) src(%dma_wait3A_34 : memref<125000x128xf32, #tpu.memory_space<hbm>>) dst(%arg10 : memref<208x128xf32, #tpu.memory_space<vmem>>)
      %parallel_loop3A_35 = arith.constant 0 : i32
      %parallel_loop3A_36 = arith.constant 8 : i32
      %parallel_loop3A_37 = arith.constant 1 : i32
      scf.for %parallel_loop3A_58 = %parallel_loop3A_35 to %parallel_loop3A_36 step %parallel_loop3A_37  : i32 {
        %parallel_loop3A_59 = arith.constant 8 : i32
        %parallel_loop3A_60 = arith.muli %add3A_29, %parallel_loop3A_59 : i32
        %parallel_loop3A_61 = arith.addi %parallel_loop3A_60, %parallel_loop3A_58 : i32
        %parallel_loop3A_62 = arith.constant 26 : i32
        %parallel_loop3A_63 = arith.muli %parallel_loop3A_58, %parallel_loop3A_62 : i32
        %parallel_loop3A_64 = arith.constant 32 : i32
        %parallel_loop3A_65 = arith.muli %parallel_loop3A_61, %parallel_loop3A_64 : i32
        %parallel_loop3A_66 = arith.index_cast %parallel_loop3A_65 : i32 to index
        %parallel_loop3A_67 = tpu.vector_load %arg8[%parallel_loop3A_66] {strides = array<i32>} : memref<16384xf32, #tpu.memory_space<vmem>>, vector<16xf32>,
        %parallel_loop3A_68 = arith.constant 32 : i32
        %parallel_loop3A_69 = arith.muli %parallel_loop3A_61, %parallel_loop3A_68 : i32
        %parallel_loop3A_70 = arith.constant 16 : i32
        %parallel_loop3A_71 = arith.addi %parallel_loop3A_69, %parallel_loop3A_70 : i32
        %parallel_loop3A_72 = arith.index_cast %parallel_loop3A_71 : i32 to index
        %parallel_loop3A_73 = tpu.vector_load %arg8[%parallel_loop3A_72] {strides = array<i32>} : memref<16384xf32, #tpu.memory_space<vmem>>, vector<16xf32>,
        %parallel_loop3A_74 = arith.constant 32 : i32
        %parallel_loop3A_75 = arith.muli %parallel_loop3A_61, %parallel_loop3A_74 : i32
        %parallel_loop3A_76 = arith.index_cast %parallel_loop3A_75 : i32 to index
        %parallel_loop3A_77 = tpu.vector_load %arg9[%parallel_loop3A_76] {strides = array<i32>} : memref<16384xi32, #tpu.memory_space<vmem>>, vector<16xi32>,
        %parallel_loop3A_78 = arith.constant 32 : i32
        %parallel_loop3A_79 = arith.muli %parallel_loop3A_61, %parallel_loop3A_78 : i32
        %parallel_loop3A_80 = arith.constant 16 : i32
        %parallel_loop3A_81 = arith.addi %parallel_loop3A_79, %parallel_loop3A_80 : i32
        %parallel_loop3A_82 = arith.index_cast %parallel_loop3A_81 : i32 to index
        %parallel_loop3A_83 = tpu.vector_load %arg9[%parallel_loop3A_82] {strides = array<i32>} : memref<16384xi32, #tpu.memory_space<vmem>>, vector<16xi32>,
        %parallel_loop3A_84 = arith.constant 0.000000e+00 : f32
        %parallel_loop3A_85 = vector.broadcast %parallel_loop3A_84 : f32 to vector<16xf32>
        %parallel_loop3A_86 = arith.constant 0.000000e+00 : f32
        %parallel_loop3A_87 = vector.broadcast %parallel_loop3A_86 : f32 to vector<16xf32>
        %parallel_loop3A_88 = vector.extract_strided_slice %parallel_loop3A_67 {offsets = [0], sizes = [1], strides = [1]} : vector<16xf32> to vector<1xf32>
        %parallel_loop3A_89 = vector.extract %parallel_loop3A_88[0] : f32 from vector<1xf32>
        %parallel_loop3A_90 = vector.extract_strided_slice %parallel_loop3A_77 {offsets = [0], sizes = [1], strides = [1]} : vector<16xi32> to vector<1xi32>
        %parallel_loop3A_91 = vector.extract %parallel_loop3A_90[0] : i32 from vector<1xi32>
        %parallel_loop3A_92 = arith.constant 0 : i32
        %parallel_loop3A_93 = arith.addi %parallel_loop3A_63, %parallel_loop3A_92 : i32
        %parallel_loop3A_94 = arith.index_cast %parallel_loop3A_93 : i32 to index
        %parallel_loop3A_95 = arith.index_cast %parallel_loop3A_91 : i32 to index
        %parallel_loop3A_96 = tpu.vector_load %arg10[%parallel_loop3A_94, %parallel_loop3A_95] {strides = array<i32>} : memref<208x128xf32, #tpu.memory_space<vmem>>, vector<16xf32>,
        %parallel_loop3A_97 = vector.broadcast %parallel_loop3A_89 : f32 to vector<16xf32>
        %parallel_loop3A_98 = arith.mulf %parallel_loop3A_96, %parallel_loop3A_97 : vector<16xf32>
        %parallel_loop3A_99 = arith.addf %parallel_loop3A_85, %parallel_loop3A_98 : vector<16xf32>
        %parallel_loop3A_100 = arith.mulf %parallel_loop3A_98, %parallel_loop3A_98 : vector<16xf32>
        %parallel_loop3A_101 = arith.addf %parallel_loop3A_87, %parallel_loop3A_100 : vector<16xf32>
        %parallel_loop3A_102 = vector.extract_strided_slice %parallel_loop3A_67 {offsets = [1], sizes = [1], strides = [1]} : vector<16xf32> to vector<1xf32>
        %parallel_loop3A_103 = vector.extract %parallel_loop3A_102[0] : f32 from vector<1xf32>
        %parallel_loop3A_104 = vector.extract_strided_slice %parallel_loop3A_77 {offsets = [1], sizes = [1], strides = [1]} : vector<16xi32> to vector<1xi32>
        %parallel_loop3A_105 = vector.extract %parallel_loop3A_104[0] : i32 from vector<1xi32>
        %parallel_loop3A_106 = arith.constant 1 : i32
        %parallel_loop3A_107 = arith.addi %parallel_loop3A_63, %parallel_loop3A_106 : i32
        %parallel_loop3A_108 = arith.index_cast %parallel_loop3A_107 : i32 to index
        %parallel_loop3A_109 = arith.index_cast %parallel_loop3A_105 : i32 to index
        %parallel_loop3A_110 = tpu.vector_load %arg10[%parallel_loop3A_108, %parallel_loop3A_109] {strides = array<i32>} : memref<208x128xf32, #tpu.memory_space<vmem>>, vector<16xf32>,
        %parallel_loop3A_111 = vector.broadcast %parallel_loop3A_103 : f32 to vector<16xf32>
        %parallel_loop3A_112 = arith.mulf %parallel_loop3A_110, %parallel_loop3A_111 : vector<16xf32>
        %parallel_loop3A_113 = arith.addf %parallel_loop3A_99, %parallel_loop3A_112 : vector<16xf32>
        %parallel_loop3A_114 = arith.mulf %parallel_loop3A_112, %parallel_loop3A_112 : vector<16xf32>
        %parallel_loop3A_115 = arith.addf %parallel_loop3A_101, %parallel_loop3A_114 : vector<16xf32>
        %parallel_loop3A_116 = vector.extract_strided_slice %parallel_loop3A_67 {offsets = [2], sizes = [1], strides = [1]} : vector<16xf32> to vector<1xf32>
        %parallel_loop3A_117 = vector.extract %parallel_loop3A_116[0] : f32 from vector<1xf32>
        %parallel_loop3A_118 = vector.extract_strided_slice %parallel_loop3A_77 {offsets = [2], sizes = [1], strides = [1]} : vector<16xi32> to vector<1xi32>
        %parallel_loop3A_119 = vector.extract %parallel_loop3A_118[0] : i32 from vector<1xi32>
        %parallel_loop3A_120 = arith.constant 2 : i32
        %parallel_loop3A_121 = arith.addi %parallel_loop3A_63, %parallel_loop3A_120 : i32
        %parallel_loop3A_122 = arith.index_cast %parallel_loop3A_121 : i32 to index
        %parallel_loop3A_123 = arith.index_cast %parallel_loop3A_119 : i32 to index
        %parallel_loop3A_124 = tpu.vector_load %arg10[%parallel_loop3A_122, %parallel_loop3A_123] {strides = array<i32>} : memref<208x128xf32, #tpu.memory_space<vmem>>, vector<16xf32>,
        %parallel_loop3A_125 = vector.broadcast %parallel_loop3A_117 : f32 to vector<16xf32>
        %parallel_loop3A_126 = arith.mulf %parallel_loop3A_124, %parallel_loop3A_125 : vector<16xf32>
        %parallel_loop3A_127 = arith.addf %parallel_loop3A_113, %parallel_loop3A_126 : vector<16xf32>
        %parallel_loop3A_128 = arith.mulf %parallel_loop3A_126, %parallel_loop3A_126 : vector<16xf32>
        %parallel_loop3A_129 = arith.addf %parallel_loop3A_115, %parallel_loop3A_128 : vector<16xf32>
        %parallel_loop3A_130 = vector.extract_strided_slice %parallel_loop3A_67 {offsets = [3], sizes = [1], strides = [1]} : vector<16xf32> to vector<1xf32>
        %parallel_loop3A_131 = vector.extract %parallel_loop3A_130[0] : f32 from vector<1xf32>
        %parallel_loop3A_132 = vector.extract_strided_slice %parallel_loop3A_77 {offsets = [3], sizes = [1], strides = [1]} : vector<16xi32> to vector<1xi32>
        %parallel_loop3A_133 = vector.extract %parallel_loop3A_132[0] : i32 from vector<1xi32>
        %parallel_loop3A_134 = arith.constant 3 : i32
        %parallel_loop3A_135 = arith.addi %parallel_loop3A_63, %parallel_loop3A_134 : i32
        %parallel_loop3A_136 = arith.index_cast %parallel_loop3A_135 : i32 to index
        %parallel_loop3A_137 = arith.index_cast %parallel_loop3A_133 : i32 to index
        %parallel_loop3A_138 = tpu.vector_load %arg10[%parallel_loop3A_136, %parallel_loop3A_137] {strides = array<i32>} : memref<208x128xf32, #tpu.memory_space<vmem>>, vector<16xf32>,
        %parallel_loop3A_139 = vector.broadcast %parallel_loop3A_131 : f32 to vector<16xf32>
        %parallel_loop3A_140 = arith.mulf %parallel_loop3A_138, %parallel_loop3A_139 : vector<16xf32>
        %parallel_loop3A_141 = arith.addf %parallel_loop3A_127, %parallel_loop3A_140 : vector<16xf32>
        %parallel_loop3A_142 = arith.mulf %parallel_loop3A_140, %parallel_loop3A_140 : vector<16xf32>
        %parallel_loop3A_143 = arith.addf %parallel_loop3A_129, %parallel_loop3A_142 : vector<16xf32>
        %parallel_loop3A_144 = vector.extract_strided_slice %parallel_loop3A_67 {offsets = [4], sizes = [1], strides = [1]} : vector<16xf32> to vector<1xf32>
        %parallel_loop3A_145 = vector.extract %parallel_loop3A_144[0] : f32 from vector<1xf32>
        %parallel_loop3A_146 = vector.extract_strided_slice %parallel_loop3A_77 {offsets = [4], sizes = [1], strides = [1]} : vector<16xi32> to vector<1xi32>
        %parallel_loop3A_147 = vector.extract %parallel_loop3A_146[0] : i32 from vector<1xi32>
        %parallel_loop3A_148 = arith.constant 4 : i32
        %parallel_loop3A_149 = arith.addi %parallel_loop3A_63, %parallel_loop3A_148 : i32
        %parallel_loop3A_150 = arith.index_cast %parallel_loop3A_149 : i32 to index
        %parallel_loop3A_151 = arith.index_cast %parallel_loop3A_147 : i32 to index
        %parallel_loop3A_152 = tpu.vector_load %arg10[%parallel_loop3A_150, %parallel_loop3A_151] {strides = array<i32>} : memref<208x128xf32, #tpu.memory_space<vmem>>, vector<16xf32>,
        %parallel_loop3A_153 = vector.broadcast %parallel_loop3A_145 : f32 to vector<16xf32>
        %parallel_loop3A_154 = arith.mulf %parallel_loop3A_152, %parallel_loop3A_153 : vector<16xf32>
        %parallel_loop3A_155 = arith.addf %parallel_loop3A_141, %parallel_loop3A_154 : vector<16xf32>
        %parallel_loop3A_156 = arith.mulf %parallel_loop3A_154, %parallel_loop3A_154 : vector<16xf32>
        %parallel_loop3A_157 = arith.addf %parallel_loop3A_143, %parallel_loop3A_156 : vector<16xf32>
        %parallel_loop3A_158 = vector.extract_strided_slice %parallel_loop3A_67 {offsets = [5], sizes = [1], strides = [1]} : vector<16xf32> to vector<1xf32>
        %parallel_loop3A_159 = vector.extract %parallel_loop3A_158[0] : f32 from vector<1xf32>
        %parallel_loop3A_160 = vector.extract_strided_slice %parallel_loop3A_77 {offsets = [5], sizes = [1], strides = [1]} : vector<16xi32> to vector<1xi32>
        %parallel_loop3A_161 = vector.extract %parallel_loop3A_160[0] : i32 from vector<1xi32>
        %parallel_loop3A_162 = arith.constant 5 : i32
        %parallel_loop3A_163 = arith.addi %parallel_loop3A_63, %parallel_loop3A_162 : i32
        %parallel_loop3A_164 = arith.index_cast %parallel_loop3A_163 : i32 to index
        %parallel_loop3A_165 = arith.index_cast %parallel_loop3A_161 : i32 to index
        %parallel_loop3A_166 = tpu.vector_load %arg10[%parallel_loop3A_164, %parallel_loop3A_165] {strides = array<i32>} : memref<208x128xf32, #tpu.memory_space<vmem>>, vector<16xf32>,
        %parallel_loop3A_167 = vector.broadcast %parallel_loop3A_159 : f32 to vector<16xf32>
        %parallel_loop3A_168 = arith.mulf %parallel_loop3A_166, %parallel_loop3A_167 : vector<16xf32>
        %parallel_loop3A_169 = arith.addf %parallel_loop3A_155, %parallel_loop3A_168 : vector<16xf32>
        %parallel_loop3A_170 = arith.mulf %parallel_loop3A_168, %parallel_loop3A_168 : vector<16xf32>
        %parallel_loop3A_171 = arith.addf %parallel_loop3A_157, %parallel_loop3A_170 : vector<16xf32>
        %parallel_loop3A_172 = vector.extract_strided_slice %parallel_loop3A_67 {offsets = [6], sizes = [1], strides = [1]} : vector<16xf32> to vector<1xf32>
        %parallel_loop3A_173 = vector.extract %parallel_loop3A_172[0] : f32 from vector<1xf32>
        %parallel_loop3A_174 = vector.extract_strided_slice %parallel_loop3A_77 {offsets = [6], sizes = [1], strides = [1]} : vector<16xi32> to vector<1xi32>
        %parallel_loop3A_175 = vector.extract %parallel_loop3A_174[0] : i32 from vector<1xi32>
        %parallel_loop3A_176 = arith.constant 6 : i32
        %parallel_loop3A_177 = arith.addi %parallel_loop3A_63, %parallel_loop3A_176 : i32
        %parallel_loop3A_178 = arith.index_cast %parallel_loop3A_177 : i32 to index
        %parallel_loop3A_179 = arith.index_cast %parallel_loop3A_175 : i32 to index
        %parallel_loop3A_180 = tpu.vector_load %arg10[%parallel_loop3A_178, %parallel_loop3A_179] {strides = array<i32>} : memref<208x128xf32, #tpu.memory_space<vmem>>, vector<16xf32>,
        %parallel_loop3A_181 = vector.broadcast %parallel_loop3A_173 : f32 to vector<16xf32>
        %parallel_loop3A_182 = arith.mulf %parallel_loop3A_180, %parallel_loop3A_181 : vector<16xf32>
        %parallel_loop3A_183 = arith.addf %parallel_loop3A_169, %parallel_loop3A_182 : vector<16xf32>
        %parallel_loop3A_184 = arith.mulf %parallel_loop3A_182, %parallel_loop3A_182 : vector<16xf32>
        %parallel_loop3A_185 = arith.addf %parallel_loop3A_171, %parallel_loop3A_184 : vector<16xf32>
        %parallel_loop3A_186 = vector.extract_strided_slice %parallel_loop3A_67 {offsets = [7], sizes = [1], strides = [1]} : vector<16xf32> to vector<1xf32>
        %parallel_loop3A_187 = vector.extract %parallel_loop3A_186[0] : f32 from vector<1xf32>
        %parallel_loop3A_188 = vector.extract_strided_slice %parallel_loop3A_77 {offsets = [7], sizes = [1], strides = [1]} : vector<16xi32> to vector<1xi32>
        %parallel_loop3A_189 = vector.extract %parallel_loop3A_188[0] : i32 from vector<1xi32>
        %parallel_loop3A_190 = arith.constant 7 : i32
        %parallel_loop3A_191 = arith.addi %parallel_loop3A_63, %parallel_loop3A_190 : i32
        %parallel_loop3A_192 = arith.index_cast %parallel_loop3A_191 : i32 to index
        %parallel_loop3A_193 = arith.index_cast %parallel_loop3A_189 : i32 to index
        %parallel_loop3A_194 = tpu.vector_load %arg10[%parallel_loop3A_192, %parallel_loop3A_193] {strides = array<i32>} : memref<208x128xf32, #tpu.memory_space<vmem>>, vector<16xf32>,
        %parallel_loop3A_195 = vector.broadcast %parallel_loop3A_187 : f32 to vector<16xf32>
        %parallel_loop3A_196 = arith.mulf %parallel_loop3A_194, %parallel_loop3A_195 : vector<16xf32>
        %parallel_loop3A_197 = arith.addf %parallel_loop3A_183, %parallel_loop3A_196 : vector<16xf32>
        %parallel_loop3A_198 = arith.mulf %parallel_loop3A_196, %parallel_loop3A_196 : vector<16xf32>
        %parallel_loop3A_199 = arith.addf %parallel_loop3A_185, %parallel_loop3A_198 : vector<16xf32>
        %parallel_loop3A_200 = vector.extract_strided_slice %parallel_loop3A_67 {offsets = [8], sizes = [1], strides = [1]} : vector<16xf32> to vector<1xf32>
        %parallel_loop3A_201 = vector.extract %parallel_loop3A_200[0] : f32 from vector<1xf32>
        %parallel_loop3A_202 = vector.extract_strided_slice %parallel_loop3A_77 {offsets = [8], sizes = [1], strides = [1]} : vector<16xi32> to vector<1xi32>
        %parallel_loop3A_203 = vector.extract %parallel_loop3A_202[0] : i32 from vector<1xi32>
        %parallel_loop3A_204 = arith.constant 8 : i32
        %parallel_loop3A_205 = arith.addi %parallel_loop3A_63, %parallel_loop3A_204 : i32
        %parallel_loop3A_206 = arith.index_cast %parallel_loop3A_205 : i32 to index
        %parallel_loop3A_207 = arith.index_cast %parallel_loop3A_203 : i32 to index
        %parallel_loop3A_208 = tpu.vector_load %arg10[%parallel_loop3A_206, %parallel_loop3A_207] {strides = array<i32>} : memref<208x128xf32, #tpu.memory_space<vmem>>, vector<16xf32>,
        %parallel_loop3A_209 = vector.broadcast %parallel_loop3A_201 : f32 to vector<16xf32>
        %parallel_loop3A_210 = arith.mulf %parallel_loop3A_208, %parallel_loop3A_209 : vector<16xf32>
        %parallel_loop3A_211 = arith.addf %parallel_loop3A_197, %parallel_loop3A_210 : vector<16xf32>
        %parallel_loop3A_212 = arith.mulf %parallel_loop3A_210, %parallel_loop3A_210 : vector<16xf32>
        %parallel_loop3A_213 = arith.addf %parallel_loop3A_199, %parallel_loop3A_212 : vector<16xf32>
        %parallel_loop3A_214 = vector.extract_strided_slice %parallel_loop3A_67 {offsets = [9], sizes = [1], strides = [1]} : vector<16xf32> to vector<1xf32>
        %parallel_loop3A_215 = vector.extract %parallel_loop3A_214[0] : f32 from vector<1xf32>
        %parallel_loop3A_216 = vector.extract_strided_slice %parallel_loop3A_77 {offsets = [9], sizes = [1], strides = [1]} : vector<16xi32> to vector<1xi32>
        %parallel_loop3A_217 = vector.extract %parallel_loop3A_216[0] : i32 from vector<1xi32>
        %parallel_loop3A_218 = arith.constant 9 : i32
        %parallel_loop3A_219 = arith.addi %parallel_loop3A_63, %parallel_loop3A_218 : i32
        %parallel_loop3A_220 = arith.index_cast %parallel_loop3A_219 : i32 to index
        %parallel_loop3A_221 = arith.index_cast %parallel_loop3A_217 : i32 to index
        %parallel_loop3A_222 = tpu.vector_load %arg10[%parallel_loop3A_220, %parallel_loop3A_221] {strides = array<i32>} : memref<208x128xf32, #tpu.memory_space<vmem>>, vector<16xf32>,
        %parallel_loop3A_223 = vector.broadcast %parallel_loop3A_215 : f32 to vector<16xf32>
        %parallel_loop3A_224 = arith.mulf %parallel_loop3A_222, %parallel_loop3A_223 : vector<16xf32>
        %parallel_loop3A_225 = arith.addf %parallel_loop3A_211, %parallel_loop3A_224 : vector<16xf32>
        %parallel_loop3A_226 = arith.mulf %parallel_loop3A_224, %parallel_loop3A_224 : vector<16xf32>
        %parallel_loop3A_227 = arith.addf %parallel_loop3A_213, %parallel_loop3A_226 : vector<16xf32>
        %parallel_loop3A_228 = vector.extract_strided_slice %parallel_loop3A_67 {offsets = [10], sizes = [1], strides = [1]} : vector<16xf32> to vector<1xf32>
        %parallel_loop3A_229 = vector.extract %parallel_loop3A_228[0] : f32 from vector<1xf32>
        %parallel_loop3A_230 = vector.extract_strided_slice %parallel_loop3A_77 {offsets = [10], sizes = [1], strides = [1]} : vector<16xi32> to vector<1xi32>
        %parallel_loop3A_231 = vector.extract %parallel_loop3A_230[0] : i32 from vector<1xi32>
        %parallel_loop3A_232 = arith.constant 10 : i32
        %parallel_loop3A_233 = arith.addi %parallel_loop3A_63, %parallel_loop3A_232 : i32
        %parallel_loop3A_234 = arith.index_cast %parallel_loop3A_233 : i32 to index
        %parallel_loop3A_235 = arith.index_cast %parallel_loop3A_231 : i32 to index
        %parallel_loop3A_236 = tpu.vector_load %arg10[%parallel_loop3A_234, %parallel_loop3A_235] {strides = array<i32>} : memref<208x128xf32, #tpu.memory_space<vmem>>, vector<16xf32>,
        %parallel_loop3A_237 = vector.broadcast %parallel_loop3A_229 : f32 to vector<16xf32>
        %parallel_loop3A_238 = arith.mulf %parallel_loop3A_236, %parallel_loop3A_237 : vector<16xf32>
        %parallel_loop3A_239 = arith.addf %parallel_loop3A_225, %parallel_loop3A_238 : vector<16xf32>
        %parallel_loop3A_240 = arith.mulf %parallel_loop3A_238, %parallel_loop3A_238 : vector<16xf32>
        %parallel_loop3A_241 = arith.addf %parallel_loop3A_227, %parallel_loop3A_240 : vector<16xf32>
        %parallel_loop3A_242 = vector.extract_strided_slice %parallel_loop3A_67 {offsets = [11], sizes = [1], strides = [1]} : vector<16xf32> to vector<1xf32>
        %parallel_loop3A_243 = vector.extract %parallel_loop3A_242[0] : f32 from vector<1xf32>
        %parallel_loop3A_244 = vector.extract_strided_slice %parallel_loop3A_77 {offsets = [11], sizes = [1], strides = [1]} : vector<16xi32> to vector<1xi32>
        %parallel_loop3A_245 = vector.extract %parallel_loop3A_244[0] : i32 from vector<1xi32>
        %parallel_loop3A_246 = arith.constant 11 : i32
        %parallel_loop3A_247 = arith.addi %parallel_loop3A_63, %parallel_loop3A_246 : i32
        %parallel_loop3A_248 = arith.index_cast %parallel_loop3A_247 : i32 to index
        %parallel_loop3A_249 = arith.index_cast %parallel_loop3A_245 : i32 to index
        %parallel_loop3A_250 = tpu.vector_load %arg10[%parallel_loop3A_248, %parallel_loop3A_249] {strides = array<i32>} : memref<208x128xf32, #tpu.memory_space<vmem>>, vector<16xf32>,
        %parallel_loop3A_251 = vector.broadcast %parallel_loop3A_243 : f32 to vector<16xf32>
        %parallel_loop3A_252 = arith.mulf %parallel_loop3A_250, %parallel_loop3A_251 : vector<16xf32>
        %parallel_loop3A_253 = arith.addf %parallel_loop3A_239, %parallel_loop3A_252 : vector<16xf32>
        %parallel_loop3A_254 = arith.mulf %parallel_loop3A_252, %parallel_loop3A_252 : vector<16xf32>
        %parallel_loop3A_255 = arith.addf %parallel_loop3A_241, %parallel_loop3A_254 : vector<16xf32>
        %parallel_loop3A_256 = vector.extract_strided_slice %parallel_loop3A_67 {offsets = [12], sizes = [1], strides = [1]} : vector<16xf32> to vector<1xf32>
        %parallel_loop3A_257 = vector.extract %parallel_loop3A_256[0] : f32 from vector<1xf32>
        %parallel_loop3A_258 = vector.extract_strided_slice %parallel_loop3A_77 {offsets = [12], sizes = [1], strides = [1]} : vector<16xi32> to vector<1xi32>
        %parallel_loop3A_259 = vector.extract %parallel_loop3A_258[0] : i32 from vector<1xi32>
        %parallel_loop3A_260 = arith.constant 12 : i32
        %parallel_loop3A_261 = arith.addi %parallel_loop3A_63, %parallel_loop3A_260 : i32
        %parallel_loop3A_262 = arith.index_cast %parallel_loop3A_261 : i32 to index
        %parallel_loop3A_263 = arith.index_cast %parallel_loop3A_259 : i32 to index
        %parallel_loop3A_264 = tpu.vector_load %arg10[%parallel_loop3A_262, %parallel_loop3A_263] {strides = array<i32>} : memref<208x128xf32, #tpu.memory_space<vmem>>, vector<16xf32>,
        %parallel_loop3A_265 = vector.broadcast %parallel_loop3A_257 : f32 to vector<16xf32>
        %parallel_loop3A_266 = arith.mulf %parallel_loop3A_264, %parallel_loop3A_265 : vector<16xf32>
        %parallel_loop3A_267 = arith.addf %parallel_loop3A_253, %parallel_loop3A_266 : vector<16xf32>
        %parallel_loop3A_268 = arith.mulf %parallel_loop3A_266, %parallel_loop3A_266 : vector<16xf32>
        %parallel_loop3A_269 = arith.addf %parallel_loop3A_255, %parallel_loop3A_268 : vector<16xf32>
        %parallel_loop3A_270 = vector.extract_strided_slice %parallel_loop3A_67 {offsets = [13], sizes = [1], strides = [1]} : vector<16xf32> to vector<1xf32>
        %parallel_loop3A_271 = vector.extract %parallel_loop3A_270[0] : f32 from vector<1xf32>
        %parallel_loop3A_272 = vector.extract_strided_slice %parallel_loop3A_77 {offsets = [13], sizes = [1], strides = [1]} : vector<16xi32> to vector<1xi32>
        %parallel_loop3A_273 = vector.extract %parallel_loop3A_272[0] : i32 from vector<1xi32>
        %parallel_loop3A_274 = arith.constant 13 : i32
        %parallel_loop3A_275 = arith.addi %parallel_loop3A_63, %parallel_loop3A_274 : i32
        %parallel_loop3A_276 = arith.index_cast %parallel_loop3A_275 : i32 to index
        %parallel_loop3A_277 = arith.index_cast %parallel_loop3A_273 : i32 to index
        %parallel_loop3A_278 = tpu.vector_load %arg10[%parallel_loop3A_276, %parallel_loop3A_277] {strides = array<i32>} : memref<208x128xf32, #tpu.memory_space<vmem>>, vector<16xf32>,
        %parallel_loop3A_279 = vector.broadcast %parallel_loop3A_271 : f32 to vector<16xf32>
        %parallel_loop3A_280 = arith.mulf %parallel_loop3A_278, %parallel_loop3A_279 : vector<16xf32>
        %parallel_loop3A_281 = arith.addf %parallel_loop3A_267, %parallel_loop3A_280 : vector<16xf32>
        %parallel_loop3A_282 = arith.mulf %parallel_loop3A_280, %parallel_loop3A_280 : vector<16xf32>
        %parallel_loop3A_283 = arith.addf %parallel_loop3A_269, %parallel_loop3A_282 : vector<16xf32>
        %parallel_loop3A_284 = vector.extract_strided_slice %parallel_loop3A_67 {offsets = [14], sizes = [1], strides = [1]} : vector<16xf32> to vector<1xf32>
        %parallel_loop3A_285 = vector.extract %parallel_loop3A_284[0] : f32 from vector<1xf32>
        %parallel_loop3A_286 = vector.extract_strided_slice %parallel_loop3A_77 {offsets = [14], sizes = [1], strides = [1]} : vector<16xi32> to vector<1xi32>
        %parallel_loop3A_287 = vector.extract %parallel_loop3A_286[0] : i32 from vector<1xi32>
        %parallel_loop3A_288 = arith.constant 14 : i32
        %parallel_loop3A_289 = arith.addi %parallel_loop3A_63, %parallel_loop3A_288 : i32
        %parallel_loop3A_290 = arith.index_cast %parallel_loop3A_289 : i32 to index
        %parallel_loop3A_291 = arith.index_cast %parallel_loop3A_287 : i32 to index
        %parallel_loop3A_292 = tpu.vector_load %arg10[%parallel_loop3A_290, %parallel_loop3A_291] {strides = array<i32>} : memref<208x128xf32, #tpu.memory_space<vmem>>, vector<16xf32>,
        %parallel_loop3A_293 = vector.broadcast %parallel_loop3A_285 : f32 to vector<16xf32>
        %parallel_loop3A_294 = arith.mulf %parallel_loop3A_292, %parallel_loop3A_293 : vector<16xf32>
        %parallel_loop3A_295 = arith.addf %parallel_loop3A_281, %parallel_loop3A_294 : vector<16xf32>
        %parallel_loop3A_296 = arith.mulf %parallel_loop3A_294, %parallel_loop3A_294 : vector<16xf32>
        %parallel_loop3A_297 = arith.addf %parallel_loop3A_283, %parallel_loop3A_296 : vector<16xf32>
        %parallel_loop3A_298 = vector.extract_strided_slice %parallel_loop3A_67 {offsets = [15], sizes = [1], strides = [1]} : vector<16xf32> to vector<1xf32>
        %parallel_loop3A_299 = vector.extract %parallel_loop3A_298[0] : f32 from vector<1xf32>
        %parallel_loop3A_300 = vector.extract_strided_slice %parallel_loop3A_77 {offsets = [15], sizes = [1], strides = [1]} : vector<16xi32> to vector<1xi32>
        %parallel_loop3A_301 = vector.extract %parallel_loop3A_300[0] : i32 from vector<1xi32>
        %parallel_loop3A_302 = arith.constant 15 : i32
        %parallel_loop3A_303 = arith.addi %parallel_loop3A_63, %parallel_loop3A_302 : i32
        %parallel_loop3A_304 = arith.index_cast %parallel_loop3A_303 : i32 to index
        %parallel_loop3A_305 = arith.index_cast %parallel_loop3A_301 : i32 to index
        %parallel_loop3A_306 = tpu.vector_load %arg10[%parallel_loop3A_304, %parallel_loop3A_305] {strides = array<i32>} : memref<208x128xf32, #tpu.memory_space<vmem>>, vector<16xf32>,
        %parallel_loop3A_307 = vector.broadcast %parallel_loop3A_299 : f32 to vector<16xf32>
        %parallel_loop3A_308 = arith.mulf %parallel_loop3A_306, %parallel_loop3A_307 : vector<16xf32>
        %parallel_loop3A_309 = arith.addf %parallel_loop3A_295, %parallel_loop3A_308 : vector<16xf32>
        %parallel_loop3A_310 = arith.mulf %parallel_loop3A_308, %parallel_loop3A_308 : vector<16xf32>
        %parallel_loop3A_311 = arith.addf %parallel_loop3A_297, %parallel_loop3A_310 : vector<16xf32>
        %parallel_loop3A_312 = vector.extract_strided_slice %parallel_loop3A_73 {offsets = [0], sizes = [1], strides = [1]} : vector<16xf32> to vector<1xf32>
        %parallel_loop3A_313 = vector.extract %parallel_loop3A_312[0] : f32 from vector<1xf32>
        %parallel_loop3A_314 = vector.extract_strided_slice %parallel_loop3A_83 {offsets = [0], sizes = [1], strides = [1]} : vector<16xi32> to vector<1xi32>
        %parallel_loop3A_315 = vector.extract %parallel_loop3A_314[0] : i32 from vector<1xi32>
        %parallel_loop3A_316 = arith.constant 16 : i32
        %parallel_loop3A_317 = arith.addi %parallel_loop3A_63, %parallel_loop3A_316 : i32
        %parallel_loop3A_318 = arith.index_cast %parallel_loop3A_317 : i32 to index
        %parallel_loop3A_319 = arith.index_cast %parallel_loop3A_315 : i32 to index
        %parallel_loop3A_320 = tpu.vector_load %arg10[%parallel_loop3A_318, %parallel_loop3A_319] {strides = array<i32>} : memref<208x128xf32, #tpu.memory_space<vmem>>, vector<16xf32>,
        %parallel_loop3A_321 = vector.broadcast %parallel_loop3A_313 : f32 to vector<16xf32>
        %parallel_loop3A_322 = arith.mulf %parallel_loop3A_320, %parallel_loop3A_321 : vector<16xf32>
        %parallel_loop3A_323 = arith.addf %parallel_loop3A_309, %parallel_loop3A_322 : vector<16xf32>
        %parallel_loop3A_324 = arith.mulf %parallel_loop3A_322, %parallel_loop3A_322 : vector<16xf32>
        %parallel_loop3A_325 = arith.addf %parallel_loop3A_311, %parallel_loop3A_324 : vector<16xf32>
        %parallel_loop3A_326 = vector.extract_strided_slice %parallel_loop3A_73 {offsets = [1], sizes = [1], strides = [1]} : vector<16xf32> to vector<1xf32>
        %parallel_loop3A_327 = vector.extract %parallel_loop3A_326[0] : f32 from vector<1xf32>
        %parallel_loop3A_328 = vector.extract_strided_slice %parallel_loop3A_83 {offsets = [1], sizes = [1], strides = [1]} : vector<16xi32> to vector<1xi32>
        %parallel_loop3A_329 = vector.extract %parallel_loop3A_328[0] : i32 from vector<1xi32>
        %parallel_loop3A_330 = arith.constant 17 : i32
        %parallel_loop3A_331 = arith.addi %parallel_loop3A_63, %parallel_loop3A_330 : i32
        %parallel_loop3A_332 = arith.index_cast %parallel_loop3A_331 : i32 to index
        %parallel_loop3A_333 = arith.index_cast %parallel_loop3A_329 : i32 to index
        %parallel_loop3A_334 = tpu.vector_load %arg10[%parallel_loop3A_332, %parallel_loop3A_333] {strides = array<i32>} : memref<208x128xf32, #tpu.memory_space<vmem>>, vector<16xf32>,
        %parallel_loop3A_335 = vector.broadcast %parallel_loop3A_327 : f32 to vector<16xf32>
        %parallel_loop3A_336 = arith.mulf %parallel_loop3A_334, %parallel_loop3A_335 : vector<16xf32>
        %parallel_loop3A_337 = arith.addf %parallel_loop3A_323, %parallel_loop3A_336 : vector<16xf32>
        %parallel_loop3A_338 = arith.mulf %parallel_loop3A_336, %parallel_loop3A_336 : vector<16xf32>
        %parallel_loop3A_339 = arith.addf %parallel_loop3A_325, %parallel_loop3A_338 : vector<16xf32>
        %parallel_loop3A_340 = vector.extract_strided_slice %parallel_loop3A_73 {offsets = [2], sizes = [1], strides = [1]} : vector<16xf32> to vector<1xf32>
        %parallel_loop3A_341 = vector.extract %parallel_loop3A_340[0] : f32 from vector<1xf32>
        %parallel_loop3A_342 = vector.extract_strided_slice %parallel_loop3A_83 {offsets = [2], sizes = [1], strides = [1]} : vector<16xi32> to vector<1xi32>
        %parallel_loop3A_343 = vector.extract %parallel_loop3A_342[0] : i32 from vector<1xi32>
        %parallel_loop3A_344 = arith.constant 18 : i32
        %parallel_loop3A_345 = arith.addi %parallel_loop3A_63, %parallel_loop3A_344 : i32
        %parallel_loop3A_346 = arith.index_cast %parallel_loop3A_345 : i32 to index
        %parallel_loop3A_347 = arith.index_cast %parallel_loop3A_343 : i32 to index
        %parallel_loop3A_348 = tpu.vector_load %arg10[%parallel_loop3A_346, %parallel_loop3A_347] {strides = array<i32>} : memref<208x128xf32, #tpu.memory_space<vmem>>, vector<16xf32>,
        %parallel_loop3A_349 = vector.broadcast %parallel_loop3A_341 : f32 to vector<16xf32>
        %parallel_loop3A_350 = arith.mulf %parallel_loop3A_348, %parallel_loop3A_349 : vector<16xf32>
        %parallel_loop3A_351 = arith.addf %parallel_loop3A_337, %parallel_loop3A_350 : vector<16xf32>
        %parallel_loop3A_352 = arith.mulf %parallel_loop3A_350, %parallel_loop3A_350 : vector<16xf32>
        %parallel_loop3A_353 = arith.addf %parallel_loop3A_339, %parallel_loop3A_352 : vector<16xf32>
        %parallel_loop3A_354 = vector.extract_strided_slice %parallel_loop3A_73 {offsets = [3], sizes = [1], strides = [1]} : vector<16xf32> to vector<1xf32>
        %parallel_loop3A_355 = vector.extract %parallel_loop3A_354[0] : f32 from vector<1xf32>
        %parallel_loop3A_356 = vector.extract_strided_slice %parallel_loop3A_83 {offsets = [3], sizes = [1], strides = [1]} : vector<16xi32> to vector<1xi32>
        %parallel_loop3A_357 = vector.extract %parallel_loop3A_356[0] : i32 from vector<1xi32>
        %parallel_loop3A_358 = arith.constant 19 : i32
        %parallel_loop3A_359 = arith.addi %parallel_loop3A_63, %parallel_loop3A_358 : i32
        %parallel_loop3A_360 = arith.index_cast %parallel_loop3A_359 : i32 to index
        %parallel_loop3A_361 = arith.index_cast %parallel_loop3A_357 : i32 to index
        %parallel_loop3A_362 = tpu.vector_load %arg10[%parallel_loop3A_360, %parallel_loop3A_361] {strides = array<i32>} : memref<208x128xf32, #tpu.memory_space<vmem>>, vector<16xf32>,
        %parallel_loop3A_363 = vector.broadcast %parallel_loop3A_355 : f32 to vector<16xf32>
        %parallel_loop3A_364 = arith.mulf %parallel_loop3A_362, %parallel_loop3A_363 : vector<16xf32>
        %parallel_loop3A_365 = arith.addf %parallel_loop3A_351, %parallel_loop3A_364 : vector<16xf32>
        %parallel_loop3A_366 = arith.mulf %parallel_loop3A_364, %parallel_loop3A_364 : vector<16xf32>
        %parallel_loop3A_367 = arith.addf %parallel_loop3A_353, %parallel_loop3A_366 : vector<16xf32>
        %parallel_loop3A_368 = vector.extract_strided_slice %parallel_loop3A_73 {offsets = [4], sizes = [1], strides = [1]} : vector<16xf32> to vector<1xf32>
        %parallel_loop3A_369 = vector.extract %parallel_loop3A_368[0] : f32 from vector<1xf32>
        %parallel_loop3A_370 = vector.extract_strided_slice %parallel_loop3A_83 {offsets = [4], sizes = [1], strides = [1]} : vector<16xi32> to vector<1xi32>
        %parallel_loop3A_371 = vector.extract %parallel_loop3A_370[0] : i32 from vector<1xi32>
        %parallel_loop3A_372 = arith.constant 20 : i32
        %parallel_loop3A_373 = arith.addi %parallel_loop3A_63, %parallel_loop3A_372 : i32
        %parallel_loop3A_374 = arith.index_cast %parallel_loop3A_373 : i32 to index
        %parallel_loop3A_375 = arith.index_cast %parallel_loop3A_371 : i32 to index
        %parallel_loop3A_376 = tpu.vector_load %arg10[%parallel_loop3A_374, %parallel_loop3A_375] {strides = array<i32>} : memref<208x128xf32, #tpu.memory_space<vmem>>, vector<16xf32>,
        %parallel_loop3A_377 = vector.broadcast %parallel_loop3A_369 : f32 to vector<16xf32>
        %parallel_loop3A_378 = arith.mulf %parallel_loop3A_376, %parallel_loop3A_377 : vector<16xf32>
        %parallel_loop3A_379 = arith.addf %parallel_loop3A_365, %parallel_loop3A_378 : vector<16xf32>
        %parallel_loop3A_380 = arith.mulf %parallel_loop3A_378, %parallel_loop3A_378 : vector<16xf32>
        %parallel_loop3A_381 = arith.addf %parallel_loop3A_367, %parallel_loop3A_380 : vector<16xf32>
        %parallel_loop3A_382 = vector.extract_strided_slice %parallel_loop3A_73 {offsets = [5], sizes = [1], strides = [1]} : vector<16xf32> to vector<1xf32>
        %parallel_loop3A_383 = vector.extract %parallel_loop3A_382[0] : f32 from vector<1xf32>
        %parallel_loop3A_384 = vector.extract_strided_slice %parallel_loop3A_83 {offsets = [5], sizes = [1], strides = [1]} : vector<16xi32> to vector<1xi32>
        %parallel_loop3A_385 = vector.extract %parallel_loop3A_384[0] : i32 from vector<1xi32>
        %parallel_loop3A_386 = arith.constant 21 : i32
        %parallel_loop3A_387 = arith.addi %parallel_loop3A_63, %parallel_loop3A_386 : i32
        %parallel_loop3A_388 = arith.index_cast %parallel_loop3A_387 : i32 to index
        %parallel_loop3A_389 = arith.index_cast %parallel_loop3A_385 : i32 to index
        %parallel_loop3A_390 = tpu.vector_load %arg10[%parallel_loop3A_388, %parallel_loop3A_389] {strides = array<i32>} : memref<208x128xf32, #tpu.memory_space<vmem>>, vector<16xf32>,
        %parallel_loop3A_391 = vector.broadcast %parallel_loop3A_383 : f32 to vector<16xf32>
        %parallel_loop3A_392 = arith.mulf %parallel_loop3A_390, %parallel_loop3A_391 : vector<16xf32>
        %parallel_loop3A_393 = arith.addf %parallel_loop3A_379, %parallel_loop3A_392 : vector<16xf32>
        %parallel_loop3A_394 = arith.mulf %parallel_loop3A_392, %parallel_loop3A_392 : vector<16xf32>
        %parallel_loop3A_395 = arith.addf %parallel_loop3A_381, %parallel_loop3A_394 : vector<16xf32>
        %parallel_loop3A_396 = vector.extract_strided_slice %parallel_loop3A_73 {offsets = [6], sizes = [1], strides = [1]} : vector<16xf32> to vector<1xf32>
        %parallel_loop3A_397 = vector.extract %parallel_loop3A_396[0] : f32 from vector<1xf32>
        %parallel_loop3A_398 = vector.extract_strided_slice %parallel_loop3A_83 {offsets = [6], sizes = [1], strides = [1]} : vector<16xi32> to vector<1xi32>
        %parallel_loop3A_399 = vector.extract %parallel_loop3A_398[0] : i32 from vector<1xi32>
        %parallel_loop3A_400 = arith.constant 22 : i32
        %parallel_loop3A_401 = arith.addi %parallel_loop3A_63, %parallel_loop3A_400 : i32
        %parallel_loop3A_402 = arith.index_cast %parallel_loop3A_401 : i32 to index
        %parallel_loop3A_403 = arith.index_cast %parallel_loop3A_399 : i32 to index
        %parallel_loop3A_404 = tpu.vector_load %arg10[%parallel_loop3A_402, %parallel_loop3A_403] {strides = array<i32>} : memref<208x128xf32, #tpu.memory_space<vmem>>, vector<16xf32>,
        %parallel_loop3A_405 = vector.broadcast %parallel_loop3A_397 : f32 to vector<16xf32>
        %parallel_loop3A_406 = arith.mulf %parallel_loop3A_404, %parallel_loop3A_405 : vector<16xf32>
        %parallel_loop3A_407 = arith.addf %parallel_loop3A_393, %parallel_loop3A_406 : vector<16xf32>
        %parallel_loop3A_408 = arith.mulf %parallel_loop3A_406, %parallel_loop3A_406 : vector<16xf32>
        %parallel_loop3A_409 = arith.addf %parallel_loop3A_395, %parallel_loop3A_408 : vector<16xf32>
        %parallel_loop3A_410 = vector.extract_strided_slice %parallel_loop3A_73 {offsets = [7], sizes = [1], strides = [1]} : vector<16xf32> to vector<1xf32>
        %parallel_loop3A_411 = vector.extract %parallel_loop3A_410[0] : f32 from vector<1xf32>
        %parallel_loop3A_412 = vector.extract_strided_slice %parallel_loop3A_83 {offsets = [7], sizes = [1], strides = [1]} : vector<16xi32> to vector<1xi32>
        %parallel_loop3A_413 = vector.extract %parallel_loop3A_412[0] : i32 from vector<1xi32>
        %parallel_loop3A_414 = arith.constant 23 : i32
        %parallel_loop3A_415 = arith.addi %parallel_loop3A_63, %parallel_loop3A_414 : i32
        %parallel_loop3A_416 = arith.index_cast %parallel_loop3A_415 : i32 to index
        %parallel_loop3A_417 = arith.index_cast %parallel_loop3A_413 : i32 to index
        %parallel_loop3A_418 = tpu.vector_load %arg10[%parallel_loop3A_416, %parallel_loop3A_417] {strides = array<i32>} : memref<208x128xf32, #tpu.memory_space<vmem>>, vector<16xf32>,
        %parallel_loop3A_419 = vector.broadcast %parallel_loop3A_411 : f32 to vector<16xf32>
        %parallel_loop3A_420 = arith.mulf %parallel_loop3A_418, %parallel_loop3A_419 : vector<16xf32>
        %parallel_loop3A_421 = arith.addf %parallel_loop3A_407, %parallel_loop3A_420 : vector<16xf32>
        %parallel_loop3A_422 = arith.mulf %parallel_loop3A_420, %parallel_loop3A_420 : vector<16xf32>
        %parallel_loop3A_423 = arith.addf %parallel_loop3A_409, %parallel_loop3A_422 : vector<16xf32>
        %parallel_loop3A_424 = vector.extract_strided_slice %parallel_loop3A_73 {offsets = [8], sizes = [1], strides = [1]} : vector<16xf32> to vector<1xf32>
        %parallel_loop3A_425 = vector.extract %parallel_loop3A_424[0] : f32 from vector<1xf32>
        %parallel_loop3A_426 = vector.extract_strided_slice %parallel_loop3A_83 {offsets = [8], sizes = [1], strides = [1]} : vector<16xi32> to vector<1xi32>
        %parallel_loop3A_427 = vector.extract %parallel_loop3A_426[0] : i32 from vector<1xi32>
        %parallel_loop3A_428 = arith.constant 24 : i32
        %parallel_loop3A_429 = arith.addi %parallel_loop3A_63, %parallel_loop3A_428 : i32
        %parallel_loop3A_430 = arith.index_cast %parallel_loop3A_429 : i32 to index
        %parallel_loop3A_431 = arith.index_cast %parallel_loop3A_427 : i32 to index
        %parallel_loop3A_432 = tpu.vector_load %arg10[%parallel_loop3A_430, %parallel_loop3A_431] {strides = array<i32>} : memref<208x128xf32, #tpu.memory_space<vmem>>, vector<16xf32>,
        %parallel_loop3A_433 = vector.broadcast %parallel_loop3A_425 : f32 to vector<16xf32>
        %parallel_loop3A_434 = arith.mulf %parallel_loop3A_432, %parallel_loop3A_433 : vector<16xf32>
        %parallel_loop3A_435 = arith.addf %parallel_loop3A_421, %parallel_loop3A_434 : vector<16xf32>
        %parallel_loop3A_436 = arith.mulf %parallel_loop3A_434, %parallel_loop3A_434 : vector<16xf32>
        %parallel_loop3A_437 = arith.addf %parallel_loop3A_423, %parallel_loop3A_436 : vector<16xf32>
        %parallel_loop3A_438 = vector.extract_strided_slice %parallel_loop3A_73 {offsets = [9], sizes = [1], strides = [1]} : vector<16xf32> to vector<1xf32>
        %parallel_loop3A_439 = vector.extract %parallel_loop3A_438[0] : f32 from vector<1xf32>
        %parallel_loop3A_440 = vector.extract_strided_slice %parallel_loop3A_83 {offsets = [9], sizes = [1], strides = [1]} : vector<16xi32> to vector<1xi32>
        %parallel_loop3A_441 = vector.extract %parallel_loop3A_440[0] : i32 from vector<1xi32>
        %parallel_loop3A_442 = arith.constant 25 : i32
        %parallel_loop3A_443 = arith.addi %parallel_loop3A_63, %parallel_loop3A_442 : i32
        %parallel_loop3A_444 = arith.index_cast %parallel_loop3A_443 : i32 to index
        %parallel_loop3A_445 = arith.index_cast %parallel_loop3A_441 : i32 to index
        %parallel_loop3A_446 = tpu.vector_load %arg10[%parallel_loop3A_444, %parallel_loop3A_445] {strides = array<i32>} : memref<208x128xf32, #tpu.memory_space<vmem>>, vector<16xf32>,
        %parallel_loop3A_447 = vector.broadcast %parallel_loop3A_439 : f32 to vector<16xf32>
        %parallel_loop3A_448 = arith.mulf %parallel_loop3A_446, %parallel_loop3A_447 : vector<16xf32>
        %parallel_loop3A_449 = arith.addf %parallel_loop3A_435, %parallel_loop3A_448 : vector<16xf32>
        %parallel_loop3A_450 = arith.mulf %parallel_loop3A_448, %parallel_loop3A_448 : vector<16xf32>
        %parallel_loop3A_451 = arith.addf %parallel_loop3A_437, %parallel_loop3A_450 : vector<16xf32>
        %parallel_loop3A_452 = arith.mulf %parallel_loop3A_449, %parallel_loop3A_449 : vector<16xf32>
        %parallel_loop3A_453 = arith.subf %parallel_loop3A_452, %parallel_loop3A_451 : vector<16xf32>
        %parallel_loop3A_454 = arith.constant 16 : i32
        %parallel_loop3A_455 = arith.muli %parallel_loop3A_61, %parallel_loop3A_454 : i32
        %parallel_loop3A_456 = arith.index_cast %parallel_loop3A_455 : i32 to index
        %parallel_loop3A_457 = tpu.vector_load %arg12[%parallel_loop3A_456] {strides = array<i32>} : memref<8192xf32, #tpu.memory_space<vmem>>, vector<16xf32>,
        tpu.vector_store %arg12[%parallel_loop3A_456], %parallel_loop3A_453 {strides = array<i32>} : memref<8192xf32, #tpu.memory_space<vmem>>, vector<16xf32>,
      } {sc.loop_unroll_factor = 2 : i64, sc.parallel_access}
      %lt3A = arith.constant 31 : i32
      %lt3A_38 = arith.cmpi slt, %scan3A_25, %lt3A : i32
      %convert_element_type3A = arith.extui %lt3A_38 : i1 to i32
      %cond3A = arith.constant 0 : i32
      %cond3A_39 = arith.cmpi ne, %convert_element_type3A, %cond3A : i32
      scf.if %cond3A_39 {
        %add3A_58 = arith.constant 2 : i32
        %add3A_59 = arith.addi %add3A_29, %add3A_58 : i32
        %mul3A_60 = arith.constant 208 : i32
        %mul3A_61 = arith.muli %add3A_59, %mul3A_60 : i32
        %dma_start3A_62 = tpu.memref_slice %arg7[%mul3A_61] : memref<13312xi32, #tpu.memory_space<vmem>> -> memref<208xi32, #tpu.memory_space<vmem>>
        %dma_start3A_63 = arith.constant 0 : i32
        %dma_start3A_64 = arith.constant 0 : i32
        %dma_start3A_65 = tpu.memref_slice %arg2[%dma_start3A_63, %dma_start3A_64] : memref<125000x128xf32, #tpu.memory_space<hbm>> -> memref<125000x128xf32, #tpu.memory_space<hbm>>
        tpu.enqueue_indirect_dma source(%dma_start3A_65 : memref<125000x128xf32, #tpu.memory_space<hbm>>) target(%arg10 : memref<208x128xf32, #tpu.memory_space<vmem>>) offsets(%dma_start3A_62 : memref<208xi32, #tpu.memory_space<vmem>>) semaphore(%arg14 : memref<!tpu.dma_semaphore, #tpu.memory_space<semaphore_mem>>)
      } else {
      }
      %mul3A_40 = arith.constant 2 : i32
      %mul3A_41 = arith.muli %mul3A_40, %scan3A_25 : i32
      %add3A_42 = arith.constant 1 : i32
      %add3A_43 = arith.addi %mul3A_41, %add3A_42 : i32
      %mul3A_44 = arith.constant 208 : i32
      %mul3A_45 = arith.muli %add3A_43, %mul3A_44 : i32
      %dma_wait3A_46 = tpu.memref_slice %arg7[%mul3A_45] : memref<13312xi32, #tpu.memory_space<vmem>> -> memref<208xi32, #tpu.memory_space<vmem>>
      %dma_wait3A_47 = arith.constant 0 : i32
      %dma_wait3A_48 = arith.constant 0 : i32
      %dma_wait3A_49 = tpu.memref_slice %arg2[%dma_wait3A_47, %dma_wait3A_48] : memref<125000x128xf32, #tpu.memory_space<hbm>> -> memref<125000x128xf32, #tpu.memory_space<hbm>>
      tpu.wait_indirect_dma semaphore(%arg15 : memref<!tpu.dma_semaphore, #tpu.memory_space<semaphore_mem>>) src(%dma_wait3A_49 : memref<125000x128xf32, #tpu.memory_space<hbm>>) dst(%arg11 : memref<208x128xf32, #tpu.memory_space<vmem>>)
      %parallel_loop3A_50 = arith.constant 0 : i32
      %parallel_loop3A_51 = arith.constant 8 : i32
      %parallel_loop3A_52 = arith.constant 1 : i32
      scf.for %parallel_loop3A_58 = %parallel_loop3A_50 to %parallel_loop3A_51 step %parallel_loop3A_52  : i32 {
        %parallel_loop3A_59 = arith.constant 8 : i32
        %parallel_loop3A_60 = arith.muli %add3A_43, %parallel_loop3A_59 : i32
        %parallel_loop3A_61 = arith.addi %parallel_loop3A_60, %parallel_loop3A_58 : i32
        %parallel_loop3A_62 = arith.constant 26 : i32
        %parallel_loop3A_63 = arith.muli %parallel_loop3A_58, %parallel_loop3A_62 : i32
        %parallel_loop3A_64 = arith.constant 32 : i32
        %parallel_loop3A_65 = arith.muli %parallel_loop3A_61, %parallel_loop3A_64 : i32
        %parallel_loop3A_66 = arith.index_cast %parallel_loop3A_65 : i32 to index
        %parallel_loop3A_67 = tpu.vector_load %arg8[%parallel_loop3A_66] {strides = array<i32>} : memref<16384xf32, #tpu.memory_space<vmem>>, vector<16xf32>,
        %parallel_loop3A_68 = arith.constant 32 : i32
        %parallel_loop3A_69 = arith.muli %parallel_loop3A_61, %parallel_loop3A_68 : i32
        %parallel_loop3A_70 = arith.constant 16 : i32
        %parallel_loop3A_71 = arith.addi %parallel_loop3A_69, %parallel_loop3A_70 : i32
        %parallel_loop3A_72 = arith.index_cast %parallel_loop3A_71 : i32 to index
        %parallel_loop3A_73 = tpu.vector_load %arg8[%parallel_loop3A_72] {strides = array<i32>} : memref<16384xf32, #tpu.memory_space<vmem>>, vector<16xf32>,
        %parallel_loop3A_74 = arith.constant 32 : i32
        %parallel_loop3A_75 = arith.muli %parallel_loop3A_61, %parallel_loop3A_74 : i32
        %parallel_loop3A_76 = arith.index_cast %parallel_loop3A_75 : i32 to index
        %parallel_loop3A_77 = tpu.vector_load %arg9[%parallel_loop3A_76] {strides = array<i32>} : memref<16384xi32, #tpu.memory_space<vmem>>, vector<16xi32>,
        %parallel_loop3A_78 = arith.constant 32 : i32
        %parallel_loop3A_79 = arith.muli %parallel_loop3A_61, %parallel_loop3A_78 : i32
        %parallel_loop3A_80 = arith.constant 16 : i32
        %parallel_loop3A_81 = arith.addi %parallel_loop3A_79, %parallel_loop3A_80 : i32
        %parallel_loop3A_82 = arith.index_cast %parallel_loop3A_81 : i32 to index
        %parallel_loop3A_83 = tpu.vector_load %arg9[%parallel_loop3A_82] {strides = array<i32>} : memref<16384xi32, #tpu.memory_space<vmem>>, vector<16xi32>,
        %parallel_loop3A_84 = arith.constant 0.000000e+00 : f32
        %parallel_loop3A_85 = vector.broadcast %parallel_loop3A_84 : f32 to vector<16xf32>
        %parallel_loop3A_86 = arith.constant 0.000000e+00 : f32
        %parallel_loop3A_87 = vector.broadcast %parallel_loop3A_86 : f32 to vector<16xf32>
        %parallel_loop3A_88 = vector.extract_strided_slice %parallel_loop3A_67 {offsets = [0], sizes = [1], strides = [1]} : vector<16xf32> to vector<1xf32>
        %parallel_loop3A_89 = vector.extract %parallel_loop3A_88[0] : f32 from vector<1xf32>
        %parallel_loop3A_90 = vector.extract_strided_slice %parallel_loop3A_77 {offsets = [0], sizes = [1], strides = [1]} : vector<16xi32> to vector<1xi32>
        %parallel_loop3A_91 = vector.extract %parallel_loop3A_90[0] : i32 from vector<1xi32>
        %parallel_loop3A_92 = arith.constant 0 : i32
        %parallel_loop3A_93 = arith.addi %parallel_loop3A_63, %parallel_loop3A_92 : i32
        %parallel_loop3A_94 = arith.index_cast %parallel_loop3A_93 : i32 to index
        %parallel_loop3A_95 = arith.index_cast %parallel_loop3A_91 : i32 to index
        %parallel_loop3A_96 = tpu.vector_load %arg11[%parallel_loop3A_94, %parallel_loop3A_95] {strides = array<i32>} : memref<208x128xf32, #tpu.memory_space<vmem>>, vector<16xf32>,
        %parallel_loop3A_97 = vector.broadcast %parallel_loop3A_89 : f32 to vector<16xf32>
        %parallel_loop3A_98 = arith.mulf %parallel_loop3A_96, %parallel_loop3A_97 : vector<16xf32>
        %parallel_loop3A_99 = arith.addf %parallel_loop3A_85, %parallel_loop3A_98 : vector<16xf32>
        %parallel_loop3A_100 = arith.mulf %parallel_loop3A_98, %parallel_loop3A_98 : vector<16xf32>
        %parallel_loop3A_101 = arith.addf %parallel_loop3A_87, %parallel_loop3A_100 : vector<16xf32>
        %parallel_loop3A_102 = vector.extract_strided_slice %parallel_loop3A_67 {offsets = [1], sizes = [1], strides = [1]} : vector<16xf32> to vector<1xf32>
        %parallel_loop3A_103 = vector.extract %parallel_loop3A_102[0] : f32 from vector<1xf32>
        %parallel_loop3A_104 = vector.extract_strided_slice %parallel_loop3A_77 {offsets = [1], sizes = [1], strides = [1]} : vector<16xi32> to vector<1xi32>
        %parallel_loop3A_105 = vector.extract %parallel_loop3A_104[0] : i32 from vector<1xi32>
        %parallel_loop3A_106 = arith.constant 1 : i32
        %parallel_loop3A_107 = arith.addi %parallel_loop3A_63, %parallel_loop3A_106 : i32
        %parallel_loop3A_108 = arith.index_cast %parallel_loop3A_107 : i32 to index
        %parallel_loop3A_109 = arith.index_cast %parallel_loop3A_105 : i32 to index
        %parallel_loop3A_110 = tpu.vector_load %arg11[%parallel_loop3A_108, %parallel_loop3A_109] {strides = array<i32>} : memref<208x128xf32, #tpu.memory_space<vmem>>, vector<16xf32>,
        %parallel_loop3A_111 = vector.broadcast %parallel_loop3A_103 : f32 to vector<16xf32>
        %parallel_loop3A_112 = arith.mulf %parallel_loop3A_110, %parallel_loop3A_111 : vector<16xf32>
        %parallel_loop3A_113 = arith.addf %parallel_loop3A_99, %parallel_loop3A_112 : vector<16xf32>
        %parallel_loop3A_114 = arith.mulf %parallel_loop3A_112, %parallel_loop3A_112 : vector<16xf32>
        %parallel_loop3A_115 = arith.addf %parallel_loop3A_101, %parallel_loop3A_114 : vector<16xf32>
        %parallel_loop3A_116 = vector.extract_strided_slice %parallel_loop3A_67 {offsets = [2], sizes = [1], strides = [1]} : vector<16xf32> to vector<1xf32>
        %parallel_loop3A_117 = vector.extract %parallel_loop3A_116[0] : f32 from vector<1xf32>
        %parallel_loop3A_118 = vector.extract_strided_slice %parallel_loop3A_77 {offsets = [2], sizes = [1], strides = [1]} : vector<16xi32> to vector<1xi32>
        %parallel_loop3A_119 = vector.extract %parallel_loop3A_118[0] : i32 from vector<1xi32>
        %parallel_loop3A_120 = arith.constant 2 : i32
        %parallel_loop3A_121 = arith.addi %parallel_loop3A_63, %parallel_loop3A_120 : i32
        %parallel_loop3A_122 = arith.index_cast %parallel_loop3A_121 : i32 to index
        %parallel_loop3A_123 = arith.index_cast %parallel_loop3A_119 : i32 to index
        %parallel_loop3A_124 = tpu.vector_load %arg11[%parallel_loop3A_122, %parallel_loop3A_123] {strides = array<i32>} : memref<208x128xf32, #tpu.memory_space<vmem>>, vector<16xf32>,
        %parallel_loop3A_125 = vector.broadcast %parallel_loop3A_117 : f32 to vector<16xf32>
        %parallel_loop3A_126 = arith.mulf %parallel_loop3A_124, %parallel_loop3A_125 : vector<16xf32>
        %parallel_loop3A_127 = arith.addf %parallel_loop3A_113, %parallel_loop3A_126 : vector<16xf32>
        %parallel_loop3A_128 = arith.mulf %parallel_loop3A_126, %parallel_loop3A_126 : vector<16xf32>
        %parallel_loop3A_129 = arith.addf %parallel_loop3A_115, %parallel_loop3A_128 : vector<16xf32>
        %parallel_loop3A_130 = vector.extract_strided_slice %parallel_loop3A_67 {offsets = [3], sizes = [1], strides = [1]} : vector<16xf32> to vector<1xf32>
        %parallel_loop3A_131 = vector.extract %parallel_loop3A_130[0] : f32 from vector<1xf32>
        %parallel_loop3A_132 = vector.extract_strided_slice %parallel_loop3A_77 {offsets = [3], sizes = [1], strides = [1]} : vector<16xi32> to vector<1xi32>
        %parallel_loop3A_133 = vector.extract %parallel_loop3A_132[0] : i32 from vector<1xi32>
        %parallel_loop3A_134 = arith.constant 3 : i32
        %parallel_loop3A_135 = arith.addi %parallel_loop3A_63, %parallel_loop3A_134 : i32
        %parallel_loop3A_136 = arith.index_cast %parallel_loop3A_135 : i32 to index
        %parallel_loop3A_137 = arith.index_cast %parallel_loop3A_133 : i32 to index
        %parallel_loop3A_138 = tpu.vector_load %arg11[%parallel_loop3A_136, %parallel_loop3A_137] {strides = array<i32>} : memref<208x128xf32, #tpu.memory_space<vmem>>, vector<16xf32>,
        %parallel_loop3A_139 = vector.broadcast %parallel_loop3A_131 : f32 to vector<16xf32>
        %parallel_loop3A_140 = arith.mulf %parallel_loop3A_138, %parallel_loop3A_139 : vector<16xf32>
        %parallel_loop3A_141 = arith.addf %parallel_loop3A_127, %parallel_loop3A_140 : vector<16xf32>
        %parallel_loop3A_142 = arith.mulf %parallel_loop3A_140, %parallel_loop3A_140 : vector<16xf32>
        %parallel_loop3A_143 = arith.addf %parallel_loop3A_129, %parallel_loop3A_142 : vector<16xf32>
        %parallel_loop3A_144 = vector.extract_strided_slice %parallel_loop3A_67 {offsets = [4], sizes = [1], strides = [1]} : vector<16xf32> to vector<1xf32>
        %parallel_loop3A_145 = vector.extract %parallel_loop3A_144[0] : f32 from vector<1xf32>
        %parallel_loop3A_146 = vector.extract_strided_slice %parallel_loop3A_77 {offsets = [4], sizes = [1], strides = [1]} : vector<16xi32> to vector<1xi32>
        %parallel_loop3A_147 = vector.extract %parallel_loop3A_146[0] : i32 from vector<1xi32>
        %parallel_loop3A_148 = arith.constant 4 : i32
        %parallel_loop3A_149 = arith.addi %parallel_loop3A_63, %parallel_loop3A_148 : i32
        %parallel_loop3A_150 = arith.index_cast %parallel_loop3A_149 : i32 to index
        %parallel_loop3A_151 = arith.index_cast %parallel_loop3A_147 : i32 to index
        %parallel_loop3A_152 = tpu.vector_load %arg11[%parallel_loop3A_150, %parallel_loop3A_151] {strides = array<i32>} : memref<208x128xf32, #tpu.memory_space<vmem>>, vector<16xf32>,
        %parallel_loop3A_153 = vector.broadcast %parallel_loop3A_145 : f32 to vector<16xf32>
        %parallel_loop3A_154 = arith.mulf %parallel_loop3A_152, %parallel_loop3A_153 : vector<16xf32>
        %parallel_loop3A_155 = arith.addf %parallel_loop3A_141, %parallel_loop3A_154 : vector<16xf32>
        %parallel_loop3A_156 = arith.mulf %parallel_loop3A_154, %parallel_loop3A_154 : vector<16xf32>
        %parallel_loop3A_157 = arith.addf %parallel_loop3A_143, %parallel_loop3A_156 : vector<16xf32>
        %parallel_loop3A_158 = vector.extract_strided_slice %parallel_loop3A_67 {offsets = [5], sizes = [1], strides = [1]} : vector<16xf32> to vector<1xf32>
        %parallel_loop3A_159 = vector.extract %parallel_loop3A_158[0] : f32 from vector<1xf32>
        %parallel_loop3A_160 = vector.extract_strided_slice %parallel_loop3A_77 {offsets = [5], sizes = [1], strides = [1]} : vector<16xi32> to vector<1xi32>
        %parallel_loop3A_161 = vector.extract %parallel_loop3A_160[0] : i32 from vector<1xi32>
        %parallel_loop3A_162 = arith.constant 5 : i32
        %parallel_loop3A_163 = arith.addi %parallel_loop3A_63, %parallel_loop3A_162 : i32
        %parallel_loop3A_164 = arith.index_cast %parallel_loop3A_163 : i32 to index
        %parallel_loop3A_165 = arith.index_cast %parallel_loop3A_161 : i32 to index
        %parallel_loop3A_166 = tpu.vector_load %arg11[%parallel_loop3A_164, %parallel_loop3A_165] {strides = array<i32>} : memref<208x128xf32, #tpu.memory_space<vmem>>, vector<16xf32>,
        %parallel_loop3A_167 = vector.broadcast %parallel_loop3A_159 : f32 to vector<16xf32>
        %parallel_loop3A_168 = arith.mulf %parallel_loop3A_166, %parallel_loop3A_167 : vector<16xf32>
        %parallel_loop3A_169 = arith.addf %parallel_loop3A_155, %parallel_loop3A_168 : vector<16xf32>
        %parallel_loop3A_170 = arith.mulf %parallel_loop3A_168, %parallel_loop3A_168 : vector<16xf32>
        %parallel_loop3A_171 = arith.addf %parallel_loop3A_157, %parallel_loop3A_170 : vector<16xf32>
        %parallel_loop3A_172 = vector.extract_strided_slice %parallel_loop3A_67 {offsets = [6], sizes = [1], strides = [1]} : vector<16xf32> to vector<1xf32>
        %parallel_loop3A_173 = vector.extract %parallel_loop3A_172[0] : f32 from vector<1xf32>
        %parallel_loop3A_174 = vector.extract_strided_slice %parallel_loop3A_77 {offsets = [6], sizes = [1], strides = [1]} : vector<16xi32> to vector<1xi32>
        %parallel_loop3A_175 = vector.extract %parallel_loop3A_174[0] : i32 from vector<1xi32>
        %parallel_loop3A_176 = arith.constant 6 : i32
        %parallel_loop3A_177 = arith.addi %parallel_loop3A_63, %parallel_loop3A_176 : i32
        %parallel_loop3A_178 = arith.index_cast %parallel_loop3A_177 : i32 to index
        %parallel_loop3A_179 = arith.index_cast %parallel_loop3A_175 : i32 to index
        %parallel_loop3A_180 = tpu.vector_load %arg11[%parallel_loop3A_178, %parallel_loop3A_179] {strides = array<i32>} : memref<208x128xf32, #tpu.memory_space<vmem>>, vector<16xf32>,
        %parallel_loop3A_181 = vector.broadcast %parallel_loop3A_173 : f32 to vector<16xf32>
        %parallel_loop3A_182 = arith.mulf %parallel_loop3A_180, %parallel_loop3A_181 : vector<16xf32>
        %parallel_loop3A_183 = arith.addf %parallel_loop3A_169, %parallel_loop3A_182 : vector<16xf32>
        %parallel_loop3A_184 = arith.mulf %parallel_loop3A_182, %parallel_loop3A_182 : vector<16xf32>
        %parallel_loop3A_185 = arith.addf %parallel_loop3A_171, %parallel_loop3A_184 : vector<16xf32>
        %parallel_loop3A_186 = vector.extract_strided_slice %parallel_loop3A_67 {offsets = [7], sizes = [1], strides = [1]} : vector<16xf32> to vector<1xf32>
        %parallel_loop3A_187 = vector.extract %parallel_loop3A_186[0] : f32 from vector<1xf32>
        %parallel_loop3A_188 = vector.extract_strided_slice %parallel_loop3A_77 {offsets = [7], sizes = [1], strides = [1]} : vector<16xi32> to vector<1xi32>
        %parallel_loop3A_189 = vector.extract %parallel_loop3A_188[0] : i32 from vector<1xi32>
        %parallel_loop3A_190 = arith.constant 7 : i32
        %parallel_loop3A_191 = arith.addi %parallel_loop3A_63, %parallel_loop3A_190 : i32
        %parallel_loop3A_192 = arith.index_cast %parallel_loop3A_191 : i32 to index
        %parallel_loop3A_193 = arith.index_cast %parallel_loop3A_189 : i32 to index
        %parallel_loop3A_194 = tpu.vector_load %arg11[%parallel_loop3A_192, %parallel_loop3A_193] {strides = array<i32>} : memref<208x128xf32, #tpu.memory_space<vmem>>, vector<16xf32>,
        %parallel_loop3A_195 = vector.broadcast %parallel_loop3A_187 : f32 to vector<16xf32>
        %parallel_loop3A_196 = arith.mulf %parallel_loop3A_194, %parallel_loop3A_195 : vector<16xf32>
        %parallel_loop3A_197 = arith.addf %parallel_loop3A_183, %parallel_loop3A_196 : vector<16xf32>
        %parallel_loop3A_198 = arith.mulf %parallel_loop3A_196, %parallel_loop3A_196 : vector<16xf32>
        %parallel_loop3A_199 = arith.addf %parallel_loop3A_185, %parallel_loop3A_198 : vector<16xf32>
        %parallel_loop3A_200 = vector.extract_strided_slice %parallel_loop3A_67 {offsets = [8], sizes = [1], strides = [1]} : vector<16xf32> to vector<1xf32>
        %parallel_loop3A_201 = vector.extract %parallel_loop3A_200[0] : f32 from vector<1xf32>
        %parallel_loop3A_202 = vector.extract_strided_slice %parallel_loop3A_77 {offsets = [8], sizes = [1], strides = [1]} : vector<16xi32> to vector<1xi32>
        %parallel_loop3A_203 = vector.extract %parallel_loop3A_202[0] : i32 from vector<1xi32>
        %parallel_loop3A_204 = arith.constant 8 : i32
        %parallel_loop3A_205 = arith.addi %parallel_loop3A_63, %parallel_loop3A_204 : i32
        %parallel_loop3A_206 = arith.index_cast %parallel_loop3A_205 : i32 to index
        %parallel_loop3A_207 = arith.index_cast %parallel_loop3A_203 : i32 to index
        %parallel_loop3A_208 = tpu.vector_load %arg11[%parallel_loop3A_206, %parallel_loop3A_207] {strides = array<i32>} : memref<208x128xf32, #tpu.memory_space<vmem>>, vector<16xf32>,
        %parallel_loop3A_209 = vector.broadcast %parallel_loop3A_201 : f32 to vector<16xf32>
        %parallel_loop3A_210 = arith.mulf %parallel_loop3A_208, %parallel_loop3A_209 : vector<16xf32>
        %parallel_loop3A_211 = arith.addf %parallel_loop3A_197, %parallel_loop3A_210 : vector<16xf32>
        %parallel_loop3A_212 = arith.mulf %parallel_loop3A_210, %parallel_loop3A_210 : vector<16xf32>
        %parallel_loop3A_213 = arith.addf %parallel_loop3A_199, %parallel_loop3A_212 : vector<16xf32>
        %parallel_loop3A_214 = vector.extract_strided_slice %parallel_loop3A_67 {offsets = [9], sizes = [1], strides = [1]} : vector<16xf32> to vector<1xf32>
        %parallel_loop3A_215 = vector.extract %parallel_loop3A_214[0] : f32 from vector<1xf32>
        %parallel_loop3A_216 = vector.extract_strided_slice %parallel_loop3A_77 {offsets = [9], sizes = [1], strides = [1]} : vector<16xi32> to vector<1xi32>
        %parallel_loop3A_217 = vector.extract %parallel_loop3A_216[0] : i32 from vector<1xi32>
        %parallel_loop3A_218 = arith.constant 9 : i32
        %parallel_loop3A_219 = arith.addi %parallel_loop3A_63, %parallel_loop3A_218 : i32
        %parallel_loop3A_220 = arith.index_cast %parallel_loop3A_219 : i32 to index
        %parallel_loop3A_221 = arith.index_cast %parallel_loop3A_217 : i32 to index
        %parallel_loop3A_222 = tpu.vector_load %arg11[%parallel_loop3A_220, %parallel_loop3A_221] {strides = array<i32>} : memref<208x128xf32, #tpu.memory_space<vmem>>, vector<16xf32>,
        %parallel_loop3A_223 = vector.broadcast %parallel_loop3A_215 : f32 to vector<16xf32>
        %parallel_loop3A_224 = arith.mulf %parallel_loop3A_222, %parallel_loop3A_223 : vector<16xf32>
        %parallel_loop3A_225 = arith.addf %parallel_loop3A_211, %parallel_loop3A_224 : vector<16xf32>
        %parallel_loop3A_226 = arith.mulf %parallel_loop3A_224, %parallel_loop3A_224 : vector<16xf32>
        %parallel_loop3A_227 = arith.addf %parallel_loop3A_213, %parallel_loop3A_226 : vector<16xf32>
        %parallel_loop3A_228 = vector.extract_strided_slice %parallel_loop3A_67 {offsets = [10], sizes = [1], strides = [1]} : vector<16xf32> to vector<1xf32>
        %parallel_loop3A_229 = vector.extract %parallel_loop3A_228[0] : f32 from vector<1xf32>
        %parallel_loop3A_230 = vector.extract_strided_slice %parallel_loop3A_77 {offsets = [10], sizes = [1], strides = [1]} : vector<16xi32> to vector<1xi32>
        %parallel_loop3A_231 = vector.extract %parallel_loop3A_230[0] : i32 from vector<1xi32>
        %parallel_loop3A_232 = arith.constant 10 : i32
        %parallel_loop3A_233 = arith.addi %parallel_loop3A_63, %parallel_loop3A_232 : i32
        %parallel_loop3A_234 = arith.index_cast %parallel_loop3A_233 : i32 to index
        %parallel_loop3A_235 = arith.index_cast %parallel_loop3A_231 : i32 to index
        %parallel_loop3A_236 = tpu.vector_load %arg11[%parallel_loop3A_234, %parallel_loop3A_235] {strides = array<i32>} : memref<208x128xf32, #tpu.memory_space<vmem>>, vector<16xf32>,
        %parallel_loop3A_237 = vector.broadcast %parallel_loop3A_229 : f32 to vector<16xf32>
        %parallel_loop3A_238 = arith.mulf %parallel_loop3A_236, %parallel_loop3A_237 : vector<16xf32>
        %parallel_loop3A_239 = arith.addf %parallel_loop3A_225, %parallel_loop3A_238 : vector<16xf32>
        %parallel_loop3A_240 = arith.mulf %parallel_loop3A_238, %parallel_loop3A_238 : vector<16xf32>
        %parallel_loop3A_241 = arith.addf %parallel_loop3A_227, %parallel_loop3A_240 : vector<16xf32>
        %parallel_loop3A_242 = vector.extract_strided_slice %parallel_loop3A_67 {offsets = [11], sizes = [1], strides = [1]} : vector<16xf32> to vector<1xf32>
        %parallel_loop3A_243 = vector.extract %parallel_loop3A_242[0] : f32 from vector<1xf32>
        %parallel_loop3A_244 = vector.extract_strided_slice %parallel_loop3A_77 {offsets = [11], sizes = [1], strides = [1]} : vector<16xi32> to vector<1xi32>
        %parallel_loop3A_245 = vector.extract %parallel_loop3A_244[0] : i32 from vector<1xi32>
        %parallel_loop3A_246 = arith.constant 11 : i32
        %parallel_loop3A_247 = arith.addi %parallel_loop3A_63, %parallel_loop3A_246 : i32
        %parallel_loop3A_248 = arith.index_cast %parallel_loop3A_247 : i32 to index
        %parallel_loop3A_249 = arith.index_cast %parallel_loop3A_245 : i32 to index
        %parallel_loop3A_250 = tpu.vector_load %arg11[%parallel_loop3A_248, %parallel_loop3A_249] {strides = array<i32>} : memref<208x128xf32, #tpu.memory_space<vmem>>, vector<16xf32>,
        %parallel_loop3A_251 = vector.broadcast %parallel_loop3A_243 : f32 to vector<16xf32>
        %parallel_loop3A_252 = arith.mulf %parallel_loop3A_250, %parallel_loop3A_251 : vector<16xf32>
        %parallel_loop3A_253 = arith.addf %parallel_loop3A_239, %parallel_loop3A_252 : vector<16xf32>
        %parallel_loop3A_254 = arith.mulf %parallel_loop3A_252, %parallel_loop3A_252 : vector<16xf32>
        %parallel_loop3A_255 = arith.addf %parallel_loop3A_241, %parallel_loop3A_254 : vector<16xf32>
        %parallel_loop3A_256 = vector.extract_strided_slice %parallel_loop3A_67 {offsets = [12], sizes = [1], strides = [1]} : vector<16xf32> to vector<1xf32>
        %parallel_loop3A_257 = vector.extract %parallel_loop3A_256[0] : f32 from vector<1xf32>
        %parallel_loop3A_258 = vector.extract_strided_slice %parallel_loop3A_77 {offsets = [12], sizes = [1], strides = [1]} : vector<16xi32> to vector<1xi32>
        %parallel_loop3A_259 = vector.extract %parallel_loop3A_258[0] : i32 from vector<1xi32>
        %parallel_loop3A_260 = arith.constant 12 : i32
        %parallel_loop3A_261 = arith.addi %parallel_loop3A_63, %parallel_loop3A_260 : i32
        %parallel_loop3A_262 = arith.index_cast %parallel_loop3A_261 : i32 to index
        %parallel_loop3A_263 = arith.index_cast %parallel_loop3A_259 : i32 to index
        %parallel_loop3A_264 = tpu.vector_load %arg11[%parallel_loop3A_262, %parallel_loop3A_263] {strides = array<i32>} : memref<208x128xf32, #tpu.memory_space<vmem>>, vector<16xf32>,
        %parallel_loop3A_265 = vector.broadcast %parallel_loop3A_257 : f32 to vector<16xf32>
        %parallel_loop3A_266 = arith.mulf %parallel_loop3A_264, %parallel_loop3A_265 : vector<16xf32>
        %parallel_loop3A_267 = arith.addf %parallel_loop3A_253, %parallel_loop3A_266 : vector<16xf32>
        %parallel_loop3A_268 = arith.mulf %parallel_loop3A_266, %parallel_loop3A_266 : vector<16xf32>
        %parallel_loop3A_269 = arith.addf %parallel_loop3A_255, %parallel_loop3A_268 : vector<16xf32>
        %parallel_loop3A_270 = vector.extract_strided_slice %parallel_loop3A_67 {offsets = [13], sizes = [1], strides = [1]} : vector<16xf32> to vector<1xf32>
        %parallel_loop3A_271 = vector.extract %parallel_loop3A_270[0] : f32 from vector<1xf32>
        %parallel_loop3A_272 = vector.extract_strided_slice %parallel_loop3A_77 {offsets = [13], sizes = [1], strides = [1]} : vector<16xi32> to vector<1xi32>
        %parallel_loop3A_273 = vector.extract %parallel_loop3A_272[0] : i32 from vector<1xi32>
        %parallel_loop3A_274 = arith.constant 13 : i32
        %parallel_loop3A_275 = arith.addi %parallel_loop3A_63, %parallel_loop3A_274 : i32
        %parallel_loop3A_276 = arith.index_cast %parallel_loop3A_275 : i32 to index
        %parallel_loop3A_277 = arith.index_cast %parallel_loop3A_273 : i32 to index
        %parallel_loop3A_278 = tpu.vector_load %arg11[%parallel_loop3A_276, %parallel_loop3A_277] {strides = array<i32>} : memref<208x128xf32, #tpu.memory_space<vmem>>, vector<16xf32>,
        %parallel_loop3A_279 = vector.broadcast %parallel_loop3A_271 : f32 to vector<16xf32>
        %parallel_loop3A_280 = arith.mulf %parallel_loop3A_278, %parallel_loop3A_279 : vector<16xf32>
        %parallel_loop3A_281 = arith.addf %parallel_loop3A_267, %parallel_loop3A_280 : vector<16xf32>
        %parallel_loop3A_282 = arith.mulf %parallel_loop3A_280, %parallel_loop3A_280 : vector<16xf32>
        %parallel_loop3A_283 = arith.addf %parallel_loop3A_269, %parallel_loop3A_282 : vector<16xf32>
        %parallel_loop3A_284 = vector.extract_strided_slice %parallel_loop3A_67 {offsets = [14], sizes = [1], strides = [1]} : vector<16xf32> to vector<1xf32>
        %parallel_loop3A_285 = vector.extract %parallel_loop3A_284[0] : f32 from vector<1xf32>
        %parallel_loop3A_286 = vector.extract_strided_slice %parallel_loop3A_77 {offsets = [14], sizes = [1], strides = [1]} : vector<16xi32> to vector<1xi32>
        %parallel_loop3A_287 = vector.extract %parallel_loop3A_286[0] : i32 from vector<1xi32>
        %parallel_loop3A_288 = arith.constant 14 : i32
        %parallel_loop3A_289 = arith.addi %parallel_loop3A_63, %parallel_loop3A_288 : i32
        %parallel_loop3A_290 = arith.index_cast %parallel_loop3A_289 : i32 to index
        %parallel_loop3A_291 = arith.index_cast %parallel_loop3A_287 : i32 to index
        %parallel_loop3A_292 = tpu.vector_load %arg11[%parallel_loop3A_290, %parallel_loop3A_291] {strides = array<i32>} : memref<208x128xf32, #tpu.memory_space<vmem>>, vector<16xf32>,
        %parallel_loop3A_293 = vector.broadcast %parallel_loop3A_285 : f32 to vector<16xf32>
        %parallel_loop3A_294 = arith.mulf %parallel_loop3A_292, %parallel_loop3A_293 : vector<16xf32>
        %parallel_loop3A_295 = arith.addf %parallel_loop3A_281, %parallel_loop3A_294 : vector<16xf32>
        %parallel_loop3A_296 = arith.mulf %parallel_loop3A_294, %parallel_loop3A_294 : vector<16xf32>
        %parallel_loop3A_297 = arith.addf %parallel_loop3A_283, %parallel_loop3A_296 : vector<16xf32>
        %parallel_loop3A_298 = vector.extract_strided_slice %parallel_loop3A_67 {offsets = [15], sizes = [1], strides = [1]} : vector<16xf32> to vector<1xf32>
        %parallel_loop3A_299 = vector.extract %parallel_loop3A_298[0] : f32 from vector<1xf32>
        %parallel_loop3A_300 = vector.extract_strided_slice %parallel_loop3A_77 {offsets = [15], sizes = [1], strides = [1]} : vector<16xi32> to vector<1xi32>
        %parallel_loop3A_301 = vector.extract %parallel_loop3A_300[0] : i32 from vector<1xi32>
        %parallel_loop3A_302 = arith.constant 15 : i32
        %parallel_loop3A_303 = arith.addi %parallel_loop3A_63, %parallel_loop3A_302 : i32
        %parallel_loop3A_304 = arith.index_cast %parallel_loop3A_303 : i32 to index
        %parallel_loop3A_305 = arith.index_cast %parallel_loop3A_301 : i32 to index
        %parallel_loop3A_306 = tpu.vector_load %arg11[%parallel_loop3A_304, %parallel_loop3A_305] {strides = array<i32>} : memref<208x128xf32, #tpu.memory_space<vmem>>, vector<16xf32>,
        %parallel_loop3A_307 = vector.broadcast %parallel_loop3A_299 : f32 to vector<16xf32>
        %parallel_loop3A_308 = arith.mulf %parallel_loop3A_306, %parallel_loop3A_307 : vector<16xf32>
        %parallel_loop3A_309 = arith.addf %parallel_loop3A_295, %parallel_loop3A_308 : vector<16xf32>
        %parallel_loop3A_310 = arith.mulf %parallel_loop3A_308, %parallel_loop3A_308 : vector<16xf32>
        %parallel_loop3A_311 = arith.addf %parallel_loop3A_297, %parallel_loop3A_310 : vector<16xf32>
        %parallel_loop3A_312 = vector.extract_strided_slice %parallel_loop3A_73 {offsets = [0], sizes = [1], strides = [1]} : vector<16xf32> to vector<1xf32>
        %parallel_loop3A_313 = vector.extract %parallel_loop3A_312[0] : f32 from vector<1xf32>
        %parallel_loop3A_314 = vector.extract_strided_slice %parallel_loop3A_83 {offsets = [0], sizes = [1], strides = [1]} : vector<16xi32> to vector<1xi32>
        %parallel_loop3A_315 = vector.extract %parallel_loop3A_314[0] : i32 from vector<1xi32>
        %parallel_loop3A_316 = arith.constant 16 : i32
        %parallel_loop3A_317 = arith.addi %parallel_loop3A_63, %parallel_loop3A_316 : i32
        %parallel_loop3A_318 = arith.index_cast %parallel_loop3A_317 : i32 to index
        %parallel_loop3A_319 = arith.index_cast %parallel_loop3A_315 : i32 to index
        %parallel_loop3A_320 = tpu.vector_load %arg11[%parallel_loop3A_318, %parallel_loop3A_319] {strides = array<i32>} : memref<208x128xf32, #tpu.memory_space<vmem>>, vector<16xf32>,
        %parallel_loop3A_321 = vector.broadcast %parallel_loop3A_313 : f32 to vector<16xf32>
        %parallel_loop3A_322 = arith.mulf %parallel_loop3A_320, %parallel_loop3A_321 : vector<16xf32>
        %parallel_loop3A_323 = arith.addf %parallel_loop3A_309, %parallel_loop3A_322 : vector<16xf32>
        %parallel_loop3A_324 = arith.mulf %parallel_loop3A_322, %parallel_loop3A_322 : vector<16xf32>
        %parallel_loop3A_325 = arith.addf %parallel_loop3A_311, %parallel_loop3A_324 : vector<16xf32>
        %parallel_loop3A_326 = vector.extract_strided_slice %parallel_loop3A_73 {offsets = [1], sizes = [1], strides = [1]} : vector<16xf32> to vector<1xf32>
        %parallel_loop3A_327 = vector.extract %parallel_loop3A_326[0] : f32 from vector<1xf32>
        %parallel_loop3A_328 = vector.extract_strided_slice %parallel_loop3A_83 {offsets = [1], sizes = [1], strides = [1]} : vector<16xi32> to vector<1xi32>
        %parallel_loop3A_329 = vector.extract %parallel_loop3A_328[0] : i32 from vector<1xi32>
        %parallel_loop3A_330 = arith.constant 17 : i32
        %parallel_loop3A_331 = arith.addi %parallel_loop3A_63, %parallel_loop3A_330 : i32
        %parallel_loop3A_332 = arith.index_cast %parallel_loop3A_331 : i32 to index
        %parallel_loop3A_333 = arith.index_cast %parallel_loop3A_329 : i32 to index
        %parallel_loop3A_334 = tpu.vector_load %arg11[%parallel_loop3A_332, %parallel_loop3A_333] {strides = array<i32>} : memref<208x128xf32, #tpu.memory_space<vmem>>, vector<16xf32>,
        %parallel_loop3A_335 = vector.broadcast %parallel_loop3A_327 : f32 to vector<16xf32>
        %parallel_loop3A_336 = arith.mulf %parallel_loop3A_334, %parallel_loop3A_335 : vector<16xf32>
        %parallel_loop3A_337 = arith.addf %parallel_loop3A_323, %parallel_loop3A_336 : vector<16xf32>
        %parallel_loop3A_338 = arith.mulf %parallel_loop3A_336, %parallel_loop3A_336 : vector<16xf32>
        %parallel_loop3A_339 = arith.addf %parallel_loop3A_325, %parallel_loop3A_338 : vector<16xf32>
        %parallel_loop3A_340 = vector.extract_strided_slice %parallel_loop3A_73 {offsets = [2], sizes = [1], strides = [1]} : vector<16xf32> to vector<1xf32>
        %parallel_loop3A_341 = vector.extract %parallel_loop3A_340[0] : f32 from vector<1xf32>
        %parallel_loop3A_342 = vector.extract_strided_slice %parallel_loop3A_83 {offsets = [2], sizes = [1], strides = [1]} : vector<16xi32> to vector<1xi32>
        %parallel_loop3A_343 = vector.extract %parallel_loop3A_342[0] : i32 from vector<1xi32>
        %parallel_loop3A_344 = arith.constant 18 : i32
        %parallel_loop3A_345 = arith.addi %parallel_loop3A_63, %parallel_loop3A_344 : i32
        %parallel_loop3A_346 = arith.index_cast %parallel_loop3A_345 : i32 to index
        %parallel_loop3A_347 = arith.index_cast %parallel_loop3A_343 : i32 to index
        %parallel_loop3A_348 = tpu.vector_load %arg11[%parallel_loop3A_346, %parallel_loop3A_347] {strides = array<i32>} : memref<208x128xf32, #tpu.memory_space<vmem>>, vector<16xf32>,
        %parallel_loop3A_349 = vector.broadcast %parallel_loop3A_341 : f32 to vector<16xf32>
        %parallel_loop3A_350 = arith.mulf %parallel_loop3A_348, %parallel_loop3A_349 : vector<16xf32>
        %parallel_loop3A_351 = arith.addf %parallel_loop3A_337, %parallel_loop3A_350 : vector<16xf32>
        %parallel_loop3A_352 = arith.mulf %parallel_loop3A_350, %parallel_loop3A_350 : vector<16xf32>
        %parallel_loop3A_353 = arith.addf %parallel_loop3A_339, %parallel_loop3A_352 : vector<16xf32>
        %parallel_loop3A_354 = vector.extract_strided_slice %parallel_loop3A_73 {offsets = [3], sizes = [1], strides = [1]} : vector<16xf32> to vector<1xf32>
        %parallel_loop3A_355 = vector.extract %parallel_loop3A_354[0] : f32 from vector<1xf32>
        %parallel_loop3A_356 = vector.extract_strided_slice %parallel_loop3A_83 {offsets = [3], sizes = [1], strides = [1]} : vector<16xi32> to vector<1xi32>
        %parallel_loop3A_357 = vector.extract %parallel_loop3A_356[0] : i32 from vector<1xi32>
        %parallel_loop3A_358 = arith.constant 19 : i32
        %parallel_loop3A_359 = arith.addi %parallel_loop3A_63, %parallel_loop3A_358 : i32
        %parallel_loop3A_360 = arith.index_cast %parallel_loop3A_359 : i32 to index
        %parallel_loop3A_361 = arith.index_cast %parallel_loop3A_357 : i32 to index
        %parallel_loop3A_362 = tpu.vector_load %arg11[%parallel_loop3A_360, %parallel_loop3A_361] {strides = array<i32>} : memref<208x128xf32, #tpu.memory_space<vmem>>, vector<16xf32>,
        %parallel_loop3A_363 = vector.broadcast %parallel_loop3A_355 : f32 to vector<16xf32>
        %parallel_loop3A_364 = arith.mulf %parallel_loop3A_362, %parallel_loop3A_363 : vector<16xf32>
        %parallel_loop3A_365 = arith.addf %parallel_loop3A_351, %parallel_loop3A_364 : vector<16xf32>
        %parallel_loop3A_366 = arith.mulf %parallel_loop3A_364, %parallel_loop3A_364 : vector<16xf32>
        %parallel_loop3A_367 = arith.addf %parallel_loop3A_353, %parallel_loop3A_366 : vector<16xf32>
        %parallel_loop3A_368 = vector.extract_strided_slice %parallel_loop3A_73 {offsets = [4], sizes = [1], strides = [1]} : vector<16xf32> to vector<1xf32>
        %parallel_loop3A_369 = vector.extract %parallel_loop3A_368[0] : f32 from vector<1xf32>
        %parallel_loop3A_370 = vector.extract_strided_slice %parallel_loop3A_83 {offsets = [4], sizes = [1], strides = [1]} : vector<16xi32> to vector<1xi32>
        %parallel_loop3A_371 = vector.extract %parallel_loop3A_370[0] : i32 from vector<1xi32>
        %parallel_loop3A_372 = arith.constant 20 : i32
        %parallel_loop3A_373 = arith.addi %parallel_loop3A_63, %parallel_loop3A_372 : i32
        %parallel_loop3A_374 = arith.index_cast %parallel_loop3A_373 : i32 to index
        %parallel_loop3A_375 = arith.index_cast %parallel_loop3A_371 : i32 to index
        %parallel_loop3A_376 = tpu.vector_load %arg11[%parallel_loop3A_374, %parallel_loop3A_375] {strides = array<i32>} : memref<208x128xf32, #tpu.memory_space<vmem>>, vector<16xf32>,
        %parallel_loop3A_377 = vector.broadcast %parallel_loop3A_369 : f32 to vector<16xf32>
        %parallel_loop3A_378 = arith.mulf %parallel_loop3A_376, %parallel_loop3A_377 : vector<16xf32>
        %parallel_loop3A_379 = arith.addf %parallel_loop3A_365, %parallel_loop3A_378 : vector<16xf32>
        %parallel_loop3A_380 = arith.mulf %parallel_loop3A_378, %parallel_loop3A_378 : vector<16xf32>
        %parallel_loop3A_381 = arith.addf %parallel_loop3A_367, %parallel_loop3A_380 : vector<16xf32>
        %parallel_loop3A_382 = vector.extract_strided_slice %parallel_loop3A_73 {offsets = [5], sizes = [1], strides = [1]} : vector<16xf32> to vector<1xf32>
        %parallel_loop3A_383 = vector.extract %parallel_loop3A_382[0] : f32 from vector<1xf32>
        %parallel_loop3A_384 = vector.extract_strided_slice %parallel_loop3A_83 {offsets = [5], sizes = [1], strides = [1]} : vector<16xi32> to vector<1xi32>
        %parallel_loop3A_385 = vector.extract %parallel_loop3A_384[0] : i32 from vector<1xi32>
        %parallel_loop3A_386 = arith.constant 21 : i32
        %parallel_loop3A_387 = arith.addi %parallel_loop3A_63, %parallel_loop3A_386 : i32
        %parallel_loop3A_388 = arith.index_cast %parallel_loop3A_387 : i32 to index
        %parallel_loop3A_389 = arith.index_cast %parallel_loop3A_385 : i32 to index
        %parallel_loop3A_390 = tpu.vector_load %arg11[%parallel_loop3A_388, %parallel_loop3A_389] {strides = array<i32>} : memref<208x128xf32, #tpu.memory_space<vmem>>, vector<16xf32>,
        %parallel_loop3A_391 = vector.broadcast %parallel_loop3A_383 : f32 to vector<16xf32>
        %parallel_loop3A_392 = arith.mulf %parallel_loop3A_390, %parallel_loop3A_391 : vector<16xf32>
        %parallel_loop3A_393 = arith.addf %parallel_loop3A_379, %parallel_loop3A_392 : vector<16xf32>
        %parallel_loop3A_394 = arith.mulf %parallel_loop3A_392, %parallel_loop3A_392 : vector<16xf32>
        %parallel_loop3A_395 = arith.addf %parallel_loop3A_381, %parallel_loop3A_394 : vector<16xf32>
        %parallel_loop3A_396 = vector.extract_strided_slice %parallel_loop3A_73 {offsets = [6], sizes = [1], strides = [1]} : vector<16xf32> to vector<1xf32>
        %parallel_loop3A_397 = vector.extract %parallel_loop3A_396[0] : f32 from vector<1xf32>
        %parallel_loop3A_398 = vector.extract_strided_slice %parallel_loop3A_83 {offsets = [6], sizes = [1], strides = [1]} : vector<16xi32> to vector<1xi32>
        %parallel_loop3A_399 = vector.extract %parallel_loop3A_398[0] : i32 from vector<1xi32>
        %parallel_loop3A_400 = arith.constant 22 : i32
        %parallel_loop3A_401 = arith.addi %parallel_loop3A_63, %parallel_loop3A_400 : i32
        %parallel_loop3A_402 = arith.index_cast %parallel_loop3A_401 : i32 to index
        %parallel_loop3A_403 = arith.index_cast %parallel_loop3A_399 : i32 to index
        %parallel_loop3A_404 = tpu.vector_load %arg11[%parallel_loop3A_402, %parallel_loop3A_403] {strides = array<i32>} : memref<208x128xf32, #tpu.memory_space<vmem>>, vector<16xf32>,
        %parallel_loop3A_405 = vector.broadcast %parallel_loop3A_397 : f32 to vector<16xf32>
        %parallel_loop3A_406 = arith.mulf %parallel_loop3A_404, %parallel_loop3A_405 : vector<16xf32>
        %parallel_loop3A_407 = arith.addf %parallel_loop3A_393, %parallel_loop3A_406 : vector<16xf32>
        %parallel_loop3A_408 = arith.mulf %parallel_loop3A_406, %parallel_loop3A_406 : vector<16xf32>
        %parallel_loop3A_409 = arith.addf %parallel_loop3A_395, %parallel_loop3A_408 : vector<16xf32>
        %parallel_loop3A_410 = vector.extract_strided_slice %parallel_loop3A_73 {offsets = [7], sizes = [1], strides = [1]} : vector<16xf32> to vector<1xf32>
        %parallel_loop3A_411 = vector.extract %parallel_loop3A_410[0] : f32 from vector<1xf32>
        %parallel_loop3A_412 = vector.extract_strided_slice %parallel_loop3A_83 {offsets = [7], sizes = [1], strides = [1]} : vector<16xi32> to vector<1xi32>
        %parallel_loop3A_413 = vector.extract %parallel_loop3A_412[0] : i32 from vector<1xi32>
        %parallel_loop3A_414 = arith.constant 23 : i32
        %parallel_loop3A_415 = arith.addi %parallel_loop3A_63, %parallel_loop3A_414 : i32
        %parallel_loop3A_416 = arith.index_cast %parallel_loop3A_415 : i32 to index
        %parallel_loop3A_417 = arith.index_cast %parallel_loop3A_413 : i32 to index
        %parallel_loop3A_418 = tpu.vector_load %arg11[%parallel_loop3A_416, %parallel_loop3A_417] {strides = array<i32>} : memref<208x128xf32, #tpu.memory_space<vmem>>, vector<16xf32>,
        %parallel_loop3A_419 = vector.broadcast %parallel_loop3A_411 : f32 to vector<16xf32>
        %parallel_loop3A_420 = arith.mulf %parallel_loop3A_418, %parallel_loop3A_419 : vector<16xf32>
        %parallel_loop3A_421 = arith.addf %parallel_loop3A_407, %parallel_loop3A_420 : vector<16xf32>
        %parallel_loop3A_422 = arith.mulf %parallel_loop3A_420, %parallel_loop3A_420 : vector<16xf32>
        %parallel_loop3A_423 = arith.addf %parallel_loop3A_409, %parallel_loop3A_422 : vector<16xf32>
        %parallel_loop3A_424 = vector.extract_strided_slice %parallel_loop3A_73 {offsets = [8], sizes = [1], strides = [1]} : vector<16xf32> to vector<1xf32>
        %parallel_loop3A_425 = vector.extract %parallel_loop3A_424[0] : f32 from vector<1xf32>
        %parallel_loop3A_426 = vector.extract_strided_slice %parallel_loop3A_83 {offsets = [8], sizes = [1], strides = [1]} : vector<16xi32> to vector<1xi32>
        %parallel_loop3A_427 = vector.extract %parallel_loop3A_426[0] : i32 from vector<1xi32>
        %parallel_loop3A_428 = arith.constant 24 : i32
        %parallel_loop3A_429 = arith.addi %parallel_loop3A_63, %parallel_loop3A_428 : i32
        %parallel_loop3A_430 = arith.index_cast %parallel_loop3A_429 : i32 to index
        %parallel_loop3A_431 = arith.index_cast %parallel_loop3A_427 : i32 to index
        %parallel_loop3A_432 = tpu.vector_load %arg11[%parallel_loop3A_430, %parallel_loop3A_431] {strides = array<i32>} : memref<208x128xf32, #tpu.memory_space<vmem>>, vector<16xf32>,
        %parallel_loop3A_433 = vector.broadcast %parallel_loop3A_425 : f32 to vector<16xf32>
        %parallel_loop3A_434 = arith.mulf %parallel_loop3A_432, %parallel_loop3A_433 : vector<16xf32>
        %parallel_loop3A_435 = arith.addf %parallel_loop3A_421, %parallel_loop3A_434 : vector<16xf32>
        %parallel_loop3A_436 = arith.mulf %parallel_loop3A_434, %parallel_loop3A_434 : vector<16xf32>
        %parallel_loop3A_437 = arith.addf %parallel_loop3A_423, %parallel_loop3A_436 : vector<16xf32>
        %parallel_loop3A_438 = vector.extract_strided_slice %parallel_loop3A_73 {offsets = [9], sizes = [1], strides = [1]} : vector<16xf32> to vector<1xf32>
        %parallel_loop3A_439 = vector.extract %parallel_loop3A_438[0] : f32 from vector<1xf32>
        %parallel_loop3A_440 = vector.extract_strided_slice %parallel_loop3A_83 {offsets = [9], sizes = [1], strides = [1]} : vector<16xi32> to vector<1xi32>
        %parallel_loop3A_441 = vector.extract %parallel_loop3A_440[0] : i32 from vector<1xi32>
        %parallel_loop3A_442 = arith.constant 25 : i32
        %parallel_loop3A_443 = arith.addi %parallel_loop3A_63, %parallel_loop3A_442 : i32
        %parallel_loop3A_444 = arith.index_cast %parallel_loop3A_443 : i32 to index
        %parallel_loop3A_445 = arith.index_cast %parallel_loop3A_441 : i32 to index
        %parallel_loop3A_446 = tpu.vector_load %arg11[%parallel_loop3A_444, %parallel_loop3A_445] {strides = array<i32>} : memref<208x128xf32, #tpu.memory_space<vmem>>, vector<16xf32>,
        %parallel_loop3A_447 = vector.broadcast %parallel_loop3A_439 : f32 to vector<16xf32>
        %parallel_loop3A_448 = arith.mulf %parallel_loop3A_446, %parallel_loop3A_447 : vector<16xf32>
        %parallel_loop3A_449 = arith.addf %parallel_loop3A_435, %parallel_loop3A_448 : vector<16xf32>
        %parallel_loop3A_450 = arith.mulf %parallel_loop3A_448, %parallel_loop3A_448 : vector<16xf32>
        %parallel_loop3A_451 = arith.addf %parallel_loop3A_437, %parallel_loop3A_450 : vector<16xf32>
        %parallel_loop3A_452 = arith.mulf %parallel_loop3A_449, %parallel_loop3A_449 : vector<16xf32>
        %parallel_loop3A_453 = arith.subf %parallel_loop3A_452, %parallel_loop3A_451 : vector<16xf32>
        %parallel_loop3A_454 = arith.constant 16 : i32
        %parallel_loop3A_455 = arith.muli %parallel_loop3A_61, %parallel_loop3A_454 : i32
        %parallel_loop3A_456 = arith.index_cast %parallel_loop3A_455 : i32 to index
        %parallel_loop3A_457 = tpu.vector_load %arg12[%parallel_loop3A_456] {strides = array<i32>} : memref<8192xf32, #tpu.memory_space<vmem>>, vector<16xf32>,
        tpu.vector_store %arg12[%parallel_loop3A_456], %parallel_loop3A_453 {strides = array<i32>} : memref<8192xf32, #tpu.memory_space<vmem>>, vector<16xf32>,
      } {sc.loop_unroll_factor = 2 : i64, sc.parallel_access}
      %lt3A_53 = arith.constant 31 : i32
      %lt3A_54 = arith.cmpi slt, %scan3A_25, %lt3A_53 : i32
      %convert_element_type3A_55 = arith.extui %lt3A_54 : i1 to i32
      %cond3A_56 = arith.constant 0 : i32
      %cond3A_57 = arith.cmpi ne, %convert_element_type3A_55, %cond3A_56 : i32
      scf.if %cond3A_57 {
        %add3A_58 = arith.constant 2 : i32
        %add3A_59 = arith.addi %add3A_43, %add3A_58 : i32
        %mul3A_60 = arith.constant 208 : i32
        %mul3A_61 = arith.muli %add3A_59, %mul3A_60 : i32
        %dma_start3A_62 = tpu.memref_slice %arg7[%mul3A_61] : memref<13312xi32, #tpu.memory_space<vmem>> -> memref<208xi32, #tpu.memory_space<vmem>>
        %dma_start3A_63 = arith.constant 0 : i32
        %dma_start3A_64 = arith.constant 0 : i32
        %dma_start3A_65 = tpu.memref_slice %arg2[%dma_start3A_63, %dma_start3A_64] : memref<125000x128xf32, #tpu.memory_space<hbm>> -> memref<125000x128xf32, #tpu.memory_space<hbm>>
        tpu.enqueue_indirect_dma source(%dma_start3A_65 : memref<125000x128xf32, #tpu.memory_space<hbm>>) target(%arg11 : memref<208x128xf32, #tpu.memory_space<vmem>>) offsets(%dma_start3A_62 : memref<208xi32, #tpu.memory_space<vmem>>) semaphore(%arg15 : memref<!tpu.dma_semaphore, #tpu.memory_space<semaphore_mem>>)
      } else {
      }
    }
    %scan3A_22 = arith.constant 32 : i32
    %parallel_loop3A = arith.constant 0 : i32
    %parallel_loop3A_23 = arith.constant 32 : i32
    %parallel_loop3A_24 = arith.constant 1 : i32
    scf.for %parallel_loop3A_25 = %parallel_loop3A to %parallel_loop3A_23 step %parallel_loop3A_24  : i32 {
      %parallel_loop3A_26 = arith.constant 16 : i32
      %parallel_loop3A_27 = arith.muli %parallel_loop3A_25, %parallel_loop3A_26 : i32
      %parallel_loop3A_28 = vector.broadcast %parallel_loop3A_27 : i32 to vector<16xi32>
      %parallel_loop3A_29 = arith.addi %parallel_loop3A_28, %iota3A : vector<16xi32>
      %parallel_loop3A_30 = arith.constant 16 : i32
      %parallel_loop3A_31 = vector.broadcast %parallel_loop3A_30 : i32 to vector<16xi32>
      %parallel_loop3A_32 = arith.muli %parallel_loop3A_29, %parallel_loop3A_31 : vector<16xi32>
      %parallel_loop3A_33 = arith.constant 0.000000e+00 : f32
      %parallel_loop3A_34 = vector.broadcast %parallel_loop3A_33 : f32 to vector<16xf32>
      %parallel_loop3A_35 = arith.constant 0 : i32
      %parallel_loop3A_36 = vector.broadcast %parallel_loop3A_35 : i32 to vector<16xi32>
      %parallel_loop3A_37 = arith.addi %parallel_loop3A_32, %parallel_loop3A_36 : vector<16xi32>
      %parallel_loop3A_38 = tpu.vector_load_idx %arg12[%parallel_loop3A_37] : memref<8192xf32, #tpu.memory_space<vmem>>[vector<16xi32>], vector<16xf32>,
      %parallel_loop3A_39 = arith.addf %parallel_loop3A_34, %parallel_loop3A_38 : vector<16xf32>
      %parallel_loop3A_40 = arith.constant 1 : i32
      %parallel_loop3A_41 = vector.broadcast %parallel_loop3A_40 : i32 to vector<16xi32>
      %parallel_loop3A_42 = arith.addi %parallel_loop3A_32, %parallel_loop3A_41 : vector<16xi32>
      %parallel_loop3A_43 = tpu.vector_load_idx %arg12[%parallel_loop3A_42] : memref<8192xf32, #tpu.memory_space<vmem>>[vector<16xi32>], vector<16xf32>,
      %parallel_loop3A_44 = arith.addf %parallel_loop3A_39, %parallel_loop3A_43 : vector<16xf32>
      %parallel_loop3A_45 = arith.constant 2 : i32
      %parallel_loop3A_46 = vector.broadcast %parallel_loop3A_45 : i32 to vector<16xi32>
      %parallel_loop3A_47 = arith.addi %parallel_loop3A_32, %parallel_loop3A_46 : vector<16xi32>
      %parallel_loop3A_48 = tpu.vector_load_idx %arg12[%parallel_loop3A_47] : memref<8192xf32, #tpu.memory_space<vmem>>[vector<16xi32>], vector<16xf32>,
      %parallel_loop3A_49 = arith.addf %parallel_loop3A_44, %parallel_loop3A_48 : vector<16xf32>
      %parallel_loop3A_50 = arith.constant 3 : i32
      %parallel_loop3A_51 = vector.broadcast %parallel_loop3A_50 : i32 to vector<16xi32>
      %parallel_loop3A_52 = arith.addi %parallel_loop3A_32, %parallel_loop3A_51 : vector<16xi32>
      %parallel_loop3A_53 = tpu.vector_load_idx %arg12[%parallel_loop3A_52] : memref<8192xf32, #tpu.memory_space<vmem>>[vector<16xi32>], vector<16xf32>,
      %parallel_loop3A_54 = arith.addf %parallel_loop3A_49, %parallel_loop3A_53 : vector<16xf32>
      %parallel_loop3A_55 = arith.constant 4 : i32
      %parallel_loop3A_56 = vector.broadcast %parallel_loop3A_55 : i32 to vector<16xi32>
      %parallel_loop3A_57 = arith.addi %parallel_loop3A_32, %parallel_loop3A_56 : vector<16xi32>
      %parallel_loop3A_58 = tpu.vector_load_idx %arg12[%parallel_loop3A_57] : memref<8192xf32, #tpu.memory_space<vmem>>[vector<16xi32>], vector<16xf32>,
      %parallel_loop3A_59 = arith.addf %parallel_loop3A_54, %parallel_loop3A_58 : vector<16xf32>
      %parallel_loop3A_60 = arith.constant 5 : i32
      %parallel_loop3A_61 = vector.broadcast %parallel_loop3A_60 : i32 to vector<16xi32>
      %parallel_loop3A_62 = arith.addi %parallel_loop3A_32, %parallel_loop3A_61 : vector<16xi32>
      %parallel_loop3A_63 = tpu.vector_load_idx %arg12[%parallel_loop3A_62] : memref<8192xf32, #tpu.memory_space<vmem>>[vector<16xi32>], vector<16xf32>,
      %parallel_loop3A_64 = arith.addf %parallel_loop3A_59, %parallel_loop3A_63 : vector<16xf32>
      %parallel_loop3A_65 = arith.constant 6 : i32
      %parallel_loop3A_66 = vector.broadcast %parallel_loop3A_65 : i32 to vector<16xi32>
      %parallel_loop3A_67 = arith.addi %parallel_loop3A_32, %parallel_loop3A_66 : vector<16xi32>
      %parallel_loop3A_68 = tpu.vector_load_idx %arg12[%parallel_loop3A_67] : memref<8192xf32, #tpu.memory_space<vmem>>[vector<16xi32>], vector<16xf32>,
      %parallel_loop3A_69 = arith.addf %parallel_loop3A_64, %parallel_loop3A_68 : vector<16xf32>
      %parallel_loop3A_70 = arith.constant 7 : i32
      %parallel_loop3A_71 = vector.broadcast %parallel_loop3A_70 : i32 to vector<16xi32>
      %parallel_loop3A_72 = arith.addi %parallel_loop3A_32, %parallel_loop3A_71 : vector<16xi32>
      %parallel_loop3A_73 = tpu.vector_load_idx %arg12[%parallel_loop3A_72] : memref<8192xf32, #tpu.memory_space<vmem>>[vector<16xi32>], vector<16xf32>,
      %parallel_loop3A_74 = arith.addf %parallel_loop3A_69, %parallel_loop3A_73 : vector<16xf32>
      %parallel_loop3A_75 = arith.constant 8 : i32
      %parallel_loop3A_76 = vector.broadcast %parallel_loop3A_75 : i32 to vector<16xi32>
      %parallel_loop3A_77 = arith.addi %parallel_loop3A_32, %parallel_loop3A_76 : vector<16xi32>
      %parallel_loop3A_78 = tpu.vector_load_idx %arg12[%parallel_loop3A_77] : memref<8192xf32, #tpu.memory_space<vmem>>[vector<16xi32>], vector<16xf32>,
      %parallel_loop3A_79 = arith.addf %parallel_loop3A_74, %parallel_loop3A_78 : vector<16xf32>
      %parallel_loop3A_80 = arith.constant 9 : i32
      %parallel_loop3A_81 = vector.broadcast %parallel_loop3A_80 : i32 to vector<16xi32>
      %parallel_loop3A_82 = arith.addi %parallel_loop3A_32, %parallel_loop3A_81 : vector<16xi32>
      %parallel_loop3A_83 = tpu.vector_load_idx %arg12[%parallel_loop3A_82] : memref<8192xf32, #tpu.memory_space<vmem>>[vector<16xi32>], vector<16xf32>,
      %parallel_loop3A_84 = arith.addf %parallel_loop3A_79, %parallel_loop3A_83 : vector<16xf32>
      %parallel_loop3A_85 = arith.constant 10 : i32
      %parallel_loop3A_86 = vector.broadcast %parallel_loop3A_85 : i32 to vector<16xi32>
      %parallel_loop3A_87 = arith.addi %parallel_loop3A_32, %parallel_loop3A_86 : vector<16xi32>
      %parallel_loop3A_88 = tpu.vector_load_idx %arg12[%parallel_loop3A_87] : memref<8192xf32, #tpu.memory_space<vmem>>[vector<16xi32>], vector<16xf32>,
      %parallel_loop3A_89 = arith.addf %parallel_loop3A_84, %parallel_loop3A_88 : vector<16xf32>
      %parallel_loop3A_90 = arith.constant 11 : i32
      %parallel_loop3A_91 = vector.broadcast %parallel_loop3A_90 : i32 to vector<16xi32>
      %parallel_loop3A_92 = arith.addi %parallel_loop3A_32, %parallel_loop3A_91 : vector<16xi32>
      %parallel_loop3A_93 = tpu.vector_load_idx %arg12[%parallel_loop3A_92] : memref<8192xf32, #tpu.memory_space<vmem>>[vector<16xi32>], vector<16xf32>,
      %parallel_loop3A_94 = arith.addf %parallel_loop3A_89, %parallel_loop3A_93 : vector<16xf32>
      %parallel_loop3A_95 = arith.constant 12 : i32
      %parallel_loop3A_96 = vector.broadcast %parallel_loop3A_95 : i32 to vector<16xi32>
      %parallel_loop3A_97 = arith.addi %parallel_loop3A_32, %parallel_loop3A_96 : vector<16xi32>
      %parallel_loop3A_98 = tpu.vector_load_idx %arg12[%parallel_loop3A_97] : memref<8192xf32, #tpu.memory_space<vmem>>[vector<16xi32>], vector<16xf32>,
      %parallel_loop3A_99 = arith.addf %parallel_loop3A_94, %parallel_loop3A_98 : vector<16xf32>
      %parallel_loop3A_100 = arith.constant 13 : i32
      %parallel_loop3A_101 = vector.broadcast %parallel_loop3A_100 : i32 to vector<16xi32>
      %parallel_loop3A_102 = arith.addi %parallel_loop3A_32, %parallel_loop3A_101 : vector<16xi32>
      %parallel_loop3A_103 = tpu.vector_load_idx %arg12[%parallel_loop3A_102] : memref<8192xf32, #tpu.memory_space<vmem>>[vector<16xi32>], vector<16xf32>,
      %parallel_loop3A_104 = arith.addf %parallel_loop3A_99, %parallel_loop3A_103 : vector<16xf32>
      %parallel_loop3A_105 = arith.constant 14 : i32
      %parallel_loop3A_106 = vector.broadcast %parallel_loop3A_105 : i32 to vector<16xi32>
      %parallel_loop3A_107 = arith.addi %parallel_loop3A_32, %parallel_loop3A_106 : vector<16xi32>
      %parallel_loop3A_108 = tpu.vector_load_idx %arg12[%parallel_loop3A_107] : memref<8192xf32, #tpu.memory_space<vmem>>[vector<16xi32>], vector<16xf32>,
      %parallel_loop3A_109 = arith.addf %parallel_loop3A_104, %parallel_loop3A_108 : vector<16xf32>
      %parallel_loop3A_110 = arith.constant 15 : i32
      %parallel_loop3A_111 = vector.broadcast %parallel_loop3A_110 : i32 to vector<16xi32>
      %parallel_loop3A_112 = arith.addi %parallel_loop3A_32, %parallel_loop3A_111 : vector<16xi32>
      %parallel_loop3A_113 = tpu.vector_load_idx %arg12[%parallel_loop3A_112] : memref<8192xf32, #tpu.memory_space<vmem>>[vector<16xi32>], vector<16xf32>,
      %parallel_loop3A_114 = arith.addf %parallel_loop3A_109, %parallel_loop3A_113 : vector<16xf32>
      %parallel_loop3A_115 = arith.constant 5.000000e-01 : f32
      %parallel_loop3A_116 = vector.broadcast %parallel_loop3A_115 : f32 to vector<16xf32>
      %parallel_loop3A_117 = arith.mulf %parallel_loop3A_116, %parallel_loop3A_114 : vector<16xf32>
      %parallel_loop3A_118 = arith.constant 16 : i32
      %parallel_loop3A_119 = arith.muli %parallel_loop3A_25, %parallel_loop3A_118 : i32
      %parallel_loop3A_120 = arith.index_cast %parallel_loop3A_119 : i32 to index
      %parallel_loop3A_121 = tpu.vector_load %arg13[%parallel_loop3A_120] {strides = array<i32>} : memref<512xf32, #tpu.memory_space<vmem>>, vector<16xf32>,
      tpu.vector_store %arg13[%parallel_loop3A_120], %parallel_loop3A_117 {strides = array<i32>} : memref<512xf32, #tpu.memory_space<vmem>>, vector<16xf32>,
    } {sc.loop_unroll_factor = 2 : i64, sc.parallel_access}
    "tpu.region"() ({
      %run_scoped3A = tpu.sem_alloc : memref<!tpu.dma_semaphore, #tpu.memory_space<semaphore_mem>>
      %dma_start3A_25 = tpu.memref_slice %arg6[%mul3A_2] : memref<16384xf32, #tpu.memory_space<hbm>> -> memref<512xf32, #tpu.memory_space<hbm>>
      %dma_start3A_26 = tpu.memref_slice %arg6[%mul3A_2] : memref<16384xf32, #tpu.memory_space<hbm>> -> memref<512xf32, #tpu.memory_space<hbm>>
      tpu.enqueue_dma source(%arg13 : memref<512xf32, #tpu.memory_space<vmem>>) target(%dma_start3A_26 : memref<512xf32, #tpu.memory_space<hbm>>) target_semaphore(%run_scoped3A : memref<!tpu.dma_semaphore, #tpu.memory_space<semaphore_mem>>)
      %dma_wait3A = tpu.memref_slice %arg6[%mul3A_2] : memref<16384xf32, #tpu.memory_space<hbm>> -> memref<512xf32, #tpu.memory_space<hbm>>
      %dma_wait3A_27 = tpu.memref_slice %arg6[%mul3A_2] : memref<16384xf32, #tpu.memory_space<hbm>> -> memref<512xf32, #tpu.memory_space<hbm>>
      tpu.wait_dma2 semaphore(%run_scoped3A : memref<!tpu.dma_semaphore, #tpu.memory_space<semaphore_mem>>) src(%arg13 : memref<512xf32, #tpu.memory_space<vmem>>) dst(%dma_wait3A_27 : memref<512xf32, #tpu.memory_space<hbm>>)
      tpu.yield
    }) : () -> ()
    return
  }
}

</mosaic_0001>

<sc_bundles>
// kernel: kernel.4.cloned.1.call-start
scs
__scs_entry_jumppad:
0x0: {  	(pc) =	sbr.rel $0x88, $3  }
0x1: {  	(tag) =	ssettag $0x0;
	lr =	simm.s32 $0x1  }
0x2: {  	[smem:$0x3F9E] =	sst lr;
	_ =	strace $0xD0000000  }
0x3: {  	_ = 	snop  }
0x4: {  	_ = 	snop  }
0x5: {  	_ = 	snop  }
0x6: {  	_ = 	snop  }
0x7: {  	_ = 	snop  }
__scs_overlays_trampoline_lowered:
0x8: {  	[smem:$0x3FAD] =	sst s0  }
0x9: {  	[smem:$0x3FAE] =	sst s1  }
0xa: {  	[smem:$0x3FAF] =	sst s2  }
0xb: {  	[smem:$0x3FB0] =	sst s3  }
0xc: {  	[smem:$0x3FB1] =	sst s4  }
0xd: {  	[smem:$0x3FB2] =	sst s5  }
0xe: {  	[smem:$0x3FB3] =	sst s6  }
0xf: {  	[smem:$0x3FB4] =	sst s7  }
0x10: {  	[smem:$0x3FB5] =	sst s8  }
0x11: {  	[smem:$0x3FB6] =	sst s9;
	s0 =	simm.s32 @!p0 $0x0  }
0x12: {  	s1 =	sld [smem:$0x3F9C];
	s0 =	simm.s32 @p0 $0x1  }
0x13: {  	[smem:$0x3FB7] =	sst s0;
	s0 =	simm.s32 @!p1 $0x0  }
0x14: {  	s2 =	sld [smem:$0x3F9B];
	s0 =	simm.s32 @p1 $0x1  }
0x15: {  	[smem:$0x3FB8] =	sst s0;
	s0 =	simm.s32 @!p2 $0x0  }
0x16: {  	s3 =	sld [smem:$0x3FDB];
	s0 =	simm.s32 @p2 $0x1  }
0x17: {  	s4 =	simm.s32 $0x1BF5;
	[smem:$0x3FBA] =	sst s0  }
0x18: {  	s0 =	sld [smem:$0x3F9D];
	_ =	swait.ge [sflag:s4], $0x0  }
0x19: {  	s7 =	sld [smem:$0x3F9E]  }
0x1a: {  	s8 =	sadd.s32 $0xFFFFE003, lr  }
0x1b: {  	s9 =	sadd.s32 $0xFFFFFEF7, lr;
	s5 =	simm.s32 $0xFFFFFFFF;
	p2 =	slt.u32 s8, $0xFFFFF086  }
0x1c: {  	p1 =	slt.u32 s9, $0xF7A;
	s5 =	simm.s32 @!p2 $0x0  }
0x1d: {  	s5 =	simm.s32 @p1 $0x1;
	p0 =	seq.s32 s7, s2  }
0x1e: {  	s7 =	smul.u32 @!p0 $0xF7A, s2;
	p2 =	seq.s32 @!p0 s5, $0x0  }
0x1f: {  	s9 =	smul.u32 $0xF7A, s1;
	s8 =	simm.s32 @!p0 $0x1BF5;
	p2 =	por !p2, p0  }
0x20: {  	[sflag:s8] =	ssyncset.s32 @!p0 $0xFFFFF086;
	s6 =	sadd.s32 @!p0 s3, s7;
	s7 =	simm.s32 @!p0 $0x108  }
0x21: {  	s3 =	sadd.s32 s3, s9;
	s6 =	sadd.s32 @!p0 $0x88, s6;
	s7 =	simm.s32 @p2 $0x1082  }
0x22: {  	[simem:s7], [sflag:s8] =	dma.local @!p0 [hbm:s6], $0xF7A  }
0x23: {  	s9 =	sor.u32 $0xD0000000, s2;
	s6 =	simm.s32 $0x108;
	_ =	swait.ge @!p0 [sflag:s8], $0x0  }
0x24: {  	s3 =	sadd.s32 $0x88, s3;
	s6 =	simm.s32 @!p1 $0x1082;
	[sflag:s4] =	ssyncset.s32 $0xFFFFF086  }
0x25: {  	[simem:s6], [sflag:s4] =	dma.local [hbm:s3], $0xF7A  }
0x26: {  	[smem:$0x3F9E] =	sst s1;
	(tag) =	ssettag s2;
	_ =	strace s9  }
0x27: {  	s1 =	sld [smem:$0x3FAE]  }
0x28: {  	s2 =	sld [smem:$0x3FAF]  }
0x29: {  	s4 =	sld [smem:$0x3FB1]  }
0x2a: {  	p0 =	seq.s32 s5, $0x0;
	s5 =	sld [smem:$0x3FB2]  }
0x2b: {  	s6 =	sld [smem:$0x3FB3]  }
0x2c: {  	s7 =	sld [smem:$0x3FB4]  }
0x2d: {  	s3 =	simm.s32 $0x108;
	s8 =	sld [smem:$0x3FB5]  }
0x2e: {  	s3 =	simm.s32 @!p0 $0x1082;
	s9 =	sld [smem:$0x3FB6]  }
0x2f: {  	lr =	sadd.s32 s0, s3;
	s0 =	sld [smem:$0x3FAD]  }
0x30: {  	s3 =	sld [smem:$0x3FB0]  }
0x31: {  	[smem:$0x3FB9] =	sst s10  }
0x32: {  	s10 =	sld [smem:$0x3FB7];
	_ =	sdelay $0x3  }
0x33: {  	p0 =	seq.s32 s10, $0x1;
	s10 =	sld [smem:$0x3FB9];
	_ =	sdelay $0x3  }
0x34: {  	[smem:$0x3FB9] =	sst s10  }
0x35: {  	s10 =	sld [smem:$0x3FB8];
	_ =	sdelay $0x3  }
0x36: {  	p1 =	seq.s32 s10, $0x1;
	s10 =	sld [smem:$0x3FB9];
	_ =	sdelay $0x3  }
0x37: {  	[smem:$0x3FB9] =	sst s10  }
0x38: {  	s10 =	sld [smem:$0x3FBA]  }
0x39: {  	_ = 	snop;
	(pc) =	sbr.ind lr, $3  }
0x3a: {  	_ = 	snop  }
0x3b: {  	_ = 	snop  }
0x3c: {  	p2 =	seq.s32 s10, $0x1;
	s10 =	sld [smem:$0x3FB9]  }
0x3d: {  	_ =	shalt  }
0x3e: {  	_ =	shalt  }
0x3f: {  	_ =	shalt  }
0x40: {  	_ =	shalt  }
0x41: {  	_ =	shalt  }
0x42: {  	_ =	shalt  }
0x43: {  	_ =	shalt  }
0x44: {  	_ =	shalt  }
0x45: {  	_ =	shalt  }
0x46: {  	_ =	shalt  }
0x47: {  	_ =	shalt  }
0x48: {  	_ =	shalt  }
0x49: {  	_ =	shalt  }
0x4a: {  	_ =	shalt  }
0x4b: {  	_ =	shalt  }
0x4c: {  	_ =	shalt  }
0x4d: {  	_ =	shalt  }
0x4e: {  	_ =	shalt  }
0x4f: {  	_ =	shalt  }
0x50: {  	_ =	shalt  }
0x51: {  	_ =	shalt  }
0x52: {  	_ =	shalt  }
0x53: {  	_ =	shalt  }
0x54: {  	_ =	shalt  }
0x55: {  	_ =	shalt  }
0x56: {  	_ =	shalt  }
0x57: {  	_ =	shalt  }
0x58: {  	_ =	shalt  }
0x59: {  	_ =	shalt  }
0x5a: {  	_ =	shalt  }
0x5b: {  	_ =	shalt  }
0x5c: {  	_ =	shalt  }
0x5d: {  	_ =	shalt  }
0x5e: {  	_ =	shalt  }
0x5f: {  	_ =	shalt  }
0x60: {  	_ =	shalt  }
0x61: {  	_ =	shalt  }
0x62: {  	_ =	shalt  }
0x63: {  	_ =	shalt  }
0x64: {  	_ =	shalt  }
0x65: {  	_ =	shalt  }
0x66: {  	_ =	shalt  }
0x67: {  	_ =	shalt  }
0x68: {  	_ =	shalt  }
0x69: {  	_ =	shalt  }
0x6a: {  	_ =	shalt  }
0x6b: {  	_ =	shalt  }
0x6c: {  	_ =	shalt  }
0x6d: {  	_ =	shalt  }
0x6e: {  	_ =	shalt  }
0x6f: {  	_ =	shalt  }
0x70: {  	_ =	shalt  }
0x71: {  	_ =	shalt  }
0x72: {  	_ =	shalt  }
0x73: {  	_ =	shalt  }
0x74: {  	_ =	shalt  }
0x75: {  	_ =	shalt  }
0x76: {  	_ =	shalt  }
0x77: {  	_ =	shalt  }
0x78: {  	_ =	shalt  }
0x79: {  	_ =	shalt  }
0x7a: {  	_ =	shalt  }
0x7b: {  	_ =	shalt  }
0x7c: {  	_ =	shalt  }
0x7d: {  	_ =	shalt  }
0x7e: {  	_ =	shalt  }
0x7f: {  	_ =	shalt  }
0x80: {  	_ =	shalt  }
0x81: {  	_ =	shalt  }
0x82: {  	_ =	shalt  }
0x83: {  	_ =	shalt  }
0x84: {  	_ =	shalt  }
0x85: {  	_ =	shalt  }
0x86: {  	_ =	shalt  }
0x87: {  	_ =	shalt  }
.Lfunc_end0:
.L_simem_size_0:
called_computation_lowered:
.L_overlay_start_0:
0x88: {  	s2 =	sld [smem:$0x3FD9]  }
0x89: {  	s3 =	sld [smem:$0x3FFE];
	_ =	sdelay $0x1  }
0x8a: {  	s1 =	srdreg.scid  }
0x8b: {  	s0 =	sand.u32 $0x1, s1  }
0x8c: {  	s17 =	sshll.u32 s0, $0xA;
	s2 =	sadd.s32 s3, s2  }
0x8d: {  	s2 =	sadd.s32 s2, s17  }
0x8e: {  	[smem:$0x3FC5] =	sst s2  }
0x8f: {  	_ = 	snop  }
0x90: {  	s2 =	sld [smem:$0x3FC7]  }
0x91: {  	s18 =	sld [smem:$0x3FD0];
	(tm) =	ssettm $0x1  }
0x92: {  	s4 =	sld [smem:$0x3FFB];
	_ =	sdelay $0x3  }
0x93: {  	_ =	strace s4  }
0x94: {  	s4 =	sld [smem:$0x3FFC];
	_ =	sdelay $0x3  }
0x95: {  	_ =	strace s4  }
0x96: {  	s4 =	sld [smem:$0x3FFD];
	_ =	sdelay $0x3  }
0x97: {  	_ =	strace s4  }
0x98: {  	_ =	strace $0x8FFFFFFF  }
0x99: {  	s19 =	sld [smem:$0x3FDB];
	_ =	sdelay $0x1  }
0x9a: {  	s5 =	simm.s32 $_scs_section_size  }
0x9b: {  	s6 =	simm.s32 $_size__tile_overlayer_lowered;
	s7 =	simm.s32 $_tile_overlayer_lowered  }
0x9c: {  	s22 =	simm.s32 $0x1BFF;
	s21 =	sshll.u32 s7, $0x1;
	s4 =	sadd.s32 s5, s19  }
0x9d: {  	s8 =	simm.s32 $0x0;
	s20 =	sshll.u32 s6, $0x1;
	s6 =	sadd.s32 s21, s4  }
0x9e: {  	[timem:s8], [sflag:s22] =	dma.local [hbm:s6], s20  }
0x9f: {  	_ =	swait.ge [sflag:s22], s20  }
0xa0: {  	s5 =	ssub.s32 $0x0, s20;
	[sflag:s22] =	ssyncset.done $0x0  }
0xa1: {  	[sflag:s22] =	ssyncadd.s32 s5;
	_ =	sdelay $0x1  }
0xa2: {  	s23 =	simm.s32 $0x1B8B  }
0xa3: {  	_ =	swait.ge [sflag:s23], $0x1  }
0xa4: {  	[sflag:s23] =	ssyncset.done $0x0  }
0xa5: {  	s25 =	simm.s32 $0x1B8E;
	s24 =	sld [smem:$0x3FFE];
	[sflag:s23] =	ssyncadd.s32 $0xFFFFFFFF  }
0xa6: {  	s26 =	simm.s32 $execute0_lowered;
	[smem:$0x3FD2] =	sst s25  }
0xa7: {  	s6 =	sshll.u32 s26, $0x1;
	_ =	strace $0x80000046;
	[dreg:$0x1] =	wrdreg $0xFFFFFFFF  }
0xa8: {  	s28 =	simm.s32 $_size_execute0_lowered;
	s4 =	sadd.s32 s4, s6;
	[dreg:$0x0] =	wrdreg $0x0  }
0xa9: {  	s6 =	sshll.u32 s28, $0x1;
	[dreg:$0x2] =	wrdreg s4  }
0xaa: {  	[dreg:$0x3] =	wrdreg s6  }
0xab: {  	[dreg:$0x4] =	wrdreg $0xC0  }
0xac: {  	_ =	task [dreg:s8], $0x5FFFF  }
0xad: {  	[dreg:$0x1] =	wrdreg $0xFFFFFFFF  }
0xae: {  	[dreg:$0x0] =	wrdreg $0x60  }
0xaf: {  	[dreg:$0x2] =	wrdreg s2  }
0xb0: {  	[dreg:$0x3] =	wrdreg s18  }
0xb1: {  	[dreg:$0x4] =	wrdreg s24  }
0xb2: {  	[dreg:$0x5] =	wrdreg $0x9  }
0xb3: {  	_ =	task.clear_ibuf [dreg:s8], $0x6FFFF;
	_ =	strace $0x90000046  }
0xb4: {  	s29 =	simm.s32 $0x9;
	_ =	strace $0x80000048  }
0xb5: {  	_ =	swait.ge [sflag:s29], $0x1  }
0xb6: {  	[sflag:s29] =	ssyncadd.s32 $0xFFFFFFFF  }
0xb7: {  	_ =	strace $0x90000048  }
0xb8: {  	_ =	sfence  }
0xb9: {  	s30 =	sld [smem:$0x0];
	_ =	sdelay $0x2  }
0xba: {  	s31 =	sshll.u32 s1, $0xD;
	s1 =	sshrl.u32 s1, $0x2  }
0xbb: {  	s3 =	sand.u32 $0x4000, s31;
	s1 =	sadd.s32 s1, s30  }
0xbc: {  	s0 =	sor.u32 s3, s0;
	s1 =	sshll.u32 s1, $0x11  }
0xbd: {  	s0 =	sor.u32 s1, s0  }
0xbe: {  	s0 =	sadd.s32 $0x8F2B, s0  }
0xbf: {  	[sflag:s0] =	ssyncadd.remote.s32 $0x1  }
0xc0: {  	_ =	sfence.sel $0xFFFF  }
0xc1: {  	[dreg:$0x0] =	wrdreg $0xFFFFFFFF;
	(pc) =	sbr.abs _section_cstart, $3  }
0xc2: {  	[dreg:$0x1] =	wrdreg $0xFFFFFFFF  }
0xc3: {  	_ =	task.clear_ibuf [dreg:s8], $0x2FFFF;
	_ =	strace $0x9FFFFFFF  }
0xc4: {  	(tm) =	ssettm $0x7FFFFFFF  }
0xc5: {  	_ =	shalt  }
tec
execute0_lowered:
.L_overlay_start_1:
0x0: {  	(tag) =	ssettag $0x1  }
0x1: {  	s7 =	rddreg [dreg:$0x0]  }
0x2: {  	s0 =	srdreg.scid;
	s5 =	stileid.u32  }
0x3: {  	s1 =	rddreg [dreg:$0x2];
	s3 =	simm.s32 $0x0;
	s0 =	sand.u32 $0x1, s0  }
0x4: {  	s2 =	sshll.u32 s5, $0x1;
	[smem:$0x7FF] =	sst s3;
	s6 =	sadd.s32 $0xE00, s1  }
0x5: {  	p0 =	slt.u32 s5, $0x2;
	s1 =	sadd.s32 $0x1E9200, s1;
	s2 =	sor.u32 s0, s2  }
0x6: {  	_ =	strace $0x80000047;
	s0 =	ssub.s32 $0x2, s0;
	s24 =	smul.u32 $0xF4, s2  }
0x7: {  	[smem:$0x7F4] =	sst s6;
	s4 =	smin.u32 s2, $0x4;
	s25 =	sshrl.u32 s0, $0x1  }
0x8: {  	v0 =	vlaneseq.u32;
	[smem:$0x7FB] =	sst s1;
	s0 =	ssub.s32 s0, s25;
	s8 =	sadd.s32 s4, s24  }
0x9: {  	s3 =	simm.s32 $0xED;
	v1 =	vand.u32 $0x7, v0;
	s0 =	smax.u32 s0, $0x1;
	[smem:$0x7F9] =	sst s8  }
0xa: {  	v2 =	vshrl.u32 v0, $0x3;
	s3 =	simm.s32 @!p0 $0xEC;
	v0 =	vmul.u32 $0x10, v1;
	s29 =	sadd.s32 $0x10, s8;
	[smem:$0x7FC] =	sst s0  }
0xb: {  	v1 =	vmul.u32 $0x80, v2;
	s4 =	sshll.u32 s8, $0x7;
	s30 =	sadd.s32 $0x8, s8;
	[smem:$0x7F7] =	sst s29  }
.Ltmp0:
0xc: {  	v2 =	vor.u32 $0x1, v0;
	v3 =	vor.u32 $0x2, v0;
	v4 =	vor.u32 $0x3, v0;
	s31 =	sadd.s32 $0x18, s8;
	[smem:$0x7F8] =	sst s30;
	(pc) =	sbr.rel .LBB2_1-.Ltmp0, $4  }
0xd: {  	v5 =	vor.u32 $0x4, v0;
	v6 =	vor.u32 $0x5, v0;
	v7 =	vor.u32 $0x6, v0;
	s24 =	sadd.s32 s8, s3;
	s26 =	sadd.s32 $0x400, s4;
	[smem:$0x7FA] =	sst s31  }
0xe: {  	v8 =	vor.u32 $0x7, v0;
	v9 =	vor.u32 $0x8, v0;
	v10 =	vor.u32 $0x9, v0;
	s4 =	sadd.s32 s7, s4;
	[smem:$0x7FD] =	sst s24;
	s28 =	sand.u32 $0x1FFFFF80, s26  }
0xf: {  	s19 =	simm.s32 $0x8000;
	v11 =	vor.u32 $0xA, v0;
	v12 =	vor.u32 $0xB, v0;
	v13 =	vor.u32 $0xC, v0;
	[smem:$0x7F5] =	sst s4;
	s3 =	sadd.s32 s7, s28  }
0x10: {  	p0 =	sne.s32 s2, $0x1F;
	s2 =	simm.s32 $0x0;
	v14 =	vor.u32 $0xD, v0;
	v15 =	vor.u32 $0xE, v0;
	v16 =	vor.u32 $0xF, v0;
	[smem:$0x7F6] =	sst s3  }
.LBB2_8:
0x11: {  	s0 =	simm.s32 $0x3  }
0x12: {  	_ =	swait.ge [sflag:s0], $0x4000  }
0x13: {  	[sflag:s0] =	ssyncset.done $0x0  }
0x14: {  	s1 =	simm.s32 $0x4;
	[sflag:s0] =	ssyncadd.s32 $0xFFFFC000  }
0x15: {  	_ =	swait.ge [sflag:s1], $0x4000  }
0x16: {  	s0 =	stileid.u32;
	[sflag:s1] =	ssyncset.done $0x0;
	s2 =	sld [smem:$0x7FB]  }
0x17: {  	s0 =	sshll.u32 @!p0 s0, $0x6;
	[sflag:s1] =	ssyncadd.s32 $0xFFFFC000  }
0x18: {  	s0 =	sor.u32 @!p0 $0x1C05, s0;
	s1 =	rddreg [dreg:$0x1]  }
0x19: {  	[hbm:s2], [sflag:s0] =	dma.local @!p0 [hbm:s1], $0x80  }
0x1a: {  	s0 =	simm.s32 @!p0 $0x5  }
0x1b: {  	_ =	swait.ge @!p0 [sflag:s0], $0x80  }
0x1c: {  	s30 =	sld [smem:$0x7F3]  }
0x1d: {  	s31 =	sld [smem:$0x7FC];
	_ =	sdelay $0x1  }
0x1e: {  	s2 =	sadd.s32 $0x1, s30  }
0x1f: {  	p1 =	sne.s32 s2, s31  }
.Ltmp1:
0x20: {  	_ = 	snop;
	(pc) =	sbr.rel @!p1 .LBB2_9-.Ltmp1, $3  }
0x21: {  	_ =	sdelay $0x1  }
0x22: {  	[sflag:s0] =	ssyncset.done @!p0 $0x0  }
0x23: {  	s24 =	sld [smem:$0x7FD];
	[sflag:s0] =	ssyncadd.s32 @!p0 $0xFFFFFF80  }
.LBB2_1:
0x24: {  	s1 =	sld [smem:$0x7F5]  }
0x25: {  	s0 =	simm.s32 $0x0  }
0x26: {  	s29 =	simm.s32 $0x2000;
	s3 =	simm.s32 $0x7A1400;
	s30 =	sld [smem:$0x7F6]  }
0x27: {  	[tilespmem:s0], [sflag:$0x1] =	stream.strided.gather [hbm4b:s1+s29], $0x4000, s3, s29, $0x38;
	[tilespmem:$0x10000] =	vst v63  }
0x28: {  	[smem:$0x7F3] =	sst s2;
	s31 =	simm.s32 $0x4000;
	s25 =	simm.s32 $0x0  }
0x29: {  	[tilespmem:s31], [sflag:$0x2] =	stream.strided.gather [hbm4b:s30+s29], $0x4000, s3, s29, $0x38;
	[tilespmem:$0x10000] =	vst v63  }
.LBB2_2:
0x2a: {  	s0 =	simm.s32 $0x1  }
0x2b: {  	_ =	swait.ge [sflag:s0], $0x4000  }
0x2c: {  	p1 =	seq.s32 s25, $0x0;
	[sflag:s0] =	ssyncset.done $0x0  }
0x2d: {  	s23 =	simm.s32 $0x2;
	[sflag:s0] =	ssyncadd.s32 $0xFFFFC000;
	s0 =	simm.s32 @!p1 $0x3  }
0x2e: {  	s2 =	simm.s32 $0x0;
	s1 =	simm.s32 $0x4;
	_ =	swait.ge @!p1 [sflag:s0], $0x4000  }
0x2f: {  	s7 =	simm.s32 $0x10;
	s6 =	simm.s32 $0x20;
	v17 =	vmov s23;
	[sflag:s0] =	ssyncset.done @!p1 $0x0  }
0x30: {  	v18 =	vmov s1;
	s3 =	sand.u32 $0x1C00, s2;
	v17 =	vshll.u32 v17, $0x7;
	[sflag:s0] =	ssyncadd.s32 @!p1 $0xFFFFC000;
	s0 =	sand.u32 $0x50, s7  }
0x31: {  	s1 =	sand.u32 $0x60, s6;
	v18 =	vshll.u32 v18, $0x7;
	v21 =	vor.u32 v1, v17;
	s10 =	sor.u32 s0, s3  }
0x32: {  	s4 =	simm.s32 $0x0;
	s11 =	sor.u32 s1, s3;
	v22 =	vor.u32 v1, v18;
	v19 =	vor.u32 v0, v21;
	v18 =	vld [tilespmem:s10+$0x0]  }
0x33: {  	s9 =	simm.s32 $0x0;
	v17 =	vmov s4;
	v23 =	vor.u32 v0, v22;
	v20 =	vld [tilespmem:s11+$0x0]  }
0x34: {  	s4 =	sand.u32 $0x40, s9;
	v17 =	vshll.u32 v17, $0x7  }
0x35: {  	s12 =	sor.u32 s4, s3;
	v24 =	vor.u32 v1, v17  }
0x36: {  	v17 =	vor.u32 v0, v24;
	v25 =	vld [tilespmem:s12+$0x0]  }
0x37: {  	[tilespmem:v19+s19+$0x0] =	vst.idx.msk $0xffff, v18  }
0x38: {  	[tilespmem:v23+s19+$0x0] =	vst.idx.msk $0xffff, v20;
	v18 =	vor.u32 v2, v21;
	v19 =	vld [tilespmem:s10+$0x80]  }
0x39: {  	v20 =	vor.u32 v2, v22;
	v23 =	vld [tilespmem:s11+$0x80];
	_ =	sdelay $0x1  }
0x3a: {  	[tilespmem:v17+s19+$0x0] =	vst.idx.msk $0xffff, v25  }
0x3b: {  	v17 =	vor.u32 v2, v24;
	v25 =	vld [tilespmem:s12+$0x80]  }
0x3c: {  	[tilespmem:v18+s19+$0x0] =	vst.idx.msk $0xffff, v19  }
0x3d: {  	[tilespmem:v20+s19+$0x0] =	vst.idx.msk $0xffff, v23;
	v18 =	vor.u32 v3, v21;
	v19 =	vld [tilespmem:s10+$0x100]  }
0x3e: {  	v20 =	vor.u32 v3, v22;
	v23 =	vld [tilespmem:s11+$0x100];
	_ =	sdelay $0x1  }
0x3f: {  	[tilespmem:v17+s19+$0x0] =	vst.idx.msk $0xffff, v25  }
0x40: {  	s5 =	simm.s32 $0x6;
	v17 =	vor.u32 v3, v24;
	v25 =	vld [tilespmem:s12+$0x100]  }
0x41: {  	s8 =	simm.s32 $0x30;
	v26 =	vmov s5;
	[tilespmem:v18+s19+$0x0] =	vst.idx.msk $0xffff, v19  }
0x42: {  	s5 =	sand.u32 $0x70, s8;
	[tilespmem:v20+s19+$0x0] =	vst.idx.msk $0xffff, v23;
	v18 =	vshll.u32 v26, $0x7;
	v26 =	vor.u32 v4, v21;
	v19 =	vld [tilespmem:s10+$0x180]  }
0x43: {  	s13 =	sand.u32 $0x7, s2;
	s26 =	sor.u32 s5, s3;
	v20 =	vor.u32 v4, v22;
	v23 =	vor.u32 v1, v18;
	v18 =	vld [tilespmem:s11+$0x180]  }
0x44: {  	s15 =	sand.u32 $0x3, s2;
	s14 =	sshll.u32 s13, $0x4;
	v27 =	vld [tilespmem:s26+$0x0];
	v28 =	vor.u32 v0, v23  }
0x45: {  	s13 =	sshll.u32 s15, $0x5;
	[tilespmem:v17+s19+$0x0] =	vst.idx.msk $0xffff, v25;
	s11 =	sadd.s32 $0x0, s14  }
0x46: {  	p2 =	por $0x0, $0x0;
	s16 =	sadd.s32 $0x0, s13;
	v25 =	vor.u32 v4, v24;
	v17 =	vld [tilespmem:s12+$0x180];
	s17 =	sadd.s32 $0x10, s11  }
0x47: {  	s12 =	sadd.s32 $0x20, s16;
	s14 =	simm.s32 $0x1;
	s15 =	sor.u32 $0x200, s17;
	[tilespmem:v26+s19+$0x0] =	vst.idx.msk $0xffff, v19  }
0x48: {  	s18 =	sor.u32 $0x200, s12;
	s14 =	simm.s32 @!p2 $0x0;
	v26 =	vor.u32 v5, v21;
	[tilespmem:v20+s19+$0x0] =	vst.idx.msk $0xffff, v18;
	v19 =	vld [tilespmem:s15+$0x0]  }
0x49: {  	s14 =	sshll.u32 s14, $0x6;
	v20 =	vor.u32 v5, v22;
	[tilespmem:v28+s19+$0x0] =	vst.idx.msk $0xffff, v27;
	v18 =	vld [tilespmem:s18+$0x0]  }
0x4a: {  	s14 =	sadd.s32 $0x0, s14;
	v27 =	vor.u32 v2, v23;
	v28 =	vld [tilespmem:s26+$0x80]  }
0x4b: {  	[tilespmem:v25+s19+$0x0] =	vst.idx.msk $0xffff, v17;
	s20 =	sor.u32 $0x200, s14  }
0x4c: {  	v25 =	vor.u32 v5, v24;
	v17 =	vld [tilespmem:s20+$0x0]  }
0x4d: {  	s21 =	sor.u32 $0x280, s17;
	[tilespmem:v26+s19+$0x0] =	vst.idx.msk $0xffff, v19  }
0x4e: {  	s22 =	sor.u32 $0x280, s12;
	v26 =	vor.u32 v6, v21;
	[tilespmem:v20+s19+$0x0] =	vst.idx.msk $0xffff, v18;
	v19 =	vld [tilespmem:s21+$0x0]  }
0x4f: {  	v20 =	vor.u32 v6, v22;
	[tilespmem:v27+s19+$0x0] =	vst.idx.msk $0xffff, v28;
	v18 =	vld [tilespmem:s22+$0x0]  }
0x50: {  	v27 =	vor.u32 v3, v23;
	v28 =	vld [tilespmem:s26+$0x100]  }
0x51: {  	s23 =	sor.u32 $0x280, s14;
	[tilespmem:v25+s19+$0x0] =	vst.idx.msk $0xffff, v17  }
0x52: {  	v25 =	vor.u32 v6, v24;
	v17 =	vld [tilespmem:s23+$0x0]  }
0x53: {  	s13 =	sor.u32 $0x300, s17;
	[tilespmem:v26+s19+$0x0] =	vst.idx.msk $0xffff, v19  }
0x54: {  	s12 =	sor.u32 $0x300, s12;
	v26 =	vor.u32 v7, v21;
	[tilespmem:v20+s19+$0x0] =	vst.idx.msk $0xffff, v18;
	v19 =	vld [tilespmem:s13+$0x0]  }
0x55: {  	v20 =	vor.u32 v7, v22;
	[tilespmem:v27+s19+$0x0] =	vst.idx.msk $0xffff, v28;
	v18 =	vld [tilespmem:s12+$0x0]  }
0x56: {  	v28 =	vor.u32 v4, v23;
	v27 =	vld [tilespmem:s26+$0x180]  }
0x57: {  	[tilespmem:v25+s19+$0x0] =	vst.idx.msk $0xffff, v17;
	s26 =	sor.u32 $0x300, s14  }
0x58: {  	s7 =	sor.u32 s7, s2;
	v25 =	vor.u32 v7, v24;
	v17 =	vld [tilespmem:s26+$0x0]  }
0x59: {  	s6 =	sor.u32 s6, s2;
	s7 =	sor.u32 $0x380, s7;
	[tilespmem:v26+s19+$0x0] =	vst.idx.msk $0xffff, v19  }
0x5a: {  	s6 =	sor.u32 $0x380, s6;
	s12 =	sadd.s32 $0x30, s11;
	v26 =	vor.u32 v8, v21;
	[tilespmem:v20+s19+$0x0] =	vst.idx.msk $0xffff, v18;
	v19 =	vld [tilespmem:s7+$0x0]  }
0x5b: {  	s17 =	sor.u32 $0x200, s12;
	v20 =	vor.u32 v8, v22;
	[tilespmem:v28+s19+$0x0] =	vst.idx.msk $0xffff, v27;
	v18 =	vld [tilespmem:s6+$0x0]  }
0x5c: {  	s16 =	sor.u32 s9, s2;
	v28 =	vor.u32 v5, v23;
	v27 =	vld [tilespmem:s17+$0x0]  }
0x5d: {  	s18 =	sor.u32 $0x380, s16;
	[tilespmem:v25+s19+$0x0] =	vst.idx.msk $0xffff, v17  }
0x5e: {  	s14 =	sor.u32 $0x2000, s3;
	v25 =	vor.u32 v8, v24;
	v17 =	vld [tilespmem:s18+$0x0]  }
0x5f: {  	s20 =	sor.u32 s0, s14;
	[tilespmem:v26+s19+$0x0] =	vst.idx.msk $0xffff, v19  }
0x60: {  	s21 =	sor.u32 s1, s14;
	v26 =	vor.u32 v9, v21;
	[tilespmem:v20+s19+$0x0] =	vst.idx.msk $0xffff, v18;
	v19 =	vld [tilespmem:s20+$0x0]  }
0x61: {  	s22 =	sor.u32 $0x280, s12;
	v20 =	vor.u32 v9, v22;
	[tilespmem:v28+s19+$0x0] =	vst.idx.msk $0xffff, v27;
	v18 =	vld [tilespmem:s21+$0x0]  }
0x62: {  	v28 =	vor.u32 v6, v23;
	v27 =	vld [tilespmem:s22+$0x0]  }
0x63: {  	s23 =	sor.u32 s4, s14;
	[tilespmem:v25+s19+$0x0] =	vst.idx.msk $0xffff, v17  }
0x64: {  	s29 =	simm.s32 $0x200;
	s11 =	sor.u32 $0x2080, s3;
	v25 =	vor.u32 v9, v24;
	v17 =	vld [tilespmem:s23+$0x0]  }
0x65: {  	s9 =	sor.u32 s0, s11;
	s13 =	sor.u32 s1, s11;
	s6 =	simm.s32 $0x60;
	[tilespmem:v26+s19+$0x0] =	vst.idx.msk $0xffff, v19  }
0x66: {  	s31 =	sand.u32 $0x60, s6;
	s18 =	simm.s32 $0xC;
	s22 =	sand.u32 $0x1C00, s29;
	[tilespmem:v20+s19+$0x0] =	vst.idx.msk $0xffff, v18;
	v19 =	vld [tilespmem:s9+$0x0]  }
0x67: {  	s2 =	sor.u32 s8, s2;
	s15 =	simm.s32 $0xE;
	v20 =	vmov s18;
	s18 =	sor.u32 s31, s22;
	v26 =	vld [tilespmem:s13+$0x0];
	[tilespmem:v28+s19+$0x0] =	vst.idx.msk $0xffff, v27;
	v27 =	vor.u32 v10, v21  }
0x68: {  	s16 =	sor.u32 $0x300, s12;
	s17 =	simm.s32 $0x70;
	s20 =	simm.s32 $0xA;
	v18 =	vmov s15;
	v28 =	vor.u32 v10, v22;
	v36 =	vld [tilespmem:s18+$0x0]  }
0x69: {  	v29 =	vor.u32 v7, v23;
	s26 =	sor.u32 s4, s11;
	s7 =	simm.s32 $0x50;
	s30 =	sand.u32 $0x70, s17;
	[tilespmem:v25+s19+$0x0] =	vst.idx.msk $0xffff, v17;
	v25 =	vld [tilespmem:s16+$0x0];
	v17 =	vshll.u32 v18, $0x7;
	v18 =	vmov s20  }
0x6a: {  	v30 =	vor.u32 v10, v24;
	s10 =	simm.s32 $0x40;
	s9 =	sand.u32 $0x50, s7;
	s16 =	sor.u32 s30, s22;
	v31 =	vld [tilespmem:s26+$0x0];
	v17 =	vor.u32 v1, v17;
	v18 =	vshll.u32 v18, $0x7  }
0x6b: {  	s8 =	sand.u32 $0x40, s10;
	s17 =	sor.u32 $0x2100, s3;
	v33 =	vshll.u32 v20, $0x7;
	s20 =	sor.u32 s9, s22;
	v32 =	vld [tilespmem:s16+$0x0];
	v20 =	vor.u32 v1, v18;
	v34 =	vor.u32 v0, v17  }
0x6c: {  	s23 =	simm.s32 $0x8;
	v35 =	vld [tilespmem:s20+$0x0];
	s26 =	sor.u32 $0x380, s2;
	s2 =	sor.u32 s8, s22;
	v18 =	vor.u32 v1, v33;
	v56 =	vor.u32 v0, v20;
	[tilespmem:v27+s19+$0x0] =	vst.idx.msk $0xffff, v19  }
0x6d: {  	s21 =	sor.u32 s0, s17;
	v19 =	vmov s23;
	v27 =	vor.u32 v0, v18;
	[tilespmem:v28+s19+$0x0] =	vst.idx.msk $0xffff, v26;
	v28 =	vld [tilespmem:s2+$0x0]  }
0x6e: {  	v37 =	vld [tilespmem:s21+$0x0];
	[tilespmem:v29+s19+$0x0] =	vst.idx.msk $0xffff, v25;
	v19 =	vshll.u32 v19, $0x7;
	v25 =	vor.u32 v11, v21  }
0x6f: {  	s15 =	sor.u32 s4, s17;
	v29 =	vor.u32 v8, v23;
	v26 =	vld [tilespmem:s26+$0x0];
	v19 =	vor.u32 v1, v19;
	[tilespmem:v30+s19+$0x0] =	vst.idx.msk $0xffff, v31  }
0x70: {  	v30 =	vor.u32 v0, v19;
	[tilespmem:v34+s19+$0x0] =	vst.idx.msk $0xffff, v32;
	v31 =	vld [tilespmem:s15+$0x0]  }
0x71: {  	v57 =	vor.u32 v2, v17;
	[tilespmem:v56+s19+$0x0] =	vst.idx.msk $0xffff, v35;
	v58 =	vld [tilespmem:s16+$0x80]  }
0x72: {  	s13 =	sor.u32 $0x2180, s3;
	v59 =	vor.u32 v2, v20;
	[tilespmem:v27+s19+$0x0] =	vst.idx.msk $0xffff, v36;
	v27 =	vld [tilespmem:s20+$0x80]  }
0x73: {  	v61 =	vor.u32 v11, v24;
	s21 =	sor.u32 s0, s13;
	[tilespmem:v25+s19+$0x0] =	vst.idx.msk $0xffff, v37;
	v36 =	vld [tilespmem:s18+$0x80]  }
0x74: {  	v60 =	vor.u32 v2, v18;
	s23 =	sor.u32 s1, s17;
	v25 =	vld [tilespmem:s21+$0x0];
	[tilespmem:v29+s19+$0x0] =	vst.idx.msk $0xffff, v26  }
0x75: {  	s26 =	sor.u32 s5, s14;
	v26 =	vld [tilespmem:s23+$0x0];
	[tilespmem:v30+s19+$0x0] =	vst.idx.msk $0xffff, v28;
	v28 =	vor.u32 v11, v22  }
0x76: {  	v29 =	vld [tilespmem:s26+$0x0];
	v30 =	vor.u32 v9, v23;
	[tilespmem:v57+s19+$0x0] =	vst.idx.msk $0xffff, v58  }
0x77: {  	v62 =	vor.u32 v3, v17;
	[tilespmem:v59+s19+$0x0] =	vst.idx.msk $0xffff, v27;
	v27 =	vld [tilespmem:s16+$0x100]  }
0x78: {  	v63 =	vor.u32 v3, v20;
	[tilespmem:v61+s19+$0x0] =	vst.idx.msk $0xffff, v31;
	v34 =	vld [tilespmem:s20+$0x100]  }
0x79: {  	v31 =	vor.u32 v2, v19;
	v41 =	vld [tilespmem:s2+$0x80];
	[tilespmem:v60+s19+$0x0] =	vst.idx.msk $0xffff, v36  }
0x7a: {  	v40 =	vor.u32 v3, v18;
	s14 =	sor.u32 s4, s13;
	v36 =	vld [tilespmem:s18+$0x100];
	[tilespmem:v28+s19+$0x0] =	vst.idx.msk $0xffff, v26  }
0x7b: {  	s15 =	sor.u32 s1, s13;
	v26 =	vld [tilespmem:s14+$0x0];
	v28 =	vor.u32 v12, v24;
	[tilespmem:v30+s19+$0x0] =	vst.idx.msk $0xffff, v29  }
0x7c: {  	v29 =	vor.u32 v12, v22;
	[tilespmem:v62+s19+$0x0] =	vst.idx.msk $0xffff, v27;
	v27 =	vld [tilespmem:s15+$0x0]  }
0x7d: {  	v42 =	vor.u32 v4, v17;
	[tilespmem:v63+s19+$0x0] =	vst.idx.msk $0xffff, v34;
	v30 =	vld [tilespmem:s16+$0x180]  }
0x7e: {  	s28 =	simm.s32 $0x4;
	v43 =	vor.u32 v4, v20;
	[tilespmem:v31+s19+$0x0] =	vst.idx.msk $0xffff, v41;
	v33 =	vld [tilespmem:s20+$0x180]  }
0x7f: {  	v45 =	vor.u32 v3, v19;
	s14 =	sor.u32 $0x2200, s3;
	v37 =	vld [tilespmem:s2+$0x100];
	s16 =	sand.u32 $0x7, s28;
	[tilespmem:v40+s19+$0x0] =	vst.idx.msk $0xffff, v36  }
0x80: {  	v44 =	vor.u32 v4, v18;
	s21 =	simm.s32 $0x2;
	s20 =	sor.u32 s4, s14;
	s12 =	sshll.u32 s16, $0x4;
	v31 =	vld [tilespmem:s18+$0x180];
	[tilespmem:v28+s19+$0x0] =	vst.idx.msk $0xffff, v26  }
0x81: {  	s26 =	sand.u32 $0x3, s21;
	s15 =	sor.u32 s1, s14;
	s23 =	sadd.s32 $0x200, s12;
	v28 =	vor.u32 v13, v24;
	v26 =	vld [tilespmem:s20+$0x0];
	[tilespmem:v29+s19+$0x0] =	vst.idx.msk $0xffff, v27  }
0x82: {  	s18 =	sshll.u32 s26, $0x5;
	s26 =	sor.u32 s5, s11;
	s11 =	sadd.s32 $0x10, s23;
	v29 =	vor.u32 v13, v22;
	[tilespmem:v42+s19+$0x0] =	vst.idx.msk $0xffff, v30;
	v27 =	vld [tilespmem:s15+$0x0]  }
0x83: {  	s12 =	sadd.s32 $0x200, s18;
	v46 =	vld [tilespmem:s26+$0x0];
	v30 =	vor.u32 v10, v23;
	s15 =	sor.u32 $0x200, s11;
	[tilespmem:v43+s19+$0x0] =	vst.idx.msk $0xffff, v33  }
0x84: {  	v47 =	vor.u32 v5, v20;
	s16 =	sadd.s32 $0x20, s12;
	[tilespmem:v45+s19+$0x0] =	vst.idx.msk $0xffff, v37;
	v33 =	vld [tilespmem:s15+$0x0]  }
0x85: {  	v49 =	vor.u32 v4, v19;
	s18 =	sor.u32 $0x2280, s3;
	s12 =	sor.u32 $0x200, s16;
	v36 =	vld [tilespmem:s2+$0x180];
	[tilespmem:v44+s19+$0x0] =	vst.idx.msk $0xffff, v31  }
0x86: {  	p2 =	por !p2, !p2;
	v48 =	vor.u32 v5, v18;
	s20 =	sor.u32 s4, s18;
	v31 =	vld [tilespmem:s12+$0x0];
	[tilespmem:v28+s19+$0x0] =	vst.idx.msk $0xffff, v26;
	s12 =	simm.s32 $0x1  }
0x87: {  	s26 =	sor.u32 s1, s18;
	v28 =	vor.u32 v14, v24;
	v26 =	vld [tilespmem:s20+$0x0];
	s12 =	simm.s32 @!p2 $0x0;
	[tilespmem:v29+s19+$0x0] =	vst.idx.msk $0xffff, v27  }
0x88: {  	s17 =	sor.u32 s5, s17;
	v29 =	vor.u32 v14, v22;
	[tilespmem:v30+s19+$0x0] =	vst.idx.msk $0xffff, v46;
	s12 =	sshll.u32 s12, $0x6;
	v27 =	vld [tilespmem:s26+$0x0]  }
0x89: {  	s15 =	sor.u32 $0x280, s11;
	v30 =	vor.u32 v11, v23;
	v32 =	vld [tilespmem:s17+$0x0];
	s12 =	sadd.s32 $0x200, s12;
	[tilespmem:v47+s19+$0x0] =	vst.idx.msk $0xffff, v33  }
0x8a: {  	v50 =	vor.u32 v6, v20;
	[tilespmem:v49+s19+$0x0] =	vst.idx.msk $0xffff, v36;
	s26 =	sor.u32 $0x200, s12;
	v33 =	vld [tilespmem:s15+$0x0]  }
0x8b: {  	v52 =	vor.u32 v5, v19;
	s2 =	sadd.s32 $0x30, s23;
	s20 =	sor.u32 $0x280, s16;
	[tilespmem:v48+s19+$0x0] =	vst.idx.msk $0xffff, v31;
	v36 =	vld [tilespmem:s26+$0x0]  }
0x8c: {  	v51 =	vor.u32 v6, v18;
	s23 =	sor.u32 $0x200, s2;
	s15 =	sor.u32 $0x2300, s3;
	v31 =	vld [tilespmem:s20+$0x0];
	[tilespmem:v28+s19+$0x0] =	vst.idx.msk $0xffff, v26  }
0x8d: {  	v26 =	vld [tilespmem:s23+$0x0];
	s26 =	sor.u32 s4, s15;
	v28 =	vor.u32 v5, v17;
	[tilespmem:v29+s19+$0x0] =	vst.idx.msk $0xffff, v27  }
0x8e: {  	s13 =	sor.u32 s5, s13;
	v27 =	vld [tilespmem:s26+$0x0];
	v29 =	vor.u32 v12, v21;
	[tilespmem:v30+s19+$0x0] =	vst.idx.msk $0xffff, v32  }
0x8f: {  	v55 =	vor.u32 v15, v24;
	s11 =	sor.u32 $0x300, s11;
	v30 =	vld [tilespmem:s13+$0x0];
	[tilespmem:v50+s19+$0x0] =	vst.idx.msk $0xffff, v33  }
0x90: {  	v53 =	vor.u32 v12, v23;
	s13 =	sor.u32 s1, s15;
	[tilespmem:v52+s19+$0x0] =	vst.idx.msk $0xffff, v36;
	v33 =	vld [tilespmem:s11+$0x0]  }
0x91: {  	v54 =	vor.u32 v7, v20;
	[tilespmem:v51+s19+$0x0] =	vst.idx.msk $0xffff, v31;
	v31 =	vld [tilespmem:s13+$0x0];
	s13 =	sor.u32 s0, s15;
	s11 =	sor.u32 s5, s15;
	s15 =	sor.u32 $0x280, s12  }
0x92: {  	s17 =	sor.u32 s0, s14;
	s3 =	sor.u32 $0x2380, s3;
	s26 =	sor.u32 $0x300, s16;
	[tilespmem:v28+s19+$0x0] =	vst.idx.msk $0xffff, v26;
	v36 =	vld [tilespmem:s15+$0x0]  }
0x93: {  	v56 =	vor.u32 v6, v19;
	s23 =	sor.u32 s5, s14;
	s14 =	sor.u32 s5, s18;
	s18 =	sor.u32 s0, s18;
	v26 =	vld [tilespmem:s26+$0x0];
	[tilespmem:v29+s19+$0x0] =	vst.idx.msk $0xffff, v25  }
0x94: {  	s20 =	sor.u32 s4, s3;
	s4 =	sor.u32 s0, s3;
	s1 =	sor.u32 s1, s3;
	[tilespmem:v55+s19+$0x0] =	vst.idx.msk $0xffff, v27;
	v25 =	vld [tilespmem:s17+$0x0]  }
0x95: {  	s3 =	sor.u32 s5, s3;
	v28 =	vor.u32 v7, v18;
	s15 =	sor.u32 s7, s29;
	s26 =	sor.u32 $0x2000, s22;
	[tilespmem:v53+s19+$0x0] =	vst.idx.msk $0xffff, v30;
	v27 =	vld [tilespmem:s20+$0x0]  }
0x96: {  	s0 =	sor.u32 s6, s29;
	s15 =	sor.u32 $0x380, s15;
	s7 =	sor.u32 s30, s26;
	v32 =	vld [tilespmem:s23+$0x0];
	[tilespmem:v54+s19+$0x0] =	vst.idx.msk $0xffff, v33  }
0x97: {  	s6 =	sor.u32 s10, s29;
	v29 =	vor.u32 v13, v21;
	s17 =	sor.u32 $0x2080, s22;
	v33 =	vld [tilespmem:s15+$0x0];
	[dreg:$0xe] =	wrdreg s7  }
0x98: {  	s10 =	sor.u32 s9, s26;
	s16 =	sor.u32 s31, s26;
	s15 =	sor.u32 s8, s17;
	[tilespmem:v56+s19+$0x0] =	vst.idx.msk $0xffff, v36  }
0x99: {  	s5 =	sor.u32 s8, s26;
	s26 =	sor.u32 $0x300, s12;
	[dreg:$0xf] =	wrdreg s15  }
0x9a: {  	s20 =	sor.u32 $0x380, s0;
	v58 =	vld [tilespmem:s26+$0x0];
	[tilespmem:v28+s19+$0x0] =	vst.idx.msk $0xffff, v26;
	s26 =	sor.u32 s30, s17  }
0x9b: {  	v30 =	vor.u32 v13, v23;
	s23 =	sor.u32 $0x2100, s22;
	v26 =	vld [tilespmem:s20+$0x0];
	[dreg:$0x6] =	wrdreg s26  }
0x9c: {  	v57 =	vor.u32 v8, v20;
	s12 =	sor.u32 s9, s17;
	s15 =	sor.u32 s8, s23;
	[tilespmem:v29+s19+$0x0] =	vst.idx.msk $0xffff, v25  }
0x9d: {  	s0 =	sor.u32 s31, s17;
	s17 =	sor.u32 s9, s23;
	[dreg:$0x12] =	wrdreg s15  }
0x9e: {  	s20 =	sor.u32 s31, s23;
	[dreg:$0xd] =	wrdreg s17  }
0x9f: {  	v25 =	vld [tilespmem:s18+$0x0];
	[dreg:$0x10] =	wrdreg s20  }
0xa0: {  	v24 =	vor.u32 v16, v24;
	s26 =	sor.u32 $0x2180, s22;
	[tilespmem:v30+s19+$0x0] =	vst.idx.msk $0xffff, v32  }
0xa1: {  	v59 =	vor.u32 v7, v19;
	s15 =	sor.u32 s8, s26;
	[tilespmem:v57+s19+$0x0] =	vst.idx.msk $0xffff, v33  }
0xa2: {  	s17 =	sor.u32 s9, s26;
	v32 =	vld [tilespmem:s14+$0x0];
	[dreg:$0x5] =	wrdreg s15  }
0xa3: {  	s20 =	sor.u32 s31, s26;
	[dreg:$0x11] =	wrdreg s17  }
0xa4: {  	v28 =	vor.u32 v8, v18;
	[dreg:$0x4] =	wrdreg s20  }
0xa5: {  	v29 =	vor.u32 v14, v21;
	s18 =	sor.u32 s30, s23;
	s23 =	sor.u32 $0x2200, s22;
	[tilespmem:v24+s19+$0x0] =	vst.idx.msk $0xffff, v27  }
0xa6: {  	s14 =	sor.u32 $0x280, s2;
	s15 =	sor.u32 s8, s23;
	v33 =	vld [tilespmem:s10+$0x0];
	[tilespmem:v59+s19+$0x0] =	vst.idx.msk $0xffff, v58  }
0xa7: {  	s6 =	sor.u32 $0x380, s6;
	s20 =	sor.u32 s9, s23;
	v30 =	vld [tilespmem:s14+$0x0];
	[dreg:$0xc] =	wrdreg s15  }
0xa8: {  	s17 =	sor.u32 s30, s26;
	v27 =	vld [tilespmem:s6+$0x0];
	[dreg:$0x8] =	wrdreg s20  }
0xa9: {  	v60 =	vor.u32 v14, v23;
	s26 =	sor.u32 s31, s23;
	s15 =	sor.u32 s30, s23;
	s23 =	sor.u32 $0x2280, s22;
	[tilespmem:v28+s19+$0x0] =	vst.idx.msk $0xffff, v26  }
0xaa: {  	v61 =	vor.u32 v9, v20;
	s10 =	sor.u32 s8, s23;
	[tilespmem:v29+s19+$0x0] =	vst.idx.msk $0xffff, v25  }
0xab: {  	s14 =	sor.u32 s31, s23;
	v63 =	vld [tilespmem:s16+$0x0];
	[dreg:$0xa] =	wrdreg s10  }
0xac: {  	v24 =	vor.u32 v15, v22;
	s6 =	sor.u32 s9, s23;
	[dreg:$0x7] =	wrdreg s14  }
0xad: {  	v25 =	vld [tilespmem:s13+$0x0];
	[dreg:$0x9] =	wrdreg s6  }
0xae: {  	v62 =	vor.u32 v8, v19;
	s16 =	sor.u32 $0x2300, s22;
	[tilespmem:v60+s19+$0x0] =	vst.idx.msk $0xffff, v32  }
0xaf: {  	s10 =	sor.u32 s30, s23;
	s23 =	sor.u32 s8, s16;
	[tilespmem:v61+s19+$0x0] =	vst.idx.msk $0xffff, v33  }
0xb0: {  	v37 =	vld [tilespmem:s11+$0x0];
	[dreg:$0xb] =	wrdreg s23  }
0xb1: {  	[tilespmem:v24+s19+$0x0] =	vst.idx.msk $0xffff, v31  }
0xb2: {  	v28 =	vld [tilespmem:s12+$0x0];
	[smem:$0x7EF] =	sst s25  }
0xb3: {  	[tilespmem:v62+s19+$0x0] =	vst.idx.msk $0xffff, v27  }
0xb4: {  	s22 =	sor.u32 $0x2380, s22;
	s20 =	sor.u32 s31, s16;
	s14 =	sld [smem:$0x7F9]  }
0xb5: {  	v38 =	vor.u32 v9, v18;
	s13 =	sshll.u32 s25, $0x4;
	s23 =	sor.u32 s9, s16;
	s11 =	sor.u32 s8, s22  }
0xb6: {  	v39 =	vor.u32 v15, v21;
	s8 =	sor.u32 s9, s22;
	s12 =	sor.u32 s30, s16;
	s16 =	sor.u32 s31, s22  }
0xb7: {  	v40 =	vor.u32 v15, v23;
	s22 =	sor.u32 s30, s22;
	v26 =	vld [tilespmem:s1+$0x0];
	[smem:$0x7F0] =	sst s13;
	s1 =	sadd.s32 s14, s13  }
0xb8: {  	[smem:$0x7F1] =	sst s22;
	s1 =	smin.u32 s1, s24  }
0xb9: {  	v33 =	vld [tilespmem:s5+$0x0];
	[smem:$0x7F2] =	sst s1  }
0xba: {  	v35 =	vor.u32 v6, v17;
	v34 =	vor.u32 v9, v19;
	s9 =	simm.s32 $0x4;
	s25 =	simm.s32 $0x70;
	[tilespmem:v38+s19+$0x0] =	vst.idx.msk $0xffff, v63  }
0xbb: {  	v29 =	vor.u32 v16, v22;
	v32 =	vor.u32 v10, v18;
	s30 =	simm.s32 $0x400;
	s31 =	simm.s32 $0xB0;
	s5 =	sor.u32 s25, s29;
	[tilespmem:v39+s19+$0x0] =	vst.idx.msk $0xffff, v25;
	v31 =	vld [tilespmem:s0+$0x0]  }
0xbc: {  	v27 =	vor.u32 v16, v21;
	s29 =	simm.s32 $0x16;
	s1 =	sor.u32 $0x380, s5;
	[tilespmem:v40+s19+$0x0] =	vst.idx.msk $0xffff, v37;
	v25 =	vor.u32 v16, v23;
	s0 =	sor.u32 $0x300, s2;
	v24 =	vld [tilespmem:s4+$0x0]  }
.LBB2_3:
0xbd: {  	[smem:$0x7DA] =	sst s8  }
0xbe: {  	[smem:$0x7DF] =	sst s17  }
0xbf: {  	[smem:$0x7DD] =	sst s18  }
0xc0: {  	[smem:$0x7E4] =	sst s15  }
0xc1: {  	[smem:$0x7ED] =	sst s16  }
0xc2: {  	[smem:$0x7E6] =	sst s11  }
0xc3: {  	[smem:$0x7EA] =	sst s23  }
0xc4: {  	[smem:$0x7EB] =	sst s12  }
0xc5: {  	[dreg:$0x1f] =	wrdreg s10;
	s2 =	sadd.s32 $0xFFFFFFD0, s31  }
0xc6: {  	s4 =	sadd.s32 $0xFFFFFFFE, s29;
	s5 =	sadd.s32 $0xFFFFFFF0, s31;
	s23 =	sadd.s32 $0xFFFFFFFC, s29  }
0xc7: {  	s14 =	sand.u32 $0x70, s31;
	s25 =	sadd.s32 $0xFFFFFFE0, s31;
	s8 =	rddreg [dreg:$0xf]  }
0xc8: {  	s24 =	sadd.s32 $0xFFFFFFFA, s29;
	s16 =	rddreg [dreg:$0xd];
	s7 =	sor.u32 s25, s30  }
0xc9: {  	s22 =	sand.u32 $0x1C00, s30;
	s10 =	sor.u32 s5, s30;
	[smem:$0x7E3] =	sst s7  }
0xca: {  	s6 =	sand.u32 $0x40, s2;
	s12 =	sor.u32 s2, s30;
	[smem:$0x7E7] =	sst s10  }
0xcb: {  	s13 =	sand.u32 $0x50, s25;
	s15 =	sor.u32 $0x2000, s22;
	[dreg:$0x19] =	wrdreg s12  }
0xcc: {  	v23 =	vmov s23;
	s7 =	sand.u32 $0x60, s5;
	s23 =	sor.u32 s13, s15;
	s5 =	rddreg [dreg:$0x12]  }
0xcd: {  	[tilespmem:v35+s19+$0x0] =	vst.idx.msk $0xffff, v30;
	v21 =	vmov v20;
	v20 =	vmov s4;
	s4 =	sor.u32 $0x2080, s22;
	s25 =	sor.u32 s6, s15;
	[dreg:$0x1e] =	wrdreg s23  }
0xce: {  	v35 =	vld [tilespmem:s3+$0x0];
	s3 =	sor.u32 s14, s22;
	s17 =	sor.u32 s6, s4;
	[dreg:$0x15] =	wrdreg s25  }
0xcf: {  	v22 =	vmov s29;
	v37 =	vor.u32 v10, v21;
	s11 =	sor.u32 s13, s22;
	s2 =	sor.u32 s14, s4;
	[tilespmem:v29+s19+$0x0] =	vst.idx.msk $0xffff, v26;
	[dreg:$0xf] =	wrdreg s17  }
0xd0: {  	v36 =	vor.u32 v10, v19;
	v22 =	vshll.u32 v22, $0x7;
	s12 =	sor.u32 s14, s15;
	v26 =	vld [tilespmem:s0+$0x0];
	v29 =	vmov s24;
	s24 =	sor.u32 s7, s15;
	[smem:$0x7DB] =	sst s2;
	[tilespmem:v34+s19+$0x0] =	vst.idx.msk $0xffff, v33  }
0xd1: {  	v30 =	vor.u32 v7, v17;
	v22 =	vor.u32 v1, v22;
	s18 =	sor.u32 s7, s22;
	s23 =	sor.u32 s13, s4;
	[tilespmem:v32+s19+$0x0] =	vst.idx.msk $0xffff, v31;
	v31 =	vld [tilespmem:s3+$0x0];
	[dreg:$0x1b] =	wrdreg s24  }
0xd2: {  	v20 =	vshll.u32 v20, $0x7;
	v50 =	vshll.u32 v23, $0x7;
	v51 =	vor.u32 v0, v22;
	[dreg:$0x1a] =	wrdreg s23;
	s24 =	sor.u32 s7, s4;
	v34 =	vld [tilespmem:s8+$0x0];
	s8 =	sor.u32 $0x2100, s22  }
0xd3: {  	v23 =	vor.u32 v1, v20;
	v20 =	vor.u32 v1, v50;
	s15 =	sor.u32 $0x2280, s22;
	v29 =	vshll.u32 v29, $0x7;
	[tilespmem:v27+s19+$0x0] =	vst.idx.msk $0xffff, v24;
	[dreg:$0x16] =	wrdreg s24;
	s25 =	sor.u32 s13, s8  }
0xd4: {  	v24 =	vor.u32 v1, v29;
	v27 =	vld [tilespmem:s11+$0x0];
	v29 =	vor.u32 v0, v20;
	[tilespmem:v37+s19+$0x0] =	vst.idx.msk $0xffff, v28;
	s24 =	sor.u32 s6, s8;
	s4 =	sor.u32 s14, s8;
	[dreg:$0xd] =	wrdreg s25  }
0xd5: {  	v54 =	vor.u32 v11, v21;
	[tilespmem:v25+s19+$0x0] =	vst.idx.msk $0xffff, v35;
	s23 =	sor.u32 s7, s8;
	v53 =	vld [tilespmem:s16+$0x0];
	s16 =	sor.u32 $0x2200, s22;
	[smem:$0x7DE] =	sst s4  }
0xd6: {  	v52 =	vor.u32 v0, v23;
	v25 =	vld [tilespmem:s18+$0x0];
	s4 =	smov.u32 s26;
	[tilespmem:v30+s19+$0x0] =	vst.idx.msk $0xffff, v26;
	s26 =	sor.u32 s6, s16;
	s8 =	sor.u32 s13, s16  }
0xd7: {  	s25 =	sor.u32 s7, s16;
	s16 =	sor.u32 s14, s16;
	v26 =	vld [tilespmem:s1+$0x0];
	[tilespmem:v51+s19+$0x0] =	vst.idx.msk $0xffff, v31;
	[smem:$0x7E2] =	sst s8  }
0xd8: {  	s1 =	sor.u32 $0x2180, s22;
	s8 =	sor.u32 s7, s15;
	[smem:$0x7E5] =	sst s16;
	[tilespmem:v36+s19+$0x0] =	vst.idx.msk $0xffff, v34  }
0xd9: {  	[tilespmem:v29+s19+$0x0] =	vst.idx.msk $0xffff, v27;
	s2 =	sor.u32 s6, s1;
	s17 =	sor.u32 s13, s1;
	[smem:$0x7DC] =	sst s8  }
0xda: {  	s0 =	sor.u32 s7, s1;
	s1 =	sor.u32 s14, s1;
	s8 =	rddreg [dreg:$0x11];
	v57 =	vld [tilespmem:s11+$0x80];
	[tilespmem:v54+s19+$0x0] =	vst.idx.msk $0xffff, v53  }
0xdb: {  	v31 =	vor.u32 v8, v17;
	[tilespmem:v52+s19+$0x0] =	vst.idx.msk $0xffff, v25;
	[smem:$0x7E0] =	sst s1;
	v25 =	vld [tilespmem:s8+$0x0];
	s8 =	sor.u32 s14, s15  }
0xdc: {  	v29 =	vld [tilespmem:s5+$0x0];
	s5 =	sor.u32 s6, s15;
	[smem:$0x7E9] =	sst s8  }
0xdd: {  	s1 =	sor.u32 $0x2300, s22;
	s15 =	sor.u32 s13, s15;
	s8 =	rddreg [dreg:$0x10]  }
0xde: {  	[smem:$0x7E8] =	sst s15;
	s15 =	sor.u32 s7, s1  }
0xdf: {  	s10 =	sor.u32 s6, s22;
	v56 =	vld [tilespmem:s3+$0x80];
	[smem:$0x7E1] =	sst s15  }
0xe0: {  	v27 =	vor.u32 v2, v22;
	s16 =	sor.u32 s6, s1;
	[tilespmem:v31+s19+$0x0] =	vst.idx.msk $0xffff, v26;
	v26 =	vld [tilespmem:s8+$0x0];
	s8 =	rddreg [dreg:$0xe];
	s15 =	smov.u32 s28  }
0xe1: {  	v28 =	vor.u32 v0, v24;
	v30 =	vld [tilespmem:s10+$0x0];
	s28 =	sor.u32 $0x2380, s22;
	s22 =	sor.u32 s13, s1;
	s1 =	sor.u32 s14, s1  }
0xe2: {  	[smem:$0x7EC] =	sst s1  }
0xe3: {  	v55 =	vor.u32 v2, v20;
	s1 =	sor.u32 s13, s28;
	s7 =	sor.u32 s7, s28;
	s13 =	rddreg [dreg:$0x5]  }
0xe4: {  	v58 =	vor.u32 v2, v23;
	v60 =	vld [tilespmem:s18+$0x80];
	s6 =	sor.u32 s6, s28;
	[smem:$0x7EE] =	sst s7;
	s7 =	sor.u32 s14, s28  }
0xe5: {  	v38 =	vor.u32 v11, v19;
	[tilespmem:v27+s19+$0x0] =	vst.idx.msk $0xffff, v56;
	s28 =	smov.u32 s15;
	s15 =	smov.u32 s23;
	s23 =	rddreg [dreg:$0x4]  }
0xe6: {  	[tilespmem:v28+s19+$0x0] =	vst.idx.msk $0xffff, v30;
	v28 =	vor.u32 v11, v18;
	v30 =	vld [tilespmem:s8+$0x0];
	s14 =	smov.u32 s24;
	s8 =	smov.u32 s1;
	s1 =	sld [smem:$0x7F1]  }
0xe7: {  	v31 =	vor.u32 v9, v17;
	s19 =	simm.s32 $0x8000;
	[dreg:$0x12] =	wrdreg s14  }
0xe8: {  	v27 =	vor.u32 v3, v22;
	v33 =	vld [tilespmem:s3+$0x100];
	[tilespmem:v55+s19+$0x0] =	vst.idx.msk $0xffff, v57;
	s24 =	smov.u32 s12;
	[dreg:$0x10] =	wrdreg s15  }
0xe9: {  	v61 =	vor.u32 v3, v20;
	[tilespmem:v58+s19+$0x0] =	vst.idx.msk $0xffff, v60;
	s19 =	simm.s32 $0x8000;
	v34 =	vld [tilespmem:s11+$0x100];
	[dreg:$0xe] =	wrdreg s24  }
0xea: {  	v62 =	vor.u32 v3, v23;
	v39 =	vld [tilespmem:s18+$0x100];
	[tilespmem:v38+s19+$0x0] =	vst.idx.msk $0xffff, v29;
	s14 =	smov.u32 s2;
	s15 =	smov.u32 s17;
	s17 =	sld [smem:$0x7DA]  }
0xeb: {  	v59 =	vor.u32 v2, v24;
	v29 =	vld [tilespmem:s10+$0x80];
	[dreg:$0x5] =	wrdreg s14;
	[tilespmem:v28+s19+$0x0] =	vst.idx.msk $0xffff, v26  }
0xec: {  	s28 =	sadd.s32 $0x4, s28;
	s24 =	smov.u32 s0;
	[dreg:$0x11] =	wrdreg s15;
	v26 =	vld [tilespmem:s13+$0x0];
	v28 =	vor.u32 v12, v19;
	[tilespmem:v31+s19+$0x0] =	vst.idx.msk $0xffff, v30  }
0xed: {  	s2 =	smov.u32 s7;
	[dreg:$0x4] =	wrdreg s24;
	s12 =	sand.u32 $0x7, s28;
	v30 =	vor.u32 v12, v18;
	[tilespmem:v27+s19+$0x0] =	vst.idx.msk $0xffff, v33;
	v27 =	vld [tilespmem:s23+$0x0]  }
0xee: {  	s21 =	sadd.s32 $0x2, s21;
	v42 =	vor.u32 v4, v22;
	[smem:$0x7F1] =	sst s2;
	s0 =	sshll.u32 s12, $0x4;
	[tilespmem:v61+s19+$0x0] =	vst.idx.msk $0xffff, v34;
	v31 =	vld [tilespmem:s3+$0x180]  }
0xef: {  	v44 =	vor.u32 v4, v20;
	s14 =	smov.u32 s17;
	s13 =	sand.u32 $0x3, s21;
	s17 =	rddreg [dreg:$0xc];
	[tilespmem:v62+s19+$0x0] =	vst.idx.msk $0xffff, v39;
	v43 =	vld [tilespmem:s11+$0x180]  }
0xf0: {  	v45 =	vor.u32 v4, v23;
	s15 =	sshll.u32 s13, $0x5;
	s3 =	smov.u32 s1;
	s1 =	sld [smem:$0x7DB];
	[tilespmem:v59+s19+$0x0] =	vst.idx.msk $0xffff, v29;
	v29 =	vld [tilespmem:s18+$0x180]  }
0xf1: {  	v63 =	vor.u32 v3, v24;
	s23 =	sadd.s32 s30, s15;
	s15 =	rddreg [dreg:$0xa];
	s11 =	sadd.s32 s30, s0;
	v46 =	vld [tilespmem:s10+$0x100];
	[tilespmem:v28+s19+$0x0] =	vst.idx.msk $0xffff, v26  }
0xf2: {  	s18 =	smov.u32 s26;
	s26 =	smov.u32 s25;
	s25 =	rddreg [dreg:$0x6];
	v28 =	vor.u32 v13, v19;
	v26 =	vld [tilespmem:s17+$0x0];
	[tilespmem:v30+s19+$0x0] =	vst.idx.msk $0xffff, v27  }
0xf3: {  	s7 =	sadd.s32 $0x20, s23;
	s23 =	sld [smem:$0x7DC];
	s0 =	sadd.s32 $0x10, s11;
	v30 =	vor.u32 v13, v18;
	[tilespmem:v42+s19+$0x0] =	vst.idx.msk $0xffff, v31;
	v27 =	vld [tilespmem:s4+$0x0]  }
0xf4: {  	[dreg:$0xc] =	wrdreg s18;
	s24 =	sor.u32 $0x200, s0;
	v31 =	vor.u32 v10, v17;
	[tilespmem:v44+s19+$0x0] =	vst.idx.msk $0xffff, v43;
	v32 =	vld [tilespmem:s25+$0x0]  }
0xf5: {  	v47 =	vor.u32 v5, v20;
	s13 =	sor.u32 $0x200, s7;
	s18 =	rddreg [dreg:$0x7];
	s12 =	smov.u32 s1;
	[tilespmem:v45+s19+$0x0] =	vst.idx.msk $0xffff, v29;
	v33 =	vld [tilespmem:s24+$0x0]  }
0xf6: {  	p2 =	por !p2, !p2;
	v48 =	vor.u32 v5, v23;
	[dreg:$0x6] =	wrdreg s12;
	[tilespmem:v63+s19+$0x0] =	vst.idx.msk $0xffff, v46;
	v29 =	vld [tilespmem:s13+$0x0]  }
0xf7: {  	v49 =	vor.u32 v4, v24;
	s1 =	simm.s32 $0x1;
	s17 =	smov.u32 s5;
	s4 =	sld [smem:$0x7DD];
	v36 =	vld [tilespmem:s10+$0x180];
	[tilespmem:v28+s19+$0x0] =	vst.idx.msk $0xffff, v26  }
0xf8: {  	s1 =	simm.s32 @!p2 $0x0;
	[dreg:$0xa] =	wrdreg s17;
	v28 =	vor.u32 v14, v19;
	v26 =	vld [tilespmem:s15+$0x0];
	[tilespmem:v30+s19+$0x0] =	vst.idx.msk $0xffff, v27  }
0xf9: {  	s1 =	sshll.u32 s1, $0x6;
	s17 =	rddreg [dreg:$0xb];
	s25 =	sor.u32 $0x280, s0;
	v30 =	vor.u32 v14, v18;
	v27 =	vld [tilespmem:s18+$0x0];
	[tilespmem:v31+s19+$0x0] =	vst.idx.msk $0xffff, v32  }
0xfa: {  	s24 =	smov.u32 s23;
	s23 =	smov.u32 s16;
	s16 =	sld [smem:$0x7E3];
	v31 =	vor.u32 v11, v17;
	[tilespmem:v47+s19+$0x0] =	vst.idx.msk $0xffff, v33;
	v32 =	vld [tilespmem:s4+$0x0]  }
0xfb: {  	v50 =	vor.u32 v6, v20;
	s12 =	sor.u32 $0x280, s7;
	s2 =	sadd.s32 s1, s30;
	[dreg:$0x7] =	wrdreg s24;
	[tilespmem:v48+s19+$0x0] =	vst.idx.msk $0xffff, v29;
	v33 =	vld [tilespmem:s25+$0x0]  }
0xfc: {  	v51 =	vor.u32 v6, v23;
	s13 =	sor.u32 $0x200, s2;
	s10 =	sld [smem:$0x7DE];
	s4 =	sadd.s32 $0x30, s11;
	[tilespmem:v49+s19+$0x0] =	vst.idx.msk $0xffff, v36;
	v29 =	vld [tilespmem:s12+$0x0]  }
0xfd: {  	v52 =	vor.u32 v5, v24;
	s24 =	sld [smem:$0x7DF];
	s15 =	sor.u32 $0x200, s4;
	v36 =	vld [tilespmem:s13+$0x0];
	[tilespmem:v28+s19+$0x0] =	vst.idx.msk $0xffff, v26  }
0xfe: {  	[dreg:$0xb] =	wrdreg s23;
	v26 =	vld [tilespmem:s15+$0x0];
	v28 =	vor.u32 v5, v22;
	[tilespmem:v30+s19+$0x0] =	vst.idx.msk $0xffff, v27  }
0xff: {  	s23 =	sld [smem:$0x7E4];
	v30 =	vor.u32 v12, v21;
	[tilespmem:v31+s19+$0x0] =	vst.idx.msk $0xffff, v32  }
0x100: {  	s18 =	smov.u32 s10;
	s10 =	sld [smem:$0x7E1];
	v31 =	vor.u32 v12, v17;
	[tilespmem:v50+s19+$0x0] =	vst.idx.msk $0xffff, v33;
	v32 =	vld [tilespmem:s24+$0x0]  }
0x101: {  	s0 =	sor.u32 $0x300, s0;
	s11 =	sor.u32 $0x300, s7;
	s7 =	sld [smem:$0x7E8];
	v27 =	vld [tilespmem:s17+$0x0];
	[tilespmem:v51+s19+$0x0] =	vst.idx.msk $0xffff, v29;
	v29 =	vor.u32 v15, v19  }
0x102: {  	v53 =	vor.u32 v7, v20;
	s5 =	sor.u32 $0x280, s2;
	s25 =	sld [smem:$0x7E0];
	v33 =	vld [tilespmem:s0+$0x0];
	[tilespmem:v52+s19+$0x0] =	vst.idx.msk $0xffff, v36  }
0x103: {  	v56 =	vor.u32 v6, v24;
	s13 =	sld [smem:$0x7E2];
	v55 =	vld [tilespmem:s5+$0x0];
	[tilespmem:v28+s19+$0x0] =	vst.idx.msk $0xffff, v26  }
0x104: {  	s12 =	rddreg [dreg:$0x8];
	v54 =	vld [tilespmem:s20+$0x0];
	[tilespmem:v30+s19+$0x0] =	vst.idx.msk $0xffff, v25  }
0x105: {  	s17 =	smov.u32 s25;
	s25 =	sor.u32 $0x300, s2;
	s2 =	sld [smem:$0x7E6];
	v26 =	vld [tilespmem:s11+$0x0];
	v28 =	vor.u32 v7, v23;
	[tilespmem:v31+s19+$0x0] =	vst.idx.msk $0xffff, v32  }
0x106: {  	s15 =	smov.u32 s13;
	s13 =	sld [smem:$0x7E9];
	v30 =	vor.u32 v13, v21;
	v25 =	vld [tilespmem:s12+$0x0];
	[tilespmem:v29+s19+$0x0] =	vst.idx.msk $0xffff, v27  }
0x107: {  	[dreg:$0x8] =	wrdreg s15;
	s0 =	sor.u32 $0x380, s16;
	v31 =	vor.u32 v13, v17;
	[tilespmem:v53+s19+$0x0] =	vst.idx.msk $0xffff, v33;
	v32 =	vld [tilespmem:s23+$0x0]  }
0x108: {  	v57 =	vor.u32 v8, v20;
	s5 =	sld [smem:$0x7E7];
	v33 =	vld [tilespmem:s0+$0x0];
	[tilespmem:v56+s19+$0x0] =	vst.idx.msk $0xffff, v55  }
0x109: {  	s24 =	sld [smem:$0x7E5];
	v29 =	vor.u32 v16, v19;
	v19 =	vmov v24;
	v27 =	vld [tilespmem:s2+$0x0]  }
0x10a: {  	s20 =	smov.u32 s10;
	s16 =	rddreg [dreg:$0x1e];
	v58 =	vor.u32 v7, v19;
	[tilespmem:v28+s19+$0x0] =	vst.idx.msk $0xffff, v26;
	v24 =	vld [tilespmem:s25+$0x0]  }
0x10b: {  	s10 =	smov.u32 s7;
	s7 =	sld [smem:$0x7ED];
	s0 =	sor.u32 $0x380, s5;
	[tilespmem:v30+s19+$0x0] =	vst.idx.msk $0xffff, v25  }
0x10c: {  	s11 =	smov.u32 s6;
	s6 =	rddreg [dreg:$0x9];
	v28 =	vor.u32 v8, v23;
	v26 =	vld [tilespmem:s0+$0x0];
	[tilespmem:v31+s19+$0x0] =	vst.idx.msk $0xffff, v32  }
0x10d: {  	v59 =	vor.u32 v14, v21;
	s12 =	rddreg [dreg:$0x1f];
	v25 =	vld [tilespmem:s6+$0x0];
	[tilespmem:v57+s19+$0x0] =	vst.idx.msk $0xffff, v33  }
0x10e: {  	s15 =	smov.u32 s24;
	s24 =	rddreg [dreg:$0x19];
	v31 =	vor.u32 v14, v17;
	v32 =	vld [tilespmem:s12+$0x0];
	[tilespmem:v29+s19+$0x0] =	vst.idx.msk $0xffff, v27  }
0x10f: {  	v60 =	vor.u32 v9, v20;
	s1 =	sor.u32 $0x380, s24;
	s25 =	rddreg [dreg:$0x1b];
	v33 =	vld [tilespmem:s16+$0x0];
	[tilespmem:v58+s19+$0x0] =	vst.idx.msk $0xffff, v24  }
0x110: {  	s23 =	sor.u32 $0x280, s4;
	v24 =	vor.u32 v15, v18;
	v27 =	vld [tilespmem:s1+$0x0];
	s1 =	sld [smem:$0x7EA]  }
0x111: {  	s2 =	sld [smem:$0x7EB];
	v30 =	vld [tilespmem:s23+$0x0];
	v29 =	vor.u32 v8, v19;
	[tilespmem:v28+s19+$0x0] =	vst.idx.msk $0xffff, v26  }
0x112: {  	v62 =	vor.u32 v9, v23;
	[dreg:$0x9] =	wrdreg s10;
	v61 =	vld [tilespmem:s25+$0x0];
	[tilespmem:v59+s19+$0x0] =	vst.idx.msk $0xffff, v25  }
0x113: {  	s9 =	sadd.s32 $0x4, s9;
	v63 =	vor.u32 v15, v21;
	s10 =	smov.u32 s13;
	s13 =	sld [smem:$0x7EE];
	[tilespmem:v31+s19+$0x0] =	vst.idx.msk $0xffff, v32;
	v25 =	vld [tilespmem:s1+$0x0]  }
0x114: {  	v40 =	vor.u32 v15, v17;
	p3 =	slt.u32 s9, $0x3C;
	s6 =	rddreg [dreg:$0x1a];
	[tilespmem:v60+s19+$0x0] =	vst.idx.msk $0xffff, v33;
	v41 =	vld [tilespmem:s2+$0x0]  }
.Ltmp2:
0x115: {  	s5 =	sld [smem:$0x7EC];
	v28 =	vld [tilespmem:s6+$0x0];
	[tilespmem:v24+s19+$0x0] =	vst.idx.msk $0xffff, v54;
	(pc) =	sbr.rel @p3 .LBB2_3-.Ltmp2, $4  }
0x116: {  	s23 =	smov.u32 s22;
	s22 =	rddreg [dreg:$0x15];
	[tilespmem:v29+s19+$0x0] =	vst.idx.msk $0xffff, v27;
	v26 =	vld [tilespmem:s7+$0x0]  }
0x117: {  	s29 =	sadd.s32 $0x8, s29;
	v35 =	vor.u32 v6, v22;
	s24 =	rddreg [dreg:$0x16];
	v34 =	vor.u32 v9, v19;
	s0 =	sor.u32 $0x300, s4;
	[tilespmem:v62+s19+$0x0] =	vst.idx.msk $0xffff, v61;
	v33 =	vld [tilespmem:s22+$0x0]  }
0x118: {  	s12 =	smov.u32 s5;
	s16 =	smov.u32 s13;
	s25 =	sor.u32 s31, s30;
	v29 =	vor.u32 v16, v18;
	v18 =	vmov v23;
	v27 =	vor.u32 v16, v21;
	v31 =	vld [tilespmem:s24+$0x0];
	[tilespmem:v63+s19+$0x0] =	vst.idx.msk $0xffff, v25  }
0x119: {  	s30 =	sadd.s32 $0x200, s30;
	s31 =	sadd.s32 $0x40, s31;
	s1 =	sor.u32 $0x380, s25;
	v32 =	vor.u32 v10, v18;
	[tilespmem:v40+s19+$0x0] =	vst.idx.msk $0xffff, v41;
	v25 =	vor.u32 v16, v17;
	v17 =	vmov v22;
	v24 =	vld [tilespmem:s14+$0x0]  }
0x11a: {  	_ =	sdelay $0x3  }
0x11b: {  	[tilespmem:v35+s19+$0x0] =	vst.idx.msk $0xffff, v30  }
0x11c: {  	v22 =	vor.u32 v7, v17;
	v21 =	vld [tilespmem:s0+$0x0];
	_ =	sdelay $0x4  }
0x11d: {  	[tilespmem:v22+s19+$0x0] =	vst.idx.msk $0xffff, v21  }
0x11e: {  	v22 =	vor.u32 v8, v17;
	v21 =	vld [tilespmem:s1+$0x0];
	_ =	sdelay $0x4  }
0x11f: {  	[tilespmem:v22+s19+$0x0] =	vst.idx.msk $0xffff, v21  }
0x120: {  	s5 =	rddreg [dreg:$0xe];
	[tilespmem:v34+s19+$0x0] =	vst.idx.msk $0xffff, v33  }
0x121: {  	v22 =	vor.u32 v9, v17;
	v21 =	vld [tilespmem:s5+$0x0];
	s6 =	rddreg [dreg:$0xf]  }
0x122: {  	v30 =	vor.u32 v10, v19;
	v23 =	vld [tilespmem:s6+$0x0];
	_ =	sdelay $0x1  }
0x123: {  	v49 =	vor.u32 v10, v20;
	_ =	sdelay $0x1  }
0x124: {  	[tilespmem:v22+s19+$0x0] =	vst.idx.msk $0xffff, v21  }
0x125: {  	s7 =	rddreg [dreg:$0x6];
	[tilespmem:v30+s19+$0x0] =	vst.idx.msk $0xffff, v23  }
0x126: {  	s9 =	rddreg [dreg:$0x12];
	[tilespmem:v32+s19+$0x0] =	vst.idx.msk $0xffff, v31  }
0x127: {  	v22 =	vor.u32 v10, v17;
	v21 =	vld [tilespmem:s7+$0x0];
	[tilespmem:v49+s19+$0x0] =	vst.idx.msk $0xffff, v28  }
0x128: {  	v30 =	vor.u32 v11, v19;
	v23 =	vld [tilespmem:s9+$0x0];
	s13 =	rddreg [dreg:$0x10]  }
0x129: {  	v31 =	vor.u32 v11, v18;
	v28 =	vld [tilespmem:s13+$0x0]  }
0x12a: {  	s14 =	rddreg [dreg:$0xd]  }
0x12b: {  	v51 =	vor.u32 v11, v20;
	v50 =	vld [tilespmem:s14+$0x0]  }
0x12c: {  	[tilespmem:v22+s19+$0x0] =	vst.idx.msk $0xffff, v21  }
0x12d: {  	[tilespmem:v30+s19+$0x0] =	vst.idx.msk $0xffff, v23  }
0x12e: {  	[tilespmem:v31+s19+$0x0] =	vst.idx.msk $0xffff, v28  }
0x12f: {  	v21 =	vor.u32 v11, v17;
	v22 =	vld [tilespmem:s18+$0x0];
	s21 =	rddreg [dreg:$0x5]  }
0x130: {  	v28 =	vor.u32 v12, v19;
	[tilespmem:v51+s19+$0x0] =	vst.idx.msk $0xffff, v50;
	v23 =	vld [tilespmem:s21+$0x0]  }
0x131: {  	s22 =	rddreg [dreg:$0x4]  }
0x132: {  	v31 =	vor.u32 v12, v18;
	s24 =	rddreg [dreg:$0x11];
	v30 =	vld [tilespmem:s22+$0x0]  }
0x133: {  	v52 =	vor.u32 v12, v20;
	v32 =	vld [tilespmem:s24+$0x0]  }
0x134: {  	[tilespmem:v21+s19+$0x0] =	vst.idx.msk $0xffff, v22  }
0x135: {  	[tilespmem:v28+s19+$0x0] =	vst.idx.msk $0xffff, v23  }
0x136: {  	v21 =	vor.u32 v12, v17;
	v22 =	vld [tilespmem:s17+$0x0];
	s25 =	rddreg [dreg:$0xc]  }
0x137: {  	v28 =	vor.u32 v13, v19;
	[tilespmem:v31+s19+$0x0] =	vst.idx.msk $0xffff, v30;
	v23 =	vld [tilespmem:s25+$0x0]  }
0x138: {  	v31 =	vor.u32 v13, v18;
	[tilespmem:v52+s19+$0x0] =	vst.idx.msk $0xffff, v32;
	v30 =	vld [tilespmem:s26+$0x0]  }
0x139: {  	s28 =	rddreg [dreg:$0x8]  }
0x13a: {  	v53 =	vor.u32 v13, v20;
	v32 =	vld [tilespmem:s28+$0x0]  }
0x13b: {  	[tilespmem:v21+s19+$0x0] =	vst.idx.msk $0xffff, v22  }
0x13c: {  	v21 =	vor.u32 v13, v17;
	v22 =	vld [tilespmem:s15+$0x0];
	[tilespmem:v28+s19+$0x0] =	vst.idx.msk $0xffff, v23  }
0x13d: {  	s29 =	rddreg [dreg:$0xa];
	[tilespmem:v31+s19+$0x0] =	vst.idx.msk $0xffff, v30  }
0x13e: {  	v28 =	vor.u32 v14, v19;
	v23 =	vld [tilespmem:s29+$0x0];
	s1 =	rddreg [dreg:$0x7]  }
0x13f: {  	v31 =	vor.u32 v14, v18;
	[tilespmem:v53+s19+$0x0] =	vst.idx.msk $0xffff, v32;
	v30 =	vld [tilespmem:s1+$0x0]  }
0x140: {  	s2 =	rddreg [dreg:$0x9]  }
0x141: {  	v54 =	vor.u32 v14, v20;
	[tilespmem:v21+s19+$0x0] =	vst.idx.msk $0xffff, v22;
	v32 =	vld [tilespmem:s2+$0x0]  }
0x142: {  	v21 =	vor.u32 v14, v17;
	v22 =	vld [tilespmem:s10+$0x0]  }
0x143: {  	[tilespmem:v28+s19+$0x0] =	vst.idx.msk $0xffff, v23  }
0x144: {  	[tilespmem:v31+s19+$0x0] =	vst.idx.msk $0xffff, v30  }
0x145: {  	v31 =	vor.u32 v15, v18;
	s4 =	rddreg [dreg:$0xb];
	v30 =	vld [tilespmem:s20+$0x0]  }
0x146: {  	v28 =	vor.u32 v15, v19;
	[tilespmem:v54+s19+$0x0] =	vst.idx.msk $0xffff, v32;
	v23 =	vld [tilespmem:s4+$0x0]  }
0x147: {  	v55 =	vor.u32 v15, v20;
	[tilespmem:v21+s19+$0x0] =	vst.idx.msk $0xffff, v22;
	v32 =	vld [tilespmem:s23+$0x0]  }
0x148: {  	v21 =	vor.u32 v15, v17;
	[tilespmem:v29+s19+$0x0] =	vst.idx.msk $0xffff, v26;
	v22 =	vld [tilespmem:s12+$0x0]  }
0x149: {  	[tilespmem:v27+s19+$0x0] =	vst.idx.msk $0xffff, v24  }
0x14a: {  	[tilespmem:v31+s19+$0x0] =	vst.idx.msk $0xffff, v30  }
0x14b: {  	[tilespmem:v28+s19+$0x0] =	vst.idx.msk $0xffff, v23  }
0x14c: {  	[tilespmem:v55+s19+$0x0] =	vst.idx.msk $0xffff, v32  }
0x14d: {  	v26 =	vld [tilespmem:s3+$0x0];
	[tilespmem:v21+s19+$0x0] =	vst.idx.msk $0xffff, v22  }
0x14e: {  	v18 =	vor.u32 v16, v18;
	v28 =	vld [tilespmem:s16+$0x0];
	s5 =	sld [smem:$0x7F1]  }
0x14f: {  	v19 =	vor.u32 v16, v19;
	v23 =	vld [tilespmem:s11+$0x0]  }
0x150: {  	v20 =	vor.u32 v16, v20;
	v29 =	vld [tilespmem:s8+$0x0]  }
0x151: {  	v17 =	vor.u32 v16, v17;
	v21 =	vld [tilespmem:s5+$0x0]  }
0x152: {  	[tilespmem:v25+s19+$0x0] =	vst.idx.msk $0xffff, v26  }
0x153: {  	[tilespmem:v18+s19+$0x0] =	vst.idx.msk $0xffff, v28  }
0x154: {  	[tilespmem:v19+s19+$0x0] =	vst.idx.msk $0xffff, v23  }
0x155: {  	[tilespmem:v20+s19+$0x0] =	vst.idx.msk $0xffff, v29  }
0x156: {  	s6 =	sld [smem:$0x7F2];
	[tilespmem:v17+s19+$0x0] =	vst.idx.msk $0xffff, v21  }
0x157: {  	s7 =	sld [smem:$0x7F4];
	_ =	sdelay $0x1  }
0x158: {  	s0 =	sshll.u32 s6, $0x8;
	s9 =	sld [smem:$0x7EF]  }
0x159: {  	s8 =	simm.s32 $0x0;
	s24 =	sld [smem:$0x7F0];
	s0 =	sadd.s32 s7, s0  }
0x15a: {  	[hbm4b:s0+s8] =	stream.linear.scatter [tilespmem:s19], [sflag:$0x3], $0x4000, $0x38;
	[tilespmem:$0x10000] =	vst v63  }
0x15b: {  	s0 =	sld [smem:$0x7F7]  }
0x15c: {  	s23 =	sld [smem:$0x7FD]  }
0x15d: {  	p2 =	seq.s32 s9, $0xF  }
0x15e: {  	s0 =	sadd.s32 @!p2 s24, s0  }
0x15f: {  	s1 =	rddreg [dreg:$0x0];
	s0 =	smin.u32 @!p2 s0, s23  }
0x160: {  	s10 =	simm.s32 $0x2;
	s2 =	simm.s32 @!p2 $0x7A1400;
	s0 =	sshll.u32 @!p2 s0, $0x7  }
0x161: {  	s3 =	simm.s32 @!p2 $0x0;
	s0 =	sadd.s32 @!p2 s1, s0;
	s1 =	simm.s32 @!p2 $0x2000  }
0x162: {  	[tilespmem:s3], [sflag:$0x1] =	stream.strided.gather @!p2 [hbm4b:s0+s1], $0x4000, s2, s1, $0x38;
	[tilespmem:$0x10000] =	vst v63  }
0x163: {  	_ =	swait.ge [sflag:s10], $0x4000  }
0x164: {  	s11 =	simm.s32 $0x0;
	[sflag:s10] =	ssyncset.done $0x0  }
0x165: {  	s1 =	simm.s32 @!p1 $0x4;
	s0 =	simm.s32 $0x0;
	[sflag:s10] =	ssyncadd.s32 $0xFFFFC000  }
0x166: {  	v17 =	vmov s11;
	s3 =	simm.s32 $0x0;
	s6 =	sand.u32 $0x1C00, s0;
	_ =	swait.ge @!p1 [sflag:s1], $0x4000  }
0x167: {  	v17 =	vshll.u32 v17, $0x7;
	s5 =	sand.u32 $0x40, s3;
	s12 =	sor.u32 $0x4000, s6;
	[sflag:s1] =	ssyncset.done @!p1 $0x0  }
0x168: {  	s14 =	simm.s32 $0x2;
	v23 =	vor.u32 v1, v17;
	s15 =	sor.u32 s5, s12;
	[sflag:s1] =	ssyncadd.s32 @!p1 $0xFFFFC000  }
0x169: {  	v17 =	vmov s14;
	v19 =	vor.u32 v0, v23;
	s8 =	simm.s32 $0x10;
	v18 =	vld [tilespmem:s15+$0x0]  }
0x16a: {  	v17 =	vshll.u32 v17, $0x7;
	s1 =	sand.u32 $0x50, s8  }
0x16b: {  	v21 =	vor.u32 v1, v17;
	s16 =	sor.u32 s1, s12  }
0x16c: {  	s17 =	simm.s32 $0x4;
	v20 =	vor.u32 v0, v21;
	v17 =	vld [tilespmem:s16+$0x0]  }
0x16d: {  	s21 =	simm.s32 $0xC000;
	s4 =	simm.s32 $0x6;
	v22 =	vmov s17;
	s9 =	simm.s32 $0x20  }
0x16e: {  	v24 =	vmov s4;
	v22 =	vshll.u32 v22, $0x7;
	s7 =	sand.u32 $0x60, s9;
	s2 =	simm.s32 $0x30;
	[tilespmem:v19+s21+$0x0] =	vst.idx.msk $0xffff, v18  }
0x16f: {  	v25 =	vor.u32 v2, v23;
	s4 =	sand.u32 $0x70, s2;
	s13 =	sor.u32 s7, s12;
	v18 =	vshll.u32 v24, $0x7;
	v24 =	vor.u32 v1, v22;
	v19 =	vld [tilespmem:s15+$0x80]  }
0x170: {  	s10 =	sor.u32 s4, s12;
	v22 =	vor.u32 v1, v18;
	v18 =	vld [tilespmem:s13+$0x0];
	v26 =	vor.u32 v0, v24  }
0x171: {  	v28 =	vld [tilespmem:s10+$0x0];
	[tilespmem:v20+s21+$0x0] =	vst.idx.msk $0xffff, v17;
	v27 =	vor.u32 v0, v22  }
0x172: {  	v20 =	vor.u32 v2, v21;
	v17 =	vld [tilespmem:s16+$0x80];
	_ =	sdelay $0x1  }
0x173: {  	[tilespmem:v25+s21+$0x0] =	vst.idx.msk $0xffff, v19  }
0x174: {  	[tilespmem:v26+s21+$0x0] =	vst.idx.msk $0xffff, v18;
	v19 =	vor.u32 v3, v23;
	v18 =	vld [tilespmem:s15+$0x100]  }
0x175: {  	v26 =	vor.u32 v2, v24;
	v25 =	vld [tilespmem:s13+$0x80];
	[tilespmem:v27+s21+$0x0] =	vst.idx.msk $0xffff, v28  }
0x176: {  	v27 =	vor.u32 v2, v22;
	[tilespmem:v20+s21+$0x0] =	vst.idx.msk $0xffff, v17;
	v28 =	vld [tilespmem:s10+$0x80]  }
0x177: {  	v20 =	vor.u32 v3, v21;
	v17 =	vld [tilespmem:s16+$0x100];
	_ =	sdelay $0x1  }
0x178: {  	[tilespmem:v19+s21+$0x0] =	vst.idx.msk $0xffff, v18  }
0x179: {  	[tilespmem:v26+s21+$0x0] =	vst.idx.msk $0xffff, v25;
	v19 =	vor.u32 v4, v23;
	v18 =	vld [tilespmem:s15+$0x180]  }
0x17a: {  	s11 =	simm.s32 $0x1;
	p1 =	por $0x0, $0x0;
	v26 =	vor.u32 v3, v24;
	v25 =	vld [tilespmem:s13+$0x100];
	[tilespmem:v27+s21+$0x0] =	vst.idx.msk $0xffff, v28  }
0x17b: {  	s11 =	simm.s32 @!p1 $0x0;
	v28 =	vor.u32 v3, v22;
	[tilespmem:v20+s21+$0x0] =	vst.idx.msk $0xffff, v17;
	v27 =	vld [tilespmem:s10+$0x100]  }
0x17c: {  	s11 =	sshll.u32 s11, $0x6;
	v20 =	vor.u32 v4, v21;
	v17 =	vld [tilespmem:s16+$0x180]  }
0x17d: {  	s18 =	sand.u32 $0x7, s0;
	s11 =	sadd.s32 $0x0, s11  }
0x17e: {  	s12 =	sshll.u32 s18, $0x4;
	s14 =	sor.u32 $0x200, s11;
	[tilespmem:v19+s21+$0x0] =	vst.idx.msk $0xffff, v18  }
0x17f: {  	s12 =	sadd.s32 $0x0, s12;
	[tilespmem:v26+s21+$0x0] =	vst.idx.msk $0xffff, v25;
	v19 =	vor.u32 v5, v23;
	v18 =	vld [tilespmem:s14+$0x4000]  }
0x180: {  	s20 =	sadd.s32 $0x10, s12;
	v26 =	vor.u32 v4, v24;
	v25 =	vld [tilespmem:s13+$0x180];
	[tilespmem:v28+s21+$0x0] =	vst.idx.msk $0xffff, v27  }
0x181: {  	s22 =	sand.u32 $0x3, s0;
	s25 =	sor.u32 $0x200, s20;
	v28 =	vor.u32 v4, v22;
	[tilespmem:v20+s21+$0x0] =	vst.idx.msk $0xffff, v17;
	v27 =	vld [tilespmem:s10+$0x180]  }
0x182: {  	s14 =	sshll.u32 s22, $0x5;
	v20 =	vor.u32 v5, v21;
	v17 =	vld [tilespmem:s25+$0x4000]  }
0x183: {  	s26 =	sadd.s32 $0x0, s14  }
0x184: {  	s28 =	sor.u32 $0x280, s11;
	s10 =	sadd.s32 $0x20, s26;
	[tilespmem:v19+s21+$0x0] =	vst.idx.msk $0xffff, v18  }
0x185: {  	s12 =	sadd.s32 $0x30, s12;
	s29 =	sor.u32 $0x200, s10;
	[tilespmem:v26+s21+$0x0] =	vst.idx.msk $0xffff, v25;
	v19 =	vor.u32 v6, v23;
	v18 =	vld [tilespmem:s28+$0x4000]  }
0x186: {  	s15 =	sor.u32 $0x200, s12;
	v26 =	vor.u32 v5, v24;
	v25 =	vld [tilespmem:s29+$0x4000];
	[tilespmem:v28+s21+$0x0] =	vst.idx.msk $0xffff, v27  }
0x187: {  	s16 =	sor.u32 $0x280, s20;
	v28 =	vor.u32 v5, v22;
	[tilespmem:v20+s21+$0x0] =	vst.idx.msk $0xffff, v17;
	v27 =	vld [tilespmem:s15+$0x4000]  }
0x188: {  	v20 =	vor.u32 v6, v21;
	v17 =	vld [tilespmem:s16+$0x4000];
	_ =	sdelay $0x1  }
0x189: {  	s11 =	sor.u32 $0x300, s11;
	[tilespmem:v19+s21+$0x0] =	vst.idx.msk $0xffff, v18  }
0x18a: {  	s17 =	sor.u32 $0x280, s10;
	[tilespmem:v26+s21+$0x0] =	vst.idx.msk $0xffff, v25;
	v19 =	vor.u32 v7, v23;
	v18 =	vld [tilespmem:s11+$0x4000]  }
0x18b: {  	s18 =	sor.u32 $0x280, s12;
	v26 =	vor.u32 v6, v24;
	v25 =	vld [tilespmem:s17+$0x4000];
	[tilespmem:v28+s21+$0x0] =	vst.idx.msk $0xffff, v27  }
0x18c: {  	s20 =	sor.u32 $0x300, s20;
	v28 =	vor.u32 v6, v22;
	[tilespmem:v20+s21+$0x0] =	vst.idx.msk $0xffff, v17;
	v27 =	vld [tilespmem:s18+$0x4000]  }
0x18d: {  	v20 =	vor.u32 v7, v21;
	v17 =	vld [tilespmem:s20+$0x4000]  }
0x18e: {  	s3 =	sor.u32 s3, s0  }
0x18f: {  	s3 =	sor.u32 $0x380, s3;
	[tilespmem:v19+s21+$0x0] =	vst.idx.msk $0xffff, v18  }
0x190: {  	s10 =	sor.u32 $0x300, s10;
	[tilespmem:v26+s21+$0x0] =	vst.idx.msk $0xffff, v25;
	v19 =	vor.u32 v8, v23;
	v18 =	vld [tilespmem:s3+$0x4000]  }
0x191: {  	s22 =	sor.u32 s8, s0;
	s25 =	sor.u32 $0x300, s12;
	v26 =	vor.u32 v7, v24;
	v25 =	vld [tilespmem:s10+$0x4000];
	[tilespmem:v28+s21+$0x0] =	vst.idx.msk $0xffff, v27  }
0x192: {  	[tilespmem:v20+s21+$0x0] =	vst.idx.msk $0xffff, v17;
	s3 =	sor.u32 $0x380, s22;
	v20 =	vor.u32 v7, v22;
	v17 =	vld [tilespmem:s25+$0x4000]  }
0x193: {  	v28 =	vor.u32 v8, v21;
	v27 =	vld [tilespmem:s3+$0x4000]  }
0x194: {  	s26 =	sor.u32 $0x6000, s6  }
0x195: {  	s28 =	sor.u32 s9, s0;
	s29 =	sor.u32 s5, s26;
	[tilespmem:v19+s21+$0x0] =	vst.idx.msk $0xffff, v18  }
0x196: {  	s0 =	sor.u32 s2, s0;
	s8 =	sor.u32 $0x380, s28;
	[tilespmem:v26+s21+$0x0] =	vst.idx.msk $0xffff, v25;
	v19 =	vor.u32 v9, v23;
	v18 =	vld [tilespmem:s29+$0x0]  }
0x197: {  	s0 =	sor.u32 $0x380, s0;
	v26 =	vor.u32 v8, v24;
	v25 =	vld [tilespmem:s8+$0x4000];
	[tilespmem:v20+s21+$0x0] =	vst.idx.msk $0xffff, v17  }
0x198: {  	s9 =	sor.u32 s1, s26;
	[tilespmem:v28+s21+$0x0] =	vst.idx.msk $0xffff, v27;
	v20 =	vor.u32 v8, v22;
	v17 =	vld [tilespmem:s0+$0x4000]  }
0x199: {  	v28 =	vor.u32 v9, v21;
	v27 =	vld [tilespmem:s9+$0x0]  }
0x19a: {  	s10 =	sor.u32 $0x6080, s6  }
0x19b: {  	s11 =	sor.u32 s5, s10;
	[tilespmem:v19+s21+$0x0] =	vst.idx.msk $0xffff, v18  }
0x19c: {  	s12 =	sor.u32 s7, s26;
	[tilespmem:v26+s21+$0x0] =	vst.idx.msk $0xffff, v25;
	v19 =	vor.u32 v10, v23;
	v18 =	vld [tilespmem:s11+$0x0]  }
0x19d: {  	s13 =	sor.u32 s4, s26;
	v26 =	vor.u32 v9, v24;
	v25 =	vld [tilespmem:s12+$0x0];
	[tilespmem:v20+s21+$0x0] =	vst.idx.msk $0xffff, v17  }
0x19e: {  	s14 =	sor.u32 s1, s10;
	[tilespmem:v28+s21+$0x0] =	vst.idx.msk $0xffff, v27;
	v20 =	vor.u32 v9, v22;
	v17 =	vld [tilespmem:s13+$0x0]  }
0x19f: {  	v28 =	vor.u32 v10, v21;
	v27 =	vld [tilespmem:s14+$0x0]  }
0x1a0: {  	s18 =	simm.s32 $0x8;
	s13 =	sor.u32 $0x6100, s6  }
0x1a1: {  	s20 =	simm.s32 $0xA;
	s15 =	sor.u32 s7, s10;
	s16 =	sor.u32 s5, s13;
	[tilespmem:v19+s21+$0x0] =	vst.idx.msk $0xffff, v18  }
0x1a2: {  	s8 =	simm.s32 $0x200;
	s29 =	simm.s32 $0xC;
	s0 =	sor.u32 s4, s10;
	[tilespmem:v26+s21+$0x0] =	vst.idx.msk $0xffff, v25;
	v25 =	vor.u32 v11, v23;
	v19 =	vld [tilespmem:s16+$0x0]  }
0x1a3: {  	v30 =	vor.u32 v10, v24;
	v31 =	vor.u32 v10, v22;
	s30 =	sand.u32 $0x1C00, s8;
	s10 =	simm.s32 $0x50;
	s11 =	simm.s32 $0x40;
	v18 =	vmov s18;
	v29 =	vld [tilespmem:s15+$0x0];
	[tilespmem:v20+s21+$0x0] =	vst.idx.msk $0xffff, v17  }
0x1a4: {  	s22 =	sor.u32 $0x4000, s30;
	s31 =	sand.u32 $0x40, s11;
	s17 =	sor.u32 s1, s13;
	v26 =	vor.u32 v11, v21;
	v17 =	vshll.u32 v18, $0x7;
	v18 =	vmov s20;
	[tilespmem:v28+s21+$0x0] =	vst.idx.msk $0xffff, v27;
	v27 =	vld [tilespmem:s0+$0x0]  }
0x1a5: {  	s25 =	sand.u32 $0x50, s10;
	s12 =	simm.s32 $0x60;
	s3 =	sor.u32 s31, s22;
	v20 =	vmov s29;
	v17 =	vor.u32 v1, v17;
	v18 =	vshll.u32 v18, $0x7;
	v28 =	vld [tilespmem:s17+$0x0]  }
0x1a6: {  	s26 =	sand.u32 $0x60, s12;
	v56 =	vld [tilespmem:s3+$0x0];
	s15 =	simm.s32 $0xE;
	s16 =	sor.u32 s25, s22;
	v20 =	vshll.u32 v20, $0x7;
	v57 =	vor.u32 v0, v17;
	v18 =	vor.u32 v1, v18  }
0x1a7: {  	s9 =	simm.s32 $0x70;
	s28 =	sor.u32 s26, s22;
	v58 =	vmov s15;
	v59 =	vor.u32 v0, v18;
	[tilespmem:v25+s21+$0x0] =	vst.idx.msk $0xffff, v19;
	v25 =	vld [tilespmem:s16+$0x0];
	v19 =	vor.u32 v1, v20  }
0x1a8: {  	s2 =	sand.u32 $0x70, s9;
	v60 =	vld [tilespmem:s28+$0x0];
	s29 =	sor.u32 s7, s13;
	v20 =	vshll.u32 v58, $0x7;
	[tilespmem:v30+s21+$0x0] =	vst.idx.msk $0xffff, v29;
	v36 =	vor.u32 v0, v19  }
0x1a9: {  	s15 =	sor.u32 s2, s22;
	v30 =	vor.u32 v11, v24;
	v20 =	vor.u32 v1, v20;
	v29 =	vld [tilespmem:s29+$0x0];
	[tilespmem:v31+s21+$0x0] =	vst.idx.msk $0xffff, v27  }
0x1aa: {  	s13 =	sor.u32 s4, s13;
	v31 =	vld [tilespmem:s15+$0x0];
	[tilespmem:v26+s21+$0x0] =	vst.idx.msk $0xffff, v28;
	v27 =	vor.u32 v0, v20  }
0x1ab: {  	v28 =	vor.u32 v11, v22;
	[tilespmem:v57+s21+$0x0] =	vst.idx.msk $0xffff, v56;
	v26 =	vld [tilespmem:s13+$0x0]  }
0x1ac: {  	v61 =	vor.u32 v2, v17;
	v32 =	vld [tilespmem:s3+$0x80];
	[tilespmem:v59+s21+$0x0] =	vst.idx.msk $0xffff, v25  }
0x1ad: {  	s14 =	sor.u32 $0x6180, s6;
	v62 =	vor.u32 v2, v18;
	v25 =	vld [tilespmem:s16+$0x80];
	[tilespmem:v36+s21+$0x0] =	vst.idx.msk $0xffff, v60  }
0x1ae: {  	s17 =	sor.u32 s1, s14;
	v63 =	vor.u32 v2, v19;
	[tilespmem:v30+s21+$0x0] =	vst.idx.msk $0xffff, v29;
	v34 =	vld [tilespmem:s28+$0x80]  }
0x1af: {  	s18 =	sor.u32 s5, s14;
	v29 =	vor.u32 v12, v21;
	[tilespmem:v27+s21+$0x0] =	vst.idx.msk $0xffff, v31;
	v27 =	vld [tilespmem:s17+$0x0]  }
0x1b0: {  	[tilespmem:v28+s21+$0x0] =	vst.idx.msk $0xffff, v26;
	v26 =	vld [tilespmem:s18+$0x0];
	v28 =	vor.u32 v12, v23  }
0x1b1: {  	v30 =	vor.u32 v2, v20;
	v31 =	vld [tilespmem:s15+$0x80];
	[tilespmem:v61+s21+$0x0] =	vst.idx.msk $0xffff, v32  }
0x1b2: {  	v40 =	vor.u32 v3, v17;
	v32 =	vld [tilespmem:s3+$0x100];
	[tilespmem:v62+s21+$0x0] =	vst.idx.msk $0xffff, v25  }
0x1b3: {  	v41 =	vor.u32 v3, v18;
	v25 =	vld [tilespmem:s16+$0x100];
	[tilespmem:v63+s21+$0x0] =	vst.idx.msk $0xffff, v34  }
0x1b4: {  	s20 =	sor.u32 s4, s14;
	v42 =	vor.u32 v3, v19;
	s13 =	sor.u32 $0x6200, s6;
	[tilespmem:v29+s21+$0x0] =	vst.idx.msk $0xffff, v27;
	v34 =	vld [tilespmem:s28+$0x100]  }
0x1b5: {  	s22 =	sor.u32 s5, s13;
	v27 =	vld [tilespmem:s20+$0x0];
	v29 =	vor.u32 v12, v22;
	[tilespmem:v28+s21+$0x0] =	vst.idx.msk $0xffff, v26  }
0x1b6: {  	v28 =	vor.u32 v13, v23;
	[tilespmem:v30+s21+$0x0] =	vst.idx.msk $0xffff, v31;
	v26 =	vld [tilespmem:s22+$0x0]  }
0x1b7: {  	v31 =	vor.u32 v3, v20;
	v30 =	vld [tilespmem:s15+$0x100];
	[tilespmem:v40+s21+$0x0] =	vst.idx.msk $0xffff, v32  }
0x1b8: {  	p1 =	por !p1, !p1;
	s0 =	simm.s32 $0x2;
	v43 =	vor.u32 v4, v17;
	v32 =	vld [tilespmem:s3+$0x180];
	[tilespmem:v41+s21+$0x0] =	vst.idx.msk $0xffff, v25  }
0x1b9: {  	v44 =	vor.u32 v4, v18;
	s29 =	sand.u32 $0x3, s0;
	s20 =	simm.s32 $0x1;
	s3 =	simm.s32 $0x4;
	v25 =	vld [tilespmem:s16+$0x180];
	[tilespmem:v42+s21+$0x0] =	vst.idx.msk $0xffff, v34  }
0x1ba: {  	v45 =	vor.u32 v4, v19;
	s18 =	sor.u32 s4, s13;
	s20 =	simm.s32 @!p1 $0x0;
	s22 =	sand.u32 $0x7, s3;
	[tilespmem:v29+s21+$0x0] =	vst.idx.msk $0xffff, v27;
	v34 =	vld [tilespmem:s28+$0x180]  }
0x1bb: {  	s17 =	sor.u32 s1, s13;
	s20 =	sshll.u32 s20, $0x6;
	v29 =	vor.u32 v13, v22;
	v27 =	vld [tilespmem:s18+$0x0];
	[tilespmem:v28+s21+$0x0] =	vst.idx.msk $0xffff, v26;
	s28 =	sshll.u32 s22, $0x4  }
0x1bc: {  	s20 =	sadd.s32 $0x200, s20;
	v26 =	vld [tilespmem:s17+$0x0];
	v28 =	vor.u32 v13, v21;
	[tilespmem:v31+s21+$0x0] =	vst.idx.msk $0xffff, v30;
	s18 =	sadd.s32 $0x200, s28;
	s28 =	sshll.u32 s29, $0x5  }
0x1bd: {  	v31 =	vor.u32 v4, v20;
	v30 =	vld [tilespmem:s15+$0x180];
	[tilespmem:v43+s21+$0x0] =	vst.idx.msk $0xffff, v32;
	s29 =	sor.u32 $0x200, s20;
	s15 =	sadd.s32 $0x200, s28;
	s16 =	sadd.s32 $0x10, s18  }
0x1be: {  	v46 =	vor.u32 v5, v17;
	v32 =	vld [tilespmem:s29+$0x4000];
	s28 =	sor.u32 $0x200, s16;
	s22 =	sadd.s32 $0x20, s15;
	[tilespmem:v44+s21+$0x0] =	vst.idx.msk $0xffff, v25  }
0x1bf: {  	v47 =	vor.u32 v5, v18;
	s17 =	sor.u32 $0x6280, s6;
	s15 =	sor.u32 $0x200, s22;
	v25 =	vld [tilespmem:s28+$0x4000];
	[tilespmem:v45+s21+$0x0] =	vst.idx.msk $0xffff, v34  }
0x1c0: {  	v48 =	vor.u32 v5, v19;
	s29 =	sor.u32 s4, s17;
	[tilespmem:v29+s21+$0x0] =	vst.idx.msk $0xffff, v27;
	v34 =	vld [tilespmem:s15+$0x4000]  }
0x1c1: {  	v29 =	vor.u32 v14, v22;
	[tilespmem:v28+s21+$0x0] =	vst.idx.msk $0xffff, v26;
	v27 =	vld [tilespmem:s29+$0x0];
	s29 =	sor.u32 s1, s17;
	s15 =	sadd.s32 $0x30, s18  }
0x1c2: {  	v28 =	vor.u32 v14, v21;
	[tilespmem:v31+s21+$0x0] =	vst.idx.msk $0xffff, v30;
	v26 =	vld [tilespmem:s29+$0x0];
	s28 =	sor.u32 $0x200, s15  }
0x1c3: {  	v31 =	vor.u32 v5, v20;
	[tilespmem:v46+s21+$0x0] =	vst.idx.msk $0xffff, v32;
	v30 =	vld [tilespmem:s28+$0x4000];
	s28 =	sor.u32 $0x280, s20  }
0x1c4: {  	s14 =	sor.u32 s7, s14;
	v49 =	vor.u32 v6, v17;
	v32 =	vld [tilespmem:s28+$0x4000];
	[tilespmem:v47+s21+$0x0] =	vst.idx.msk $0xffff, v25  }
0x1c5: {  	v50 =	vor.u32 v12, v24;
	s29 =	sor.u32 $0x280, s22;
	v25 =	vld [tilespmem:s14+$0x0];
	s14 =	sor.u32 $0x6300, s6;
	[tilespmem:v48+s21+$0x0] =	vst.idx.msk $0xffff, v34  }
0x1c6: {  	v52 =	vor.u32 v6, v19;
	[tilespmem:v29+s21+$0x0] =	vst.idx.msk $0xffff, v27;
	s28 =	sor.u32 s4, s14;
	v51 =	vld [tilespmem:s29+$0x4000]  }
0x1c7: {  	v29 =	vor.u32 v15, v22;
	[tilespmem:v28+s21+$0x0] =	vst.idx.msk $0xffff, v26;
	v27 =	vld [tilespmem:s28+$0x0];
	s29 =	sor.u32 $0x280, s16  }
0x1c8: {  	s28 =	sor.u32 $0x280, s15;
	[tilespmem:v31+s21+$0x0] =	vst.idx.msk $0xffff, v30;
	v30 =	vld [tilespmem:s29+$0x4000];
	v31 =	vor.u32 v6, v18  }
0x1c9: {  	v28 =	vor.u32 v6, v20;
	s29 =	sor.u32 $0x300, s20;
	v26 =	vld [tilespmem:s28+$0x4000];
	[tilespmem:v49+s21+$0x0] =	vst.idx.msk $0xffff, v32  }
0x1ca: {  	v53 =	vor.u32 v7, v17;
	s13 =	sor.u32 s7, s13;
	v32 =	vld [tilespmem:s29+$0x4000];
	[tilespmem:v50+s21+$0x0] =	vst.idx.msk $0xffff, v25  }
0x1cb: {  	v54 =	vor.u32 v13, v24;
	s20 =	sor.u32 s1, s14;
	v25 =	vld [tilespmem:s13+$0x0];
	[tilespmem:v52+s21+$0x0] =	vst.idx.msk $0xffff, v51  }
0x1cc: {  	s18 =	sor.u32 $0x300, s22;
	[tilespmem:v29+s21+$0x0] =	vst.idx.msk $0xffff, v27;
	v27 =	vld [tilespmem:s20+$0x0];
	v29 =	vor.u32 v15, v21  }
0x1cd: {  	v55 =	vor.u32 v7, v19;
	s22 =	sor.u32 $0x300, s16;
	v35 =	vld [tilespmem:s18+$0x4000];
	[tilespmem:v31+s21+$0x0] =	vst.idx.msk $0xffff, v30  }
0x1ce: {  	s11 =	sor.u32 s11, s8;
	s28 =	sor.u32 s5, s17;
	v31 =	vor.u32 v7, v18;
	v30 =	vld [tilespmem:s22+$0x4000];
	[tilespmem:v28+s21+$0x0] =	vst.idx.msk $0xffff, v26  }
0x1cf: {  	s11 =	sor.u32 $0x380, s11;
	v26 =	vld [tilespmem:s28+$0x0];
	v28 =	vor.u32 v14, v23;
	[tilespmem:v53+s21+$0x0] =	vst.idx.msk $0xffff, v32  }
0x1d0: {  	v56 =	vor.u32 v8, v17;
	s29 =	sor.u32 s7, s17;
	v32 =	vld [tilespmem:s11+$0x4000];
	[tilespmem:v54+s21+$0x0] =	vst.idx.msk $0xffff, v25  }
0x1d1: {  	s12 =	sor.u32 s12, s8;
	v57 =	vor.u32 v14, v24;
	s17 =	sor.u32 $0x300, s15;
	v25 =	vld [tilespmem:s29+$0x0];
	[tilespmem:v29+s21+$0x0] =	vst.idx.msk $0xffff, v27  }
0x1d2: {  	s10 =	sor.u32 s10, s8;
	s16 =	sor.u32 $0x380, s12;
	v27 =	vld [tilespmem:s17+$0x4000];
	v29 =	vor.u32 v7, v20;
	[tilespmem:v55+s21+$0x0] =	vst.idx.msk $0xffff, v35  }
0x1d3: {  	s10 =	sor.u32 $0x380, s10;
	v58 =	vor.u32 v8, v19;
	v35 =	vld [tilespmem:s16+$0x4000];
	[tilespmem:v31+s21+$0x0] =	vst.idx.msk $0xffff, v30  }
0x1d4: {  	v31 =	vor.u32 v8, v18;
	[tilespmem:v28+s21+$0x0] =	vst.idx.msk $0xffff, v26;
	v30 =	vld [tilespmem:s10+$0x4000]  }
0x1d5: {  	[tilespmem:v56+s21+$0x0] =	vst.idx.msk $0xffff, v32  }
0x1d6: {  	[tilespmem:v57+s21+$0x0] =	vst.idx.msk $0xffff, v25  }
0x1d7: {  	[tilespmem:v29+s21+$0x0] =	vst.idx.msk $0xffff, v27  }
0x1d8: {  	s12 =	sor.u32 $0x6000, s30;
	s18 =	sor.u32 s5, s14;
	[tilespmem:v58+s21+$0x0] =	vst.idx.msk $0xffff, v35  }
0x1d9: {  	s20 =	sor.u32 s31, s12;
	v28 =	vor.u32 v15, v23;
	v26 =	vld [tilespmem:s18+$0x0];
	[tilespmem:v31+s21+$0x0] =	vst.idx.msk $0xffff, v30  }
0x1da: {  	s8 =	sor.u32 s9, s8;
	s22 =	sor.u32 s7, s14;
	v32 =	vld [tilespmem:s20+$0x0];
	s10 =	sld [smem:$0x7F8]  }
0x1db: {  	s8 =	sor.u32 $0x380, s8;
	v59 =	vor.u32 v9, v17;
	v25 =	vld [tilespmem:s22+$0x0]  }
0x1dc: {  	v60 =	vor.u32 v15, v24;
	s28 =	sor.u32 s26, s12;
	v27 =	vld [tilespmem:s8+$0x4000]  }
0x1dd: {  	v61 =	vor.u32 v9, v19;
	s8 =	sor.u32 $0x6380, s6;
	v35 =	vld [tilespmem:s28+$0x0];
	s6 =	sadd.s32 s24, s10  }
0x1de: {  	s29 =	sor.u32 s25, s12;
	v29 =	vor.u32 v8, v20;
	[tilespmem:v28+s21+$0x0] =	vst.idx.msk $0xffff, v26;
	s6 =	smin.u32 s6, s23  }
0x1df: {  	v31 =	vor.u32 v9, v18;
	v30 =	vld [tilespmem:s29+$0x0];
	[smem:$0x7D9] =	sst s6  }
0x1e0: {  	s5 =	sor.u32 s5, s8;
	[tilespmem:v59+s21+$0x0] =	vst.idx.msk $0xffff, v32  }
0x1e1: {  	s11 =	sor.u32 $0x6080, s30;
	s1 =	sor.u32 s1, s8;
	v26 =	vld [tilespmem:s5+$0x0];
	[tilespmem:v60+s21+$0x0] =	vst.idx.msk $0xffff, v25  }
0x1e2: {  	s9 =	smov.u32 s25;
	v62 =	vor.u32 v16, v23;
	s14 =	sor.u32 $0x6100, s30;
	s13 =	sor.u32 s31, s11;
	[tilespmem:v61+s21+$0x0] =	vst.idx.msk $0xffff, v35;
	v23 =	vld [tilespmem:s1+$0x0]  }
0x1e3: {  	v37 =	vor.u32 v10, v17;
	s15 =	sor.u32 s25, s14;
	s18 =	sor.u32 s7, s8;
	s24 =	sor.u32 $0x6200, s30;
	[tilespmem:v29+s21+$0x0] =	vst.idx.msk $0xffff, v27;
	v33 =	vld [tilespmem:s13+$0x0]  }
0x1e4: {  	v63 =	vor.u32 v16, v24;
	s17 =	sor.u32 s25, s11;
	s23 =	sor.u32 s2, s12;
	s28 =	sor.u32 s31, s24;
	[tilespmem:v31+s21+$0x0] =	vst.idx.msk $0xffff, v30;
	v34 =	vld [tilespmem:s18+$0x0]  }
0x1e5: {  	s16 =	sor.u32 s26, s11;
	s29 =	sor.u32 s25, s24;
	v29 =	vld [tilespmem:s23+$0x0];
	[dreg:$0x13] =	wrdreg s28  }
0x1e6: {  	s20 =	sor.u32 s31, s14;
	s22 =	sor.u32 s2, s11;
	[dreg:$0x14] =	wrdreg s29  }
0x1e7: {  	v24 =	vor.u32 v16, v22;
	s11 =	sor.u32 s26, s14;
	s4 =	sor.u32 s4, s8;
	s10 =	simm.s32 $0x4;
	v28 =	vld [tilespmem:s17+$0x0];
	[tilespmem:v62+s21+$0x0] =	vst.idx.msk $0xffff, v26  }
0x1e8: {  	s7 =	sor.u32 s2, s24;
	s24 =	sor.u32 s26, s24;
	s12 =	simm.s32 $0xB0;
	v25 =	vor.u32 v16, v21;
	v21 =	vor.u32 v9, v20;
	v22 =	vld [tilespmem:s4+$0x0];
	[tilespmem:v37+s21+$0x0] =	vst.idx.msk $0xffff, v33  }
0x1e9: {  	s6 =	sor.u32 s2, s14;
	s14 =	simm.s32 $0x400;
	v30 =	vor.u32 v10, v18;
	v27 =	vor.u32 v11, v17;
	s13 =	simm.s32 $0x16;
	[tilespmem:v63+s21+$0x0] =	vst.idx.msk $0xffff, v34;
	v26 =	vld [tilespmem:s20+$0x0]  }
.LBB2_5:
0x1ea: {  	[smem:$0x7D1] =	sst s24  }
0x1eb: {  	s1 =	sadd.s32 $0xFFFFFFFA, s13;
	s4 =	sadd.s32 $0xFFFFFFD0, s12;
	s18 =	sand.u32 $0x1C00, s14  }
0x1ec: {  	s28 =	sadd.s32 $0xFFFFFFFC, s13;
	s5 =	sadd.s32 $0xFFFFFFE0, s12;
	s23 =	sadd.s32 $0xFFFFFFFE, s13  }
0x1ed: {  	v31 =	vmov s13;
	s25 =	sadd.s32 $0xFFFFFFF0, s12;
	s17 =	sand.u32 $0x40, s4;
	s29 =	sor.u32 $0x4000, s18;
	[tilespmem:v25+s21+$0x0] =	vst.idx.msk $0xffff, v23  }
0x1ee: {  	s20 =	sand.u32 $0x50, s5;
	s4 =	sor.u32 s4, s14;
	s24 =	sor.u32 s17, s29;
	v23 =	vmov s1;
	v25 =	vshll.u32 v31, $0x7;
	[tilespmem:v21+s21+$0x0] =	vst.idx.msk $0xffff, v29  }
0x1ef: {  	v34 =	vor.u32 v10, v20;
	[smem:$0x7D2] =	sst s4;
	s8 =	sor.u32 s20, s29;
	s1 =	sor.u32 s25, s14;
	v23 =	vshll.u32 v23, $0x7;
	v21 =	vor.u32 v1, v25;
	v25 =	vld [tilespmem:s22+$0x0]  }
0x1f0: {  	v33 =	vld [tilespmem:s16+$0x0];
	v31 =	vor.u32 v10, v19;
	v29 =	vmov s28;
	s28 =	sor.u32 s5, s14;
	s22 =	sand.u32 $0x60, s25;
	[smem:$0x7D3] =	sst s1;
	v23 =	vor.u32 v1, v23  }
0x1f1: {  	v35 =	vld [tilespmem:s24+$0x0];
	[tilespmem:v30+s21+$0x0] =	vst.idx.msk $0xffff, v28;
	v28 =	vshll.u32 v29, $0x7;
	v29 =	vmov s23;
	[smem:$0x7D4] =	sst s28;
	s25 =	sand.u32 $0x70, s12;
	s1 =	sor.u32 $0x6080, s18;
	v36 =	vor.u32 v0, v23  }
0x1f2: {  	v32 =	vor.u32 v11, v18;
	[tilespmem:v24+s21+$0x0] =	vst.idx.msk $0xffff, v22;
	v30 =	vld [tilespmem:s15+$0x0];
	v22 =	vor.u32 v1, v28;
	v24 =	vshll.u32 v29, $0x7;
	s4 =	sor.u32 s22, s29;
	s23 =	sor.u32 s25, s29;
	s29 =	sor.u32 s17, s1  }
0x1f3: {  	[tilespmem:v27+s21+$0x0] =	vst.idx.msk $0xffff, v26;
	v26 =	vld [tilespmem:s8+$0x0];
	s16 =	sor.u32 s20, s1;
	v27 =	vor.u32 v0, v22;
	v24 =	vor.u32 v1, v24;
	[dreg:$0x1d] =	wrdreg s29  }
0x1f4: {  	s5 =	sor.u32 $0x6100, s18;
	s28 =	sor.u32 s22, s1;
	v28 =	vld [tilespmem:s4+$0x0];
	[dreg:$0x18] =	wrdreg s16;
	v29 =	vor.u32 v0, v24;
	[tilespmem:v34+s21+$0x0] =	vst.idx.msk $0xffff, v25  }
0x1f5: {  	s15 =	sor.u32 s20, s5;
	[smem:$0x7D5] =	sst s28;
	[tilespmem:v31+s21+$0x0] =	vst.idx.msk $0xffff, v33;
	v31 =	vor.u32 v0, v21;
	v25 =	vld [tilespmem:s23+$0x0]  }
0x1f6: {  	v37 =	vor.u32 v11, v19;
	s1 =	sor.u32 s25, s1;
	[smem:$0x7D7] =	sst s15;
	v33 =	vld [tilespmem:s11+$0x0];
	[tilespmem:v36+s21+$0x0] =	vst.idx.msk $0xffff, v35  }
0x1f7: {  	s29 =	sor.u32 s17, s5;
	[smem:$0x7D8] =	sst s1;
	v60 =	vor.u32 v2, v23;
	[tilespmem:v32+s21+$0x0] =	vst.idx.msk $0xffff, v30;
	v59 =	vld [tilespmem:s24+$0x80]  }
0x1f8: {  	v58 =	vor.u32 v11, v20;
	s16 =	sor.u32 $0x6200, s18;
	s28 =	sor.u32 s22, s5;
	[dreg:$0x17] =	wrdreg s29;
	v30 =	vld [tilespmem:s6+$0x0];
	[tilespmem:v27+s21+$0x0] =	vst.idx.msk $0xffff, v26  }
0x1f9: {  	s5 =	sor.u32 s25, s5;
	s15 =	smov.u32 s26;
	[smem:$0x7D6] =	sst s28;
	v27 =	vor.u32 v2, v22;
	v26 =	vld [tilespmem:s8+$0x80];
	[tilespmem:v29+s21+$0x0] =	vst.idx.msk $0xffff, v28  }
0x1fa: {  	[dreg:$0x1c] =	wrdreg s5;
	s29 =	sor.u32 s17, s16;
	s5 =	sor.u32 $0x6180, s30;
	v29 =	vor.u32 v2, v24;
	v28 =	vld [tilespmem:s4+$0x80];
	[tilespmem:v31+s21+$0x0] =	vst.idx.msk $0xffff, v25  }
0x1fb: {  	s28 =	sor.u32 s20, s16;
	s26 =	sor.u32 s25, s16;
	s6 =	sor.u32 s9, s5;
	[tilespmem:v37+s21+$0x0] =	vst.idx.msk $0xffff, v33;
	v25 =	vor.u32 v2, v21;
	v62 =	vld [tilespmem:s23+$0x80]  }
0x1fc: {  	v61 =	vor.u32 v12, v18;
	s1 =	sor.u32 s22, s16;
	s16 =	smov.u32 s30;
	s30 =	sor.u32 s31, s5;
	v31 =	vld [tilespmem:s6+$0x0];
	[tilespmem:v60+s21+$0x0] =	vst.idx.msk $0xffff, v59  }
0x1fd: {  	v63 =	vor.u32 v12, v17;
	[tilespmem:v58+s21+$0x0] =	vst.idx.msk $0xffff, v30;
	v30 =	vld [tilespmem:s30+$0x0]  }
0x1fe: {  	v40 =	vor.u32 v3, v23;
	[tilespmem:v27+s21+$0x0] =	vst.idx.msk $0xffff, v26;
	v34 =	vld [tilespmem:s24+$0x100]  }
0x1ff: {  	v27 =	vor.u32 v3, v22;
	v26 =	vld [tilespmem:s8+$0x100];
	[tilespmem:v29+s21+$0x0] =	vst.idx.msk $0xffff, v28  }
0x200: {  	s11 =	smov.u32 s9;
	s9 =	smov.u32 s31;
	s31 =	sor.u32 s2, s5;
	v29 =	vor.u32 v3, v24;
	v28 =	vld [tilespmem:s4+$0x100];
	[tilespmem:v25+s21+$0x0] =	vst.idx.msk $0xffff, v62  }
0x201: {  	[tilespmem:v61+s21+$0x0] =	vst.idx.msk $0xffff, v31;
	v31 =	vor.u32 v12, v20;
	v25 =	vld [tilespmem:s31+$0x0]  }
0x202: {  	v42 =	vor.u32 v3, v21;
	v41 =	vld [tilespmem:s23+$0x100];
	[tilespmem:v63+s21+$0x0] =	vst.idx.msk $0xffff, v30  }
0x203: {  	s6 =	rddreg [dreg:$0x13];
	[tilespmem:v40+s21+$0x0] =	vst.idx.msk $0xffff, v34  }
0x204: {  	v43 =	vor.u32 v13, v17;
	[tilespmem:v27+s21+$0x0] =	vst.idx.msk $0xffff, v26;
	v30 =	vld [tilespmem:s6+$0x0]  }
0x205: {  	s3 =	sadd.s32 $0x4, s3;
	p1 =	por !p1, !p1;
	v27 =	vor.u32 v4, v22;
	v26 =	vld [tilespmem:s8+$0x180];
	[tilespmem:v29+s21+$0x0] =	vst.idx.msk $0xffff, v28  }
0x206: {  	s0 =	sadd.s32 $0x2, s0;
	v44 =	vor.u32 v4, v23;
	s8 =	simm.s32 $0x1;
	s6 =	smov.u32 s29;
	v34 =	vld [tilespmem:s24+$0x180];
	[tilespmem:v31+s21+$0x0] =	vst.idx.msk $0xffff, v25  }
0x207: {  	v29 =	vor.u32 v4, v24;
	s29 =	sand.u32 $0x7, s3;
	s8 =	simm.s32 @!p1 $0x0;
	v28 =	vld [tilespmem:s4+$0x180];
	s24 =	sand.u32 $0x3, s0;
	[tilespmem:v42+s21+$0x0] =	vst.idx.msk $0xffff, v41  }
0x208: {  	[dreg:$0x13] =	wrdreg s6;
	s6 =	sshll.u32 s29, $0x4;
	s8 =	sshll.u32 s8, $0x6;
	v31 =	vor.u32 v13, v20;
	v25 =	vld [tilespmem:s7+$0x0]  }
0x209: {  	v45 =	vor.u32 v4, v21;
	s29 =	rddreg [dreg:$0x14];
	s4 =	sadd.s32 s14, s6;
	s6 =	sshll.u32 s24, $0x5;
	v33 =	vld [tilespmem:s23+$0x180];
	[tilespmem:v43+s21+$0x0] =	vst.idx.msk $0xffff, v30  }
0x20a: {  	s24 =	sadd.s32 s8, s14;
	s6 =	sadd.s32 s14, s6;
	v30 =	vld [tilespmem:s29+$0x0];
	[tilespmem:v27+s21+$0x0] =	vst.idx.msk $0xffff, v26  }
0x20b: {  	v46 =	vor.u32 v13, v18;
	s7 =	sor.u32 $0x200, s24;
	s29 =	sadd.s32 $0x20, s6;
	[tilespmem:v44+s21+$0x0] =	vst.idx.msk $0xffff, v34  }
0x20c: {  	v47 =	vor.u32 v5, v23;
	s8 =	sadd.s32 $0x10, s4;
	s23 =	smov.u32 s28;
	[tilespmem:v29+s21+$0x0] =	vst.idx.msk $0xffff, v28;
	s28 =	sor.u32 $0x200, s29;
	v34 =	vld [tilespmem:s7+$0x4000]  }
0x20d: {  	[dreg:$0x14] =	wrdreg s23;
	s23 =	sor.u32 $0x6280, s16;
	v29 =	vor.u32 v5, v24;
	s7 =	sor.u32 $0x200, s8;
	v28 =	vld [tilespmem:s28+$0x4000];
	[tilespmem:v31+s21+$0x0] =	vst.idx.msk $0xffff, v25  }
0x20e: {  	s4 =	sadd.s32 $0x30, s4;
	v27 =	vor.u32 v5, v22;
	v26 =	vld [tilespmem:s7+$0x4000];
	s7 =	smov.u32 s26;
	s26 =	sor.u32 s2, s23;
	[tilespmem:v45+s21+$0x0] =	vst.idx.msk $0xffff, v33  }
0x20f: {  	s30 =	sor.u32 $0x200, s4;
	v31 =	vor.u32 v14, v20;
	v25 =	vld [tilespmem:s26+$0x0]  }
0x210: {  	v48 =	vor.u32 v5, v21;
	s6 =	sor.u32 s11, s23;
	[tilespmem:v46+s21+$0x0] =	vst.idx.msk $0xffff, v30;
	v33 =	vld [tilespmem:s30+$0x4000]  }
0x211: {  	v49 =	vor.u32 v14, v18;
	s26 =	sor.u32 $0x280, s24;
	v30 =	vld [tilespmem:s6+$0x0];
	[tilespmem:v47+s21+$0x0] =	vst.idx.msk $0xffff, v34  }
0x212: {  	v50 =	vor.u32 v6, v23;
	s5 =	sor.u32 s15, s5;
	[tilespmem:v29+s21+$0x0] =	vst.idx.msk $0xffff, v28;
	v34 =	vld [tilespmem:s26+$0x4000]  }
0x213: {  	[tilespmem:v27+s21+$0x0] =	vst.idx.msk $0xffff, v26;
	s26 =	sor.u32 $0x280, s29;
	v26 =	vld [tilespmem:s5+$0x0];
	v27 =	vor.u32 v12, v19  }
0x214: {  	s31 =	sor.u32 $0x280, s8;
	s30 =	sor.u32 $0x6300, s16;
	v29 =	vor.u32 v6, v24;
	v28 =	vld [tilespmem:s26+$0x4000];
	[tilespmem:v31+s21+$0x0] =	vst.idx.msk $0xffff, v25  }
0x215: {  	s6 =	sor.u32 s2, s30;
	v51 =	vld [tilespmem:s31+$0x4000];
	[tilespmem:v48+s21+$0x0] =	vst.idx.msk $0xffff, v33  }
0x216: {  	v52 =	vor.u32 v6, v22;
	[tilespmem:v49+s21+$0x0] =	vst.idx.msk $0xffff, v30;
	v25 =	vld [tilespmem:s6+$0x0];
	s6 =	sor.u32 $0x280, s4  }
0x217: {  	v31 =	vor.u32 v15, v20;
	[tilespmem:v50+s21+$0x0] =	vst.idx.msk $0xffff, v34;
	v30 =	vld [tilespmem:s6+$0x4000];
	s6 =	sor.u32 $0x300, s29;
	s29 =	sld [smem:$0x7D1]  }
0x218: {  	v53 =	vor.u32 v6, v21;
	s24 =	sor.u32 $0x300, s24;
	[tilespmem:v27+s21+$0x0] =	vst.idx.msk $0xffff, v26  }
0x219: {  	v54 =	vor.u32 v7, v23;
	v34 =	vld [tilespmem:s24+$0x4000];
	[tilespmem:v29+s21+$0x0] =	vst.idx.msk $0xffff, v28  }
0x21a: {  	v27 =	vor.u32 v13, v19;
	v26 =	vld [tilespmem:s29+$0x0]  }
0x21b: {  	s5 =	sor.u32 s15, s30;
	v29 =	vor.u32 v7, v24;
	[tilespmem:v52+s21+$0x0] =	vst.idx.msk $0xffff, v51;
	v28 =	vld [tilespmem:s6+$0x4000]  }
0x21c: {  	s26 =	sor.u32 s9, s30;
	s30 =	sor.u32 s11, s30;
	s6 =	sld [smem:$0x7D2];
	[tilespmem:v31+s21+$0x0] =	vst.idx.msk $0xffff, v25  }
0x21d: {  	s29 =	sor.u32 $0x300, s8;
	v25 =	vld [tilespmem:s30+$0x0];
	v31 =	vor.u32 v15, v18;
	[tilespmem:v53+s21+$0x0] =	vst.idx.msk $0xffff, v30  }
0x21e: {  	v55 =	vor.u32 v7, v22;
	s28 =	sor.u32 s9, s23;
	s8 =	sld [smem:$0x7D3];
	v33 =	vld [tilespmem:s29+$0x4000];
	[tilespmem:v54+s21+$0x0] =	vst.idx.msk $0xffff, v34  }
0x21f: {  	v56 =	vor.u32 v14, v17;
	s24 =	smov.u32 s1;
	s1 =	sor.u32 $0x380, s6;
	v30 =	vld [tilespmem:s28+$0x0];
	[tilespmem:v27+s21+$0x0] =	vst.idx.msk $0xffff, v26  }
0x220: {  	v57 =	vor.u32 v8, v23;
	s23 =	sor.u32 s15, s23;
	v34 =	vld [tilespmem:s1+$0x4000];
	[tilespmem:v29+s21+$0x0] =	vst.idx.msk $0xffff, v28  }
0x221: {  	s29 =	sld [smem:$0x7D4];
	s1 =	sor.u32 $0x380, s8;
	v27 =	vor.u32 v14, v19;
	v26 =	vld [tilespmem:s23+$0x0]  }
0x222: {  	v29 =	vor.u32 v8, v24;
	[tilespmem:v31+s21+$0x0] =	vst.idx.msk $0xffff, v25;
	v28 =	vld [tilespmem:s1+$0x4000]  }
0x223: {  	s28 =	sor.u32 $0x300, s4;
	[tilespmem:v55+s21+$0x0] =	vst.idx.msk $0xffff, v33  }
0x224: {  	s4 =	sor.u32 $0x380, s29;
	v25 =	vld [tilespmem:s28+$0x4000];
	v31 =	vor.u32 v7, v21;
	[tilespmem:v56+s21+$0x0] =	vst.idx.msk $0xffff, v30  }
0x225: {  	v58 =	vor.u32 v8, v22;
	s6 =	sor.u32 $0x6000, s18;
	v33 =	vld [tilespmem:s4+$0x4000];
	[tilespmem:v57+s21+$0x0] =	vst.idx.msk $0xffff, v34  }
0x226: {  	v59 =	vor.u32 v15, v17;
	s8 =	sor.u32 s17, s6;
	v30 =	vld [tilespmem:s26+$0x0];
	[tilespmem:v27+s21+$0x0] =	vst.idx.msk $0xffff, v26  }
0x227: {  	v60 =	vor.u32 v9, v23;
	v34 =	vld [tilespmem:s8+$0x0];
	[tilespmem:v29+s21+$0x0] =	vst.idx.msk $0xffff, v28  }
0x228: {  	s1 =	sor.u32 s22, s6;
	v27 =	vor.u32 v15, v19;
	v26 =	vld [tilespmem:s5+$0x0]  }
0x229: {  	s29 =	sor.u32 s12, s14;
	[tilespmem:v31+s21+$0x0] =	vst.idx.msk $0xffff, v25;
	v29 =	vor.u32 v9, v24;
	v28 =	vld [tilespmem:s1+$0x0]  }
0x22a: {  	s4 =	sor.u32 $0x380, s29;
	[tilespmem:v58+s21+$0x0] =	vst.idx.msk $0xffff, v33  }
0x22b: {  	s23 =	sor.u32 s20, s6;
	v31 =	vor.u32 v8, v21;
	v25 =	vld [tilespmem:s4+$0x4000];
	s5 =	sor.u32 $0x6380, s16;
	[tilespmem:v59+s21+$0x0] =	vst.idx.msk $0xffff, v30  }
0x22c: {  	s10 =	sadd.s32 $0x4, s10;
	v61 =	vor.u32 v9, v22;
	v33 =	vld [tilespmem:s23+$0x0];
	s9 =	sor.u32 s9, s5;
	[tilespmem:v60+s21+$0x0] =	vst.idx.msk $0xffff, v34  }
0x22d: {  	p3 =	slt.u32 s10, $0x3C;
	v62 =	vor.u32 v16, v17;
	v17 =	vmov v23;
	s26 =	rddreg [dreg:$0x1d];
	v32 =	vld [tilespmem:s9+$0x0];
	[tilespmem:v27+s21+$0x0] =	vst.idx.msk $0xffff, v26  }
0x22e: {  	v63 =	vor.u32 v10, v17;
	s28 =	sor.u32 s25, s6;
	s6 =	rddreg [dreg:$0x1c];
	s1 =	sor.u32 s15, s5;
	v35 =	vld [tilespmem:s26+$0x0];
	[tilespmem:v29+s21+$0x0] =	vst.idx.msk $0xffff, v28  }
0x22f: {  	v39 =	vor.u32 v16, v19;
	s30 =	smov.u32 s18;
	s29 =	rddreg [dreg:$0x17];
	s18 =	sor.u32 s11, s5;
	v38 =	vld [tilespmem:s1+$0x0]  }
.Ltmp3:
0x230: {  	s16 =	sld [smem:$0x7D5];
	s23 =	sor.u32 s2, s5;
	v23 =	vld [tilespmem:s18+$0x0];
	[tilespmem:v31+s21+$0x0] =	vst.idx.msk $0xffff, v25;
	(pc) =	sbr.rel @p3 .LBB2_5-.Ltmp3, $4  }
0x231: {  	s13 =	sadd.s32 $0x8, s13;
	s11 =	sld [smem:$0x7D6];
	v25 =	vor.u32 v16, v18;
	v18 =	vmov v22;
	v22 =	vld [tilespmem:s23+$0x0];
	[tilespmem:v61+s21+$0x0] =	vst.idx.msk $0xffff, v33  }
0x232: {  	s31 =	smov.u32 s17;
	s12 =	sadd.s32 $0x40, s12;
	v19 =	vmov v24;
	v24 =	vor.u32 v16, v20;
	v20 =	vmov v21;
	v29 =	vld [tilespmem:s28+$0x0];
	s28 =	rddreg [dreg:$0x18];
	[tilespmem:v62+s21+$0x0] =	vst.idx.msk $0xffff, v32  }
0x233: {  	s14 =	sadd.s32 $0x200, s14;
	v21 =	vor.u32 v9, v20;
	s2 =	smov.u32 s25;
	s15 =	sld [smem:$0x7D7];
	v28 =	vld [tilespmem:s28+$0x0];
	[tilespmem:v63+s21+$0x0] =	vst.idx.msk $0xffff, v35  }
0x234: {  	s9 =	smov.u32 s20;
	s26 =	smov.u32 s22;
	s22 =	sld [smem:$0x7D8];
	v30 =	vor.u32 v10, v18;
	v27 =	vor.u32 v11, v17;
	v26 =	vld [tilespmem:s29+$0x0];
	[tilespmem:v39+s21+$0x0] =	vst.idx.msk $0xffff, v38  }
0x235: {  	_ =	sdelay $0x3  }
0x236: {  	v31 =	vld [tilespmem:s16+$0x0];
	v32 =	vor.u32 v10, v19;
	[tilespmem:v21+s21+$0x0] =	vst.idx.msk $0xffff, v29  }
0x237: {  	v36 =	vor.u32 v10, v20;
	v29 =	vld [tilespmem:s22+$0x0];
	_ =	sdelay $0x2  }
0x238: {  	[tilespmem:v30+s21+$0x0] =	vst.idx.msk $0xffff, v28  }
0x239: {  	v39 =	vor.u32 v11, v18;
	v40 =	vld [tilespmem:s15+$0x0];
	[tilespmem:v32+s21+$0x0] =	vst.idx.msk $0xffff, v31  }
0x23a: {  	v38 =	vor.u32 v11, v19;
	v37 =	vld [tilespmem:s11+$0x0];
	[tilespmem:v36+s21+$0x0] =	vst.idx.msk $0xffff, v29  }
0x23b: {  	v41 =	vor.u32 v11, v20;
	v21 =	vld [tilespmem:s6+$0x0]  }
0x23c: {  	s0 =	sor.u32 $0x6180, s30  }
0x23d: {  	s1 =	sor.u32 s31, s0;
	[tilespmem:v27+s21+$0x0] =	vst.idx.msk $0xffff, v26  }
0x23e: {  	v42 =	vor.u32 v12, v17;
	v26 =	vld [tilespmem:s1+$0x0];
	s11 =	sor.u32 s9, s0;
	[tilespmem:v39+s21+$0x0] =	vst.idx.msk $0xffff, v40  }
0x23f: {  	v44 =	vor.u32 v12, v18;
	s3 =	sor.u32 s26, s0;
	v31 =	vld [tilespmem:s11+$0x0];
	[tilespmem:v38+s21+$0x0] =	vst.idx.msk $0xffff, v37  }
0x240: {  	v43 =	vor.u32 v12, v19;
	s0 =	sor.u32 s2, s0;
	v28 =	vld [tilespmem:s3+$0x0];
	[tilespmem:v41+s21+$0x0] =	vst.idx.msk $0xffff, v21  }
0x241: {  	v45 =	vor.u32 v12, v20;
	v21 =	vld [tilespmem:s0+$0x0];
	_ =	sdelay $0x1  }
0x242: {  	[tilespmem:v42+s21+$0x0] =	vst.idx.msk $0xffff, v26  }
0x243: {  	s12 =	rddreg [dreg:$0x13];
	[tilespmem:v44+s21+$0x0] =	vst.idx.msk $0xffff, v31  }
0x244: {  	[tilespmem:v43+s21+$0x0] =	vst.idx.msk $0xffff, v28  }
0x245: {  	v46 =	vor.u32 v13, v17;
	v26 =	vld [tilespmem:s12+$0x0];
	[tilespmem:v45+s21+$0x0] =	vst.idx.msk $0xffff, v21  }
0x246: {  	v47 =	vor.u32 v13, v19;
	v28 =	vld [tilespmem:s24+$0x0];
	s13 =	rddreg [dreg:$0x14]  }
0x247: {  	v49 =	vor.u32 v13, v18;
	v48 =	vld [tilespmem:s13+$0x0]  }
0x248: {  	v51 =	vor.u32 v13, v20;
	v50 =	vld [tilespmem:s7+$0x0]  }
0x249: {  	s14 =	sor.u32 $0x6280, s30  }
0x24a: {  	s15 =	sor.u32 s31, s14;
	[tilespmem:v46+s21+$0x0] =	vst.idx.msk $0xffff, v26  }
0x24b: {  	v52 =	vor.u32 v14, v17;
	s16 =	sor.u32 s26, s14;
	v26 =	vld [tilespmem:s15+$0x0];
	[tilespmem:v47+s21+$0x0] =	vst.idx.msk $0xffff, v28  }
0x24c: {  	v54 =	vor.u32 v14, v19;
	s17 =	sor.u32 s9, s14;
	v53 =	vld [tilespmem:s16+$0x0];
	[tilespmem:v49+s21+$0x0] =	vst.idx.msk $0xffff, v48  }
0x24d: {  	v55 =	vor.u32 v14, v18;
	s0 =	sor.u32 s2, s14;
	[tilespmem:v51+s21+$0x0] =	vst.idx.msk $0xffff, v50;
	v29 =	vld [tilespmem:s17+$0x0]  }
0x24e: {  	v56 =	vor.u32 v14, v20;
	v31 =	vld [tilespmem:s0+$0x0]  }
0x24f: {  	s18 =	sor.u32 $0x6300, s30  }
0x250: {  	s20 =	sor.u32 s31, s18;
	[tilespmem:v52+s21+$0x0] =	vst.idx.msk $0xffff, v26  }
0x251: {  	v57 =	vor.u32 v15, v17;
	s22 =	sor.u32 s26, s18;
	v26 =	vld [tilespmem:s20+$0x0];
	[tilespmem:v54+s21+$0x0] =	vst.idx.msk $0xffff, v53  }
0x252: {  	v58 =	vor.u32 v15, v19;
	s23 =	sor.u32 s9, s18;
	v21 =	vld [tilespmem:s22+$0x0];
	[tilespmem:v55+s21+$0x0] =	vst.idx.msk $0xffff, v29  }
0x253: {  	v59 =	vor.u32 v15, v18;
	s0 =	sor.u32 s2, s18;
	[tilespmem:v56+s21+$0x0] =	vst.idx.msk $0xffff, v31;
	v29 =	vld [tilespmem:s23+$0x0]  }
0x254: {  	v60 =	vor.u32 v15, v20;
	v31 =	vld [tilespmem:s0+$0x0]  }
0x255: {  	s24 =	sor.u32 $0x6380, s30  }
0x256: {  	s25 =	sor.u32 s31, s24;
	[tilespmem:v57+s21+$0x0] =	vst.idx.msk $0xffff, v26  }
0x257: {  	v17 =	vor.u32 v16, v17;
	s26 =	sor.u32 s26, s24;
	v26 =	vld [tilespmem:s25+$0x0];
	[tilespmem:v58+s21+$0x0] =	vst.idx.msk $0xffff, v21  }
0x258: {  	v19 =	vor.u32 v16, v19;
	s28 =	sor.u32 s9, s24;
	v21 =	vld [tilespmem:s26+$0x0];
	[tilespmem:v59+s21+$0x0] =	vst.idx.msk $0xffff, v29  }
0x259: {  	v18 =	vor.u32 v16, v18;
	s0 =	sor.u32 s2, s24;
	[tilespmem:v60+s21+$0x0] =	vst.idx.msk $0xffff, v31;
	v61 =	vld [tilespmem:s28+$0x0]  }
0x25a: {  	v62 =	vor.u32 v16, v20;
	[tilespmem:v25+s21+$0x0] =	vst.idx.msk $0xffff, v23;
	v63 =	vld [tilespmem:s0+$0x0]  }
0x25b: {  	[tilespmem:v24+s21+$0x0] =	vst.idx.msk $0xffff, v22  }
0x25c: {  	[tilespmem:v17+s21+$0x0] =	vst.idx.msk $0xffff, v26  }
0x25d: {  	[tilespmem:v19+s21+$0x0] =	vst.idx.msk $0xffff, v21  }
0x25e: {  	[tilespmem:v18+s21+$0x0] =	vst.idx.msk $0xffff, v61  }
0x25f: {  	s29 =	sld [smem:$0x7D9];
	[tilespmem:v62+s21+$0x0] =	vst.idx.msk $0xffff, v63  }
.Ltmp4:
0x260: {  	s30 =	sld [smem:$0x7F4];
	(pc) =	sbr.rel @p2 .LBB2_8-.Ltmp4, $4  }
0x261: {  	_ = 	snop  }
0x262: {  	s0 =	sshll.u32 s29, $0x8  }
0x263: {  	s31 =	simm.s32 $0x0;
	s0 =	sadd.s32 s30, s0  }
0x264: {  	[hbm4b:s0+s31] =	stream.linear.scatter [tilespmem:s21], [sflag:$0x4], $0x4000, $0x38;
	[tilespmem:$0x10000] =	vst v63  }
0x265: {  	s0 =	sld [smem:$0x7FA]  }
0x266: {  	s1 =	sld [smem:$0x7F0]  }
0x267: {  	s24 =	sld [smem:$0x7FD];
	_ =	sdelay $0x1  }
.Ltmp5:
0x268: {  	s25 =	sld [smem:$0x7EF];
	s0 =	sadd.s32 s1, s0;
	(pc) =	sbr.rel .LBB2_2-.Ltmp5, $4  }
0x269: {  	s30 =	rddreg [dreg:$0x0];
	s0 =	smin.u32 s0, s24  }
0x26a: {  	s31 =	simm.s32 $0x2000;
	s2 =	simm.s32 $0x7A1400;
	s0 =	sshll.u32 s0, $0x7  }
0x26b: {  	s3 =	simm.s32 $0x4000;
	s25 =	sadd.s32 $0x1, s25;
	s0 =	sadd.s32 s30, s0  }
0x26c: {  	[tilespmem:s3], [sflag:$0x2] =	stream.strided.gather [hbm4b:s0+s31], $0x4000, s2, s31, $0x38;
	[tilespmem:$0x10000] =	vst v63  }
.LBB2_9:
0x26d: {  	_ =	sfence.sel $0x180000  }
0x26e: {  	[bflag:$0x0] =	sbarrier.arrive $0xFFFF  }
0x26f: {  	_ =	strace $0x90000047  }
0x270: {  	s0 =	stileid.u32;
	[bflag:$0x2] =	sbarrier.arrive $0xFFFF  }
0x271: {  	p0 =	sne.s32 s0, $0x0;
	s0 =	rddreg [dreg:$0x3]  }
0x272: {  	s0 =	sadd.s32 @!p0 $0x100000, s0  }
0x273: {  	[sflag:s0] =	ssyncadd.tile.s32 @!p0 $0x1;
	_ =	shalt  }
.Lfunc_end2:
_tile_overlayer_lowered:
.L_overlay_start_2:
0x274: {  	(tag) =	ssettag $0x2  }
0x275: {  	s0 =	rddreg [dreg:$0x0];
	s2 =	stileid.u32  }
0x276: {  	s1 =	rddreg [dreg:$0x1];
	p0 =	sne.s32 s2, $0x0  }
0x277: {  	s3 =	rddreg [dreg:$0x2];
	[bflag:$0x3] =	sbarrier.arrive $0xFFFF;
	s2 =	simm.s32 @!p0 $0x1C05  }
0x278: {  	[timem:s3], [sflag:s2] =	dma.local @!p0 [hbm:s0], s1  }
0x279: {  	s0 =	simm.s32 @!p0 $0x5  }
0x27a: {  	_ =	swait.ge @!p0 [sflag:s0], s1  }
0x27b: {  	s1 =	ssub.s32 @!p0 $0x0, s1;
	[sflag:s0] =	ssyncset.done @!p0 $0x0  }
0x27c: {  	[sflag:s0] =	ssyncadd.s32 @!p0 s1  }
0x27d: {  	[bflag:$0x3] =	sbarrier.arrive $0xFFFF  }
0x27e: {  	_ =	shalt  }

// kernel: kernel.7.cloned.1.call-start
scs
__scs_entry_jumppad:
0x0: {  	(pc) =	sbr.rel $0x88, $3  }
0x1: {  	(tag) =	ssettag $0x0;
	lr =	simm.s32 $0x1  }
0x2: {  	[smem:$0x3F9E] =	sst lr;
	_ =	strace $0xD0000000  }
0x3: {  	_ = 	snop  }
0x4: {  	_ = 	snop  }
0x5: {  	_ = 	snop  }
0x6: {  	_ = 	snop  }
0x7: {  	_ = 	snop  }
__scs_overlays_trampoline_lowered:
0x8: {  	[smem:$0x3FAD] =	sst s0  }
0x9: {  	[smem:$0x3FAE] =	sst s1  }
0xa: {  	[smem:$0x3FAF] =	sst s2  }
0xb: {  	[smem:$0x3FB0] =	sst s3  }
0xc: {  	[smem:$0x3FB1] =	sst s4  }
0xd: {  	[smem:$0x3FB2] =	sst s5  }
0xe: {  	[smem:$0x3FB3] =	sst s6  }
0xf: {  	[smem:$0x3FB4] =	sst s7  }
0x10: {  	[smem:$0x3FB5] =	sst s8  }
0x11: {  	[smem:$0x3FB6] =	sst s9;
	s0 =	simm.s32 @!p0 $0x0  }
0x12: {  	s1 =	sld [smem:$0x3F9C];
	s0 =	simm.s32 @p0 $0x1  }
0x13: {  	[smem:$0x3FB7] =	sst s0;
	s0 =	simm.s32 @!p1 $0x0  }
0x14: {  	s2 =	sld [smem:$0x3F9B];
	s0 =	simm.s32 @p1 $0x1  }
0x15: {  	[smem:$0x3FB8] =	sst s0;
	s0 =	simm.s32 @!p2 $0x0  }
0x16: {  	s3 =	sld [smem:$0x3FDB];
	s0 =	simm.s32 @p2 $0x1  }
0x17: {  	s4 =	simm.s32 $0x1BF5;
	[smem:$0x3FBA] =	sst s0  }
0x18: {  	s0 =	sld [smem:$0x3F9D];
	_ =	swait.ge [sflag:s4], $0x0  }
0x19: {  	s7 =	sld [smem:$0x3F9E]  }
0x1a: {  	s8 =	sadd.s32 $0xFFFFE003, lr  }
0x1b: {  	s9 =	sadd.s32 $0xFFFFFEF7, lr;
	s5 =	simm.s32 $0xFFFFFFFF;
	p2 =	slt.u32 s8, $0xFFFFF086  }
0x1c: {  	p1 =	slt.u32 s9, $0xF7A;
	s5 =	simm.s32 @!p2 $0x0  }
0x1d: {  	s5 =	simm.s32 @p1 $0x1;
	p0 =	seq.s32 s7, s2  }
0x1e: {  	s7 =	smul.u32 @!p0 $0xF7A, s2;
	p2 =	seq.s32 @!p0 s5, $0x0  }
0x1f: {  	s9 =	smul.u32 $0xF7A, s1;
	s8 =	simm.s32 @!p0 $0x1BF5;
	p2 =	por !p2, p0  }
0x20: {  	[sflag:s8] =	ssyncset.s32 @!p0 $0xFFFFF086;
	s6 =	sadd.s32 @!p0 s3, s7;
	s7 =	simm.s32 @!p0 $0x108  }
0x21: {  	s3 =	sadd.s32 s3, s9;
	s6 =	sadd.s32 @!p0 $0x88, s6;
	s7 =	simm.s32 @p2 $0x1082  }
0x22: {  	[simem:s7], [sflag:s8] =	dma.local @!p0 [hbm:s6], $0xF7A  }
0x23: {  	s9 =	sor.u32 $0xD0000000, s2;
	s6 =	simm.s32 $0x108;
	_ =	swait.ge @!p0 [sflag:s8], $0x0  }
0x24: {  	s3 =	sadd.s32 $0x88, s3;
	s6 =	simm.s32 @!p1 $0x1082;
	[sflag:s4] =	ssyncset.s32 $0xFFFFF086  }
0x25: {  	[simem:s6], [sflag:s4] =	dma.local [hbm:s3], $0xF7A  }
0x26: {  	[smem:$0x3F9E] =	sst s1;
	(tag) =	ssettag s2;
	_ =	strace s9  }
0x27: {  	s1 =	sld [smem:$0x3FAE]  }
0x28: {  	s2 =	sld [smem:$0x3FAF]  }
0x29: {  	s4 =	sld [smem:$0x3FB1]  }
0x2a: {  	p0 =	seq.s32 s5, $0x0;
	s5 =	sld [smem:$0x3FB2]  }
0x2b: {  	s6 =	sld [smem:$0x3FB3]  }
0x2c: {  	s7 =	sld [smem:$0x3FB4]  }
0x2d: {  	s3 =	simm.s32 $0x108;
	s8 =	sld [smem:$0x3FB5]  }
0x2e: {  	s3 =	simm.s32 @!p0 $0x1082;
	s9 =	sld [smem:$0x3FB6]  }
0x2f: {  	lr =	sadd.s32 s0, s3;
	s0 =	sld [smem:$0x3FAD]  }
0x30: {  	s3 =	sld [smem:$0x3FB0]  }
0x31: {  	[smem:$0x3FB9] =	sst s10  }
0x32: {  	s10 =	sld [smem:$0x3FB7];
	_ =	sdelay $0x3  }
0x33: {  	p0 =	seq.s32 s10, $0x1;
	s10 =	sld [smem:$0x3FB9];
	_ =	sdelay $0x3  }
0x34: {  	[smem:$0x3FB9] =	sst s10  }
0x35: {  	s10 =	sld [smem:$0x3FB8];
	_ =	sdelay $0x3  }
0x36: {  	p1 =	seq.s32 s10, $0x1;
	s10 =	sld [smem:$0x3FB9];
	_ =	sdelay $0x3  }
0x37: {  	[smem:$0x3FB9] =	sst s10  }
0x38: {  	s10 =	sld [smem:$0x3FBA]  }
0x39: {  	_ = 	snop;
	(pc) =	sbr.ind lr, $3  }
0x3a: {  	_ = 	snop  }
0x3b: {  	_ = 	snop  }
0x3c: {  	p2 =	seq.s32 s10, $0x1;
	s10 =	sld [smem:$0x3FB9]  }
0x3d: {  	_ =	shalt  }
0x3e: {  	_ =	shalt  }
0x3f: {  	_ =	shalt  }
0x40: {  	_ =	shalt  }
0x41: {  	_ =	shalt  }
0x42: {  	_ =	shalt  }
0x43: {  	_ =	shalt  }
0x44: {  	_ =	shalt  }
0x45: {  	_ =	shalt  }
0x46: {  	_ =	shalt  }
0x47: {  	_ =	shalt  }
0x48: {  	_ =	shalt  }
0x49: {  	_ =	shalt  }
0x4a: {  	_ =	shalt  }
0x4b: {  	_ =	shalt  }
0x4c: {  	_ =	shalt  }
0x4d: {  	_ =	shalt  }
0x4e: {  	_ =	shalt  }
0x4f: {  	_ =	shalt  }
0x50: {  	_ =	shalt  }
0x51: {  	_ =	shalt  }
0x52: {  	_ =	shalt  }
0x53: {  	_ =	shalt  }
0x54: {  	_ =	shalt  }
0x55: {  	_ =	shalt  }
0x56: {  	_ =	shalt  }
0x57: {  	_ =	shalt  }
0x58: {  	_ =	shalt  }
0x59: {  	_ =	shalt  }
0x5a: {  	_ =	shalt  }
0x5b: {  	_ =	shalt  }
0x5c: {  	_ =	shalt  }
0x5d: {  	_ =	shalt  }
0x5e: {  	_ =	shalt  }
0x5f: {  	_ =	shalt  }
0x60: {  	_ =	shalt  }
0x61: {  	_ =	shalt  }
0x62: {  	_ =	shalt  }
0x63: {  	_ =	shalt  }
0x64: {  	_ =	shalt  }
0x65: {  	_ =	shalt  }
0x66: {  	_ =	shalt  }
0x67: {  	_ =	shalt  }
0x68: {  	_ =	shalt  }
0x69: {  	_ =	shalt  }
0x6a: {  	_ =	shalt  }
0x6b: {  	_ =	shalt  }
0x6c: {  	_ =	shalt  }
0x6d: {  	_ =	shalt  }
0x6e: {  	_ =	shalt  }
0x6f: {  	_ =	shalt  }
0x70: {  	_ =	shalt  }
0x71: {  	_ =	shalt  }
0x72: {  	_ =	shalt  }
0x73: {  	_ =	shalt  }
0x74: {  	_ =	shalt  }
0x75: {  	_ =	shalt  }
0x76: {  	_ =	shalt  }
0x77: {  	_ =	shalt  }
0x78: {  	_ =	shalt  }
0x79: {  	_ =	shalt  }
0x7a: {  	_ =	shalt  }
0x7b: {  	_ =	shalt  }
0x7c: {  	_ =	shalt  }
0x7d: {  	_ =	shalt  }
0x7e: {  	_ =	shalt  }
0x7f: {  	_ =	shalt  }
0x80: {  	_ =	shalt  }
0x81: {  	_ =	shalt  }
0x82: {  	_ =	shalt  }
0x83: {  	_ =	shalt  }
0x84: {  	_ =	shalt  }
0x85: {  	_ =	shalt  }
0x86: {  	_ =	shalt  }
0x87: {  	_ =	shalt  }
.Lfunc_end0:
.L_simem_size_0:
called_computation.1_lowered:
.L_overlay_start_0:
0x88: {  	s2 =	sld [smem:$0x3FD9]  }
0x89: {  	s3 =	sld [smem:$0x3FFE];
	_ =	sdelay $0x1  }
0x8a: {  	s1 =	srdreg.scid  }
0x8b: {  	s0 =	sand.u32 $0x1, s1  }
0x8c: {  	s17 =	sshll.u32 s0, $0xA;
	s2 =	sadd.s32 s3, s2  }
0x8d: {  	s2 =	sadd.s32 s2, s17  }
0x8e: {  	[smem:$0x3FC5] =	sst s2  }
0x8f: {  	_ = 	snop  }
0x90: {  	s2 =	sld [smem:$0x3FD0];
	(tm) =	ssettm $0x1  }
0x91: {  	s18 =	sld [smem:$0x3FFB];
	_ =	sdelay $0x3  }
0x92: {  	_ =	strace s18  }
0x93: {  	s3 =	sld [smem:$0x3FFC];
	_ =	sdelay $0x3  }
0x94: {  	_ =	strace s3  }
0x95: {  	s3 =	sld [smem:$0x3FFD];
	_ =	sdelay $0x3  }
0x96: {  	_ =	strace s3  }
0x97: {  	_ =	strace $0x8FFFFFFF  }
0x98: {  	s19 =	sld [smem:$0x3FDB];
	_ =	sdelay $0x1  }
0x99: {  	s4 =	simm.s32 $_scs_section_size  }
0x9a: {  	s5 =	simm.s32 $_size__tile_overlayer_lowered;
	s6 =	simm.s32 $_tile_overlayer_lowered  }
0x9b: {  	s22 =	simm.s32 $0x1BFF;
	s21 =	sshll.u32 s6, $0x1;
	s3 =	sadd.s32 s4, s19  }
0x9c: {  	s7 =	simm.s32 $0x0;
	s20 =	sshll.u32 s5, $0x1;
	s5 =	sadd.s32 s21, s3  }
0x9d: {  	[timem:s7], [sflag:s22] =	dma.local [hbm:s5], s20  }
0x9e: {  	_ =	swait.ge [sflag:s22], s20  }
0x9f: {  	s4 =	ssub.s32 $0x0, s20;
	[sflag:s22] =	ssyncset.done $0x0  }
0xa0: {  	[sflag:s22] =	ssyncadd.s32 s4;
	_ =	sdelay $0x1  }
0xa1: {  	s23 =	simm.s32 $0x1B8B  }
0xa2: {  	_ =	swait.ge [sflag:s23], $0x1  }
0xa3: {  	[sflag:s23] =	ssyncset.done $0x0  }
0xa4: {  	s25 =	simm.s32 $0x1B8E;
	s24 =	sld [smem:$0x3FFE];
	[sflag:s23] =	ssyncadd.s32 $0xFFFFFFFF  }
0xa5: {  	s26 =	simm.s32 $execute0_lowered;
	[smem:$0x3FD2] =	sst s25  }
0xa6: {  	s5 =	sshll.u32 s26, $0x1;
	_ =	strace $0x80000049;
	[dreg:$0x1] =	wrdreg $0xFFFFFFFF  }
0xa7: {  	s28 =	simm.s32 $_size_execute0_lowered;
	s3 =	sadd.s32 s3, s5;
	[dreg:$0x0] =	wrdreg $0x0  }
0xa8: {  	s5 =	sshll.u32 s28, $0x1;
	[dreg:$0x2] =	wrdreg s3  }
0xa9: {  	[dreg:$0x3] =	wrdreg s5  }
0xaa: {  	[dreg:$0x4] =	wrdreg $0xC0  }
0xab: {  	_ =	task [dreg:s7], $0x5FFFF  }
0xac: {  	[dreg:$0x1] =	wrdreg $0xFFFFFFFF  }
0xad: {  	[dreg:$0x0] =	wrdreg $0x60  }
0xae: {  	[dreg:$0x2] =	wrdreg s24  }
0xaf: {  	[dreg:$0x3] =	wrdreg s2  }
0xb0: {  	[dreg:$0x4] =	wrdreg $0x9  }
0xb1: {  	_ =	task.clear_ibuf [dreg:s7], $0x5FFFF;
	_ =	strace $0x90000049  }
0xb2: {  	s29 =	simm.s32 $0x9;
	_ =	strace $0x8000004B  }
0xb3: {  	_ =	swait.ge [sflag:s29], $0x1  }
0xb4: {  	[sflag:s29] =	ssyncadd.s32 $0xFFFFFFFF  }
0xb5: {  	_ =	strace $0x9000004B  }
0xb6: {  	_ =	sfence  }
0xb7: {  	s30 =	sld [smem:$0x0];
	_ =	sdelay $0x2  }
0xb8: {  	s31 =	sshll.u32 s1, $0xD;
	s1 =	sshrl.u32 s1, $0x2  }
0xb9: {  	s3 =	sand.u32 $0x4000, s31;
	s1 =	sadd.s32 s1, s30  }
0xba: {  	s0 =	sor.u32 s3, s0;
	s1 =	sshll.u32 s1, $0x11  }
0xbb: {  	s0 =	sor.u32 s1, s0  }
0xbc: {  	s0 =	sadd.s32 $0x8F2B, s0  }
0xbd: {  	[sflag:s0] =	ssyncadd.remote.s32 $0x1  }
0xbe: {  	_ =	sfence.sel $0xFFFF  }
0xbf: {  	[dreg:$0x0] =	wrdreg $0xFFFFFFFF;
	(pc) =	sbr.abs _section_cstart, $3  }
0xc0: {  	[dreg:$0x1] =	wrdreg $0xFFFFFFFF  }
0xc1: {  	_ =	task.clear_ibuf [dreg:s7], $0x2FFFF;
	_ =	strace $0x9FFFFFFF  }
0xc2: {  	(tm) =	ssettm $0x7FFFFFFF  }
0xc3: {  	_ =	shalt  }
tec
execute0_lowered:
.L_overlay_start_1:
0x0: {  	(tag) =	ssettag $0x1  }
0x1: {  	s0 =	rddreg [dreg:$0x0]  }
0x2: {  	s1 =	rddreg [dreg:$0x1]  }
0x3: {  	s2 =	srdreg.scid;
	s3 =	stileid.u32  }
0x4: {  	s6 =	simm.s32 $0x0;
	s2 =	sand.u32 $0x1, s2;
	s3 =	sshll.u32 s3, $0x1  }
0x5: {  	[smem:$0x7FF] =	sst s6;
	s5 =	sadd.s32 $0xE00, s0;
	s3 =	sor.u32 s2, s3  }
0x6: {  	_ =	strace $0x8000004A;
	s2 =	ssub.s32 $0x2, s2;
	s4 =	smul.u32 $0x680, s3  }
0x7: {  	s26 =	sshll.u32 s3, $0xB;
	s28 =	sshrl.u32 s2, $0x1;
	s3 =	sshll.u32 s3, $0x6  }
0x8: {  	[smem:$0x7F8] =	sst s5;
	s2 =	ssub.s32 s2, s28;
	s30 =	sadd.s32 s1, s3  }
0x9: {  	s4 =	sadd.s32 s4, s0;
	[smem:$0x7FC] =	sst s30;
	s31 =	smax.u32 s2, $0x1  }
0xa: {  	s0 =	sadd.s32 s26, s0;
	s4 =	sadd.s32 $0x1F9400, s4;
	[smem:$0x7FD] =	sst s31  }
0xb: {  	s29 =	sadd.s32 $0x1E9400, s0;
	[smem:$0x7F9] =	sst s4  }
0xc: {  	v0 =	vlaneseq.u32;
	s0 =	sadd.s32 $0x206400, s0;
	[smem:$0x7FA] =	sst s29  }
0xd: {  	v0 =	vmul.u32 $0x10, v0;
	s1 =	simm.s32 $0x3;
	s2 =	simm.s32 $0x0;
	[smem:$0x7FB] =	sst s0  }
.LBB2_1:
0xe: {  	s0 =	sld [smem:$0x7F9];
	_ =	sdelay $0x1  }
0xf: {  	[smem:$0x7F3] =	sst s2  }
0x10: {  	[tilespmem:s6], [sflag:$0x3] =	stream.linear.gather [hbm4b:s0+s6], $0x3400, $0x38;
	[tilespmem:$0x1A600] =	vst v63  }
0x11: {  	_ =	swait.ge [sflag:s1], $0x3400  }
0x12: {  	s16 =	sld [smem:$0x7FA]  }
0x13: {  	[sflag:s1] =	ssyncset.done $0x0  }
0x14: {  	s17 =	simm.s32 $0x7400;
	[sflag:s1] =	ssyncadd.s32 $0xFFFFCC00  }
0x15: {  	[tilespmem:s17], [sflag:$0x3] =	stream.linear.gather [hbm4b:s16+s6], $0x4000, $0x38;
	[tilespmem:$0x1A600] =	vst v63  }
0x16: {  	_ =	swait.ge [sflag:s1], $0x4000  }
0x17: {  	s18 =	sld [smem:$0x7FB]  }
0x18: {  	[sflag:s1] =	ssyncset.done $0x0  }
0x19: {  	s19 =	simm.s32 $0x3400;
	[sflag:s1] =	ssyncadd.s32 $0xFFFFC000  }
0x1a: {  	[tilespmem:s19], [sflag:$0x3] =	stream.linear.gather [hbm4b:s18+s6], $0x4000, $0x38;
	[tilespmem:$0x1A600] =	vst v63  }
0x1b: {  	s21 =	simm.s32 $0xD0;
	s22 =	simm.s32 $0xB400;
	_ =	swait.ge [sflag:s1], $0x4000  }
0x1c: {  	s23 =	simm.s32 $0x11C00;
	s24 =	simm.s32 $0x7530;
	s20 =	sld [smem:$0x7F8]  }
0x1d: {  	s29 =	simm.s32 $0x3420;
	s25 =	simm.s32 $0x3530;
	[smem:$0x7F4] =	sst s24  }
0x1e: {  	s26 =	simm.s32 $0x18490;
	[sflag:s1] =	ssyncset.done $0x0;
	[smem:$0x7F5] =	sst s25  }
0x1f: {  	s28 =	simm.s32 $0x0;
	[smem:$0x7F6] =	sst s26;
	[sflag:s1] =	ssyncadd.s32 $0xFFFFC000  }
0x20: {  	[tilespmem:s22], [sflag:$0x1] =	stream.indirect.gather [hbm4b:s20+s21], $0x80, s6, s21, $0xb8;
	[tilespmem:$0x1A600] =	vst v63  }
0x21: {  	s30 =	simm.s32 $0x7420;
	s31 =	simm.s32 $0x18410;
	[smem:$0x7F7] =	sst s28  }
0x22: {  	[tilespmem:s23], [sflag:$0x2] =	stream.indirect.gather [hbm4b:s20+s21], $0x80, s21, s21, $0xb8;
	[tilespmem:$0x1A600] =	vst v63  }
.LBB2_2:
0x23: {  	s0 =	simm.s32 $0x1  }
0x24: {  	_ =	swait.ge [sflag:s0], $0x6800  }
0x25: {  	[sflag:s0] =	ssyncset.done $0x0  }
0x26: {  	[sflag:s0] =	ssyncadd.s32 $0xFFFF9800  }
0x27: {  	v1 =	vld [tilespmem:s30+$0x10];
	_ =	sdelay $0x4  }
0x28: {  	(v2sf) =	vpush v1, $0x9  }
0x29: {  	(v2sf) =	vpush v1, $0x8  }
0x2a: {  	(v2sf) =	vpush v1, $0x7  }
0x2b: {  	(v2sf) =	vpush v1, $0x6  }
0x2c: {  	(v2sf) =	vpush v1, $0x5  }
0x2d: {  	v2 =	vld [tilespmem:s30+$0x0];
	(v2sf) =	vpush v1, $0x4  }
0x2e: {  	(v2sf) =	vpush v1, $0x3  }
0x2f: {  	(v2sf) =	vpush v1, $0x2  }
0x30: {  	(v2sf) =	vpush v1, $0x1  }
0x31: {  	(v2sf) =	vpush v1, $0x0  }
0x32: {  	(v2sf) =	vpush v2, $0xF  }
0x33: {  	(v2sf) =	vpush v2, $0xE  }
0x34: {  	(v2sf) =	vpush v2, $0xD  }
0x35: {  	(v2sf) =	vpush v2, $0xC  }
0x36: {  	(v2sf) =	vpush v2, $0xB  }
0x37: {  	(v2sf) =	vpush v2, $0xA;
	s0 =	spop (v2sf)  }
0x38: {  	(v2sf) =	vpush v2, $0x9;
	s5 =	spop (v2sf)  }
0x39: {  	(v2sf) =	vpush v2, $0x8;
	s3 =	spop (v2sf)  }
0x3a: {  	(v2sf) =	vpush v2, $0x7;
	s4 =	spop (v2sf)  }
0x3b: {  	(v2sf) =	vpush v2, $0x6;
	s1 =	spop (v2sf)  }
0x3c: {  	(v2sf) =	vpush v2, $0x5;
	s2 =	spop (v2sf)  }
0x3d: {  	(v2sf) =	vpush v2, $0x4;
	s6 =	spop (v2sf)  }
0x3e: {  	(v2sf) =	vpush v2, $0x3;
	s7 =	spop (v2sf)  }
0x3f: {  	(v2sf) =	vpush v2, $0x2;
	s8 =	spop (v2sf)  }
0x40: {  	(v2sf) =	vpush v2, $0x1;
	s9 =	spop (v2sf)  }
0x41: {  	(v2sf) =	vpush v2, $0x0;
	s10 =	spop (v2sf)  }
0x42: {  	s12 =	spop (v2sf)  }
0x43: {  	s15 =	spop (v2sf)  }
0x44: {  	s11 =	spop (v2sf)  }
0x45: {  	s13 =	spop (v2sf)  }
0x46: {  	s14 =	spop (v2sf)  }
0x47: {  	s16 =	spop (v2sf)  }
0x48: {  	s17 =	spop (v2sf)  }
0x49: {  	s18 =	spop (v2sf)  }
0x4a: {  	s19 =	spop (v2sf)  }
0x4b: {  	s20 =	spop (v2sf)  }
0x4c: {  	s21 =	spop (v2sf)  }
0x4d: {  	s22 =	spop (v2sf)  }
0x4e: {  	s23 =	spop (v2sf)  }
0x4f: {  	s24 =	spop (v2sf)  }
0x50: {  	s25 =	spop (v2sf)  }
0x51: {  	s28 =	sand.u32 $0x7F, s24;
	s24 =	sshll.u32 s24, $0x2;
	s26 =	sand.u32 $0x7F, s25  }
0x52: {  	s25 =	sshll.u32 s25, $0x2;
	s24 =	sand.u32 $0xFFFFFE00, s24;
	s28 =	sshll.u32 s28, $0x2  }
0x53: {  	s25 =	sand.u32 $0xFFFFFE00, s25;
	s26 =	sshll.u32 s26, $0x2;
	s24 =	sor.u32 s28, s24  }
0x54: {  	s28 =	sand.u32 $0x7F, s22;
	s22 =	sshll.u32 s22, $0x2;
	s25 =	sor.u32 s26, s25  }
0x55: {  	s26 =	sand.u32 $0x7F, s23;
	s23 =	sshll.u32 s23, $0x2;
	s22 =	sand.u32 $0xFFFFFE00, s22  }
0x56: {  	s24 =	sshra.s32 s24, $0x2;
	s23 =	sand.u32 $0xFFFFFE00, s23;
	s26 =	sshll.u32 s26, $0x2  }
0x57: {  	s25 =	sshra.s32 s25, $0x2;
	s24 =	sadd.s32 $0xCD80, s24;
	s23 =	sor.u32 s26, s23  }
0x58: {  	s26 =	sshll.u32 s28, $0x2;
	s28 =	sshll.u32 s20, $0x2;
	s20 =	sand.u32 $0x7F, s20  }
0x59: {  	s25 =	sadd.s32 $0xCD80, s25;
	s22 =	sor.u32 s26, s22;
	s26 =	sand.u32 $0x7F, s21  }
0x5a: {  	s21 =	sshll.u32 s21, $0x2;
	s20 =	sshll.u32 s20, $0x2;
	s23 =	sshra.s32 s23, $0x2  }
0x5b: {  	v2 =	vld [tilespmem:s25+$0xFFFFF380];
	s25 =	sand.u32 $0x7F, s12;
	s12 =	sshll.u32 s12, $0x2;
	s21 =	sand.u32 $0xFFFFFE00, s21  }
0x5c: {  	s26 =	sshll.u32 s26, $0x2;
	s23 =	sadd.s32 $0xCD80, s23;
	s22 =	sshra.s32 s22, $0x2  }
0x5d: {  	s12 =	sand.u32 $0xFFFFFE00, s12;
	s21 =	sor.u32 s26, s21;
	s26 =	sand.u32 $0xFFFFFE00, s28  }
0x5e: {  	s28 =	sand.u32 $0x7F, s19;
	s19 =	sshll.u32 s19, $0x2;
	s22 =	sadd.s32 $0xCD80, s22  }
0x5f: {  	v4 =	vld [tilespmem:s23+$0xFFFFF480];
	s23 =	sand.u32 $0x7F, s10;
	s10 =	sshll.u32 s10, $0x2;
	s20 =	sor.u32 s20, s26  }
0x60: {  	v7 =	vld [tilespmem:s29+$0x0];
	s19 =	sand.u32 $0xFFFFFE00, s19;
	s26 =	sshll.u32 s28, $0x2;
	s28 =	sshll.u32 s17, $0x2  }
0x61: {  	v1 =	vld [tilespmem:s29+$0xFFFFFFE0];
	s17 =	sand.u32 $0x7F, s17;
	s21 =	sshra.s32 s21, $0x2;
	s10 =	sand.u32 $0xFFFFFE00, s10  }
0x62: {  	v6 =	vld [tilespmem:s22+$0xFFFFF500];
	s22 =	sand.u32 $0x7F, s7;
	s7 =	sshll.u32 s7, $0x2;
	s19 =	sor.u32 s26, s19  }
0x63: {  	s26 =	sand.u32 $0x7F, s18;
	s18 =	sshll.u32 s18, $0x2;
	s17 =	sshll.u32 s17, $0x2  }
0x64: {  	s21 =	sadd.s32 $0xCD80, s21;
	s20 =	sshra.s32 s20, $0x2;
	s7 =	sand.u32 $0xFFFFFE00, s7  }
0x65: {  	s18 =	sand.u32 $0xFFFFFE00, s18;
	s26 =	sshll.u32 s26, $0x2;
	s20 =	sadd.s32 $0xCD80, s20  }
0x66: {  	v5 =	vbroadcast v7, $0x0;
	v8 =	vbroadcast v7, $0x1;
	v10 =	vld [tilespmem:s21+$0xFFFFF580];
	s21 =	sshll.u32 s23, $0x2;
	s19 =	sshra.s32 s19, $0x2;
	s18 =	sor.u32 s26, s18  }
0x67: {  	v24 =	vbroadcast v1, $0x0;
	v23 =	vbroadcast v1, $0x1;
	s26 =	sand.u32 $0xFFFFFE00, s28;
	s28 =	sand.u32 $0x7F, s16;
	s16 =	sshll.u32 s16, $0x2  }
0x68: {  	v22 =	vbroadcast v1, $0x2;
	v21 =	vbroadcast v1, $0x3;
	s10 =	sor.u32 s21, s10;
	s19 =	sadd.s32 $0xCD80, s19;
	s17 =	sor.u32 s17, s26  }
0x69: {  	v18 =	vbroadcast v1, $0x4;
	v16 =	vbroadcast v1, $0x5;
	v3 =	vld [tilespmem:s24+$0xFFFFF400];
	s16 =	sand.u32 $0xFFFFFE00, s16;
	s26 =	sshll.u32 s28, $0x2;
	s28 =	sand.u32 $0x7F, s13  }
0x6a: {  	v17 =	vbroadcast v1, $0x6;
	v13 =	vbroadcast v1, $0x7;
	s13 =	sshll.u32 s13, $0x2;
	s18 =	sshra.s32 s18, $0x2;
	s10 =	sshra.s32 s10, $0x2  }
0x6b: {  	v19 =	vbroadcast v1, $0x8;
	v15 =	vbroadcast v1, $0x9;
	s16 =	sor.u32 s26, s16;
	s26 =	sand.u32 $0x7F, s14;
	s14 =	sshll.u32 s14, $0x2  }
0x6c: {  	v14 =	vbroadcast v1, $0xA;
	v12 =	vbroadcast v1, $0xB;
	s13 =	sand.u32 $0xFFFFFE00, s13;
	s28 =	sshll.u32 s28, $0x2;
	s18 =	sadd.s32 $0xCD80, s18  }
0x6d: {  	v2 =	vmul.f32 v2, v5;
	v5 =	vbroadcast v7, $0x2;
	s17 =	sshra.s32 s17, $0x2;
	s10 =	sadd.s32 $0xCD80, s10;
	s14 =	sand.u32 $0xFFFFFE00, s14  }
0x6e: {  	v9 =	vbroadcast v1, $0xC;
	v3 =	vmul.f32 v3, v8;
	s26 =	sshll.u32 s26, $0x2;
	s13 =	sor.u32 s28, s13;
	s28 =	simm.s32 $0xCD80  }
0x6f: {  	v11 =	vadd.f32 $0.0e+00, v2;
	v4 =	vmul.f32 v4, v5;
	v5 =	vbroadcast v7, $0x3;
	v28 =	vld [tilespmem:s18+$0xFFFFF700];
	s17 =	sadd.s32 $0xCD80, s17;
	s16 =	sshra.s32 s16, $0x2;
	s18 =	sshll.u32 s22, $0x2  }
0x70: {  	v25 =	vld [tilespmem:s20+$0xFFFFF600];
	v26 =	vmul.f32 v3, v3;
	v2 =	vmul.f32 v2, v2;
	s22 =	sand.u32 $0x7F, s0;
	s0 =	sshll.u32 s0, $0x2;
	s14 =	sor.u32 s26, s14  }
0x71: {  	v8 =	vbroadcast v1, $0xD;
	v3 =	vadd.f32 v3, v11;
	v11 =	vmul.f32 v6, v5;
	s26 =	sand.u32 $0x7F, s11;
	s11 =	sshll.u32 s11, $0x2;
	s16 =	sadd.s32 $0xCD80, s16  }
0x72: {  	v5 =	vbroadcast v7, $0x4;
	v2 =	vadd.f32 v26, v2;
	v26 =	vmul.f32 v4, v4;
	s7 =	sor.u32 s18, s7;
	s13 =	sshra.s32 s13, $0x2;
	s0 =	sand.u32 $0xFFFFFE00, s0  }
0x73: {  	v27 =	vld [tilespmem:s19+$0xFFFFF680];
	v6 =	vbroadcast v1, $0xE;
	s11 =	sand.u32 $0xFFFFFE00, s11;
	s26 =	sshll.u32 s26, $0x2;
	v3 =	vadd.f32 v4, v3;
	v4 =	vbroadcast v7, $0x5;
	s14 =	sshra.s32 s14, $0x2  }
0x74: {  	v10 =	vmul.f32 v10, v5;
	v2 =	vadd.f32 v26, v2;
	v26 =	vmul.f32 v11, v11;
	v29 =	vld [tilespmem:s16+$0xFFFFF800];
	s13 =	sadd.s32 $0xCD80, s13;
	s16 =	sand.u32 $0x7F, s5;
	s7 =	sshra.s32 s7, $0x2  }
0x75: {  	v5 =	vbroadcast v1, $0xF;
	s5 =	sshll.u32 s5, $0x2;
	s11 =	sor.u32 s26, s11;
	s26 =	sand.u32 $0x7F, s15;
	v1 =	vadd.f32 v11, v3;
	v11 =	vmul.f32 v25, v4  }
0x76: {  	s15 =	sshll.u32 s15, $0x2;
	s14 =	sadd.s32 $0xCD80, s14;
	s7 =	sadd.s32 $0xCD80, s7;
	v4 =	vbroadcast v7, $0x6;
	v2 =	vadd.f32 v26, v2;
	v25 =	vmul.f32 v10, v10  }
0x77: {  	s5 =	sand.u32 $0xFFFFFE00, s5;
	s15 =	sand.u32 $0xFFFFFE00, s15;
	s24 =	sshll.u32 s26, $0x2;
	v26 =	vld [tilespmem:s17+$0xFFFFF780];
	v1 =	vadd.f32 v10, v1;
	v10 =	vbroadcast v7, $0x7  }
0x78: {  	s26 =	sshll.u32 s25, $0x2;
	s25 =	sand.u32 $0x7F, s8;
	s8 =	sshll.u32 s8, $0x2;
	v27 =	vmul.f32 v27, v4;
	v2 =	vadd.f32 v25, v2;
	v30 =	vmul.f32 v11, v11;
	v25 =	vld [tilespmem:s30+$0xFFFFFFE0]  }
0x79: {  	s11 =	sshra.s32 s11, $0x2;
	s15 =	sor.u32 s24, s15;
	s12 =	sor.u32 s26, s12;
	v1 =	vadd.f32 v11, v1;
	v10 =	vmul.f32 v28, v10  }
0x7a: {  	v31 =	vld [tilespmem:s14+$0xFFFFF880];
	s26 =	simm.s32 $0x0;
	s24 =	sand.u32 $0x7F, s9;
	s9 =	sshll.u32 s9, $0x2;
	v11 =	vbroadcast v7, $0x8;
	v40 =	vadd.f32 v30, v2;
	v41 =	vmul.f32 v27, v27  }
0x7b: {  	v32 =	vbroadcast v7, $0x9;
	s8 =	sand.u32 $0xFFFFFE00, s8;
	s23 =	sshll.u32 s25, $0x2;
	s25 =	sand.u32 $0x7F, s2;
	v27 =	vadd.f32 v27, v1  }
0x7c: {  	s2 =	sshll.u32 s2, $0x2;
	s11 =	sadd.s32 $0xCD80, s11;
	s9 =	sand.u32 $0xFFFFFE00, s9;
	v11 =	vmul.f32 v26, v11;
	v26 =	vadd.f32 v41, v40;
	v42 =	vmul.f32 v10, v10  }
0x7d: {  	v43 =	vbroadcast v7, $0xA;
	v50 =	vbroadcast v7, $0xD;
	s20 =	sshll.u32 s24, $0x2;
	s8 =	sor.u32 s23, s8;
	s24 =	sand.u32 $0x7F, s6;
	(v2sf) =	vpush v25, $0x0  }
0x7e: {  	v33 =	vld [tilespmem:s13+$0xFFFFF900];
	s6 =	sshll.u32 s6, $0x2;
	s21 =	sshll.u32 s25, $0x2;
	s23 =	sand.u32 $0x7F, s4;
	v10 =	vadd.f32 v10, v27;
	v27 =	vmul.f32 v29, v32;
	v26 =	vadd.f32 v42, v26  }
0x7f: {  	s15 =	sshra.s32 s15, $0x2;
	s25 =	sand.u32 $0x7F, s3;
	s12 =	sshra.s32 s12, $0x2;
	v44 =	vmul.f32 v11, v11;
	v29 =	vmul.f32 v31, v43;
	(v2sf) =	vpush v25, $0x1  }
0x80: {  	v45 =	vld [tilespmem:s11+$0xFFFFF980];
	s4 =	sshll.u32 s4, $0x2;
	s3 =	sshll.u32 s3, $0x2;
	s12 =	sadd.s32 $0xCD80, s12;
	(v2sf) =	vpush v25, $0x2;
	v10 =	vadd.f32 v11, v10;
	v11 =	vbroadcast v7, $0xB  }
0x81: {  	s9 =	sor.u32 s20, s9;
	s6 =	sand.u32 $0xFFFFFE00, s6;
	s15 =	sadd.s32 $0xCD80, s15;
	v49 =	vld [tilespmem:s12+$0xFFFFFA80];
	v26 =	vadd.f32 v44, v26;
	v47 =	vmul.f32 v27, v27;
	(v2sf) =	vpush v25, $0x3  }
0x82: {  	s18 =	sshll.u32 s24, $0x2;
	s20 =	sand.u32 $0xFFFFFE00, s2;
	s24 =	sand.u32 $0x7F, s1;
	v46 =	vld [tilespmem:s15+$0xFFFFFA00];
	v48 =	vmul.f32 v29, v29;
	(v2sf) =	vpush v25, $0x4;
	v10 =	vadd.f32 v27, v10  }
0x83: {  	s1 =	sshll.u32 s1, $0x2;
	s8 =	sshra.s32 s8, $0x2;
	s4 =	sand.u32 $0xFFFFFE00, s4;
	v11 =	vmul.f32 v33, v11;
	v27 =	vbroadcast v7, $0xC;
	v26 =	vadd.f32 v47, v26  }
0x84: {  	v53 =	vbroadcast v7, $0xE;
	s3 =	sand.u32 $0xFFFFFE00, s3;
	s2 =	sshll.u32 s22, $0x2;
	s19 =	sor.u32 s18, s6;
	(v2sf) =	vpush v25, $0x5;
	v10 =	vadd.f32 v29, v10  }
0x85: {  	s14 =	sor.u32 s21, s20;
	s1 =	sand.u32 $0xFFFFFE00, s1;
	s11 =	sshll.u32 s24, $0x2;
	v27 =	vmul.f32 v45, v27;
	v28 =	vadd.f32 v48, v26;
	v52 =	vmul.f32 v11, v11;
	v26 =	vld [tilespmem:s29+$0x10]  }
0x86: {  	s9 =	sshra.s32 s9, $0x2;
	s8 =	sadd.s32 $0xCD80, s8;
	s6 =	sshll.u32 s23, $0x2;
	(v2sf) =	vpush v25, $0x6;
	v29 =	vmul.f32 v49, v53;
	v10 =	vadd.f32 v11, v10  }
0x87: {  	v51 =	vld [tilespmem:s10+$0xFFFFFB00];
	s0 =	sor.u32 s2, s0;
	s11 =	sor.u32 s11, s1;
	s9 =	sadd.s32 $0xCD80, s9;
	v11 =	vmul.f32 v46, v50;
	v28 =	vadd.f32 v52, v28;
	v54 =	vmul.f32 v27, v27  }
0x88: {  	s17 =	sshra.s32 s19, $0x2;
	s18 =	sshra.s32 s14, $0x2;
	s4 =	sor.u32 s6, s4;
	v7 =	vbroadcast v7, $0xF;
	(v2sf) =	vpush v25, $0x7;
	v10 =	vadd.f32 v27, v10  }
0x89: {  	s19 =	sshll.u32 s25, $0x2;
	s1 =	sshll.u32 s16, $0x2;
	s10 =	sadd.s32 $0xCD80, s17;
	v58 =	vmul.f32 v29, v29;
	v27 =	vld [tilespmem:s9+$0xFFFFFB80];
	v28 =	vadd.f32 v54, v28;
	v55 =	vmul.f32 v11, v11  }
0x8a: {  	v56 =	vld [tilespmem:s8+$0xFFFFFC00];
	s12 =	sadd.s32 $0xCD80, s18;
	s11 =	sshra.s32 s11, $0x2;
	s4 =	sshra.s32 s4, $0x2;
	v57 =	vbroadcast v26, $0x0;
	v60 =	vbroadcast v26, $0x1;
	v10 =	vadd.f32 v11, v10  }
0x8b: {  	v59 =	vld [tilespmem:s7+$0xFFFFFC80];
	s3 =	sor.u32 s19, s3;
	s1 =	sor.u32 s1, s5;
	s20 =	sadd.s32 $0xCD80, s11;
	v62 =	vbroadcast v26, $0x2;
	v36 =	vbroadcast v26, $0x3;
	v28 =	vadd.f32 v55, v28  }
0x8c: {  	s4 =	sadd.s32 $0xCD80, s4;
	s3 =	sshra.s32 s3, $0x2;
	s1 =	sshra.s32 s1, $0x2;
	v63 =	vld [tilespmem:s12+$0xFFFFFD80];
	v39 =	vbroadcast v26, $0x4;
	v11 =	vmul.f32 v51, v7;
	v10 =	vadd.f32 v29, v10  }
0x8d: {  	s3 =	sadd.s32 $0xCD80, s3;
	s1 =	sadd.s32 $0xCD80, s1;
	v38 =	vld [tilespmem:s20+$0xFFFFFE00];
	v43 =	vbroadcast v26, $0x5;
	v35 =	vbroadcast v26, $0x6;
	v28 =	vadd.f32 v58, v28;
	s21 =	spop (v2sf)  }
0x8e: {  	v34 =	vld [tilespmem:s4+$0xFFFFFE80];
	v61 =	vmul.f32 v11, v11;
	v27 =	vmul.f32 v27, v57;
	s22 =	sand.u32 $0x7F, s21;
	s2 =	sshll.u32 s21, $0x2;
	s23 =	spop (v2sf);
	v10 =	vadd.f32 v11, v10  }
0x8f: {  	(v2sf) =	vpush v25, $0x8;
	v48 =	vbroadcast v26, $0x7;
	v31 =	vmul.f32 v56, v60;
	v11 =	vld [tilespmem:s10+$0xFFFFFD00];
	s2 =	sand.u32 $0xFFFFFE00, s2;
	s5 =	sshll.u32 s22, $0x2;
	s24 =	sand.u32 $0x7F, s23  }
0x90: {  	v44 =	vld [tilespmem:s3+$0xFFFFFF00];
	v28 =	vadd.f32 v61, v28;
	s6 =	sshll.u32 s23, $0x2;
	s25 =	spop (v2sf);
	s2 =	sor.u32 s5, s2;
	v10 =	vadd.f32 v27, v10;
	v27 =	vmul.f32 v27, v27  }
0x91: {  	(v2sf) =	vpush v25, $0x9;
	v52 =	vbroadcast v26, $0x8;
	v41 =	vmul.f32 v63, v39;
	s6 =	sand.u32 $0xFFFFFE00, s6;
	s5 =	sshll.u32 s24, $0x2;
	s8 =	sand.u32 $0x7F, s25  }
0x92: {  	v46 =	vld [tilespmem:s1+$0xFFFFFF80];
	v29 =	vmul.f32 v59, v62;
	v37 =	vmul.f32 v31, v31;
	s9 =	sshll.u32 s25, $0x2;
	s10 =	spop (v2sf);
	s2 =	sshra.s32 s2, $0x2;
	v27 =	vadd.f32 v27, v28  }
0x93: {  	v30 =	vmul.f32 v38, v43;
	v47 =	vmul.f32 v34, v35;
	s4 =	sor.u32 s5, s6;
	s6 =	sand.u32 $0xFFFFFE00, s9;
	s2 =	sadd.s32 $0xCD80, s2  }
0x94: {  	v40 =	vmul.f32 v29, v29;
	s5 =	sshll.u32 s8, $0x2;
	s14 =	sand.u32 $0x7F, s10;
	s4 =	sshra.s32 s4, $0x2;
	v51 =	vld [tilespmem:s2+$0xFFFFE680];
	v32 =	vmul.f32 v11, v36;
	v27 =	vadd.f32 v37, v27  }
0x95: {  	v33 =	vmul.f32 v44, v48;
	(v2sf) =	vpush v25, $0xA;
	s7 =	sshll.u32 s10, $0x2;
	s12 =	sor.u32 s5, s6;
	v10 =	vadd.f32 v31, v10;
	s11 =	sadd.s32 $0xCD80, s4  }
0x96: {  	(v2sf) =	vpush v25, $0xB;
	s15 =	sand.u32 $0xFFFFFE00, s7;
	s6 =	sshll.u32 s14, $0x2;
	s4 =	sshra.s32 s12, $0x2;
	v53 =	vld [tilespmem:s11+$0xFFFFE700];
	v42 =	vmul.f32 v32, v32;
	v27 =	vadd.f32 v40, v27  }
0x97: {  	s0 =	sshra.s32 s0, $0x2;
	v54 =	vmul.f32 v46, v52;
	(v2sf) =	vpush v25, $0xC;
	s1 =	sor.u32 s6, s15;
	s4 =	sadd.s32 $0xCD80, s4;
	v10 =	vadd.f32 v29, v10  }
0x98: {  	s0 =	sadd.s32 $0xCD80, s0;
	v45 =	vmul.f32 v41, v41;
	(v2sf) =	vpush v25, $0xD;
	s13 =	spop (v2sf);
	s1 =	sshra.s32 s1, $0x2;
	v55 =	vld [tilespmem:s4+$0xFFFFE780];
	v27 =	vadd.f32 v42, v27  }
0x99: {  	s16 =	spop (v2sf);
	s18 =	sshll.u32 s13, $0x2;
	(v2sf) =	vpush v25, $0xE;
	s1 =	sadd.s32 $0xCD80, s1;
	v32 =	vadd.f32 v32, v10;
	v10 =	vld [tilespmem:s30+$0xFFFFFFF0];
	v24 =	vmul.f32 v51, v24  }
0x9a: {  	v50 =	vmul.f32 v30, v30;
	s17 =	sand.u32 $0x7F, s13;
	s19 =	spop (v2sf);
	s2 =	sand.u32 $0xFFFFFE00, s18;
	(v2sf) =	vpush v25, $0xF;
	v57 =	vld [tilespmem:s1+$0xFFFFE800];
	v27 =	vadd.f32 v45, v27  }
0x9b: {  	s20 =	sshll.u32 s17, $0x2;
	s21 =	sand.u32 $0x7F, s16;
	s22 =	sshll.u32 s16, $0x2;
	v29 =	vadd.f32 v41, v32;
	v23 =	vmul.f32 v53, v23;
	v58 =	vadd.f32 $0.0e+00, v24  }
0x9c: {  	s2 =	sor.u32 s20, s2;
	s23 =	spop (v2sf);
	s6 =	sand.u32 $0xFFFFFE00, s22;
	v24 =	vmul.f32 v24, v24;
	v25 =	vadd.f32 v50, v27;
	v27 =	vmul.f32 v47, v47  }
0x9d: {  	s24 =	sshll.u32 s21, $0x2;
	s7 =	sand.u32 $0x7F, s19;
	s2 =	sshra.s32 s2, $0x2;
	v22 =	vmul.f32 v55, v22;
	v49 =	vadd.f32 v30, v29;
	v60 =	vmul.f32 v23, v23  }
0x9e: {  	v56 =	vld [tilespmem:s0+$0x0];
	s5 =	sshll.u32 s19, $0x2;
	s25 =	spop (v2sf);
	s2 =	sadd.s32 $0xCD80, s2;
	(v2sf) =	vpush v10, $0x0;
	v25 =	vadd.f32 v27, v25;
	v27 =	vmul.f32 v33, v33  }
0x9f: {  	s0 =	sor.u32 s24, s6;
	s5 =	sand.u32 $0xFFFFFE00, s5;
	s9 =	sand.u32 $0x7F, s23;
	v59 =	vld [tilespmem:s2+$0xFFFFE880];
	v21 =	vmul.f32 v57, v21;
	v23 =	vadd.f32 v23, v58;
	v28 =	vadd.f32 v47, v49  }
0xa0: {  	s4 =	sshll.u32 s23, $0x2;
	s0 =	sshra.s32 s0, $0x2;
	s1 =	sshll.u32 s7, $0x2;
	(v2sf) =	vpush v10, $0x1;
	v25 =	vadd.f32 v27, v25;
	v27 =	vmul.f32 v54, v54  }
0xa1: {  	v20 =	vld [tilespmem:s29+$0xFFFFFFF0];
	s8 =	spop (v2sf);
	s12 =	sshll.u32 s9, $0x2;
	s0 =	sadd.s32 $0xCD80, s0;
	v61 =	vmul.f32 v22, v22;
	v24 =	vadd.f32 v60, v24;
	(v2sf) =	vpush v10, $0x2  }
0xa2: {  	v26 =	vbroadcast v26, $0x9;
	s4 =	sand.u32 $0xFFFFFE00, s4;
	s3 =	sshll.u32 s25, $0x2;
	s1 =	sor.u32 s1, s5;
	v28 =	vadd.f32 v33, v28;
	v25 =	vadd.f32 v27, v25;
	v27 =	vld [tilespmem:s0+$0xFFFFE900]  }
0xa3: {  	s15 =	sand.u32 $0x7F, s25;
	s3 =	sand.u32 $0xFFFFFE00, s3;
	s11 =	sshra.s32 s1, $0x2;
	v22 =	vadd.f32 v22, v23;
	v23 =	vadd.f32 v61, v24;
	v24 =	vmul.f32 v21, v21  }
0xa4: {  	v26 =	vmul.f32 v56, v26;
	s1 =	sor.u32 s12, s4;
	s4 =	sshll.u32 s15, $0x2;
	s13 =	sadd.s32 $0xCD80, s11;
	v62 =	vmul.f32 v59, v18;
	v28 =	vadd.f32 v54, v28  }
0xa5: {  	s16 =	sand.u32 $0x7F, s8;
	s17 =	sshll.u32 s8, $0x2;
	s3 =	sor.u32 s4, s3;
	v63 =	vld [tilespmem:s13+$0xFFFFE980];
	v21 =	vadd.f32 v21, v22;
	v22 =	vadd.f32 v24, v23  }
0xa6: {  	s19 =	sshll.u32 s16, $0x2;
	s1 =	sshra.s32 s1, $0x2;
	s18 =	sshra.s32 s3, $0x2;
	v23 =	vmul.f32 v62, v62;
	v28 =	vadd.f32 v26, v28;
	v26 =	vmul.f32 v26, v26  }
0xa7: {  	v3 =	vbroadcast v20, $0x0;
	s1 =	sadd.s32 $0xCD80, s1;
	s2 =	sadd.s32 $0xCD80, s18;
	s10 =	spop (v2sf);
	v21 =	vadd.f32 v62, v21;
	v24 =	vmul.f32 v27, v16  }
0xa8: {  	v4 =	vbroadcast v20, $0x1;
	s14 =	spop (v2sf);
	s20 =	sand.u32 $0x7F, s10;
	s8 =	sshll.u32 s10, $0x2;
	v22 =	vadd.f32 v23, v22;
	v25 =	vadd.f32 v26, v25  }
0xa9: {  	s10 =	sadd.s32 $0x40, s30;
	s6 =	spop (v2sf);
	s8 =	sand.u32 $0xFFFFFE00, s8;
	v23 =	vmul.f32 v24, v24;
	v21 =	vadd.f32 v24, v21;
	v24 =	vmul.f32 v28, v28  }
0xaa: {  	v2 =	vbroadcast v20, $0x2;
	s9 =	sshll.u32 s20, $0x2;
	s23 =	sand.u32 $0x7F, s14;
	(v2sf) =	vpush v10, $0x3;
	v17 =	vmul.f32 v63, v17;
	v26 =	vld [tilespmem:s1+$0xFFFFEA00];
	s1 =	sand.u32 $0xFFFFFE00, s17  }
0xab: {  	v1 =	vbroadcast v20, $0x3;
	s25 =	sshll.u32 s14, $0x2;
	s7 =	spop (v2sf);
	(v2sf) =	vpush v10, $0x4;
	s1 =	sor.u32 s19, s1;
	v24 =	vsub.f32 v24, v25  }
0xac: {  	s8 =	sor.u32 s9, s8;
	s9 =	sand.u32 $0xFFFFFE00, s25;
	(v2sf) =	vpush v10, $0x5;
	s21 =	sshra.s32 s1, $0x2;
	v27 =	vld [tilespmem:s2+$0xFFFFEA80];
	v22 =	vadd.f32 v23, v22;
	v23 =	vmul.f32 v17, v17  }
0xad: {  	v7 =	vbroadcast v20, $0x4;
	v11 =	vbroadcast v20, $0x5;
	s24 =	sshra.s32 s8, $0x2;
	s5 =	spop (v2sf);
	(v2sf) =	vpush v10, $0x6;
	s22 =	sadd.s32 $0xCD80, s21;
	[tilespmem:s31+$0x0] =	vst v24  }
0xae: {  	v18 =	vbroadcast v20, $0x6;
	s8 =	sshll.u32 s23, $0x2;
	s4 =	spop (v2sf);
	(v2sf) =	vpush v10, $0x7;
	v23 =	vadd.f32 v23, v22;
	v22 =	vld [tilespmem:s22+$0xFFFFEB00];
	[smem:$0x7F0] =	sst s30  }
0xaf: {  	s0 =	sadd.s32 $0xCD80, s24;
	v16 =	vbroadcast v20, $0x7;
	v26 =	vmul.f32 v26, v13;
	s3 =	spop (v2sf);
	v21 =	vadd.f32 v17, v21;
	[smem:$0x7F1] =	sst s31  }
0xb0: {  	(v2sf) =	vpush v10, $0x8;
	v13 =	vbroadcast v20, $0x9;
	s2 =	spop (v2sf);
	v17 =	vbroadcast v20, $0x8;
	[smem:$0x7F2] =	sst s29;
	s30 =	simm.s32 $0xCD80  }
0xb1: {  	s17 =	smov.u32 s29;
	s1 =	spop (v2sf);
	v20 =	vmul.f32 v27, v19;
	v21 =	vadd.f32 v26, v21;
	v24 =	vmul.f32 v26, v26;
	[dreg:$0x8] =	wrdreg s30  }
.LBB2_3:
0xb2: {  	[dreg:$0x3] =	wrdreg s10;
	s9 =	sor.u32 s8, s9;
	s16 =	sand.u32 $0x7F, s6  }
0xb3: {  	[dreg:$0x1d] =	wrdreg s31;
	s11 =	smov.u32 s31;
	s19 =	sshll.u32 s6, $0x2  }
0xb4: {  	s23 =	sand.u32 $0x7F, s7;
	s24 =	sshll.u32 s7, $0x2;
	s29 =	sand.u32 $0x7F, s5  }
0xb5: {  	s12 =	sand.u32 $0x7F, s4;
	s13 =	sshll.u32 s4, $0x2;
	[dreg:$0x5] =	wrdreg s11  }
0xb6: {  	v25 =	vld [tilespmem:s10+$0x10];
	s18 =	rddreg [dreg:$0x3];
	s9 =	sshra.s32 s9, $0x2;
	s10 =	sshll.u32 s16, $0x2  }
0xb7: {  	s20 =	rddreg [dreg:$0x3];
	s21 =	sand.u32 $0xFFFFFE00, s19;
	s7 =	sand.u32 $0xFFFFFE00, s24  }
0xb8: {  	s25 =	sshll.u32 s23, $0x2;
	s14 =	rddreg [dreg:$0x3];
	s4 =	sand.u32 $0xFFFFFE00, s13  }
0xb9: {  	s16 =	sand.u32 $0x7F, s3;
	s23 =	sand.u32 $0x7F, s1;
	s9 =	sadd.s32 s9, s28  }
0xba: {  	s22 =	sor.u32 s10, s21;
	s7 =	sor.u32 s25, s7;
	s10 =	sshll.u32 s29, $0x2  }
0xbb: {  	v23 =	vadd.f32 v24, v23;
	v21 =	vadd.f32 v20, v21;
	v20 =	vmul.f32 v20, v20;
	v19 =	vld [tilespmem:s18+$0xFFFFFFE0];
	s18 =	sshll.u32 s3, $0x2;
	s21 =	sshll.u32 s2, $0x2;
	s25 =	sshll.u32 s1, $0x2  }
0xbc: {  	s29 =	sshll.u32 s23, $0x2;
	s30 =	sshra.s32 s7, $0x2;
	s7 =	sshll.u32 s5, $0x2;
	v15 =	vmul.f32 v22, v15;
	v22 =	vld [tilespmem:s0+$0xFFFFEB80]  }
0xbd: {  	v20 =	vadd.f32 v20, v23;
	v23 =	vld [tilespmem:s9+$0xFFFFEC00];
	s3 =	sand.u32 $0xFFFFFE00, s18;
	s0 =	sshra.s32 s22, $0x2;
	s5 =	sand.u32 $0xFFFFFE00, s7  }
0xbe: {  	s1 =	sand.u32 $0xFFFFFE00, s25;
	s0 =	sadd.s32 s0, s28;
	s11 =	sor.u32 s10, s5  }
0xbf: {  	s5 =	sshll.u32 s12, $0x2;
	v21 =	vadd.f32 v15, v21;
	v15 =	vmul.f32 v15, v15;
	v24 =	vld [tilespmem:s0+$0xFFFFEC80];
	s0 =	sadd.s32 s30, s28;
	s8 =	spop (v2sf);
	(v2sf) =	vpush v10, $0x9  }
0xc0: {  	s15 =	sor.u32 s5, s4;
	s4 =	sshll.u32 s16, $0x2;
	s6 =	spop (v2sf);
	(v2sf) =	vpush v25, $0x9  }
0xc1: {  	s22 =	sand.u32 $0xFFFFFE00, s21;
	s4 =	sor.u32 s4, s3;
	v15 =	vadd.f32 v15, v20;
	v20 =	vld [tilespmem:s0+$0xFFFFED00];
	s0 =	sshra.s32 s11, $0x2;
	v14 =	vmul.f32 v22, v14;
	(v2sf) =	vpush v25, $0x8  }
0xc2: {  	s19 =	sshra.s32 s4, $0x2;
	v10 =	vld [tilespmem:s20+$0xFFFFFFF0];
	v22 =	vmul.f32 v23, v12;
	s0 =	sadd.s32 s0, s28;
	s20 =	sand.u32 $0x7F, s2  }
0xc3: {  	s4 =	sshll.u32 s20, $0x2;
	s30 =	sand.u32 $0x7F, s8;
	s9 =	spop (v2sf);
	v21 =	vadd.f32 v14, v21;
	v14 =	vmul.f32 v14, v14;
	(v2sf) =	vpush v25, $0x7  }
0xc4: {  	s8 =	sshll.u32 s8, $0x2;
	v9 =	vmul.f32 v24, v9;
	v24 =	vld [tilespmem:s0+$0xFFFFED80];
	s0 =	sshra.s32 s15, $0x2;
	s4 =	sor.u32 s4, s22  }
0xc5: {  	v12 =	vld [tilespmem:s14+$0x0];
	v23 =	vmul.f32 v22, v22;
	s11 =	sshll.u32 s30, $0x2;
	s13 =	sand.u32 $0x7F, s6;
	s14 =	sshll.u32 s6, $0x2;
	(v2sf) =	vpush v25, $0x6;
	v14 =	vadd.f32 v14, v15  }
0xc6: {  	s10 =	spop (v2sf);
	s0 =	sadd.s32 s0, s28;
	s24 =	sshra.s32 s4, $0x2;
	v21 =	vadd.f32 v22, v21;
	v15 =	vmul.f32 v9, v9;
	(v2sf) =	vpush v25, $0x5  }
0xc7: {  	s4 =	sor.u32 s29, s1;
	s1 =	sand.u32 $0xFFFFFE00, s8;
	s15 =	sand.u32 $0x7F, s9;
	v8 =	vmul.f32 v20, v8;
	v20 =	vld [tilespmem:s0+$0xFFFFEE00];
	(v2sf) =	vpush v25, $0x4;
	v14 =	vadd.f32 v23, v14  }
0xc8: {  	s16 =	sshll.u32 s9, $0x2;
	s7 =	spop (v2sf);
	s0 =	sadd.s32 s19, s28;
	v9 =	vadd.f32 v9, v21  }
0xc9: {  	s1 =	sor.u32 s11, s1;
	s18 =	sand.u32 $0x7F, s10;
	(v2sf) =	vpush v25, $0x3;
	v14 =	vadd.f32 v15, v14;
	v15 =	vld [tilespmem:s0+$0xFFFFEE80];
	s0 =	sadd.s32 s24, s28  }
0xca: {  	s19 =	sshll.u32 s10, $0x2;
	s3 =	spop (v2sf);
	v6 =	vmul.f32 v24, v6;
	v9 =	vadd.f32 v8, v9;
	v8 =	vmul.f32 v8, v8;
	v21 =	vld [tilespmem:s0+$0xFFFFEF00];
	s0 =	sshra.s32 s4, $0x2  }
0xcb: {  	s1 =	sshra.s32 s1, $0x2;
	s21 =	sand.u32 $0xFFFFFE00, s19;
	(v2sf) =	vpush v25, $0x2;
	s0 =	sadd.s32 s0, s28  }
0xcc: {  	s29 =	sand.u32 $0x7F, s7;
	v5 =	vmul.f32 v20, v5;
	s4 =	sand.u32 $0xFFFFFE00, s14;
	v9 =	vadd.f32 v6, v9;
	v8 =	vadd.f32 v8, v14;
	v14 =	vld [tilespmem:s0+$0xFFFFEF80];
	s0 =	sshll.u32 s13, $0x2  }
0xcd: {  	s30 =	sshll.u32 s7, $0x2;
	s1 =	sadd.s32 s1, s28;
	(v2sf) =	vpush v25, $0x1;
	v6 =	vmul.f32 v6, v6;
	s0 =	sor.u32 s0, s4  }
0xce: {  	s6 =	sand.u32 $0xFFFFFE00, s30;
	(v2sf) =	vpush v25, $0x0;
	v9 =	vadd.f32 v5, v9;
	v3 =	vmul.f32 v15, v3;
	s0 =	sshra.s32 s0, $0x2;
	s2 =	spop (v2sf)  }
0xcf: {  	v5 =	vmul.f32 v5, v5;
	v6 =	vadd.f32 v6, v8;
	s4 =	sand.u32 $0xFFFFFE00, s16;
	s0 =	sadd.s32 s0, s28;
	s12 =	spop (v2sf)  }
0xd0: {  	(v2sf) =	vpush v12, $0xF;
	v4 =	vmul.f32 v21, v4;
	v8 =	vadd.f32 v3, v9;
	v9 =	vld [tilespmem:s1+$0xFFFFF000];
	s1 =	sshll.u32 s15, $0x2;
	[dreg:$0xc] =	wrdreg s12;
	s5 =	spop (v2sf)  }
0xd1: {  	v5 =	vadd.f32 v5, v6;
	v3 =	vmul.f32 v3, v3;
	s1 =	sor.u32 s1, s4;
	s12 =	sand.u32 $0x7F, s12;
	[dreg:$0x10] =	wrdreg s5  }
0xd2: {  	v6 =	vmul.f32 v4, v4;
	s1 =	sshra.s32 s1, $0x2;
	s20 =	spop (v2sf);
	[dreg:$0xa] =	wrdreg s12  }
0xd3: {  	v2 =	vmul.f32 v14, v2;
	v4 =	vadd.f32 v4, v8;
	v3 =	vadd.f32 v3, v5;
	v5 =	vld [tilespmem:s0+$0xFFFFF080];
	s0 =	sshll.u32 s18, $0x2;
	s5 =	sand.u32 $0x7F, s5;
	[dreg:$0x15] =	wrdreg s20  }
0xd4: {  	s1 =	sadd.s32 s1, s28;
	s24 =	spop (v2sf);
	[dreg:$0xe] =	wrdreg s5  }
0xd5: {  	s0 =	sor.u32 s0, s21;
	v4 =	vadd.f32 v2, v4;
	[dreg:$0x19] =	wrdreg s24;
	s25 =	spop (v2sf)  }
0xd6: {  	v2 =	vmul.f32 v2, v2;
	v3 =	vadd.f32 v6, v3;
	s0 =	sshra.s32 s0, $0x2;
	v1 =	vmul.f32 v9, v1;
	[dreg:$0x1e] =	wrdreg s25;
	s31 =	spop (v2sf)  }
0xd7: {  	(v2sf) =	vpush v12, $0xE;
	s0 =	sadd.s32 s0, s28;
	s25 =	sand.u32 $0x7F, s25;
	[smem:$0x7EE] =	sst s31  }
0xd8: {  	v2 =	vadd.f32 v2, v3;
	s14 =	spop (v2sf);
	v3 =	vadd.f32 v1, v4;
	v4 =	vld [tilespmem:s1+$0xFFFFF100];
	s1 =	sshll.u32 s29, $0x2;
	[dreg:$0x1b] =	wrdreg s25  }
0xd9: {  	(v2sf) =	vpush v12, $0xD;
	s29 =	sand.u32 $0x7F, s2;
	s2 =	sshll.u32 s2, $0x2;
	[smem:$0x7EC] =	sst s14  }
0xda: {  	(v2sf) =	vpush v12, $0xC;
	v1 =	vmul.f32 v1, v1;
	s9 =	spop (v2sf);
	s1 =	sor.u32 s1, s6;
	s6 =	sand.u32 $0x7F, s3  }
0xdb: {  	(v2sf) =	vpush v12, $0xB;
	s3 =	sshll.u32 s3, $0x2;
	s2 =	sand.u32 $0xFFFFFE00, s2;
	[smem:$0x7EA] =	sst s9  }
0xdc: {  	(v2sf) =	vpush v12, $0xA;
	s22 =	spop (v2sf);
	v1 =	vadd.f32 v1, v2;
	v2 =	vmul.f32 v5, v7;
	v5 =	vld [tilespmem:s0+$0xFFFFF180];
	s3 =	sand.u32 $0xFFFFFE00, s3;
	s0 =	sshll.u32 s6, $0x2  }
0xdd: {  	(v2sf) =	vpush v12, $0x9;
	s5 =	sand.u32 $0x7F, s9;
	[smem:$0x7E8] =	sst s22;
	s23 =	spop (v2sf)  }
0xde: {  	(v2sf) =	vpush v12, $0x8;
	s16 =	sor.u32 s0, s3;
	s3 =	sshll.u32 s29, $0x2;
	[smem:$0x7EB] =	sst s5  }
0xdf: {  	(v2sf) =	vpush v12, $0x7;
	[smem:$0x7E6] =	sst s23;
	s13 =	spop (v2sf);
	s2 =	sor.u32 s3, s2  }
0xe0: {  	(v2sf) =	vpush v12, $0x6;
	[smem:$0x7E5] =	sst s13;
	s3 =	sshra.s32 s2, $0x2  }
0xe1: {  	s26 =	sadd.s32 $0x2, s26;
	(v2sf) =	vpush v12, $0x5;
	s2 =	sand.u32 $0x7F, s24;
	[dreg:$0x7] =	wrdreg s3  }
0xe2: {  	s17 =	sadd.s32 $0x40, s17;
	(v2sf) =	vpush v12, $0x4;
	s24 =	sand.u32 $0x7F, s31;
	[dreg:$0x17] =	wrdreg s2  }
0xe3: {  	p0 =	slt.u32 s26, $0x6;
	(v2sf) =	vpush v12, $0x3;
	v3 =	vadd.f32 v2, v3;
	v2 =	vmul.f32 v2, v2;
	s3 =	sand.u32 $0x7F, s20;
	[smem:$0x7EF] =	sst s24  }
0xe4: {  	s1 =	sshra.s32 s1, $0x2;
	(v2sf) =	vpush v12, $0x2;
	v4 =	vmul.f32 v4, v11;
	s20 =	sand.u32 $0x7F, s14;
	[dreg:$0x13] =	wrdreg s3  }
0xe5: {  	s1 =	sadd.s32 s1, s28;
	(v2sf) =	vpush v12, $0x1;
	v1 =	vadd.f32 v2, v1;
	s2 =	sand.u32 $0x7F, s23;
	[smem:$0x7ED] =	sst s20  }
0xe6: {  	(v2sf) =	vpush v12, $0x0;
	v2 =	vadd.f32 v4, v3;
	v3 =	vmul.f32 v4, v4;
	v4 =	vld [tilespmem:s1+$0xFFFFF200];
	s1 =	sshra.s32 s16, $0x2;
	[smem:$0x7E7] =	sst s2;
	s3 =	sand.u32 $0x7F, s22  }
0xe7: {  	s11 =	spop (v2sf);
	s1 =	sadd.s32 s1, s28;
	[smem:$0x7E9] =	sst s3  }
0xe8: {  	s28 =	sadd.s32 $0x1A00, s28;
	[smem:$0x7E3] =	sst s11;
	s4 =	spop (v2sf)  }
0xe9: {  	v1 =	vadd.f32 v3, v1;
	v3 =	vmul.f32 v5, v18;
	v5 =	vld [tilespmem:s1+$0xFFFFF280];
	s14 =	sand.u32 $0x7F, s11;
	s1 =	smov.u32 s26;
	s8 =	spop (v2sf)  }
0xea: {  	[smem:$0x7E1] =	sst s4;
	s9 =	sand.u32 $0x7F, s4;
	s10 =	spop (v2sf)  }
0xeb: {  	[smem:$0x7E4] =	sst s14;
	s4 =	sand.u32 $0x7F, s13;
	s7 =	spop (v2sf)  }
0xec: {  	[smem:$0x7E2] =	sst s9;
	s9 =	sand.u32 $0x7F, s8;
	s19 =	spop (v2sf)  }
0xed: {  	s8 =	sshll.u32 s8, $0x2;
	s2 =	sand.u32 $0x7F, s10;
	s30 =	spop (v2sf)  }
0xee: {  	s11 =	sand.u32 $0x7F, s7;
	s7 =	sshll.u32 s7, $0x2;
	s15 =	spop (v2sf)  }
0xef: {  	s2 =	sshll.u32 s2, $0x2;
	s25 =	sand.u32 $0x7F, s19;
	s18 =	spop (v2sf)  }
0xf0: {  	s5 =	sand.u32 $0x7F, s30;
	s25 =	sshll.u32 s25, $0x2;
	s21 =	spop (v2sf)  }
0xf1: {  	s3 =	sand.u32 $0x7F, s15;
	s31 =	sand.u32 $0x7F, s18;
	s6 =	spop (v2sf)  }
0xf2: {  	s14 =	sand.u32 $0x7F, s21;
	s0 =	spop (v2sf);
	s22 =	sand.u32 $0x7F, s6  }
0xf3: {  	s6 =	sshll.u32 s6, $0x2;
	s16 =	spop (v2sf);
	s13 =	sand.u32 $0x7F, s0  }
0xf4: {  	s26 =	sshll.u32 s0, $0x2;
	s29 =	spop (v2sf);
	s23 =	sand.u32 $0x7F, s16  }
0xf5: {  	s16 =	sshll.u32 s16, $0x2;
	s13 =	sshll.u32 s13, $0x2;
	s12 =	spop (v2sf)  }
0xf6: {  	s0 =	sshll.u32 s29, $0x2;
	s16 =	sand.u32 $0xFFFFFE00, s16;
	s23 =	sshll.u32 s23, $0x2  }
0xf7: {  	s20 =	sand.u32 $0x7F, s12;
	s12 =	sshll.u32 s12, $0x2;
	s16 =	sor.u32 s23, s16  }
0xf8: {  	s23 =	sshll.u32 s18, $0x2;
	s12 =	sand.u32 $0xFFFFFE00, s12;
	s24 =	sshll.u32 s20, $0x2  }
0xf9: {  	s20 =	sand.u32 $0x7F, s29;
	s29 =	sand.u32 $0xFFFFFE00, s26;
	s16 =	sshra.s32 s16, $0x2  }
0xfa: {  	v32 =	vld [tilespmem:s17+$0x0];
	s26 =	smov.u32 s1;
	s1 =	sshll.u32 s31, $0x2;
	s12 =	sor.u32 s24, s12  }
0xfb: {  	s24 =	sand.u32 $0xFFFFFE00, s0;
	s20 =	sshll.u32 s20, $0x2;
	s0 =	sadd.s32 s16, s28  }
0xfc: {  	s13 =	sor.u32 s13, s29;
	s16 =	sshll.u32 s22, $0x2;
	s22 =	sshll.u32 s14, $0x2  }
0xfd: {  	v31 =	vld [tilespmem:s17+$0xFFFFFFF0];
	s29 =	sand.u32 $0xFFFFFE00, s23;
	s12 =	sshra.s32 s12, $0x2;
	s20 =	sor.u32 s20, s24  }
0xfe: {  	v37 =	vld [tilespmem:s0+$0xFFFFF480];
	s13 =	sshra.s32 s13, $0x2;
	s0 =	sand.u32 $0xFFFFFE00, s6;
	s6 =	sshll.u32 s15, $0x2  }
0xff: {  	v36 =	vbroadcast v32, $0x0;
	v48 =	vbroadcast v32, $0x1;
	v7 =	vld [tilespmem:s17+$0xFFFFFFE0];
	s15 =	sshll.u32 s3, $0x2;
	s3 =	sshll.u32 s11, $0x2;
	s11 =	sand.u32 $0xFFFFFE00, s8  }
0x100: {  	v39 =	vbroadcast v32, $0x2;
	v50 =	vbroadcast v32, $0x3;
	s12 =	sadd.s32 s12, s28;
	s24 =	sshra.s32 s20, $0x2;
	s0 =	sor.u32 s16, s0  }
0x101: {  	v51 =	vbroadcast v32, $0x4;
	v56 =	vbroadcast v32, $0x5;
	s20 =	sshll.u32 s21, $0x2;
	s14 =	sand.u32 $0xFFFFFE00, s6;
	s16 =	sshll.u32 s30, $0x2  }
0x102: {  	v59 =	vbroadcast v32, $0x6;
	v62 =	vbroadcast v32, $0x7;
	s30 =	sand.u32 $0xFFFFFE00, s7;
	v34 =	vld [tilespmem:s12+$0xFFFFF380];
	s12 =	sadd.s32 s24, s28;
	s0 =	sshra.s32 s0, $0x2  }
0x103: {  	v45 =	vbroadcast v32, $0x8;
	v11 =	vbroadcast v31, $0x5;
	s21 =	sand.u32 $0xFFFFFE00, s20;
	s20 =	sand.u32 $0xFFFFFE00, s16;
	v35 =	vld [tilespmem:s12+$0xFFFFF400];
	s12 =	sadd.s32 s13, s28  }
0x104: {  	v28 =	vbroadcast v7, $0x0;
	v27 =	vbroadcast v7, $0x1;
	s0 =	sadd.s32 s0, s28;
	s13 =	rddreg [dreg:$0x1d];
	v38 =	vld [tilespmem:s12+$0xFFFFF500];
	s12 =	sor.u32 s22, s21  }
0x105: {  	v26 =	vbroadcast v7, $0x2;
	v25 =	vbroadcast v7, $0x3;
	s21 =	sshll.u32 s5, $0x2;
	s22 =	sshll.u32 s19, $0x2;
	s5 =	sshll.u32 s10, $0x2  }
0x106: {  	v24 =	vbroadcast v7, $0x4;
	v23 =	vbroadcast v7, $0x5;
	s19 =	sld [smem:$0x7E3];
	s24 =	sshra.s32 s12, $0x2;
	s12 =	sor.u32 s1, s29  }
0x107: {  	v22 =	vbroadcast v7, $0x6;
	v21 =	vbroadcast v7, $0x7;
	s1 =	sor.u32 s15, s14;
	s7 =	sand.u32 $0xFFFFFE00, s5;
	s14 =	sld [smem:$0x7E1]  }
0x108: {  	v20 =	vbroadcast v7, $0x8;
	v15 =	vbroadcast v7, $0x9;
	v49 =	vld [tilespmem:s0+$0xFFFFF580];
	s5 =	sld [smem:$0x7E7];
	s0 =	sadd.s32 s24, s28;
	s12 =	sshra.s32 s12, $0x2  }
0x109: {  	v14 =	vbroadcast v7, $0xA;
	v12 =	vbroadcast v7, $0xB;
	s18 =	sshra.s32 s1, $0x2;
	s1 =	sor.u32 s21, s20;
	s24 =	sand.u32 $0xFFFFFE00, s22  }
0x10a: {  	v9 =	vbroadcast v7, $0xC;
	v8 =	vbroadcast v7, $0xD;
	s22 =	sld [smem:$0x7E4];
	v41 =	vld [tilespmem:s0+$0xFFFFF600];
	s0 =	sadd.s32 s12, s28;
	s23 =	sshra.s32 s1, $0x2  }
0x10b: {  	v2 =	vadd.f32 v3, v2;
	v3 =	vmul.f32 v3, v3;
	v4 =	vmul.f32 v4, v16;
	s1 =	sor.u32 s25, s24;
	s12 =	sshll.u32 s9, $0x2;
	s9 =	sld [smem:$0x7E9]  }
0x10c: {  	v6 =	vbroadcast v7, $0xE;
	v18 =	vbroadcast v31, $0x6;
	v55 =	vld [tilespmem:s0+$0xFFFFF680];
	s0 =	sadd.s32 s18, s28;
	s29 =	sshra.s32 s1, $0x2;
	s18 =	sld [smem:$0x7E2]  }
0x10d: {  	v16 =	vbroadcast v31, $0x7;
	v1 =	vadd.f32 v3, v1;
	v3 =	vmul.f32 v4, v4;
	s1 =	sor.u32 s3, s30;
	s30 =	sld [smem:$0x7E6];
	v58 =	vld [tilespmem:s0+$0xFFFFF700];
	s0 =	sadd.s32 s23, s28  }
0x10e: {  	v33 =	vmul.f32 v5, v17;
	v5 =	vbroadcast v7, $0xF;
	s6 =	sshra.s32 s1, $0x2;
	s1 =	sor.u32 s2, s7;
	s23 =	sld [smem:$0x7E5]  }
0x10f: {  	v2 =	vadd.f32 v4, v2;
	v4 =	vbroadcast v31, $0x1;
	v34 =	vmul.f32 v34, v36;
	s2 =	sshll.u32 s14, $0x2;
	s14 =	sld [smem:$0x7EB];
	v61 =	vld [tilespmem:s0+$0xFFFFF780];
	s0 =	sadd.s32 s29, s28  }
0x110: {  	v7 =	vbroadcast v31, $0x4;
	v17 =	vbroadcast v31, $0x8;
	v30 =	vadd.f32 v3, v1;
	s10 =	sshra.s32 s1, $0x2;
	s1 =	sor.u32 s12, s11;
	s16 =	sand.u32 $0xFFFFFE00, s2  }
0x111: {  	v3 =	vbroadcast v31, $0x0;
	v35 =	vmul.f32 v35, v48;
	v40 =	vadd.f32 $0.0e+00, v34;
	s29 =	sshll.u32 s4, $0x2;
	v44 =	vld [tilespmem:s0+$0xFFFFF800];
	s0 =	sadd.s32 s6, s28;
	s15 =	sshra.s32 s1, $0x2  }
0x112: {  	v29 =	vadd.f32 v33, v2;
	v2 =	vbroadcast v31, $0x2;
	v33 =	vmul.f32 v33, v33;
	s2 =	sshll.u32 s18, $0x2;
	s6 =	sld [smem:$0x7E8];
	v47 =	vld [tilespmem:s0+$0xFFFFF880];
	s0 =	sadd.s32 s10, s28  }
0x113: {  	v37 =	vmul.f32 v37, v39;
	v34 =	vmul.f32 v34, v34;
	v40 =	vadd.f32 v35, v40;
	s1 =	sor.u32 s2, s16;
	s2 =	sshll.u32 s19, $0x2;
	s10 =	sld [smem:$0x7EA]  }
0x114: {  	v38 =	vmul.f32 v38, v50;
	v35 =	vmul.f32 v35, v35;
	s19 =	sld [smem:$0x7ED];
	v50 =	vld [tilespmem:s0+$0xFFFFF900];
	s0 =	sadd.s32 s15, s28;
	s20 =	sshra.s32 s1, $0x2  }
0x115: {  	v1 =	vbroadcast v31, $0x3;
	v31 =	vbroadcast v31, $0x9;
	v53 =	vadd.f32 v37, v40;
	s21 =	sand.u32 $0xFFFFFE00, s2;
	s2 =	sshll.u32 s22, $0x2;
	s15 =	sld [smem:$0x7EC]  }
0x116: {  	v30 =	vadd.f32 v33, v30;
	v54 =	vmul.f32 v37, v37;
	v52 =	vadd.f32 v35, v34;
	s1 =	sor.u32 s2, s21;
	s2 =	sshll.u32 s23, $0x2;
	s23 =	sld [smem:$0x7EF]  }
0x117: {  	(v2sf) =	vpush v19, $0x0;
	v48 =	vbroadcast v32, $0x9;
	v34 =	vadd.f32 v38, v53;
	v53 =	vld [tilespmem:s0+$0xFFFFF980];
	s0 =	sadd.s32 s20, s28;
	s24 =	sshra.s32 s1, $0x2;
	s20 =	sld [smem:$0x7EE]  }
0x118: {  	v36 =	vmul.f32 v49, v51;
	v57 =	vmul.f32 v38, v38;
	v33 =	vadd.f32 v54, v52;
	s25 =	sand.u32 $0xFFFFFE00, s2;
	s2 =	sshll.u32 s30, $0x2;
	s30 =	rddreg [dreg:$0x1b]  }
0x119: {  	(v2sf) =	vpush v19, $0x1;
	v51 =	vbroadcast v32, $0xA;
	v39 =	vmul.f32 v41, v56;
	v56 =	vld [tilespmem:s0+$0xFFFFFA00];
	s0 =	sadd.s32 s24, s28;
	s1 =	sor.u32 s29, s25;
	s4 =	sand.u32 $0xFFFFFE00, s2  }
0x11a: {  	v60 =	vmul.f32 v36, v36;
	s2 =	sshll.u32 s5, $0x2;
	s24 =	rddreg [dreg:$0x1e];
	v33 =	vadd.f32 v57, v33;
	v34 =	vadd.f32 v36, v34;
	s3 =	sshra.s32 s1, $0x2  }
0x11b: {  	(v2sf) =	vpush v19, $0x2;
	v37 =	vmul.f32 v55, v59;
	v63 =	vmul.f32 v39, v39;
	s1 =	sor.u32 s2, s4;
	s2 =	sshll.u32 s6, $0x2;
	s6 =	rddreg [dreg:$0x17]  }
0x11c: {  	v38 =	vmul.f32 v58, v62;
	v58 =	vld [tilespmem:s0+$0xFFFFFA80];
	s0 =	sadd.s32 s3, s28;
	s7 =	sshra.s32 s1, $0x2;
	s8 =	sand.u32 $0xFFFFFE00, s2;
	v33 =	vadd.f32 v60, v33;
	v34 =	vadd.f32 v39, v34  }
0x11d: {  	v59 =	vbroadcast v32, $0xD;
	v36 =	vmul.f32 v61, v45;
	s2 =	sshll.u32 s9, $0x2;
	s3 =	rddreg [dreg:$0x19];
	v61 =	vld [tilespmem:s0+$0xFFFFFB00];
	s0 =	sadd.s32 s7, s28  }
0x11e: {  	v46 =	vmul.f32 v37, v37;
	s1 =	sor.u32 s2, s8;
	s2 =	sshll.u32 s10, $0x2;
	s7 =	rddreg [dreg:$0x15];
	v33 =	vadd.f32 v63, v33;
	v34 =	vadd.f32 v37, v34  }
0x11f: {  	(v2sf) =	vpush v19, $0x3;
	v54 =	vbroadcast v32, $0xB;
	v62 =	vbroadcast v32, $0xE;
	s10 =	rddreg [dreg:$0x13];
	s11 =	sshra.s32 s1, $0x2;
	s12 =	sand.u32 $0xFFFFFE00, s2  }
0x120: {  	v49 =	vmul.f32 v38, v38;
	s2 =	sshll.u32 s14, $0x2;
	v63 =	vld [tilespmem:s0+$0xFFFFFB80];
	s0 =	sadd.s32 s11, s28;
	s11 =	rddreg [dreg:$0x10];
	v33 =	vadd.f32 v46, v33;
	v34 =	vadd.f32 v38, v34  }
0x121: {  	(v2sf) =	vpush v19, $0x4;
	v57 =	vbroadcast v32, $0xC;
	v39 =	vmul.f32 v44, v48;
	s1 =	sor.u32 s2, s12;
	s2 =	sshll.u32 s15, $0x2;
	s15 =	rddreg [dreg:$0xe]  }
0x122: {  	v52 =	vmul.f32 v36, v36;
	s16 =	sshra.s32 s1, $0x2;
	s18 =	sand.u32 $0xFFFFFE00, s2;
	s2 =	sshll.u32 s19, $0x2;
	v33 =	vadd.f32 v49, v33;
	v34 =	vadd.f32 v36, v34  }
0x123: {  	(v2sf) =	vpush v19, $0x5;
	v32 =	vbroadcast v32, $0xF;
	v37 =	vmul.f32 v47, v51;
	v45 =	vld [tilespmem:s0+$0xFFFFFC00];
	s0 =	sadd.s32 s16, s28;
	s1 =	sor.u32 s2, s18;
	s16 =	rddreg [dreg:$0xc]  }
0x124: {  	v55 =	vmul.f32 v39, v39;
	s2 =	sshll.u32 s20, $0x2;
	s20 =	rddreg [dreg:$0xa];
	s21 =	sshra.s32 s1, $0x2;
	v33 =	vadd.f32 v52, v33;
	v34 =	vadd.f32 v39, v34  }
0x125: {  	(v2sf) =	vpush v19, $0x6;
	v40 =	vmul.f32 v58, v62;
	v38 =	vmul.f32 v50, v54;
	v48 =	vld [tilespmem:s0+$0xFFFFFC80];
	s22 =	sand.u32 $0xFFFFFE00, s2;
	s2 =	sshll.u32 s23, $0x2;
	s0 =	sadd.s32 s21, s28  }
0x126: {  	s1 =	sor.u32 s2, s22;
	s2 =	sshll.u32 s24, $0x2;
	s21 =	rddreg [dreg:$0x7];
	v35 =	vadd.f32 v55, v33;
	v34 =	vadd.f32 v37, v34;
	v37 =	vmul.f32 v37, v37;
	v33 =	vld [tilespmem:s17+$0x10]  }
0x127: {  	(v2sf) =	vpush v19, $0x7;
	v32 =	vmul.f32 v61, v32;
	v47 =	vmul.f32 v40, v40;
	s25 =	sshra.s32 s1, $0x2;
	s29 =	sand.u32 $0xFFFFFE00, s2;
	s2 =	sshll.u32 s30, $0x2  }
0x128: {  	v60 =	vmul.f32 v38, v38;
	s24 =	spop (v2sf);
	v50 =	vld [tilespmem:s0+$0xFFFFFD00];
	v39 =	vmul.f32 v56, v59;
	s0 =	sadd.s32 s25, s28;
	s1 =	sor.u32 s2, s29;
	v35 =	vadd.f32 v37, v35  }
0x129: {  	v36 =	vmul.f32 v53, v57;
	(v2sf) =	vpush v19, $0x8;
	s2 =	sshll.u32 s3, $0x2;
	s3 =	spop (v2sf);
	s4 =	sshra.s32 s1, $0x2;
	v34 =	vadd.f32 v38, v34  }
0x12a: {  	(v2sf) =	vpush v19, $0x9;
	v53 =	vld [tilespmem:s0+$0xFFFFFD80];
	s5 =	sand.u32 $0xFFFFFE00, s2;
	s2 =	sshll.u32 s6, $0x2;
	v44 =	vmul.f32 v39, v39;
	s0 =	sadd.s32 s4, s28;
	v35 =	vadd.f32 v60, v35  }
0x12b: {  	s1 =	sor.u32 s2, s5;
	s2 =	sshll.u32 s7, $0x2;
	s5 =	spop (v2sf);
	v34 =	vadd.f32 v36, v34;
	v36 =	vmul.f32 v36, v36;
	v46 =	vbroadcast v33, $0x0  }
0x12c: {  	(v2sf) =	vpush v19, $0xA;
	s8 =	sshra.s32 s1, $0x2;
	s9 =	sand.u32 $0xFFFFFE00, s2;
	s2 =	sshll.u32 s10, $0x2;
	v49 =	vbroadcast v33, $0x1;
	v51 =	vbroadcast v33, $0x2  }
0x12d: {  	v56 =	vld [tilespmem:s0+$0xFFFFFE00];
	s0 =	sadd.s32 s8, s28;
	s1 =	sor.u32 s2, s9;
	s2 =	sshll.u32 s11, $0x2;
	v54 =	vbroadcast v33, $0x3;
	v35 =	vadd.f32 v36, v35;
	v34 =	vadd.f32 v39, v34  }
0x12e: {  	s8 =	spop (v2sf);
	(v2sf) =	vpush v19, $0xB;
	s14 =	sand.u32 $0xFFFFFE00, s2;
	s2 =	sshll.u32 s15, $0x2;
	v57 =	vbroadcast v33, $0x4;
	v60 =	vbroadcast v33, $0x5  }
0x12f: {  	s12 =	sshra.s32 s1, $0x2;
	s1 =	sor.u32 s2, s14;
	s2 =	sshll.u32 s16, $0x2;
	v37 =	vmul.f32 v63, v46;
	v35 =	vadd.f32 v44, v35;
	v34 =	vadd.f32 v40, v34  }
0x130: {  	s10 =	spop (v2sf);
	(v2sf) =	vpush v19, $0xC;
	s19 =	sand.u32 $0xFFFFFE00, s2;
	s2 =	sshll.u32 s20, $0x2;
	v38 =	vmul.f32 v45, v49;
	v39 =	vmul.f32 v48, v51  }
0x131: {  	v59 =	vld [tilespmem:s0+$0xFFFFFE80];
	s0 =	sadd.s32 s12, s28;
	s18 =	sshra.s32 s1, $0x2;
	s1 =	sor.u32 s2, s19;
	v35 =	vadd.f32 v47, v35;
	v34 =	vadd.f32 v32, v34;
	v32 =	vmul.f32 v32, v32  }
0x132: {  	s14 =	spop (v2sf);
	(v2sf) =	vpush v19, $0xD;
	v62 =	vld [tilespmem:s0+$0xFFFFFF00];
	s0 =	sadd.s32 s18, s28;
	v36 =	vmul.f32 v50, v54;
	v63 =	vbroadcast v33, $0x6;
	s23 =	sshra.s32 s1, $0x2  }
0x133: {  	s22 =	rddreg [dreg:$0x8];
	s29 =	sand.u32 $0x7F, s24;
	v45 =	vld [tilespmem:s0+$0xFFFFFF80];
	s0 =	sadd.s32 s23, s28;
	v52 =	vmul.f32 v37, v37;
	v32 =	vadd.f32 v32, v35;
	v34 =	vadd.f32 v37, v34  }
0x134: {  	s2 =	sadd.s32 s21, s22;
	s19 =	spop (v2sf);
	(v2sf) =	vpush v19, $0xE;
	s1 =	sshll.u32 s24, $0x2;
	v46 =	vbroadcast v33, $0x7;
	v50 =	vbroadcast v33, $0x8;
	v49 =	vld [tilespmem:s0+$0x0]  }
0x135: {  	s13 =	sadd.s32 $0x20, s13;
	s30 =	sshll.u32 s29, $0x2;
	s1 =	sand.u32 $0xFFFFFE00, s1;
	v55 =	vmul.f32 v38, v38;
	v47 =	vld [tilespmem:s2+$0xFFFFF300];
	v32 =	vadd.f32 v52, v32;
	v34 =	vadd.f32 v38, v34  }
0x136: {  	s4 =	sand.u32 $0x7F, s3;
	v33 =	vbroadcast v33, $0x9;
	(v2sf) =	vpush v19, $0xF;
	v58 =	vmul.f32 v39, v39;
	s1 =	sor.u32 s30, s1;
	s0 =	sshll.u32 s3, $0x2  }
0x137: {  	s1 =	sshra.s32 s1, $0x2;
	s0 =	sand.u32 $0xFFFFFE00, s0;
	s2 =	sshll.u32 s4, $0x2;
	v37 =	vmul.f32 v53, v57;
	v32 =	vadd.f32 v55, v32;
	v34 =	vadd.f32 v39, v34  }
0x138: {  	s22 =	spop (v2sf);
	(v2sf) =	vpush v10, $0x0;
	v61 =	vmul.f32 v36, v36;
	s1 =	sadd.s32 s1, s28;
	s0 =	sor.u32 s2, s0;
	v38 =	vmul.f32 v56, v60  }
0x139: {  	s31 =	smov.u32 s13;
	s25 =	smov.u32 s28;
	s0 =	sshra.s32 s0, $0x2;
	v44 =	vmul.f32 v37, v37;
	v52 =	vld [tilespmem:s1+$0xFFFFE680];
	v32 =	vadd.f32 v58, v32;
	v34 =	vadd.f32 v36, v34  }
0x13a: {  	s6 =	sand.u32 $0x7F, s5;
	s7 =	sshll.u32 s5, $0x2;
	(v2sf) =	vpush v10, $0x1;
	s0 =	sadd.s32 s0, s28;
	v33 =	vmul.f32 v49, v33;
	v54 =	vmul.f32 v47, v13  }
0x13b: {  	[dreg:$0x8] =	wrdreg s25;
	s9 =	sshll.u32 s6, $0x2;
	s1 =	sand.u32 $0xFFFFFE00, s7;
	v39 =	vmul.f32 v59, v63;
	v58 =	vld [tilespmem:s0+$0xFFFFE700];
	v32 =	vadd.f32 v61, v32;
	v34 =	vadd.f32 v37, v34  }
0x13c: {  	s12 =	sand.u32 $0x7F, s8;
	s15 =	sand.u32 $0x7F, s10;
	s1 =	sor.u32 s9, s1;
	v48 =	vmul.f32 v38, v38;
	v29 =	vadd.f32 v54, v29;
	v36 =	vmul.f32 v62, v46  }
0x13d: {  	s2 =	sshll.u32 s8, $0x2;
	s23 =	spop (v2sf);
	s11 =	sshra.s32 s1, $0x2;
	v51 =	vmul.f32 v39, v39;
	v32 =	vadd.f32 v44, v32;
	v34 =	vadd.f32 v38, v34  }
0x13e: {  	(v2sf) =	vpush v10, $0x2;
	s2 =	sand.u32 $0xFFFFFE00, s2;
	s1 =	sshll.u32 s12, $0x2;
	s0 =	sadd.s32 s11, s28;
	v28 =	vmul.f32 v52, v28;
	v29 =	vmul.f32 v29, v29  }
0x13f: {  	s18 =	sshll.u32 s10, $0x2;
	s21 =	sand.u32 $0x7F, s14;
	s1 =	sor.u32 s1, s2;
	v59 =	vld [tilespmem:s0+$0xFFFFE780];
	v37 =	vmul.f32 v45, v50;
	v32 =	vadd.f32 v48, v32;
	v34 =	vadd.f32 v39, v34  }
0x140: {  	s24 =	sand.u32 $0x7F, s19;
	s4 =	sshll.u32 s14, $0x2;
	s16 =	sshra.s32 s1, $0x2;
	v53 =	vmul.f32 v36, v36;
	v60 =	vadd.f32 $0.0e+00, v28;
	v19 =	vmul.f32 v58, v27  }
0x141: {  	s29 =	sshll.u32 s19, $0x2;
	s4 =	sand.u32 $0xFFFFFE00, s4;
	s0 =	sadd.s32 s16, s28;
	v28 =	vmul.f32 v28, v28;
	v32 =	vadd.f32 v51, v32;
	v34 =	vadd.f32 v36, v34  }
0x142: {  	s14 =	sshll.u32 s23, $0x2;
	s2 =	sshll.u32 s15, $0x2;
	s1 =	sand.u32 $0xFFFFFE00, s18;
	v27 =	vld [tilespmem:s0+$0xFFFFE800];
	v61 =	vadd.f32 v19, v60;
	v19 =	vmul.f32 v19, v19;
	v36 =	vmul.f32 v54, v54  }
0x143: {  	s30 =	spop (v2sf);
	s7 =	rddreg [dreg:$0x5];
	s20 =	sor.u32 s2, s1;
	v57 =	vmul.f32 v37, v37;
	v55 =	vadd.f32 v53, v32;
	v56 =	vadd.f32 v37, v34  }
0x144: {  	s9 =	sand.u32 $0x7F, s22;
	s10 =	spop (v2sf);
	s0 =	sshra.s32 s20, $0x2;
	v26 =	vmul.f32 v59, v26;
	v19 =	vadd.f32 v19, v28;
	v30 =	vadd.f32 v36, v30  }
0x145: {  	v13 =	vmovc v31;
	s12 =	spop (v2sf);
	s1 =	sshll.u32 s21, $0x2;
	s0 =	sadd.s32 s0, s28;
	v31 =	vadd.f32 v57, v55;
	v32 =	vadd.f32 v33, v56;
	v33 =	vmul.f32 v33, v33  }
0x146: {  	s15 =	sand.u32 $0x7F, s30;
	s6 =	spop (v2sf);
	s1 =	sor.u32 s1, s4;
	v62 =	vld [tilespmem:s0+$0xFFFFE880];
	v63 =	vadd.f32 v26, v61;
	v26 =	vmul.f32 v26, v26;
	v29 =	vsub.f32 v29, v30  }
0x147: {  	s4 =	sshll.u32 s24, $0x2;
	s25 =	sshra.s32 s1, $0x2;
	s1 =	sand.u32 $0xFFFFFE00, s29;
	v25 =	vmul.f32 v27, v25;
	v31 =	vadd.f32 v33, v31;
	v32 =	vmul.f32 v32, v32  }
0x148: {  	s18 =	sshll.u32 s30, $0x2;
	s8 =	sor.u32 s4, s1;
	s0 =	sadd.s32 s25, s28;
	v19 =	vadd.f32 v26, v19;
	[tilespmem:s7+$0xFFFFFFF0] =	vst v29  }
0x149: {  	s19 =	sshll.u32 s15, $0x2;
	s2 =	sshll.u32 s22, $0x2;
	v26 =	vadd.f32 v25, v63;
	v25 =	vmul.f32 v25, v25;
	v27 =	vld [tilespmem:s0+$0xFFFFE900];
	s0 =	sshra.s32 s8, $0x2;
	v31 =	vsub.f32 v32, v31  }
0x14a: {  	s2 =	sand.u32 $0xFFFFFE00, s2;
	s1 =	sshll.u32 s9, $0x2;
	s11 =	sadd.s32 s0, s28  }
0x14b: {  	s30 =	rddreg [dreg:$0x3];
	s1 =	sor.u32 s1, s2;
	v24 =	vmul.f32 v62, v24;
	v19 =	vadd.f32 v25, v19;
	v25 =	vld [tilespmem:s11+$0xFFFFE980];
	[tilespmem:s13+$0x0] =	vst v31;
	s13 =	sand.u32 $0x7F, s23  }
0x14c: {  	s4 =	sand.u32 $0xFFFFFE00, s14;
	s1 =	sshra.s32 s1, $0x2;
	s2 =	sshll.u32 s13, $0x2  }
0x14d: {  	(v2sf) =	vpush v10, $0x3;
	s21 =	sand.u32 $0x7F, s10;
	s1 =	sadd.s32 s1, s28;
	v26 =	vadd.f32 v24, v26;
	v24 =	vmul.f32 v24, v24;
	s16 =	sor.u32 s2, s4  }
0x14e: {  	(v2sf) =	vpush v10, $0x4;
	s24 =	sand.u32 $0x7F, s12;
	s29 =	sshll.u32 s12, $0x2;
	v23 =	vmul.f32 v27, v23;
	v27 =	vld [tilespmem:s1+$0xFFFFEA00];
	s1 =	sshra.s32 s16, $0x2  }
0x14f: {  	s7 =	spop (v2sf);
	(v2sf) =	vpush v10, $0x5;
	v19 =	vadd.f32 v24, v19;
	s23 =	sshll.u32 s10, $0x2;
	s1 =	sadd.s32 s1, s28  }
0x150: {  	s9 =	sshll.u32 s21, $0x2;
	s5 =	spop (v2sf);
	s8 =	sand.u32 $0xFFFFFE00, s23;
	v24 =	vadd.f32 v23, v26;
	v23 =	vmul.f32 v23, v23;
	v22 =	vmul.f32 v25, v22;
	v25 =	vld [tilespmem:s1+$0xFFFFEA80]  }
.Ltmp0:
0x151: {  	s2 =	sand.u32 $0xFFFFFE00, s18;
	s4 =	spop (v2sf);
	(v2sf) =	vpush v10, $0x6;
	(pc) =	sbr.rel @p0 .LBB2_3-.Ltmp0, $4  }
0x152: {  	s8 =	sor.u32 s9, s8;
	s20 =	sor.u32 s19, s2;
	s3 =	spop (v2sf);
	v19 =	vadd.f32 v23, v19;
	v24 =	vadd.f32 v22, v24;
	v22 =	vmul.f32 v22, v22  }
0x153: {  	s9 =	sand.u32 $0xFFFFFE00, s29;
	s22 =	sshra.s32 s20, $0x2;
	s2 =	spop (v2sf);
	(v2sf) =	vpush v10, $0x7;
	v26 =	vmul.f32 v27, v21  }
0x154: {  	s25 =	sshra.s32 s8, $0x2;
	s1 =	spop (v2sf);
	s10 =	sadd.s32 s22, s28;
	(v2sf) =	vpush v10, $0x8;
	v23 =	vadd.f32 v22, v19  }
0x155: {  	s8 =	sshll.u32 s24, $0x2;
	s0 =	sadd.s32 s25, s28;
	v22 =	vld [tilespmem:s10+$0xFFFFEB00];
	s10 =	sadd.s32 $0x40, s30;
	v21 =	vadd.f32 v26, v24;
	v24 =	vmul.f32 v26, v26;
	v20 =	vmul.f32 v25, v20  }
0x156: {  	s9 =	sor.u32 s8, s9;
	s10 =	sand.u32 $0x7F, s6  }
0x157: {  	s25 =	sshll.u32 s6, $0x2;
	s26 =	sand.u32 $0x7F, s7;
	s29 =	sshll.u32 s7, $0x2  }
0x158: {  	s30 =	sand.u32 $0x7F, s5;
	s12 =	sshll.u32 s5, $0x2;
	s13 =	sand.u32 $0x7F, s4  }
0x159: {  	s15 =	sshll.u32 s4, $0x2;
	s17 =	sand.u32 $0x7F, s3;
	s18 =	sshll.u32 s3, $0x2  }
0x15a: {  	s22 =	sand.u32 $0x7F, s2;
	s23 =	sshll.u32 s2, $0x2;
	s9 =	sshra.s32 s9, $0x2  }
0x15b: {  	s10 =	sshll.u32 s10, $0x2;
	s6 =	sand.u32 $0xFFFFFE00, s25;
	s7 =	sand.u32 $0xFFFFFE00, s29  }
0x15c: {  	s12 =	sand.u32 $0xFFFFFE00, s12;
	s16 =	sshll.u32 s13, $0x2;
	s4 =	sand.u32 $0xFFFFFE00, s15  }
0x15d: {  	v19 =	vld [tilespmem:s0+$0xFFFFEB80];
	s19 =	sand.u32 $0xFFFFFE00, s18;
	s2 =	sand.u32 $0xFFFFFE00, s23;
	s24 =	sshll.u32 s22, $0x2  }
0x15e: {  	s25 =	sand.u32 $0x7F, s1;
	s9 =	sadd.s32 s9, s28;
	s6 =	sor.u32 s10, s6  }
0x15f: {  	s10 =	sshll.u32 s26, $0x2;
	s4 =	sor.u32 s16, s4;
	s11 =	sshra.s32 s6, $0x2;
	v25 =	vld [tilespmem:s9+$0xFFFFEC00]  }
0x160: {  	v23 =	vadd.f32 v24, v23;
	v24 =	vmul.f32 v20, v20;
	s2 =	sor.u32 s24, s2;
	s7 =	sor.u32 s10, s7;
	s11 =	sadd.s32 s11, s28;
	v15 =	vmul.f32 v22, v15  }
0x161: {  	v20 =	vadd.f32 v20, v21;
	s26 =	sshll.u32 s1, $0x2;
	s10 =	sshll.u32 s30, $0x2;
	s7 =	sshra.s32 s7, $0x2;
	v21 =	vld [tilespmem:s11+$0xFFFFEC80]  }
0x162: {  	s29 =	sshll.u32 s25, $0x2;
	s10 =	sor.u32 s10, s12;
	v22 =	vadd.f32 v24, v23;
	s7 =	sadd.s32 s7, s28;
	v14 =	vmul.f32 v19, v14;
	v23 =	vmul.f32 v15, v15  }
0x163: {  	s4 =	sshra.s32 s4, $0x2;
	s2 =	sshra.s32 s2, $0x2;
	s14 =	sshra.s32 s10, $0x2;
	v15 =	vadd.f32 v15, v20;
	v19 =	vld [tilespmem:s7+$0xFFFFED00]  }
0x164: {  	s1 =	sand.u32 $0xFFFFFE00, s26;
	s4 =	sadd.s32 s4, s28;
	s9 =	sadd.s32 s14, s28;
	v20 =	vadd.f32 v23, v22;
	v12 =	vmul.f32 v25, v12;
	v22 =	vmul.f32 v14, v14  }
0x165: {  	(v2sf) =	vpush v10, $0x9;
	s1 =	sor.u32 s29, s1;
	s2 =	sadd.s32 s2, s28;
	s10 =	sshll.u32 s17, $0x2;
	v10 =	vadd.f32 v14, v15;
	v14 =	vld [tilespmem:s9+$0xFFFFED80]  }
0x166: {  	s1 =	sshra.s32 s1, $0x2;
	s8 =	spop (v2sf);
	s21 =	sor.u32 s10, s19;
	v15 =	vmul.f32 v12, v12;
	v9 =	vmul.f32 v21, v9;
	v20 =	vadd.f32 v22, v20  }
0x167: {  	s1 =	sadd.s32 s1, s28;
	s6 =	spop (v2sf);
	s7 =	sshra.s32 s21, $0x2;
	v10 =	vadd.f32 v12, v10;
	v12 =	vld [tilespmem:s4+$0xFFFFEE00]  }
0x168: {  	s30 =	sand.u32 $0x7F, s8;
	s8 =	sshll.u32 s8, $0x2;
	s7 =	sadd.s32 s7, s28;
	v8 =	vmul.f32 v19, v8;
	v21 =	vmul.f32 v9, v9;
	v15 =	vadd.f32 v15, v20  }
0x169: {  	s5 =	spop (v2sf);
	s11 =	sand.u32 $0x7F, s6;
	s6 =	sshll.u32 s6, $0x2;
	v9 =	vadd.f32 v9, v10;
	v10 =	vld [tilespmem:s7+$0xFFFFEE80]  }
0x16a: {  	s10 =	sshll.u32 s30, $0x2;
	s6 =	sand.u32 $0xFFFFFE00, s6;
	s13 =	sand.u32 $0x7F, s5;
	v19 =	vmul.f32 v8, v8;
	v6 =	vmul.f32 v14, v6;
	v15 =	vadd.f32 v21, v15  }
0x16b: {  	s5 =	sshll.u32 s5, $0x2;
	s0 =	spop (v2sf);
	s4 =	sand.u32 $0xFFFFFE00, s8;
	v8 =	vadd.f32 v8, v9;
	v9 =	vld [tilespmem:s2+$0xFFFFEF00]  }
0x16c: {  	s5 =	sand.u32 $0xFFFFFE00, s5;
	s4 =	sor.u32 s10, s4;
	s15 =	sand.u32 $0x7F, s0;
	v14 =	vmul.f32 v6, v6;
	v5 =	vmul.f32 v12, v5;
	v15 =	vadd.f32 v19, v15  }
0x16d: {  	s0 =	sshll.u32 s0, $0x2;
	s4 =	sshra.s32 s4, $0x2;
	s2 =	sshll.u32 s11, $0x2;
	v6 =	vadd.f32 v6, v8;
	v8 =	vld [tilespmem:s1+$0xFFFFEF80]  }
0x16e: {  	s20 =	spop (v2sf);
	s4 =	sadd.s32 s4, s28;
	s12 =	sor.u32 s2, s6;
	v12 =	vmul.f32 v5, v5;
	v3 =	vmul.f32 v10, v3;
	v14 =	vadd.f32 v14, v15  }
0x16f: {  	s0 =	sand.u32 $0xFFFFFE00, s0;
	s2 =	sshll.u32 s13, $0x2;
	s1 =	sshra.s32 s12, $0x2;
	v5 =	vadd.f32 v5, v6;
	v6 =	vld [tilespmem:s4+$0xFFFFF000]  }
0x170: {  	s17 =	sshll.u32 s15, $0x2;
	s2 =	sor.u32 s2, s5;
	s1 =	sadd.s32 s1, s28;
	v4 =	vmul.f32 v9, v4;
	v9 =	vmul.f32 v3, v3;
	v10 =	vadd.f32 v12, v14  }
0x171: {  	s14 =	spop (v2sf);
	s0 =	sor.u32 s17, s0;
	s2 =	sshra.s32 s2, $0x2;
	v3 =	vadd.f32 v3, v5;
	v5 =	vld [tilespmem:s1+$0xFFFFF080]  }
0x172: {  	s18 =	sand.u32 $0x7F, s20;
	s3 =	sshll.u32 s20, $0x2;
	s16 =	sadd.s32 s2, s28;
	v12 =	vmul.f32 v4, v4;
	v2 =	vmul.f32 v8, v2;
	v8 =	vadd.f32 v9, v10  }
0x173: {  	s0 =	sshra.s32 s0, $0x2;
	s19 =	sand.u32 $0xFFFFFE00, s3;
	s2 =	sshll.u32 s18, $0x2;
	v3 =	vadd.f32 v4, v3;
	v4 =	vld [tilespmem:s16+$0xFFFFF100]  }
0x174: {  	s21 =	sand.u32 $0x7F, s14;
	s0 =	sadd.s32 s0, s28;
	s1 =	sor.u32 s2, s19;
	v9 =	vmul.f32 v2, v2;
	v1 =	vmul.f32 v6, v1;
	v8 =	vadd.f32 v12, v8  }
0x175: {  	s22 =	sshll.u32 s14, $0x2;
	s20 =	spop (v2sf);
	s1 =	sshra.s32 s1, $0x2;
	v2 =	vadd.f32 v2, v3;
	v3 =	vld [tilespmem:s0+$0xFFFFF180]  }
0x176: {  	s2 =	sand.u32 $0xFFFFFE00, s22;
	s1 =	sadd.s32 s1, s28;
	s0 =	sshll.u32 s21, $0x2;
	v5 =	vmul.f32 v5, v7;
	v6 =	vadd.f32 v9, v8;
	v8 =	vmul.f32 v1, v1  }
0x177: {  	s23 =	sand.u32 $0x7F, s20;
	s24 =	sshll.u32 s20, $0x2;
	s0 =	sor.u32 s0, s2;
	v1 =	vadd.f32 v1, v2;
	v2 =	vld [tilespmem:s1+$0xFFFFF200]  }
0x178: {  	s2 =	sand.u32 $0xFFFFFE00, s24;
	s0 =	sshra.s32 s0, $0x2;
	s1 =	sshll.u32 s23, $0x2;
	v7 =	vmul.f32 v5, v5;
	v4 =	vmul.f32 v4, v11;
	v6 =	vadd.f32 v8, v6  }
0x179: {  	s0 =	sadd.s32 s0, s28;
	s1 =	sor.u32 s1, s2;
	v1 =	vadd.f32 v5, v1  }
0x17a: {  	s26 =	rddreg [dreg:$0x8];
	s25 =	sshra.s32 s1, $0x2;
	v3 =	vmul.f32 v3, v18;
	v5 =	vadd.f32 v7, v6;
	v6 =	vmul.f32 v4, v4;
	v7 =	vld [tilespmem:s0+$0xFFFFF280]  }
0x17b: {  	v1 =	vadd.f32 v4, v1;
	s0 =	sadd.s32 s25, s26  }
0x17c: {  	v2 =	vmul.f32 v2, v16;
	v4 =	vadd.f32 v6, v5;
	v5 =	vmul.f32 v3, v3;
	v6 =	vld [tilespmem:s0+$0xFFFFF300]  }
0x17d: {  	v1 =	vadd.f32 v3, v1  }
0x17e: {  	v3 =	vadd.f32 v5, v4;
	v4 =	vmul.f32 v2, v2  }
0x17f: {  	v1 =	vadd.f32 v2, v1;
	v2 =	vmul.f32 v7, v17  }
0x180: {  	v3 =	vadd.f32 v4, v3  }
0x181: {  	v1 =	vadd.f32 v2, v1;
	v2 =	vmul.f32 v2, v2;
	v4 =	vmul.f32 v6, v13;
	_ =	sdelay $0x1  }
0x182: {  	v2 =	vadd.f32 v2, v3;
	v1 =	vadd.f32 v4, v1;
	v3 =	vmul.f32 v4, v4;
	_ =	sdelay $0x1  }
0x183: {  	s0 =	sld [smem:$0x7F7];
	v1 =	vmul.f32 v1, v1;
	v2 =	vadd.f32 v3, v2;
	_ =	sdelay $0x1  }
0x184: {  	v1 =	vsub.f32 v1, v2  }
0x185: {  	p0 =	seq.s32 s0, $0x1F  }
0x186: {  	s0 =	smul.u32 @!p0 $0x680, s0;
	[tilespmem:s31+$0xFFFFFFF0] =	vst v1  }
0x187: {  	s3 =	sld [smem:$0x7F8]  }
0x188: {  	s29 =	simm.s32 $0x2;
	s0 =	sshra.s32 @!p0 s0, $0x2  }
0x189: {  	s1 =	simm.s32 @!p0 $0xD0;
	s2 =	simm.s32 @!p0 $0xB400;
	s0 =	sadd.s32 @!p0 $0x1A0, s0  }
0x18a: {  	[tilespmem:s2], [sflag:$0x1] =	stream.indirect.gather @!p0 [hbm4b:s3+s1], $0x80, s0, s1, $0xb8;
	[tilespmem:$0x1A600] =	vst v63  }
0x18b: {  	_ =	swait.ge [sflag:s29], $0x6800  }
0x18c: {  	[sflag:s29] =	ssyncset.done $0x0  }
0x18d: {  	[sflag:s29] =	ssyncadd.s32 $0xFFFF9800;
	s29 =	sld [smem:$0x7F4];
	_ =	sdelay $0x2  }
0x18e: {  	v1 =	vld [tilespmem:s29+$0x0];
	_ =	sdelay $0x4  }
0x18f: {  	(v2sf) =	vpush v1, $0x9  }
0x190: {  	(v2sf) =	vpush v1, $0x8  }
0x191: {  	(v2sf) =	vpush v1, $0x7  }
0x192: {  	(v2sf) =	vpush v1, $0x6  }
0x193: {  	(v2sf) =	vpush v1, $0x5  }
0x194: {  	v2 =	vld [tilespmem:s29+$0xFFFFFFF0];
	(v2sf) =	vpush v1, $0x4  }
0x195: {  	(v2sf) =	vpush v1, $0x3  }
0x196: {  	(v2sf) =	vpush v1, $0x2  }
0x197: {  	(v2sf) =	vpush v1, $0x1  }
0x198: {  	(v2sf) =	vpush v1, $0x0  }
0x199: {  	(v2sf) =	vpush v2, $0xF  }
0x19a: {  	(v2sf) =	vpush v2, $0xE  }
0x19b: {  	(v2sf) =	vpush v2, $0xD  }
0x19c: {  	(v2sf) =	vpush v2, $0xC  }
0x19d: {  	(v2sf) =	vpush v2, $0xB  }
0x19e: {  	(v2sf) =	vpush v2, $0xA;
	s0 =	spop (v2sf)  }
0x19f: {  	(v2sf) =	vpush v2, $0x9;
	s5 =	spop (v2sf)  }
0x1a0: {  	(v2sf) =	vpush v2, $0x8;
	s3 =	spop (v2sf)  }
0x1a1: {  	(v2sf) =	vpush v2, $0x7;
	s4 =	spop (v2sf)  }
0x1a2: {  	(v2sf) =	vpush v2, $0x6;
	s1 =	spop (v2sf)  }
0x1a3: {  	(v2sf) =	vpush v2, $0x5;
	s2 =	spop (v2sf)  }
0x1a4: {  	(v2sf) =	vpush v2, $0x4;
	s6 =	spop (v2sf)  }
0x1a5: {  	(v2sf) =	vpush v2, $0x3;
	s7 =	spop (v2sf)  }
0x1a6: {  	(v2sf) =	vpush v2, $0x2;
	s8 =	spop (v2sf)  }
0x1a7: {  	(v2sf) =	vpush v2, $0x1;
	s9 =	spop (v2sf)  }
0x1a8: {  	(v2sf) =	vpush v2, $0x0;
	s10 =	spop (v2sf)  }
0x1a9: {  	s12 =	spop (v2sf)  }
0x1aa: {  	s15 =	spop (v2sf)  }
0x1ab: {  	s11 =	spop (v2sf)  }
0x1ac: {  	s13 =	spop (v2sf)  }
0x1ad: {  	s14 =	spop (v2sf)  }
0x1ae: {  	s16 =	spop (v2sf)  }
0x1af: {  	s17 =	spop (v2sf)  }
0x1b0: {  	s18 =	spop (v2sf)  }
0x1b1: {  	s19 =	spop (v2sf)  }
0x1b2: {  	s20 =	spop (v2sf)  }
0x1b3: {  	s21 =	spop (v2sf)  }
0x1b4: {  	s22 =	spop (v2sf)  }
0x1b5: {  	s23 =	spop (v2sf)  }
0x1b6: {  	s24 =	spop (v2sf);
	s30 =	sand.u32 $0x7F, s23;
	s23 =	sshll.u32 s23, $0x2  }
0x1b7: {  	s25 =	spop (v2sf);
	s28 =	sand.u32 $0x7F, s24;
	s24 =	sshll.u32 s24, $0x2  }
0x1b8: {  	s23 =	sand.u32 $0xFFFFFE00, s23;
	s26 =	sand.u32 $0x7F, s25;
	s25 =	sshll.u32 s25, $0x2  }
0x1b9: {  	s24 =	sand.u32 $0xFFFFFE00, s24;
	s28 =	sshll.u32 s28, $0x2;
	s25 =	sand.u32 $0xFFFFFE00, s25  }
0x1ba: {  	s26 =	sshll.u32 s26, $0x2;
	s24 =	sor.u32 s28, s24;
	s28 =	sand.u32 $0x7F, s22  }
0x1bb: {  	s22 =	sshll.u32 s22, $0x2;
	s25 =	sor.u32 s26, s25;
	s26 =	sshll.u32 s30, $0x2  }
0x1bc: {  	s22 =	sand.u32 $0xFFFFFE00, s22;
	s31 =	sshll.u32 s28, $0x2;
	s30 =	sand.u32 $0x7F, s21  }
0x1bd: {  	s21 =	sshll.u32 s21, $0x2;
	s28 =	sshll.u32 s20, $0x2;
	s20 =	sand.u32 $0x7F, s20  }
0x1be: {  	s24 =	sshra.s32 s24, $0x2;
	s23 =	sor.u32 s26, s23;
	s22 =	sor.u32 s31, s22  }
0x1bf: {  	s31 =	sand.u32 $0xFFFFFE00, s28;
	s28 =	sand.u32 $0x7F, s19;
	s19 =	sshll.u32 s19, $0x2  }
0x1c0: {  	s21 =	sand.u32 $0xFFFFFE00, s21;
	s26 =	sshll.u32 s30, $0x2;
	s19 =	sand.u32 $0xFFFFFE00, s19  }
0x1c1: {  	s30 =	sshll.u32 s28, $0x2;
	s28 =	sshll.u32 s17, $0x2;
	s17 =	sand.u32 $0x7F, s17  }
0x1c2: {  	s19 =	sor.u32 s30, s19;
	s30 =	sand.u32 $0xFFFFFE00, s28;
	s17 =	sshll.u32 s17, $0x2  }
0x1c3: {  	s20 =	sshll.u32 s20, $0x2;
	s17 =	sor.u32 s17, s30;
	s30 =	sld [smem:$0x7F5]  }
0x1c4: {  	s25 =	sshra.s32 s25, $0x2;
	s24 =	sadd.s32 $0x13580, s24;
	s21 =	sor.u32 s26, s21  }
0x1c5: {  	s20 =	sor.u32 s20, s31;
	s31 =	sand.u32 $0x7F, s18;
	s18 =	sshll.u32 s18, $0x2  }
0x1c6: {  	s25 =	sadd.s32 $0x13580, s25;
	s23 =	sshra.s32 s23, $0x2;
	s22 =	sshra.s32 s22, $0x2;
	v1 =	vld [tilespmem:s30+$0xFFFFFFD0]  }
0x1c7: {  	s18 =	sand.u32 $0xFFFFFE00, s18;
	s26 =	sshll.u32 s31, $0x2;
	s28 =	sand.u32 $0x7F, s16  }
0x1c8: {  	s16 =	sshll.u32 s16, $0x2;
	v2 =	vld [tilespmem:s25+$0xFFFFF380];
	s25 =	sand.u32 $0x7F, s15;
	s23 =	sadd.s32 $0x13580, s23  }
0x1c9: {  	s22 =	sadd.s32 $0x13580, s22;
	s15 =	sshll.u32 s15, $0x2;
	s21 =	sshra.s32 s21, $0x2  }
0x1ca: {  	v3 =	vld [tilespmem:s24+$0xFFFFF400];
	s20 =	sshra.s32 s20, $0x2;
	s18 =	sor.u32 s26, s18;
	s16 =	sand.u32 $0xFFFFFE00, s16  }
0x1cb: {  	s31 =	sshll.u32 s28, $0x2;
	s28 =	sand.u32 $0x7F, s13;
	s13 =	sshll.u32 s13, $0x2;
	v6 =	vld [tilespmem:s22+$0xFFFFF500];
	v24 =	vbroadcast v1, $0x0  }
0x1cc: {  	s15 =	sand.u32 $0xFFFFFE00, s15;
	s24 =	sshll.u32 s25, $0x2;
	s22 =	simm.s32 $0x0;
	v7 =	vld [tilespmem:s30+$0xFFFFFFF0];
	v23 =	vbroadcast v1, $0x1;
	v22 =	vbroadcast v1, $0x2  }
0x1cd: {  	v4 =	vld [tilespmem:s23+$0xFFFFF480];
	s21 =	sadd.s32 $0x13580, s21;
	s23 =	sand.u32 $0x7F, s10;
	s20 =	sadd.s32 $0x13580, s20;
	v21 =	vbroadcast v1, $0x3;
	v18 =	vbroadcast v1, $0x4  }
0x1ce: {  	s10 =	sshll.u32 s10, $0x2;
	s25 =	sand.u32 $0x7F, s8;
	s19 =	sshra.s32 s19, $0x2;
	v16 =	vbroadcast v1, $0x5;
	v17 =	vbroadcast v1, $0x6  }
0x1cf: {  	s8 =	sshll.u32 s8, $0x2;
	s16 =	sor.u32 s31, s16;
	s31 =	sand.u32 $0x7F, s14;
	v13 =	vbroadcast v1, $0x7;
	v19 =	vbroadcast v1, $0x8  }
0x1d0: {  	s14 =	sshll.u32 s14, $0x2;
	s13 =	sand.u32 $0xFFFFFE00, s13;
	s28 =	sshll.u32 s28, $0x2;
	v15 =	vbroadcast v1, $0x9;
	v14 =	vbroadcast v1, $0xA  }
0x1d1: {  	s15 =	sor.u32 s24, s15;
	s24 =	sand.u32 $0x7F, s9;
	s10 =	sand.u32 $0xFFFFFE00, s10;
	v5 =	vbroadcast v7, $0x0;
	v12 =	vbroadcast v1, $0xB  }
0x1d2: {  	v10 =	vld [tilespmem:s21+$0xFFFFF580];
	s21 =	sshll.u32 s23, $0x2;
	s19 =	sadd.s32 $0x13580, s19;
	s18 =	sshra.s32 s18, $0x2;
	v8 =	vbroadcast v7, $0x1;
	v9 =	vbroadcast v1, $0xC  }
0x1d3: {  	s9 =	sshll.u32 s9, $0x2;
	s17 =	sshra.s32 s17, $0x2;
	s8 =	sand.u32 $0xFFFFFE00, s8;
	v32 =	vbroadcast v7, $0x9;
	v45 =	vbroadcast v7, $0xA  }
0x1d4: {  	v25 =	vld [tilespmem:s20+$0xFFFFF600];
	s20 =	sand.u32 $0x7F, s6;
	s6 =	sshll.u32 s6, $0x2;
	s14 =	sand.u32 $0xFFFFFE00, s14;
	v2 =	vmul.f32 v2, v5;
	v5 =	vbroadcast v7, $0x2  }
0x1d5: {  	s26 =	sshll.u32 s31, $0x2;
	s13 =	sor.u32 s28, s13;
	s31 =	sand.u32 $0x7F, s11;
	v52 =	vbroadcast v7, $0xD;
	v3 =	vmul.f32 v3, v8  }
0x1d6: {  	s11 =	sshll.u32 s11, $0x2;
	s28 =	simm.s32 $0x13580;
	s10 =	sor.u32 s21, s10;
	v11 =	vadd.f32 $0.0e+00, v2;
	v4 =	vmul.f32 v4, v5;
	v5 =	vbroadcast v7, $0x3  }
0x1d7: {  	s18 =	sadd.s32 $0x13580, s18;
	s9 =	sand.u32 $0xFFFFFE00, s9;
	s17 =	sadd.s32 $0x13580, s17;
	v2 =	vmul.f32 v2, v2;
	v26 =	vmul.f32 v3, v3  }
0x1d8: {  	v27 =	vld [tilespmem:s19+$0xFFFFF680];
	s16 =	sshra.s32 s16, $0x2;
	s19 =	sshll.u32 s25, $0x2;
	s21 =	sand.u32 $0x7F, s2;
	v55 =	vbroadcast v7, $0xE;
	v3 =	vadd.f32 v3, v11;
	v11 =	vmul.f32 v6, v5  }
0x1d9: {  	s6 =	sand.u32 $0xFFFFFE00, s6;
	s23 =	sshll.u32 s20, $0x2;
	s2 =	sshll.u32 s2, $0x2;
	v20 =	vld [tilespmem:s30+$0xFFFFFFE0];
	v5 =	vbroadcast v7, $0x4;
	v2 =	vadd.f32 v26, v2;
	v26 =	vmul.f32 v4, v4  }
0x1da: {  	s15 =	sshra.s32 s15, $0x2;
	s14 =	sor.u32 s26, s14;
	s11 =	sand.u32 $0xFFFFFE00, s11;
	v8 =	vbroadcast v1, $0xD;
	v3 =	vadd.f32 v4, v3;
	v4 =	vbroadcast v7, $0x5  }
0x1db: {  	s26 =	sshll.u32 s31, $0x2;
	s16 =	sadd.s32 $0x13580, s16;
	s8 =	sor.u32 s19, s8;
	v10 =	vmul.f32 v10, v5;
	v2 =	vadd.f32 v26, v2;
	v26 =	vmul.f32 v11, v11  }
0x1dc: {  	v28 =	vld [tilespmem:s18+$0xFFFFF700];
	s13 =	sshra.s32 s13, $0x2;
	s25 =	sand.u32 $0xFFFFFE00, s2;
	s15 =	sadd.s32 $0x13580, s15;
	v6 =	vbroadcast v1, $0xE;
	v5 =	vbroadcast v1, $0xF;
	v1 =	vadd.f32 v11, v3  }
0x1dd: {  	s19 =	sand.u32 $0x7F, s5;
	s10 =	sshra.s32 s10, $0x2;
	s5 =	sshll.u32 s5, $0x2;
	v29 =	vld [tilespmem:s16+$0xFFFFF800];
	v11 =	vmul.f32 v25, v4;
	v2 =	vadd.f32 v26, v2;
	v25 =	vmul.f32 v10, v10  }
0x1de: {  	s11 =	sor.u32 s26, s11;
	s26 =	sand.u32 $0x7F, s12;
	s12 =	sshll.u32 s12, $0x2;
	v4 =	vbroadcast v7, $0x6;
	v26 =	vld [tilespmem:s17+$0xFFFFF780];
	v3 =	vbroadcast v20, $0x0  }
0x1df: {  	s14 =	sshra.s32 s14, $0x2;
	s13 =	sadd.s32 $0x13580, s13;
	s16 =	sand.u32 $0x7F, s4;
	v1 =	vadd.f32 v10, v1;
	v10 =	vbroadcast v7, $0x7;
	v2 =	vadd.f32 v25, v2;
	v25 =	vld [tilespmem:s29+$0xFFFFFFD0]  }
0x1e0: {  	s10 =	sadd.s32 $0x13580, s10;
	s8 =	sshra.s32 s8, $0x2;
	s4 =	sshll.u32 s4, $0x2;
	v27 =	vmul.f32 v27, v4;
	v30 =	vmul.f32 v11, v11  }
0x1e1: {  	s5 =	sand.u32 $0xFFFFFE00, s5;
	s12 =	sand.u32 $0xFFFFFE00, s12;
	s14 =	sadd.s32 $0x13580, s14;
	v4 =	vbroadcast v20, $0x1;
	v1 =	vadd.f32 v11, v1;
	v11 =	vbroadcast v7, $0x8  }
0x1e2: {  	s31 =	sshll.u32 s26, $0x2;
	s26 =	sshll.u32 s24, $0x2;
	s24 =	sor.u32 s23, s6;
	v31 =	vld [tilespmem:s14+$0xFFFFF880];
	v10 =	vmul.f32 v28, v10;
	v42 =	vadd.f32 v30, v2;
	v43 =	vmul.f32 v27, v27  }
0x1e3: {  	s11 =	sshra.s32 s11, $0x2;
	s8 =	sadd.s32 $0x13580, s8;
	s4 =	sand.u32 $0xFFFFFE00, s4;
	v2 =	vbroadcast v20, $0x2;
	v27 =	vadd.f32 v27, v1;
	v11 =	vmul.f32 v26, v11  }
0x1e4: {  	s6 =	sshll.u32 s16, $0x2;
	s12 =	sor.u32 s31, s12;
	s9 =	sor.u32 s26, s9;
	v26 =	vadd.f32 v43, v42;
	v44 =	vmul.f32 v10, v10;
	(v2sf) =	vpush v25, $0x0  }
0x1e5: {  	v48 =	vld [tilespmem:s15+$0xFFFFFA00];
	s31 =	sand.u32 $0x7F, s7;
	s7 =	sshll.u32 s7, $0x2;
	s26 =	sshll.u32 s21, $0x2;
	v1 =	vbroadcast v20, $0x3;
	v10 =	vadd.f32 v10, v27;
	v27 =	vmul.f32 v29, v32  }
0x1e6: {  	v33 =	vld [tilespmem:s13+$0xFFFFF900];
	s11 =	sadd.s32 $0x13580, s11;
	s20 =	sshra.s32 s24, $0x2;
	s12 =	sshra.s32 s12, $0x2;
	v26 =	vadd.f32 v44, v26;
	v46 =	vmul.f32 v11, v11;
	(v2sf) =	vpush v25, $0x1  }
0x1e7: {  	s4 =	sor.u32 s6, s4;
	s7 =	sand.u32 $0xFFFFFE00, s7;
	v47 =	vld [tilespmem:s11+$0xFFFFF980];
	s12 =	sadd.s32 $0x13580, s12;
	v29 =	vmul.f32 v31, v45;
	(v2sf) =	vpush v25, $0x2;
	v10 =	vadd.f32 v11, v10  }
0x1e8: {  	s18 =	sshll.u32 s31, $0x2;
	s31 =	sand.u32 $0x7F, s0;
	s14 =	sor.u32 s26, s25;
	v51 =	vld [tilespmem:s12+$0xFFFFFA80];
	v26 =	vadd.f32 v46, v26;
	v49 =	vmul.f32 v27, v27;
	(v2sf) =	vpush v25, $0x3  }
0x1e9: {  	v53 =	vld [tilespmem:s10+$0xFFFFFB00];
	s9 =	sshra.s32 s9, $0x2;
	s10 =	sadd.s32 $0x13580, s20;
	s4 =	sshra.s32 s4, $0x2;
	v11 =	vbroadcast v7, $0xB;
	v50 =	vmul.f32 v29, v29;
	(v2sf) =	vpush v25, $0x4  }
0x1ea: {  	s0 =	sshll.u32 s0, $0x2;
	s7 =	sor.u32 s18, s7;
	s18 =	sand.u32 $0x7F, s3;
	v10 =	vadd.f32 v27, v10;
	v27 =	vbroadcast v7, $0xC;
	v26 =	vadd.f32 v49, v26  }
0x1eb: {  	s9 =	sadd.s32 $0x13580, s9;
	s21 =	sshra.s32 s14, $0x2;
	s3 =	sshll.u32 s3, $0x2;
	v11 =	vmul.f32 v33, v11;
	v7 =	vbroadcast v7, $0xF;
	(v2sf) =	vpush v25, $0x5  }
0x1ec: {  	s4 =	sadd.s32 $0x13580, s4;
	s0 =	sand.u32 $0xFFFFFE00, s0;
	s2 =	sshll.u32 s31, $0x2;
	v10 =	vadd.f32 v29, v10;
	v27 =	vmul.f32 v47, v27;
	v28 =	vadd.f32 v50, v26;
	v26 =	vld [tilespmem:s30+$0x0]  }
0x1ed: {  	s7 =	sshra.s32 s7, $0x2;
	s12 =	sadd.s32 $0x13580, s21;
	s3 =	sand.u32 $0xFFFFFE00, s3;
	(v2sf) =	vpush v25, $0x6;
	v54 =	vmul.f32 v11, v11;
	v29 =	vmul.f32 v51, v55  }
0x1ee: {  	s23 =	sshll.u32 s18, $0x2;
	s0 =	sor.u32 s2, s0;
	s7 =	sadd.s32 $0x13580, s7;
	(v2sf) =	vpush v25, $0x7;
	v10 =	vadd.f32 v11, v10;
	v11 =	vmul.f32 v48, v52  }
0x1ef: {  	s3 =	sor.u32 s23, s3;
	s17 =	sand.u32 $0x7F, s1;
	s1 =	sshll.u32 s1, $0x2;
	(v2sf) =	vpush v25, $0x8;
	v28 =	vadd.f32 v54, v28;
	v56 =	vmul.f32 v27, v27  }
0x1f0: {  	s0 =	sshra.s32 s0, $0x2;
	s1 =	sand.u32 $0xFFFFFE00, s1;
	s11 =	sshll.u32 s17, $0x2;
	v60 =	vmul.f32 v29, v29;
	v10 =	vadd.f32 v27, v10;
	v57 =	vmul.f32 v11, v11  }
0x1f1: {  	s3 =	sshra.s32 s3, $0x2;
	s11 =	sor.u32 s11, s1;
	s1 =	sshll.u32 s19, $0x2;
	v27 =	vld [tilespmem:s9+$0xFFFFFB80];
	v28 =	vadd.f32 v56, v28;
	v59 =	vbroadcast v26, $0x0;
	v62 =	vbroadcast v26, $0x1  }
0x1f2: {  	v58 =	vld [tilespmem:s8+$0xFFFFFC00];
	s0 =	sadd.s32 $0x13580, s0;
	s3 =	sadd.s32 $0x13580, s3;
	s1 =	sor.u32 s1, s5;
	v36 =	vbroadcast v26, $0x2;
	v38 =	vbroadcast v26, $0x3;
	v10 =	vadd.f32 v11, v10  }
0x1f3: {  	s11 =	sshra.s32 s11, $0x2;
	s1 =	sshra.s32 s1, $0x2;
	v41 =	vbroadcast v26, $0x4;
	v45 =	vbroadcast v26, $0x5;
	v28 =	vadd.f32 v57, v28;
	s25 =	spop (v2sf)  }
0x1f4: {  	v61 =	vld [tilespmem:s7+$0xFFFFFC80];
	s24 =	sadd.s32 $0x13580, s11;
	s1 =	sadd.s32 $0x13580, s1;
	v35 =	vbroadcast v26, $0x6;
	v11 =	vmul.f32 v53, v7;
	v10 =	vadd.f32 v29, v10;
	s2 =	sshll.u32 s25, $0x2  }
0x1f5: {  	v34 =	vld [tilespmem:s4+$0xFFFFFE80];
	v50 =	vbroadcast v26, $0x7;
	v7 =	vbroadcast v20, $0x4;
	v28 =	vadd.f32 v60, v28;
	s26 =	sand.u32 $0x7F, s25;
	s31 =	spop (v2sf);
	s2 =	sand.u32 $0xFFFFFE00, s2  }
0x1f6: {  	v37 =	vld [tilespmem:s12+$0xFFFFFD80];
	v63 =	vmul.f32 v11, v11;
	v27 =	vmul.f32 v27, v59;
	v10 =	vadd.f32 v11, v10;
	s5 =	sshll.u32 s26, $0x2;
	s7 =	sand.u32 $0x7F, s31;
	s6 =	sshll.u32 s31, $0x2  }
0x1f7: {  	(v2sf) =	vpush v25, $0x9;
	v53 =	vbroadcast v26, $0x8;
	v31 =	vmul.f32 v58, v62;
	v11 =	vld [tilespmem:s10+$0xFFFFFD00];
	s9 =	spop (v2sf);
	s2 =	sor.u32 s5, s2;
	s6 =	sand.u32 $0xFFFFFE00, s6  }
0x1f8: {  	v46 =	vld [tilespmem:s3+$0xFFFFFF00];
	v28 =	vadd.f32 v63, v28;
	s10 =	sshll.u32 s7, $0x2;
	s11 =	sand.u32 $0x7F, s9;
	s12 =	sshll.u32 s9, $0x2;
	v10 =	vadd.f32 v27, v10;
	v27 =	vmul.f32 v27, v27  }
0x1f9: {  	v26 =	vbroadcast v26, $0x9;
	v29 =	vmul.f32 v61, v36;
	(v2sf) =	vpush v25, $0xA;
	s13 =	spop (v2sf);
	s2 =	sshra.s32 s2, $0x2;
	s4 =	sor.u32 s10, s6  }
0x1fa: {  	v56 =	vld [tilespmem:s0+$0x0];
	s6 =	sand.u32 $0xFFFFFE00, s12;
	s5 =	sshll.u32 s11, $0x2;
	s16 =	spop (v2sf);
	v27 =	vadd.f32 v27, v28;
	v39 =	vadd.f32 v31, v10;
	v10 =	vmul.f32 v31, v31  }
0x1fb: {  	v40 =	vld [tilespmem:s24+$0xFFFFFE00];
	v43 =	vmul.f32 v37, v41;
	v49 =	vmul.f32 v34, v35;
	(v2sf) =	vpush v25, $0xB;
	s17 =	sand.u32 $0x7F, s13;
	s7 =	sshll.u32 s13, $0x2;
	s2 =	sadd.s32 $0x13580, s2  }
0x1fc: {  	v42 =	vmul.f32 v29, v29;
	s4 =	sshra.s32 s4, $0x2;
	s15 =	sor.u32 s5, s6;
	s18 =	sand.u32 $0xFFFFFE00, s7;
	v52 =	vld [tilespmem:s2+$0xFFFFE680];
	v11 =	vmul.f32 v11, v38;
	v27 =	vadd.f32 v10, v27  }
0x1fd: {  	v48 =	vld [tilespmem:s1+$0xFFFFFF80];
	v33 =	vmul.f32 v46, v50;
	(v2sf) =	vpush v25, $0xC;
	s6 =	sshll.u32 s17, $0x2;
	s14 =	sadd.s32 $0x13580, s4;
	s4 =	sshra.s32 s15, $0x2;
	v28 =	vadd.f32 v29, v39  }
0x1fe: {  	v47 =	vmul.f32 v43, v43;
	s19 =	spop (v2sf);
	s20 =	sand.u32 $0x7F, s16;
	s4 =	sadd.s32 $0x13580, s4;
	v54 =	vld [tilespmem:s14+$0xFFFFE700];
	v44 =	vmul.f32 v11, v11;
	v27 =	vadd.f32 v42, v27  }
0x1ff: {  	v26 =	vmul.f32 v56, v26;
	(v2sf) =	vpush v25, $0xD;
	s21 =	sshll.u32 s16, $0x2;
	s1 =	sor.u32 s6, s18;
	s23 =	spop (v2sf);
	v55 =	vld [tilespmem:s4+$0xFFFFE780];
	v28 =	vadd.f32 v11, v28  }
0x200: {  	(v2sf) =	vpush v25, $0xE;
	v31 =	vmul.f32 v40, v45;
	s2 =	sand.u32 $0xFFFFFE00, s21;
	s24 =	sshll.u32 s20, $0x2;
	s1 =	sshra.s32 s1, $0x2;
	v11 =	vld [tilespmem:s29+$0xFFFFFFE0];
	v27 =	vadd.f32 v44, v27  }
0x201: {  	(v2sf) =	vpush v25, $0xF;
	s25 =	sand.u32 $0x7F, s19;
	s26 =	sshll.u32 s19, $0x2;
	s1 =	sadd.s32 $0x13580, s1;
	v24 =	vmul.f32 v52, v24;
	v28 =	vadd.f32 v43, v28  }
0x202: {  	s2 =	sor.u32 s24, s2;
	s31 =	spop (v2sf);
	s6 =	sand.u32 $0xFFFFFE00, s26;
	v51 =	vmul.f32 v31, v31;
	v29 =	vmul.f32 v48, v53;
	v57 =	vld [tilespmem:s1+$0xFFFFE800];
	v27 =	vadd.f32 v47, v27  }
0x203: {  	s3 =	sshll.u32 s25, $0x2;
	s8 =	sand.u32 $0x7F, s23;
	s5 =	sshll.u32 s23, $0x2;
	v23 =	vmul.f32 v54, v23;
	v58 =	vadd.f32 $0.0e+00, v24;
	v28 =	vadd.f32 v31, v28  }
0x204: {  	s2 =	sshra.s32 s2, $0x2;
	s7 =	spop (v2sf);
	s0 =	sor.u32 s3, s6;
	v24 =	vmul.f32 v24, v24;
	v25 =	vadd.f32 v51, v27;
	v27 =	vmul.f32 v49, v49  }
0x205: {  	s5 =	sand.u32 $0xFFFFFE00, s5;
	s10 =	sand.u32 $0x7F, s31;
	s4 =	sshll.u32 s31, $0x2;
	v22 =	vmul.f32 v55, v22;
	(v2sf) =	vpush v11, $0x0;
	v28 =	vadd.f32 v49, v28  }
0x206: {  	s2 =	sadd.s32 $0x13580, s2;
	s0 =	sshra.s32 s0, $0x2;
	s1 =	sshll.u32 s8, $0x2;
	(v2sf) =	vpush v11, $0x1;
	v25 =	vadd.f32 v27, v25;
	v27 =	vmul.f32 v33, v33  }
0x207: {  	s9 =	spop (v2sf);
	s13 =	sshll.u32 s10, $0x2;
	s4 =	sand.u32 $0xFFFFFE00, s4;
	v60 =	vmul.f32 v23, v23;
	v21 =	vmul.f32 v57, v21;
	(v2sf) =	vpush v11, $0x2  }
0x208: {  	s16 =	sand.u32 $0x7F, s7;
	s3 =	sshll.u32 s7, $0x2;
	v59 =	vld [tilespmem:s2+$0xFFFFE880];
	s1 =	sor.u32 s1, s5;
	v28 =	vadd.f32 v33, v28;
	v25 =	vadd.f32 v27, v25;
	v27 =	vmul.f32 v29, v29  }
0x209: {  	s0 =	sadd.s32 $0x13580, s0;
	s3 =	sand.u32 $0xFFFFFE00, s3;
	s12 =	sshra.s32 s1, $0x2;
	v23 =	vadd.f32 v23, v58;
	v61 =	vmul.f32 v22, v22;
	v24 =	vadd.f32 v60, v24  }
0x20a: {  	v10 =	vbroadcast v20, $0x5;
	s17 =	sand.u32 $0x7F, s9;
	s14 =	sadd.s32 $0x13580, s12;
	s11 =	spop (v2sf);
	v28 =	vadd.f32 v29, v28;
	v25 =	vadd.f32 v27, v25;
	v27 =	vld [tilespmem:s0+$0xFFFFE900]  }
0x20b: {  	s18 =	sshll.u32 s9, $0x2;
	s1 =	sor.u32 s13, s4;
	v63 =	vld [tilespmem:s14+$0xFFFFE980];
	s15 =	spop (v2sf);
	v22 =	vadd.f32 v22, v23;
	v23 =	vadd.f32 v61, v24;
	v24 =	vmul.f32 v21, v21  }
0x20c: {  	s4 =	sshll.u32 s16, $0x2;
	s1 =	sshra.s32 s1, $0x2;
	s6 =	spop (v2sf);
	(v2sf) =	vpush v11, $0x3;
	v28 =	vadd.f32 v26, v28;
	v26 =	vmul.f32 v26, v26  }
0x20d: {  	s20 =	sshll.u32 s17, $0x2;
	s3 =	sor.u32 s4, s3;
	s1 =	sadd.s32 $0x13580, s1;
	v62 =	vmul.f32 v59, v18;
	v21 =	vadd.f32 v21, v22;
	(v2sf) =	vpush v11, $0x4  }
0x20e: {  	s13 =	sld [smem:$0x7F6];
	s19 =	sshra.s32 s3, $0x2;
	s14 =	simm.s32 $0x13580;
	v18 =	vbroadcast v20, $0x6;
	v22 =	vadd.f32 v24, v23;
	v25 =	vadd.f32 v26, v25;
	v26 =	vld [tilespmem:s1+$0xFFFFEA00]  }
0x20f: {  	s2 =	sadd.s32 $0x13580, s19;
	s21 =	sand.u32 $0x7F, s11;
	s8 =	sshll.u32 s11, $0x2;
	v23 =	vmul.f32 v62, v62;
	(v2sf) =	vpush v11, $0x5;
	v24 =	vmul.f32 v27, v16  }
0x210: {  	s11 =	sadd.s32 $0x40, s29;
	s8 =	sand.u32 $0xFFFFFE00, s8;
	s7 =	spop (v2sf);
	v17 =	vmul.f32 v63, v17;
	v21 =	vadd.f32 v62, v21;
	(v2sf) =	vpush v11, $0x6;
	v27 =	vld [tilespmem:s2+$0xFFFFEA80]  }
0x211: {  	s9 =	sshll.u32 s21, $0x2;
	s25 =	sand.u32 $0x7F, s15;
	s31 =	sshll.u32 s15, $0x2;
	v22 =	vadd.f32 v23, v22;
	(v2sf) =	vpush v11, $0x7;
	v23 =	vmul.f32 v24, v24  }
0x212: {  	s8 =	sor.u32 s9, s8;
	s5 =	spop (v2sf);
	s1 =	sand.u32 $0xFFFFFE00, s18;
	v16 =	vbroadcast v20, $0x7;
	v21 =	vadd.f32 v24, v21;
	v24 =	vmul.f32 v28, v28  }
0x213: {  	s9 =	sand.u32 $0xFFFFFE00, s31;
	s4 =	spop (v2sf);
	s1 =	sor.u32 s20, s1;
	v26 =	vmul.f32 v26, v13;
	v13 =	vbroadcast v20, $0x9;
	v22 =	vadd.f32 v23, v22  }
0x214: {  	s26 =	sshra.s32 s8, $0x2;
	s23 =	sshra.s32 s1, $0x2;
	s3 =	spop (v2sf);
	v21 =	vadd.f32 v17, v21;
	v23 =	vmul.f32 v17, v17;
	v24 =	vsub.f32 v24, v25  }
0x215: {  	s8 =	sshll.u32 s25, $0x2;
	(v2sf) =	vpush v11, $0x8;
	s24 =	sadd.s32 $0x13580, s23;
	s2 =	spop (v2sf);
	v17 =	vbroadcast v20, $0x8;
	v20 =	vmul.f32 v27, v19  }
0x216: {  	s0 =	sadd.s32 $0x13580, s26;
	s23 =	smov.u32 s30;
	s1 =	spop (v2sf);
	v23 =	vadd.f32 v23, v22;
	v21 =	vadd.f32 v26, v21;
	[tilespmem:s13+$0x0] =	vst v24;
	v24 =	vmul.f32 v26, v26;
	v22 =	vld [tilespmem:s24+$0xFFFFEB00]  }
.LBB2_5:
0x217: {  	[dreg:$0x12] =	wrdreg s14  }
0x218: {  	[dreg:$0x4] =	wrdreg s11  }
0x219: {  	s9 =	sor.u32 s8, s9;
	s10 =	sand.u32 $0x7F, s6;
	[smem:$0x7D0] =	sst s13  }
0x21a: {  	s15 =	smov.u32 s13;
	s18 =	sshll.u32 s6, $0x2;
	s21 =	sand.u32 $0x7F, s7  }
0x21b: {  	s24 =	sshll.u32 s7, $0x2;
	s26 =	sand.u32 $0x7F, s5;
	s30 =	sshll.u32 s5, $0x2  }
0x21c: {  	s14 =	sand.u32 $0x7F, s3;
	s17 =	sand.u32 $0x7F, s2;
	s22 =	sadd.s32 $0x2, s22  }
0x21d: {  	[dreg:$0x6] =	wrdreg s15;
	s9 =	sshra.s32 s9, $0x2;
	s10 =	sshll.u32 s10, $0x2  }
0x21e: {  	s19 =	sand.u32 $0xFFFFFE00, s18;
	s7 =	sand.u32 $0xFFFFFE00, s24;
	s25 =	sshll.u32 s21, $0x2  }
0x21f: {  	s5 =	sand.u32 $0xFFFFFE00, s30;
	s31 =	sshll.u32 s26, $0x2;
	s12 =	rddreg [dreg:$0x4]  }
0x220: {  	s15 =	sshll.u32 s3, $0x2;
	s18 =	sshll.u32 s2, $0x2;
	s24 =	sshll.u32 s1, $0x2  }
0x221: {  	v25 =	vld [tilespmem:s11+$0x0];
	v23 =	vadd.f32 v24, v23;
	p1 =	slt.u32 s22, $0x6;
	s9 =	sadd.s32 s9, s28;
	s20 =	sor.u32 s10, s19  }
0x222: {  	v21 =	vadd.f32 v20, v21;
	v20 =	vmul.f32 v20, v20;
	s7 =	sor.u32 s25, s7;
	s5 =	sor.u32 s31, s5;
	s3 =	sand.u32 $0xFFFFFE00, s15;
	v15 =	vmul.f32 v22, v15;
	v22 =	vld [tilespmem:s0+$0xFFFFEB80]  }
0x223: {  	v19 =	vld [tilespmem:s11+$0xFFFFFFD0];
	s19 =	sand.u32 $0xFFFFFE00, s18;
	s29 =	sshra.s32 s7, $0x2;
	s0 =	sshra.s32 s20, $0x2  }
0x224: {  	v20 =	vadd.f32 v20, v23;
	v23 =	vld [tilespmem:s9+$0xFFFFEC00];
	s7 =	sand.u32 $0x7F, s4;
	s20 =	sand.u32 $0x7F, s1;
	s0 =	sadd.s32 s0, s28;
	v21 =	vadd.f32 v15, v21;
	v15 =	vmul.f32 v15, v15  }
0x225: {  	s1 =	sand.u32 $0xFFFFFE00, s24;
	s25 =	sshll.u32 s20, $0x2;
	v24 =	vld [tilespmem:s0+$0xFFFFEC80];
	s0 =	sadd.s32 s29, s28  }
0x226: {  	s29 =	sor.u32 s25, s1;
	v15 =	vadd.f32 v15, v20;
	v20 =	vld [tilespmem:s0+$0xFFFFED00];
	s0 =	sshra.s32 s5, $0x2;
	s8 =	spop (v2sf);
	(v2sf) =	vpush v11, $0x9  }
0x227: {  	s5 =	sshll.u32 s7, $0x2;
	v11 =	vld [tilespmem:s11+$0xFFFFFFE0];
	v14 =	vmul.f32 v22, v14;
	s11 =	sshll.u32 s4, $0x2;
	s6 =	spop (v2sf);
	(v2sf) =	vpush v25, $0x9  }
0x228: {  	s0 =	sadd.s32 s0, s28;
	s4 =	sand.u32 $0xFFFFFE00, s11;
	s26 =	sand.u32 $0x7F, s8;
	(v2sf) =	vpush v25, $0x8  }
0x229: {  	v22 =	vmul.f32 v23, v12;
	s30 =	sshll.u32 s8, $0x2;
	s9 =	spop (v2sf);
	v21 =	vadd.f32 v14, v21;
	v14 =	vmul.f32 v14, v14;
	s13 =	sor.u32 s5, s4  }
0x22a: {  	v12 =	vld [tilespmem:s12+$0xFFFFFFF0];
	v9 =	vmul.f32 v24, v9;
	s4 =	sshll.u32 s14, $0x2;
	s31 =	sshll.u32 s26, $0x2;
	s1 =	sand.u32 $0xFFFFFE00, s30;
	(v2sf) =	vpush v25, $0x7  }
0x22b: {  	v23 =	vmul.f32 v22, v22;
	v24 =	vld [tilespmem:s0+$0xFFFFED80];
	s5 =	sand.u32 $0x7F, s6;
	s12 =	sshll.u32 s6, $0x2;
	s0 =	sshra.s32 s13, $0x2;
	v14 =	vadd.f32 v14, v15  }
0x22c: {  	s10 =	spop (v2sf);
	s4 =	sor.u32 s4, s3;
	(v2sf) =	vpush v25, $0x6;
	v21 =	vadd.f32 v22, v21;
	v15 =	vmul.f32 v9, v9;
	s0 =	sadd.s32 s0, s28  }
0x22d: {  	s1 =	sor.u32 s31, s1;
	v8 =	vmul.f32 v20, v8;
	s16 =	sshra.s32 s4, $0x2;
	s4 =	sshll.u32 s17, $0x2;
	(v2sf) =	vpush v25, $0x5;
	v20 =	vld [tilespmem:s0+$0xFFFFEE00];
	v14 =	vadd.f32 v23, v14  }
0x22e: {  	s13 =	sand.u32 $0x7F, s9;
	s0 =	sadd.s32 s16, s28;
	s4 =	sor.u32 s4, s19;
	v9 =	vadd.f32 v9, v21  }
0x22f: {  	s15 =	sshll.u32 s9, $0x2;
	s7 =	spop (v2sf);
	(v2sf) =	vpush v25, $0x4;
	s21 =	sshra.s32 s4, $0x2;
	v14 =	vadd.f32 v15, v14;
	v15 =	vld [tilespmem:s0+$0xFFFFEE80]  }
0x230: {  	s1 =	sshra.s32 s1, $0x2;
	s18 =	sshll.u32 s10, $0x2;
	(v2sf) =	vpush v25, $0x3;
	v6 =	vmul.f32 v24, v6;
	v9 =	vadd.f32 v8, v9;
	s0 =	sadd.s32 s21, s28  }
0x231: {  	s3 =	spop (v2sf);
	s1 =	sadd.s32 s1, s28;
	v8 =	vmul.f32 v8, v8;
	v21 =	vld [tilespmem:s0+$0xFFFFEF00];
	s0 =	sshra.s32 s29, $0x2  }
0x232: {  	s16 =	sand.u32 $0x7F, s10;
	s4 =	sand.u32 $0xFFFFFE00, s12;
	(v2sf) =	vpush v25, $0x2;
	v9 =	vadd.f32 v6, v9;
	v5 =	vmul.f32 v20, v5;
	s0 =	sadd.s32 s0, s28  }
0x233: {  	s29 =	sand.u32 $0x7F, s7;
	s7 =	sshll.u32 s7, $0x2;
	v6 =	vmul.f32 v6, v6;
	v8 =	vadd.f32 v8, v14;
	v14 =	vld [tilespmem:s0+$0xFFFFEF80];
	s0 =	sshll.u32 s5, $0x2  }
0x234: {  	s25 =	sand.u32 $0xFFFFFE00, s18;
	(v2sf) =	vpush v25, $0x1;
	s9 =	sand.u32 $0xFFFFFE00, s7;
	v9 =	vadd.f32 v5, v9;
	s0 =	sor.u32 s0, s4;
	v3 =	vmul.f32 v15, v3  }
0x235: {  	v5 =	vmul.f32 v5, v5;
	v6 =	vadd.f32 v6, v8;
	s4 =	sand.u32 $0xFFFFFE00, s15;
	s0 =	sshra.s32 s0, $0x2;
	s2 =	spop (v2sf)  }
0x236: {  	s0 =	sadd.s32 s0, s28;
	v8 =	vadd.f32 v3, v9;
	v9 =	vld [tilespmem:s1+$0xFFFFF000];
	s1 =	sshll.u32 s13, $0x2;
	s8 =	spop (v2sf)  }
0x237: {  	(v2sf) =	vpush v25, $0x0;
	v5 =	vadd.f32 v5, v6;
	v3 =	vmul.f32 v3, v3;
	s1 =	sor.u32 s1, s4;
	[dreg:$0xd] =	wrdreg s8;
	s11 =	spop (v2sf)  }
0x238: {  	v4 =	vmul.f32 v21, v4;
	s1 =	sshra.s32 s1, $0x2;
	s8 =	sand.u32 $0x7F, s8;
	[dreg:$0x11] =	wrdreg s11  }
0x239: {  	(v2sf) =	vpush v12, $0xF;
	v3 =	vadd.f32 v3, v5;
	v5 =	vld [tilespmem:s0+$0xFFFFF080];
	s0 =	sshll.u32 s16, $0x2;
	s14 =	spop (v2sf);
	[dreg:$0xb] =	wrdreg s8  }
0x23a: {  	v6 =	vmul.f32 v4, v4;
	v2 =	vmul.f32 v14, v2;
	v4 =	vadd.f32 v4, v8;
	s1 =	sadd.s32 s1, s28;
	s8 =	sand.u32 $0x7F, s11;
	[dreg:$0x16] =	wrdreg s14  }
0x23b: {  	(v2sf) =	vpush v12, $0xE;
	s0 =	sor.u32 s0, s25;
	s19 =	spop (v2sf);
	[dreg:$0xf] =	wrdreg s8  }
0x23c: {  	(v2sf) =	vpush v12, $0xD;
	v4 =	vadd.f32 v2, v4;
	s0 =	sshra.s32 s0, $0x2;
	[dreg:$0x1a] =	wrdreg s19;
	s20 =	spop (v2sf)  }
0x23d: {  	v2 =	vmul.f32 v2, v2;
	v3 =	vadd.f32 v6, v3;
	v1 =	vmul.f32 v9, v1;
	s0 =	sadd.s32 s0, s28;
	s19 =	sand.u32 $0x7F, s19;
	[dreg:$0x1f] =	wrdreg s20  }
0x23e: {  	(v2sf) =	vpush v12, $0xC;
	s21 =	spop (v2sf);
	[dreg:$0x18] =	wrdreg s19;
	s19 =	sand.u32 $0x7F, s20  }
0x23f: {  	v2 =	vadd.f32 v2, v3;
	[smem:$0x7DF] =	sst s21;
	s24 =	spop (v2sf);
	v3 =	vadd.f32 v1, v4;
	v4 =	vld [tilespmem:s1+$0xFFFFF100];
	s1 =	sshll.u32 s29, $0x2  }
0x240: {  	(v2sf) =	vpush v12, $0xB;
	s29 =	sand.u32 $0x7F, s2;
	s2 =	sshll.u32 s2, $0x2;
	[dreg:$0x1c] =	wrdreg s19  }
0x241: {  	(v2sf) =	vpush v12, $0xA;
	[smem:$0x7DD] =	sst s24;
	s26 =	spop (v2sf);
	s1 =	sor.u32 s1, s9  }
0x242: {  	(v2sf) =	vpush v12, $0x9;
	v1 =	vmul.f32 v1, v1;
	s9 =	sand.u32 $0x7F, s3;
	s3 =	sshll.u32 s3, $0x2;
	s2 =	sand.u32 $0xFFFFFE00, s2  }
0x243: {  	(v2sf) =	vpush v12, $0x8;
	s11 =	sand.u32 $0x7F, s24;
	[smem:$0x7DB] =	sst s26;
	s31 =	spop (v2sf)  }
0x244: {  	(v2sf) =	vpush v12, $0x7;
	v1 =	vadd.f32 v1, v2;
	v2 =	vmul.f32 v5, v7;
	v5 =	vld [tilespmem:s0+$0xFFFFF180];
	s1 =	sshra.s32 s1, $0x2;
	s3 =	sand.u32 $0xFFFFFE00, s3;
	s0 =	sshll.u32 s9, $0x2  }
0x245: {  	(v2sf) =	vpush v12, $0x6;
	s9 =	smov.u32 s22;
	[smem:$0x7DE] =	sst s11;
	s24 =	sand.u32 $0x7F, s26  }
0x246: {  	(v2sf) =	vpush v12, $0x5;
	[smem:$0x7D9] =	sst s31;
	s17 =	spop (v2sf);
	s1 =	sadd.s32 s1, s28  }
0x247: {  	(v2sf) =	vpush v12, $0x4;
	s16 =	sor.u32 s0, s3;
	s3 =	sshll.u32 s29, $0x2;
	[smem:$0x7DC] =	sst s24  }
0x248: {  	(v2sf) =	vpush v12, $0x3;
	[smem:$0x7D7] =	sst s17;
	s5 =	spop (v2sf);
	s2 =	sor.u32 s3, s2  }
0x249: {  	s20 =	sand.u32 $0x7F, s17;
	(v2sf) =	vpush v12, $0x2;
	[smem:$0x7D6] =	sst s5;
	s3 =	sshra.s32 s2, $0x2  }
0x24a: {  	v3 =	vadd.f32 v2, v3;
	s2 =	sadd.s32 $0x40, s23;
	[smem:$0x7D8] =	sst s20;
	s19 =	sand.u32 $0x7F, s5  }
0x24b: {  	v2 =	vmul.f32 v2, v2;
	v4 =	vmul.f32 v4, v10;
	(v2sf) =	vpush v12, $0x1;
	[dreg:$0x9] =	wrdreg s3;
	s3 =	sand.u32 $0x7F, s14;
	s14 =	sand.u32 $0x7F, s21  }
0x24c: {  	s21 =	sand.u32 $0x7F, s31;
	(v2sf) =	vpush v12, $0x0;
	[dreg:$0x14] =	wrdreg s3;
	s13 =	spop (v2sf)  }
0x24d: {  	v1 =	vadd.f32 v2, v1;
	v2 =	vadd.f32 v4, v3;
	v3 =	vmul.f32 v4, v4;
	v4 =	vld [tilespmem:s1+$0xFFFFF200];
	s1 =	sshra.s32 s16, $0x2;
	[smem:$0x7E0] =	sst s14;
	s30 =	spop (v2sf)  }
0x24e: {  	[smem:$0x7DA] =	sst s21;
	s1 =	sadd.s32 s1, s28;
	s12 =	spop (v2sf)  }
0x24f: {  	s28 =	sadd.s32 $0x1A00, s28;
	[smem:$0x7D4] =	sst s13;
	s4 =	spop (v2sf)  }
0x250: {  	[smem:$0x7D2] =	sst s30;
	s26 =	sand.u32 $0x7F, s30;
	s6 =	spop (v2sf)  }
0x251: {  	s30 =	sand.u32 $0x7F, s13;
	[smem:$0x7D3] =	sst s26;
	s10 =	spop (v2sf)  }
0x252: {  	[smem:$0x7D5] =	sst s30;
	s31 =	sand.u32 $0x7F, s12;
	s7 =	spop (v2sf)  }
0x253: {  	s30 =	smov.u32 s12;
	s8 =	sand.u32 $0x7F, s4;
	s15 =	spop (v2sf)  }
0x254: {  	[smem:$0x7D1] =	sst s31;
	s11 =	sand.u32 $0x7F, s6;
	s18 =	spop (v2sf)  }
0x255: {  	s21 =	sand.u32 $0x7F, s10;
	s17 =	sand.u32 $0x7F, s7;
	s25 =	spop (v2sf)  }
0x256: {  	s3 =	sand.u32 $0x7F, s15;
	s17 =	sshll.u32 s17, $0x2;
	s0 =	spop (v2sf)  }
0x257: {  	s31 =	sand.u32 $0x7F, s18;
	s14 =	sand.u32 $0x7F, s25;
	s22 =	spop (v2sf)  }
0x258: {  	v7 =	vld [tilespmem:s2+$0xFFFFFFD0];
	s26 =	sand.u32 $0x7F, s0;
	s0 =	sshll.u32 s0, $0x2;
	s16 =	spop (v2sf)  }
0x259: {  	s13 =	sand.u32 $0x7F, s22;
	s22 =	sshll.u32 s22, $0x2;
	s0 =	sand.u32 $0xFFFFFE00, s0  }
0x25a: {  	v1 =	vadd.f32 v3, v1;
	v3 =	vmul.f32 v5, v18;
	s29 =	spop (v2sf);
	s12 =	sand.u32 $0x7F, s16;
	s16 =	sshll.u32 s16, $0x2  }
0x25b: {  	s13 =	sshll.u32 s13, $0x2;
	s23 =	spop (v2sf);
	s5 =	sand.u32 $0x7F, s29  }
0x25c: {  	v2 =	vadd.f32 v3, v2;
	v3 =	vmul.f32 v3, v3;
	s29 =	sshll.u32 s29, $0x2;
	s16 =	sand.u32 $0xFFFFFE00, s16;
	s12 =	sshll.u32 s12, $0x2  }
0x25d: {  	v5 =	vld [tilespmem:s1+$0xFFFFF280];
	v28 =	vbroadcast v7, $0x0;
	v27 =	vbroadcast v7, $0x1;
	s1 =	sand.u32 $0x7F, s23;
	s23 =	sshll.u32 s23, $0x2;
	s20 =	sshll.u32 s5, $0x2  }
0x25e: {  	v26 =	vbroadcast v7, $0x2;
	v25 =	vbroadcast v7, $0x3;
	s12 =	sor.u32 s12, s16;
	s16 =	sshll.u32 s25, $0x2;
	s23 =	sand.u32 $0xFFFFFE00, s23  }
0x25f: {  	v30 =	vld [tilespmem:s2+$0xFFFFFFE0];
	v24 =	vbroadcast v7, $0x4;
	v23 =	vbroadcast v7, $0x5;
	s24 =	sshll.u32 s1, $0x2;
	s1 =	sand.u32 $0xFFFFFE00, s22;
	s22 =	smov.u32 s9  }
0x260: {  	v32 =	vld [tilespmem:s2+$0xFFFFFFF0];
	v22 =	vbroadcast v7, $0x6;
	v21 =	vbroadcast v7, $0x7;
	s12 =	sshra.s32 s12, $0x2;
	s9 =	sshll.u32 s26, $0x2;
	s23 =	sor.u32 s24, s23  }
0x261: {  	v20 =	vbroadcast v7, $0x8;
	v15 =	vbroadcast v7, $0x9;
	s24 =	sand.u32 $0xFFFFFE00, s29;
	s12 =	sadd.s32 s12, s28;
	s13 =	sor.u32 s13, s1  }
0x262: {  	v14 =	vbroadcast v7, $0xA;
	v12 =	vbroadcast v7, $0xB;
	s0 =	sor.u32 s9, s0;
	s29 =	sshll.u32 s31, $0x2;
	s31 =	sshll.u32 s15, $0x2  }
0x263: {  	v9 =	vbroadcast v7, $0xC;
	v8 =	vbroadcast v7, $0xD;
	s23 =	sshra.s32 s23, $0x2;
	s20 =	sor.u32 s20, s24;
	s5 =	sshra.s32 s13, $0x2  }
0x264: {  	v6 =	vbroadcast v7, $0xE;
	v10 =	vbroadcast v30, $0x5;
	s0 =	sshra.s32 s0, $0x2;
	s24 =	sshll.u32 s18, $0x2;
	s9 =	sand.u32 $0xFFFFFE00, s31  }
0x265: {  	v18 =	vbroadcast v30, $0x6;
	v37 =	vbroadcast v32, $0x0;
	s13 =	sshll.u32 s3, $0x2;
	s18 =	sshll.u32 s10, $0x2;
	s23 =	sadd.s32 s23, s28  }
0x266: {  	v31 =	vbroadcast v30, $0x9;
	v49 =	vbroadcast v32, $0x1;
	s3 =	smov.u32 s2;
	s31 =	sshll.u32 s11, $0x2;
	s20 =	sshra.s32 s20, $0x2;
	v35 =	vld [tilespmem:s23+$0xFFFFF380]  }
0x267: {  	v39 =	vbroadcast v32, $0x2;
	v4 =	vmul.f32 v4, v16;
	v38 =	vld [tilespmem:s12+$0xFFFFF480];
	s2 =	sshll.u32 s4, $0x2;
	s11 =	sld [smem:$0x7D1];
	s20 =	sadd.s32 s20, s28  }
0x268: {  	v53 =	vbroadcast v32, $0x3;
	v16 =	vbroadcast v30, $0x7;
	s12 =	sadd.s32 s5, s28;
	s0 =	sadd.s32 s0, s28;
	s5 =	sld [smem:$0x7D0];
	v36 =	vld [tilespmem:s20+$0xFFFFF400]  }
0x269: {  	v1 =	vadd.f32 v3, v1;
	v3 =	vmul.f32 v4, v4;
	v34 =	vmul.f32 v5, v17;
	s26 =	sand.u32 $0xFFFFFE00, s24;
	s24 =	sshll.u32 s21, $0x2;
	s21 =	sld [smem:$0x7D6]  }
0x26a: {  	v2 =	vadd.f32 v4, v2;
	v5 =	vbroadcast v7, $0xF;
	v4 =	vbroadcast v30, $0x1;
	s23 =	sshll.u32 s14, $0x2;
	s14 =	sshll.u32 s7, $0x2;
	s7 =	sshll.u32 s8, $0x2  }
0x26b: {  	v7 =	vbroadcast v30, $0x4;
	s8 =	sshll.u32 s30, $0x2;
	s20 =	sand.u32 $0xFFFFFE00, s16;
	s16 =	sand.u32 $0xFFFFFE00, s14;
	v48 =	vmul.f32 v35, v37  }
0x26c: {  	v17 =	vbroadcast v30, $0x8;
	v33 =	vadd.f32 v3, v1;
	v3 =	vbroadcast v30, $0x0;
	v50 =	vld [tilespmem:s12+$0xFFFFF500];
	s10 =	sand.u32 $0xFFFFFE00, s8;
	s8 =	sld [smem:$0x7DB];
	s12 =	sor.u32 s23, s20  }
0x26d: {  	v47 =	vmul.f32 v34, v34;
	s23 =	sand.u32 $0xFFFFFE00, s18;
	s25 =	sshra.s32 s12, $0x2;
	s12 =	sor.u32 s29, s26;
	v35 =	vmul.f32 v36, v49;
	v51 =	vadd.f32 $0.0e+00, v48  }
0x26e: {  	v29 =	vadd.f32 v34, v2;
	v2 =	vbroadcast v30, $0x2;
	v1 =	vbroadcast v30, $0x3;
	v52 =	vld [tilespmem:s0+$0xFFFFF580];
	s0 =	sadd.s32 s25, s28;
	s1 =	sshra.s32 s12, $0x2;
	s25 =	sshll.u32 s6, $0x2  }
0x26f: {  	v30 =	vadd.f32 v47, v33;
	v38 =	vmul.f32 v38, v39;
	s6 =	sand.u32 $0xFFFFFE00, s2;
	s2 =	sshll.u32 s11, $0x2;
	s12 =	sld [smem:$0x7D2];
	v33 =	vadd.f32 v35, v51  }
0x270: {  	s11 =	sld [smem:$0x7DC];
	v40 =	vld [tilespmem:s0+$0xFFFFF600];
	s0 =	sadd.s32 s1, s28;
	s1 =	sor.u32 s13, s9  }
0x271: {  	v54 =	vbroadcast v32, $0x4;
	v37 =	vmul.f32 v50, v53;
	s29 =	sand.u32 $0xFFFFFE00, s25;
	s25 =	sshll.u32 s19, $0x2;
	s19 =	sld [smem:$0x7E0];
	v33 =	vadd.f32 v38, v33  }
0x272: {  	v56 =	vld [tilespmem:s0+$0xFFFFF680];
	s15 =	sshra.s32 s1, $0x2;
	s1 =	sor.u32 s17, s16;
	s16 =	sld [smem:$0x7D4]  }
0x273: {  	v57 =	vbroadcast v32, $0x5;
	v36 =	vmul.f32 v52, v54;
	s0 =	sadd.s32 s15, s28;
	s20 =	sshra.s32 s1, $0x2;
	s15 =	sld [smem:$0x7D3];
	v33 =	vadd.f32 v37, v33  }
0x274: {  	s1 =	sor.u32 s24, s23;
	v59 =	vld [tilespmem:s0+$0xFFFFF700];
	s0 =	sadd.s32 s20, s28;
	s20 =	sld [smem:$0x7D5]  }
0x275: {  	v60 =	vbroadcast v32, $0x6;
	s26 =	sshra.s32 s1, $0x2;
	s1 =	sor.u32 s31, s29;
	s31 =	sld [smem:$0x7D8];
	v39 =	vmul.f32 v40, v57;
	v33 =	vadd.f32 v36, v33  }
0x276: {  	v63 =	vbroadcast v32, $0x7;
	s5 =	sadd.s32 $0x20, s5;
	v62 =	vld [tilespmem:s0+$0xFFFFF780];
	s0 =	sadd.s32 s26, s28;
	s26 =	sld [smem:$0x7D7]  }
0x277: {  	v55 =	vmul.f32 v38, v38;
	s4 =	sshra.s32 s1, $0x2;
	s1 =	sor.u32 s7, s6;
	s7 =	sld [smem:$0x7DA];
	v38 =	vmul.f32 v56, v60;
	v33 =	vadd.f32 v39, v33  }
0x278: {  	v46 =	vbroadcast v32, $0x8;
	v34 =	vmul.f32 v48, v48;
	v45 =	vld [tilespmem:s0+$0xFFFFF800];
	s0 =	sadd.s32 s4, s28;
	s9 =	sshra.s32 s1, $0x2;
	s1 =	sor.u32 s2, s10  }
0x279: {  	v58 =	vmul.f32 v37, v37;
	s2 =	sshll.u32 s12, $0x2;
	s12 =	sld [smem:$0x7DD];
	v48 =	vld [tilespmem:s0+$0xFFFFF880];
	s0 =	sadd.s32 s9, s28;
	v37 =	vmul.f32 v59, v63;
	v33 =	vadd.f32 v38, v33  }
0x27a: {  	v49 =	vbroadcast v32, $0x9;
	s13 =	sshra.s32 s1, $0x2;
	s14 =	sand.u32 $0xFFFFFE00, s2;
	s2 =	sshll.u32 s15, $0x2  }
0x27b: {  	v61 =	vmul.f32 v36, v36;
	s15 =	sld [smem:$0x7DE];
	v51 =	vld [tilespmem:s0+$0xFFFFF900];
	s0 =	sadd.s32 s13, s28;
	s1 =	sor.u32 s2, s14;
	v36 =	vmul.f32 v62, v46;
	v33 =	vadd.f32 v37, v33  }
0x27c: {  	v52 =	vbroadcast v32, $0xA;
	v35 =	vmul.f32 v35, v35;
	s2 =	sshll.u32 s16, $0x2;
	s16 =	sld [smem:$0x7DF];
	s17 =	sshra.s32 s1, $0x2  }
0x27d: {  	v44 =	vmul.f32 v39, v39;
	s18 =	sand.u32 $0xFFFFFE00, s2;
	s2 =	sshll.u32 s20, $0x2;
	s20 =	rddreg [dreg:$0x1f];
	v39 =	vmul.f32 v45, v49;
	v33 =	vadd.f32 v36, v33  }
0x27e: {  	(v2sf) =	vpush v19, $0x0;
	v34 =	vadd.f32 v35, v34;
	v54 =	vld [tilespmem:s0+$0xFFFFF980];
	s0 =	sadd.s32 s17, s28;
	s1 =	sor.u32 s2, s18;
	s2 =	sshll.u32 s21, $0x2  }
0x27f: {  	v47 =	vmul.f32 v38, v38;
	s23 =	sshra.s32 s1, $0x2;
	s24 =	sand.u32 $0xFFFFFE00, s2;
	s2 =	sshll.u32 s26, $0x2;
	v38 =	vmul.f32 v48, v52;
	v33 =	vadd.f32 v39, v33  }
0x280: {  	v34 =	vadd.f32 v55, v34;
	v57 =	vld [tilespmem:s0+$0xFFFFFA00];
	s0 =	sadd.s32 s23, s28;
	s1 =	sor.u32 s25, s24;
	s30 =	sand.u32 $0xFFFFFE00, s2  }
0x281: {  	s2 =	sshll.u32 s31, $0x2;
	s23 =	smov.u32 s3;
	v59 =	vadd.f32 v38, v33;
	v33 =	vld [tilespmem:s3+$0x0];
	s3 =	sld [smem:$0x7D9]  }
0x282: {  	v34 =	vadd.f32 v58, v34;
	s26 =	rddreg [dreg:$0x1a];
	s29 =	sshra.s32 s1, $0x2;
	s1 =	sor.u32 s2, s30  }
0x283: {  	(v2sf) =	vpush v19, $0x1;
	s25 =	rddreg [dreg:$0x1c];
	v41 =	vld [tilespmem:s0+$0xFFFFFA80];
	s0 =	sadd.s32 s29, s28;
	s4 =	sshra.s32 s1, $0x2  }
0x284: {  	(v2sf) =	vpush v19, $0x2;
	s31 =	rddreg [dreg:$0x18];
	v34 =	vadd.f32 v61, v34;
	v61 =	vld [tilespmem:s0+$0xFFFFFB00];
	s0 =	sadd.s32 s4, s28;
	s2 =	sshll.u32 s3, $0x2  }
0x285: {  	s3 =	rddreg [dreg:$0x16];
	s6 =	sand.u32 $0xFFFFFE00, s2;
	s2 =	sshll.u32 s7, $0x2  }
0x286: {  	(v2sf) =	vpush v19, $0x3;
	v34 =	vadd.f32 v44, v34;
	s7 =	rddreg [dreg:$0x14];
	s1 =	sor.u32 s2, s6;
	s2 =	sshll.u32 s8, $0x2  }
0x287: {  	s8 =	rddreg [dreg:$0x11];
	s9 =	sshra.s32 s1, $0x2;
	s10 =	sand.u32 $0xFFFFFE00, s2  }
0x288: {  	(v2sf) =	vpush v19, $0x4;
	v50 =	vmul.f32 v37, v37;
	v63 =	vld [tilespmem:s0+$0xFFFFFB80];
	v34 =	vadd.f32 v47, v34;
	s2 =	sshll.u32 s11, $0x2;
	s11 =	rddreg [dreg:$0xf];
	s0 =	sadd.s32 s9, s28  }
0x289: {  	s1 =	sor.u32 s2, s10;
	s2 =	sshll.u32 s12, $0x2;
	s12 =	rddreg [dreg:$0xd]  }
0x28a: {  	v53 =	vmul.f32 v36, v36;
	v34 =	vadd.f32 v50, v34;
	s13 =	sshra.s32 s1, $0x2;
	s14 =	sand.u32 $0xFFFFFE00, s2;
	s2 =	sshll.u32 s15, $0x2  }
0x28b: {  	v55 =	vbroadcast v32, $0xB;
	v44 =	vld [tilespmem:s0+$0xFFFFFC00];
	s15 =	rddreg [dreg:$0xb];
	s0 =	sadd.s32 s13, s28;
	s1 =	sor.u32 s2, s14  }
0x28c: {  	v56 =	vmul.f32 v39, v39;
	v34 =	vadd.f32 v53, v34;
	s2 =	sshll.u32 s16, $0x2;
	s16 =	rddreg [dreg:$0x9];
	s17 =	sshra.s32 s1, $0x2  }
0x28d: {  	v58 =	vbroadcast v32, $0xC;
	v37 =	vmul.f32 v51, v55;
	s18 =	sand.u32 $0xFFFFFE00, s2;
	s2 =	sshll.u32 s19, $0x2;
	s19 =	spop (v2sf)  }
0x28e: {  	(v2sf) =	vpush v19, $0x5;
	v34 =	vadd.f32 v56, v34;
	v38 =	vmul.f32 v38, v38;
	v47 =	vld [tilespmem:s0+$0xFFFFFC80];
	s0 =	sadd.s32 s17, s28;
	s1 =	sor.u32 s2, s18;
	s2 =	sshll.u32 s20, $0x2  }
0x28f: {  	v60 =	vbroadcast v32, $0xD;
	v36 =	vmul.f32 v54, v58;
	v35 =	vadd.f32 v37, v59;
	s17 =	rddreg [dreg:$0x12];
	s20 =	sand.u32 $0x7F, s19;
	s21 =	sshra.s32 s1, $0x2  }
0x290: {  	(v2sf) =	vpush v19, $0x6;
	v34 =	vadd.f32 v38, v34;
	v37 =	vmul.f32 v37, v37;
	v49 =	vld [tilespmem:s0+$0xFFFFFD00];
	s24 =	sand.u32 $0xFFFFFE00, s2;
	s2 =	sshll.u32 s25, $0x2;
	s0 =	sadd.s32 s21, s28  }
0x291: {  	v62 =	vbroadcast v32, $0xE;
	v39 =	vmul.f32 v57, v60;
	v35 =	vadd.f32 v36, v35;
	s1 =	sor.u32 s2, s24;
	s2 =	sshll.u32 s26, $0x2;
	s21 =	sshll.u32 s20, $0x2  }
0x292: {  	v32 =	vbroadcast v32, $0xF;
	v34 =	vadd.f32 v37, v34;
	v36 =	vmul.f32 v36, v36;
	s24 =	spop (v2sf);
	s29 =	sshra.s32 s1, $0x2;
	s30 =	sand.u32 $0xFFFFFE00, s2  }
0x293: {  	(v2sf) =	vpush v19, $0x7;
	v40 =	vmul.f32 v41, v62;
	v35 =	vadd.f32 v39, v35;
	s2 =	sshll.u32 s31, $0x2;
	s25 =	sand.u32 $0x7F, s24;
	s26 =	spop (v2sf)  }
0x294: {  	v32 =	vmul.f32 v61, v32;
	v43 =	vmul.f32 v39, v39;
	v34 =	vadd.f32 v36, v34;
	v53 =	vld [tilespmem:s0+$0xFFFFFD80];
	s0 =	sadd.s32 s29, s28;
	s1 =	sor.u32 s2, s30;
	s2 =	sshll.u32 s3, $0x2  }
0x295: {  	v46 =	vmul.f32 v40, v40;
	v45 =	vbroadcast v33, $0x0;
	v35 =	vadd.f32 v40, v35;
	s29 =	sand.u32 $0x7F, s26;
	s30 =	sshll.u32 s26, $0x2;
	s31 =	spop (v2sf)  }
0x296: {  	v48 =	vbroadcast v33, $0x1;
	v50 =	vbroadcast v33, $0x2;
	v34 =	vadd.f32 v43, v34;
	s26 =	rddreg [dreg:$0x6];
	s4 =	sshra.s32 s1, $0x2;
	s6 =	sand.u32 $0xFFFFFE00, s2  }
0x297: {  	v54 =	vbroadcast v33, $0x3;
	v37 =	vmul.f32 v63, v45;
	v35 =	vadd.f32 v32, v35;
	v56 =	vld [tilespmem:s0+$0xFFFFFE00];
	s2 =	sshll.u32 s7, $0x2;
	s7 =	spop (v2sf);
	s0 =	sadd.s32 s4, s28  }
0x298: {  	v57 =	vbroadcast v33, $0x4;
	v34 =	vadd.f32 v46, v34;
	v32 =	vmul.f32 v32, v32;
	s1 =	sor.u32 s2, s6;
	s2 =	sshll.u32 s8, $0x2;
	s6 =	sshll.u32 s29, $0x2  }
0x299: {  	(v2sf) =	vpush v19, $0x8;
	v51 =	vadd.f32 v37, v35;
	v38 =	vmul.f32 v44, v48;
	s9 =	sshra.s32 s1, $0x2;
	s10 =	sand.u32 $0xFFFFFE00, s2;
	s2 =	sshll.u32 s11, $0x2  }
0x29a: {  	v52 =	vmul.f32 v37, v37;
	v32 =	vadd.f32 v32, v34;
	(v2sf) =	vpush v19, $0x9;
	s11 =	sand.u32 $0x7F, s7;
	s1 =	sor.u32 s2, s10;
	s2 =	sshll.u32 s12, $0x2  }
0x29b: {  	(v2sf) =	vpush v19, $0xA;
	v39 =	vmul.f32 v47, v50;
	v34 =	vadd.f32 v38, v51;
	v59 =	vld [tilespmem:s0+$0xFFFFFE80];
	s0 =	sadd.s32 s9, s28;
	s14 =	sand.u32 $0xFFFFFE00, s2;
	s2 =	sshll.u32 s15, $0x2  }
0x29c: {  	v32 =	vadd.f32 v52, v32;
	v55 =	vmul.f32 v38, v38;
	(v2sf) =	vpush v19, $0xB;
	s9 =	sand.u32 $0x7F, s31;
	s13 =	sshra.s32 s1, $0x2;
	s1 =	sor.u32 s2, s14  }
0x29d: {  	v60 =	vbroadcast v33, $0x5;
	v36 =	vmul.f32 v49, v54;
	v34 =	vadd.f32 v39, v34;
	v62 =	vld [tilespmem:s0+$0xFFFFFF00];
	s0 =	sadd.s32 s13, s28;
	s18 =	sshra.s32 s1, $0x2;
	s1 =	sshll.u32 s19, $0x2  }
0x29e: {  	(v2sf) =	vpush v19, $0xC;
	v32 =	vadd.f32 v55, v32;
	v58 =	vmul.f32 v39, v39;
	s10 =	spop (v2sf);
	v45 =	vld [tilespmem:s0+$0xFFFFFF80];
	s0 =	sadd.s32 s18, s28;
	s1 =	sand.u32 $0xFFFFFE00, s1  }
0x29f: {  	v63 =	vbroadcast v33, $0x6;
	v37 =	vmul.f32 v53, v57;
	v34 =	vadd.f32 v36, v34;
	s2 =	sadd.s32 s16, s17;
	v49 =	vld [tilespmem:s0+$0x0];
	s1 =	sor.u32 s21, s1;
	s0 =	sshll.u32 s24, $0x2  }
0x2a0: {  	v46 =	vbroadcast v33, $0x7;
	v32 =	vadd.f32 v58, v32;
	v61 =	vmul.f32 v36, v36;
	v47 =	vld [tilespmem:s2+$0xFFFFF300];
	s2 =	sshll.u32 s25, $0x2;
	s1 =	sshra.s32 s1, $0x2;
	s0 =	sand.u32 $0xFFFFFE00, s0  }
0x2a1: {  	v50 =	vbroadcast v33, $0x8;
	s15 =	spop (v2sf);
	v38 =	vmul.f32 v56, v60;
	v34 =	vadd.f32 v37, v34;
	s1 =	sadd.s32 s1, s28;
	s0 =	sor.u32 s2, s0  }
0x2a2: {  	(v2sf) =	vpush v19, $0xD;
	s4 =	sshll.u32 s10, $0x2;
	v32 =	vadd.f32 v61, v32;
	v44 =	vmul.f32 v37, v37;
	s14 =	smov.u32 s28;
	v52 =	vld [tilespmem:s1+$0xFFFFE680];
	s0 =	sshra.s32 s0, $0x2  }
0x2a3: {  	(v2sf) =	vpush v19, $0xE;
	s13 =	sshll.u32 s7, $0x2;
	v39 =	vmul.f32 v59, v63;
	v34 =	vadd.f32 v38, v34;
	s1 =	sand.u32 $0xFFFFFE00, s30;
	s0 =	sadd.s32 s0, s28  }
0x2a4: {  	(v2sf) =	vpush v19, $0xF;
	v32 =	vadd.f32 v44, v32;
	v48 =	vmul.f32 v38, v38;
	s18 =	spop (v2sf);
	s2 =	sshll.u32 s31, $0x2;
	s1 =	sor.u32 s6, s1;
	v58 =	vld [tilespmem:s0+$0xFFFFE700]  }
0x2a5: {  	(v2sf) =	vpush v11, $0x0;
	v36 =	vmul.f32 v62, v46;
	v34 =	vadd.f32 v39, v34;
	s2 =	sand.u32 $0xFFFFFE00, s2;
	s8 =	sshra.s32 s1, $0x2;
	s1 =	sshll.u32 s9, $0x2  }
0x2a6: {  	v33 =	vbroadcast v33, $0x9;
	s17 =	sand.u32 $0x7F, s10;
	(v2sf) =	vpush v11, $0x1;
	v54 =	vmul.f32 v47, v13;
	s0 =	sadd.s32 s8, s28;
	s1 =	sor.u32 s1, s2  }
0x2a7: {  	s4 =	sand.u32 $0xFFFFFE00, s4;
	s20 =	sand.u32 $0x7F, s15;
	v32 =	vadd.f32 v48, v32;
	v34 =	vadd.f32 v36, v34;
	v59 =	vld [tilespmem:s0+$0xFFFFE780];
	s12 =	sshra.s32 s1, $0x2;
	v28 =	vmul.f32 v52, v28  }
0x2a8: {  	s24 =	sshll.u32 s15, $0x2;
	s19 =	spop (v2sf);
	v53 =	vmul.f32 v36, v36;
	v29 =	vadd.f32 v54, v29;
	v36 =	vmul.f32 v54, v54;
	s0 =	sadd.s32 s12, s28  }
0x2a9: {  	v51 =	vmul.f32 v39, v39;
	s25 =	spop (v2sf);
	s2 =	sshll.u32 s11, $0x2;
	s1 =	sand.u32 $0xFFFFFE00, s13;
	v60 =	vadd.f32 $0.0e+00, v28;
	v19 =	vmul.f32 v58, v27;
	v27 =	vld [tilespmem:s0+$0xFFFFE800]  }
0x2aa: {  	(v2sf) =	vpush v11, $0x2;
	s15 =	sshll.u32 s19, $0x2;
	s31 =	spop (v2sf);
	v29 =	vmul.f32 v29, v29;
	v30 =	vadd.f32 v36, v30;
	s16 =	sor.u32 s2, s1  }
0x2ab: {  	s30 =	sand.u32 $0x7F, s18;
	s11 =	spop (v2sf);
	v28 =	vmul.f32 v28, v28;
	s0 =	sshra.s32 s16, $0x2;
	v61 =	vadd.f32 v19, v60;
	v19 =	vmul.f32 v19, v19  }
0x2ac: {  	v37 =	vmul.f32 v45, v50;
	v32 =	vadd.f32 v51, v32;
	s13 =	smov.u32 s5;
	s1 =	sshll.u32 s17, $0x2;
	s0 =	sadd.s32 s0, s28;
	v26 =	vmul.f32 v59, v26  }
0x2ad: {  	v33 =	vmul.f32 v49, v33;
	s6 =	spop (v2sf);
	s2 =	sshll.u32 s18, $0x2;
	s1 =	sor.u32 s1, s4;
	v29 =	vsub.f32 v29, v30;
	v62 =	vld [tilespmem:s0+$0xFFFFE880];
	v19 =	vadd.f32 v19, v28  }
0x2ae: {  	s4 =	sshll.u32 s20, $0x2;
	s21 =	sshra.s32 s1, $0x2;
	s1 =	sand.u32 $0xFFFFFE00, s24;
	v63 =	vadd.f32 v26, v61;
	v26 =	vmul.f32 v26, v26;
	v25 =	vmul.f32 v27, v25  }
0x2af: {  	v55 =	vadd.f32 v53, v32;
	v56 =	vadd.f32 v37, v34;
	v57 =	vmul.f32 v37, v37;
	s12 =	sand.u32 $0x7F, s19;
	s29 =	sor.u32 s4, s1;
	s0 =	sadd.s32 s21, s28;
	[tilespmem:s26+$0xFFFFFFF0] =	vst v29  }
0x2b0: {  	s18 =	sshll.u32 s25, $0x2;
	s2 =	sand.u32 $0xFFFFFE00, s2;
	v27 =	vld [tilespmem:s0+$0xFFFFE900];
	s0 =	sshra.s32 s29, $0x2;
	v19 =	vadd.f32 v26, v19;
	v26 =	vadd.f32 v25, v63;
	v25 =	vmul.f32 v25, v25  }
0x2b1: {  	v13 =	vmovc v31;
	v31 =	vadd.f32 v57, v55;
	v32 =	vadd.f32 v33, v56;
	v33 =	vmul.f32 v33, v33;
	s16 =	sand.u32 $0x7F, s25;
	s1 =	sshll.u32 s30, $0x2;
	s10 =	sadd.s32 s0, s28  }
0x2b2: {  	s7 =	spop (v2sf);
	s25 =	sshll.u32 s31, $0x2;
	s1 =	sor.u32 s1, s2;
	v24 =	vmul.f32 v62, v24;
	v19 =	vadd.f32 v25, v19;
	v25 =	vld [tilespmem:s10+$0xFFFFE980]  }
0x2b3: {  	v31 =	vadd.f32 v33, v31;
	v32 =	vmul.f32 v32, v32;
	s4 =	sand.u32 $0xFFFFFE00, s15;
	s2 =	sshll.u32 s12, $0x2;
	s1 =	sshra.s32 s1, $0x2  }
0x2b4: {  	(v2sf) =	vpush v11, $0x3;
	s19 =	sshll.u32 s16, $0x2;
	s17 =	sor.u32 s2, s4;
	s1 =	sadd.s32 s1, s28;
	v26 =	vadd.f32 v24, v26;
	v24 =	vmul.f32 v24, v24  }
0x2b5: {  	(v2sf) =	vpush v11, $0x4;
	v31 =	vsub.f32 v32, v31;
	s8 =	sand.u32 $0xFFFFFE00, s25;
	s30 =	sshll.u32 s11, $0x2;
	v23 =	vmul.f32 v27, v23;
	v27 =	vld [tilespmem:s1+$0xFFFFEA00];
	s1 =	sshra.s32 s17, $0x2  }
0x2b6: {  	(v2sf) =	vpush v11, $0x5;
	s21 =	sand.u32 $0x7F, s31;
	s26 =	sand.u32 $0x7F, s11;
	v19 =	vadd.f32 v24, v19;
	s1 =	sadd.s32 s1, s28  }
0x2b7: {  	s31 =	rddreg [dreg:$0x4];
	[tilespmem:s5+$0x0] =	vst v31;
	s2 =	sand.u32 $0xFFFFFE00, s18;
	s5 =	spop (v2sf);
	v24 =	vadd.f32 v23, v26;
	v23 =	vmul.f32 v23, v23;
	v22 =	vmul.f32 v25, v22;
	v25 =	vld [tilespmem:s1+$0xFFFFEA80]  }
.Ltmp1:
0x2b8: {  	s9 =	sshll.u32 s21, $0x2;
	s4 =	spop (v2sf);
	(v2sf) =	vpush v11, $0x6;
	(pc) =	sbr.rel @p1 .LBB2_5-.Ltmp1, $4  }
0x2b9: {  	s11 =	sadd.s32 $0x40, s31;
	s20 =	sor.u32 s19, s2;
	s3 =	spop (v2sf);
	v19 =	vadd.f32 v23, v19;
	v24 =	vadd.f32 v22, v24;
	v22 =	vmul.f32 v22, v22  }
0x2ba: {  	s8 =	sor.u32 s9, s8;
	s24 =	sshra.s32 s20, $0x2;
	s2 =	spop (v2sf);
	(v2sf) =	vpush v11, $0x7;
	v26 =	vmul.f32 v27, v21  }
0x2bb: {  	s29 =	sshra.s32 s8, $0x2;
	s10 =	sadd.s32 s24, s28;
	s1 =	spop (v2sf);
	(v2sf) =	vpush v11, $0x8;
	v23 =	vadd.f32 v22, v19  }
0x2bc: {  	s9 =	sand.u32 $0xFFFFFE00, s30;
	s8 =	sshll.u32 s26, $0x2;
	s0 =	sadd.s32 s29, s28;
	v21 =	vadd.f32 v26, v24;
	v24 =	vmul.f32 v26, v26;
	v22 =	vld [tilespmem:s10+$0xFFFFEB00];
	v20 =	vmul.f32 v25, v20  }
0x2bd: {  	s9 =	sor.u32 s8, s9;
	s10 =	sand.u32 $0x7F, s6  }
0x2be: {  	s20 =	sshll.u32 s6, $0x2;
	s21 =	sand.u32 $0x7F, s7;
	s22 =	sshll.u32 s7, $0x2  }
0x2bf: {  	s23 =	sand.u32 $0x7F, s5;
	s12 =	sshll.u32 s5, $0x2;
	s25 =	sand.u32 $0x7F, s4  }
0x2c0: {  	s16 =	sand.u32 $0x7F, s3;
	s17 =	sshll.u32 s3, $0x2;
	s9 =	sshra.s32 s9, $0x2  }
0x2c1: {  	s10 =	sshll.u32 s10, $0x2;
	s6 =	sand.u32 $0xFFFFFE00, s20;
	s7 =	sand.u32 $0xFFFFFE00, s22  }
0x2c2: {  	s24 =	sand.u32 $0xFFFFFE00, s12;
	s15 =	sshll.u32 s25, $0x2;
	s18 =	sand.u32 $0xFFFFFE00, s17  }
0x2c3: {  	s20 =	sand.u32 $0x7F, s2;
	s9 =	sadd.s32 s9, s28;
	s6 =	sor.u32 s10, s6  }
0x2c4: {  	v19 =	vld [tilespmem:s0+$0xFFFFEB80];
	s10 =	sshll.u32 s21, $0x2;
	s21 =	sshll.u32 s2, $0x2;
	s22 =	sshll.u32 s20, $0x2  }
0x2c5: {  	s11 =	sshra.s32 s6, $0x2;
	s7 =	sor.u32 s10, s7;
	s10 =	sshll.u32 s23, $0x2  }
0x2c6: {  	v25 =	vld [tilespmem:s9+$0xFFFFEC00];
	s2 =	sand.u32 $0xFFFFFE00, s21;
	s23 =	sand.u32 $0x7F, s1;
	s11 =	sadd.s32 s11, s28  }
0x2c7: {  	v23 =	vadd.f32 v24, v23;
	v32 =	vmul.f32 v20, v20;
	s7 =	sshra.s32 s7, $0x2;
	s10 =	sor.u32 s10, s24;
	v15 =	vmul.f32 v22, v15;
	s2 =	sor.u32 s22, s2  }
0x2c8: {  	v33 =	vadd.f32 v20, v21;
	s24 =	sshll.u32 s1, $0x2;
	s25 =	sshll.u32 s23, $0x2;
	s7 =	sadd.s32 s7, s28;
	v34 =	vld [tilespmem:s11+$0xFFFFEC80]  }
0x2c9: {  	v22 =	vadd.f32 v32, v23;
	s26 =	sshra.s32 s10, $0x2;
	s10 =	sshll.u32 s4, $0x2;
	v14 =	vmul.f32 v19, v14;
	s2 =	sshra.s32 s2, $0x2;
	v35 =	vmul.f32 v15, v15  }
0x2ca: {  	s1 =	sand.u32 $0xFFFFFE00, s24;
	s8 =	spop (v2sf);
	s4 =	sand.u32 $0xFFFFFE00, s10;
	v15 =	vadd.f32 v15, v33;
	v36 =	vld [tilespmem:s7+$0xFFFFED00]  }
0x2cb: {  	s9 =	sadd.s32 s26, s28;
	s6 =	spop (v2sf);
	s4 =	sor.u32 s15, s4;
	v37 =	vmul.f32 v14, v14;
	v19 =	vadd.f32 v35, v22;
	v12 =	vmul.f32 v25, v12  }
0x2cc: {  	s10 =	sshll.u32 s16, $0x2;
	v39 =	vld [tilespmem:s9+$0xFFFFED80];
	s5 =	spop (v2sf);
	s4 =	sshra.s32 s4, $0x2;
	v38 =	vadd.f32 v14, v15  }
0x2cd: {  	s19 =	sor.u32 s10, s18;
	s4 =	sadd.s32 s4, s28;
	s0 =	spop (v2sf);
	v40 =	vmul.f32 v12, v12;
	v9 =	vmul.f32 v34, v9;
	v19 =	vadd.f32 v37, v19  }
0x2ce: {  	s1 =	sor.u32 s25, s1;
	s7 =	sshra.s32 s19, $0x2;
	v41 =	vld [tilespmem:s4+$0xFFFFEE00];
	s3 =	spop (v2sf);
	(v2sf) =	vpush v11, $0x9;
	v11 =	vadd.f32 v12, v38  }
0x2cf: {  	s2 =	sadd.s32 s2, s28;
	s26 =	sand.u32 $0x7F, s8;
	s7 =	sadd.s32 s7, s28;
	v8 =	vmul.f32 v36, v8;
	v21 =	vmul.f32 v9, v9;
	v15 =	vadd.f32 v40, v19  }
0x2d0: {  	s8 =	sshll.u32 s8, $0x2;
	s1 =	sshra.s32 s1, $0x2;
	s10 =	sshll.u32 s26, $0x2;
	v42 =	vld [tilespmem:s7+$0xFFFFEE80];
	v9 =	vadd.f32 v9, v11  }
0x2d1: {  	s1 =	sadd.s32 s1, s28;
	s11 =	sand.u32 $0x7F, s6;
	s6 =	sshll.u32 s6, $0x2;
	v6 =	vmul.f32 v39, v6;
	v43 =	vmul.f32 v8, v8;
	v15 =	vadd.f32 v21, v15  }
0x2d2: {  	v44 =	vld [tilespmem:s2+$0xFFFFEF00];
	s6 =	sand.u32 $0xFFFFFE00, s6;
	s2 =	sshll.u32 s11, $0x2;
	s4 =	sand.u32 $0xFFFFFE00, s8;
	v8 =	vadd.f32 v8, v9  }
0x2d3: {  	s15 =	sand.u32 $0x7F, s5;
	s5 =	sshll.u32 s5, $0x2;
	s4 =	sor.u32 s10, s4;
	v14 =	vmul.f32 v6, v6;
	v5 =	vmul.f32 v41, v5;
	v15 =	vadd.f32 v43, v15  }
0x2d4: {  	v45 =	vld [tilespmem:s1+$0xFFFFEF80];
	s12 =	sor.u32 s2, s6;
	s5 =	sand.u32 $0xFFFFFE00, s5;
	s4 =	sshra.s32 s4, $0x2;
	v6 =	vadd.f32 v6, v8  }
0x2d5: {  	s2 =	sshll.u32 s15, $0x2;
	s1 =	sshra.s32 s12, $0x2;
	s4 =	sadd.s32 s4, s28;
	v3 =	vmul.f32 v42, v3;
	v12 =	vmul.f32 v5, v5;
	v14 =	vadd.f32 v14, v15  }
0x2d6: {  	s2 =	sor.u32 s2, s5;
	s17 =	sand.u32 $0x7F, s0;
	s0 =	sshll.u32 s0, $0x2;
	v46 =	vld [tilespmem:s4+$0xFFFFF000];
	v5 =	vadd.f32 v5, v6  }
0x2d7: {  	s1 =	sadd.s32 s1, s28;
	v4 =	vmul.f32 v44, v4;
	s2 =	sshra.s32 s2, $0x2;
	s0 =	sand.u32 $0xFFFFFE00, s0;
	v47 =	vmul.f32 v3, v3;
	v48 =	vadd.f32 v12, v14  }
0x2d8: {  	s19 =	sshll.u32 s17, $0x2;
	s16 =	spop (v2sf);
	v49 =	vld [tilespmem:s1+$0xFFFFF080];
	s18 =	sadd.s32 s2, s28;
	v3 =	vadd.f32 v3, v5  }
0x2d9: {  	s0 =	sor.u32 s19, s0;
	s20 =	sand.u32 $0x7F, s3;
	s3 =	sshll.u32 s3, $0x2;
	v50 =	vmul.f32 v4, v4;
	v2 =	vmul.f32 v45, v2;
	v51 =	vadd.f32 v47, v48  }
0x2da: {  	v52 =	vld [tilespmem:s18+$0xFFFFF100];
	s0 =	sshra.s32 s0, $0x2;
	s21 =	sand.u32 $0xFFFFFE00, s3;
	s2 =	sshll.u32 s20, $0x2;
	v3 =	vadd.f32 v4, v3  }
0x2db: {  	s24 =	sshll.u32 s16, $0x2;
	s0 =	sadd.s32 s0, s28;
	s1 =	sor.u32 s2, s21;
	v53 =	vmul.f32 v2, v2;
	v1 =	vmul.f32 v46, v1;
	v8 =	vadd.f32 v50, v51  }
0x2dc: {  	s23 =	sand.u32 $0x7F, s16;
	s2 =	sand.u32 $0xFFFFFE00, s24;
	s1 =	sshra.s32 s1, $0x2;
	v2 =	vadd.f32 v2, v3;
	v3 =	vld [tilespmem:s0+$0xFFFFF180]  }
0x2dd: {  	s1 =	sadd.s32 s1, s28;
	v55 =	vmul.f32 v1, v1;
	v5 =	vmul.f32 v49, v7;
	v54 =	vadd.f32 v53, v8;
	s0 =	sshll.u32 s23, $0x2;
	s22 =	spop (v2sf)  }
0x2de: {  	s0 =	sor.u32 s0, s2;
	v1 =	vadd.f32 v1, v2;
	v2 =	vld [tilespmem:s1+$0xFFFFF200];
	s25 =	sand.u32 $0x7F, s22;
	s26 =	sshll.u32 s22, $0x2  }
0x2df: {  	v7 =	vmul.f32 v5, v5;
	v4 =	vmul.f32 v52, v10;
	v6 =	vadd.f32 v55, v54;
	s0 =	sshra.s32 s0, $0x2;
	s2 =	sand.u32 $0xFFFFFE00, s26;
	s1 =	sshll.u32 s25, $0x2  }
0x2e0: {  	s0 =	sadd.s32 s0, s28;
	v1 =	vadd.f32 v5, v1;
	s1 =	sor.u32 s1, s2  }
0x2e1: {  	v57 =	vmul.f32 v4, v4;
	v56 =	vadd.f32 v7, v6;
	v58 =	vld [tilespmem:s0+$0xFFFFF280];
	v3 =	vmul.f32 v3, v18;
	s28 =	sshra.s32 s1, $0x2  }
0x2e2: {  	v1 =	vadd.f32 v4, v1;
	s0 =	sadd.s32 s28, s14  }
0x2e3: {  	v59 =	vadd.f32 v57, v56;
	v60 =	vmul.f32 v3, v3;
	v2 =	vmul.f32 v2, v16;
	v61 =	vld [tilespmem:s0+$0xFFFFF300]  }
0x2e4: {  	v1 =	vadd.f32 v3, v1  }
0x2e5: {  	v3 =	vadd.f32 v60, v59;
	v62 =	vmul.f32 v2, v2  }
0x2e6: {  	v1 =	vadd.f32 v2, v1;
	v2 =	vmul.f32 v58, v17  }
0x2e7: {  	v3 =	vadd.f32 v62, v3  }
0x2e8: {  	v1 =	vadd.f32 v2, v1;
	v2 =	vmul.f32 v2, v2;
	v63 =	vmul.f32 v61, v13;
	_ =	sdelay $0x1  }
0x2e9: {  	v2 =	vadd.f32 v2, v3;
	v1 =	vadd.f32 v63, v1;
	v3 =	vmul.f32 v63, v63;
	_ =	sdelay $0x1  }
0x2ea: {  	v1 =	vmul.f32 v1, v1;
	v2 =	vadd.f32 v3, v2;
	_ =	sdelay $0x1  }
0x2eb: {  	v1 =	vsub.f32 v1, v2  }
.Ltmp2:
0x2ec: {  	_ = 	snop;
	(pc) =	sbr.rel @p0 .LBB2_7-.Ltmp2, $4  }
0x2ed: {  	[tilespmem:s13+$0xFFFFFFF0] =	vst v1  }
0x2ee: {  	s29 =	sld [smem:$0x7F2]  }
0x2ef: {  	s30 =	sld [smem:$0x7F0]  }
0x2f0: {  	s31 =	sld [smem:$0x7F1]  }
0x2f1: {  	s4 =	sld [smem:$0x7F7];
	_ =	sdelay $0x2  }
0x2f2: {  	s0 =	smul.u32 $0x680, s4  }
0x2f3: {  	s1 =	sld [smem:$0x7F8]  }
0x2f4: {  	s2 =	simm.s32 $0xD0;
	s25 =	sld [smem:$0x7F4];
	s0 =	sshra.s32 s0, $0x2  }
0x2f5: {  	s3 =	simm.s32 $0x11C00;
	s26 =	sld [smem:$0x7F5];
	s0 =	sadd.s32 $0x270, s0  }
0x2f6: {  	[tilespmem:s3], [sflag:$0x2] =	stream.indirect.gather [hbm4b:s1+s2], $0x80, s0, s2, $0xb8;
	[tilespmem:$0x1A600] =	vst v63  }
.Ltmp3:
0x2f7: {  	s28 =	sld [smem:$0x7F6];
	s4 =	sadd.s32 $0x1, s4;
	(pc) =	sbr.rel .LBB2_2-.Ltmp3, $4  }
0x2f8: {  	[smem:$0x7F7] =	sst s4;
	s0 =	sadd.s32 $0x200, s25  }
0x2f9: {  	[smem:$0x7F4] =	sst s0;
	s0 =	sadd.s32 $0x200, s26  }
0x2fa: {  	s29 =	sadd.s32 $0x200, s29;
	[smem:$0x7F5] =	sst s0;
	s0 =	sadd.s32 $0x100, s28  }
0x2fb: {  	s30 =	sadd.s32 $0x200, s30;
	s31 =	sadd.s32 $0x100, s31;
	[smem:$0x7F6] =	sst s0  }
.LBB2_7:
0x2fc: {  	s1 =	simm.s32 $0x10  }
0x2fd: {  	s2 =	simm.s32 $0x0;
	v1 =	vmov s1  }
0x2fe: {  	v2 =	vmov s2;
	v1 =	vshll.u32 v1, $0x4  }
0x2ff: {  	v2 =	vshll.u32 v2, $0x4;
	v1 =	vor.u32 v0, v1  }
0x300: {  	v2 =	vor.u32 v0, v2  }
0x301: {  	v3 =	vor.u32 $0x1, v1  }
0x302: {  	v4 =	vor.u32 $0x1, v2  }
0x303: {  	s4 =	simm.s32 $0x18400;
	v5 =	vor.u32 $0x2, v1  }
0x304: {  	v6 =	vor.u32 $0x2, v2;
	v7 =	vld.idx.msk [tilespmem:v1+s4+$0x0], $0xffff  }
0x305: {  	v8 =	vor.u32 $0x3, v1;
	v9 =	vld.idx.msk [tilespmem:v2+s4+$0x0], $0xffff  }
0x306: {  	v10 =	vor.u32 $0x3, v2;
	v3 =	vld.idx.msk [tilespmem:v3+s4+$0x0], $0xffff  }
0x307: {  	v11 =	vor.u32 $0x4, v1;
	v4 =	vld.idx.msk [tilespmem:v4+s4+$0x0], $0xffff  }
0x308: {  	v12 =	vor.u32 $0x4, v2;
	v5 =	vld.idx.msk [tilespmem:v5+s4+$0x0], $0xffff  }
0x309: {  	v13 =	vor.u32 $0x5, v1;
	v6 =	vld.idx.msk [tilespmem:v6+s4+$0x0], $0xffff  }
0x30a: {  	v14 =	vor.u32 $0x5, v2;
	v8 =	vld.idx.msk [tilespmem:v8+s4+$0x0], $0xffff  }
0x30b: {  	v15 =	vor.u32 $0x6, v1;
	v10 =	vld.idx.msk [tilespmem:v10+s4+$0x0], $0xffff  }
0x30c: {  	v16 =	vor.u32 $0x6, v2;
	v11 =	vld.idx.msk [tilespmem:v11+s4+$0x0], $0xffff  }
0x30d: {  	v17 =	vor.u32 $0x7, v1;
	v12 =	vld.idx.msk [tilespmem:v12+s4+$0x0], $0xffff  }
0x30e: {  	v18 =	vor.u32 $0x7, v2;
	v13 =	vld.idx.msk [tilespmem:v13+s4+$0x0], $0xffff  }
0x30f: {  	v19 =	vor.u32 $0x8, v1;
	v14 =	vld.idx.msk [tilespmem:v14+s4+$0x0], $0xffff  }
0x310: {  	v20 =	vor.u32 $0x8, v2;
	v15 =	vld.idx.msk [tilespmem:v15+s4+$0x0], $0xffff  }
0x311: {  	v21 =	vor.u32 $0x9, v1;
	v16 =	vld.idx.msk [tilespmem:v16+s4+$0x0], $0xffff  }
0x312: {  	v22 =	vor.u32 $0x9, v2;
	v17 =	vld.idx.msk [tilespmem:v17+s4+$0x0], $0xffff  }
0x313: {  	v23 =	vor.u32 $0xA, v1;
	v18 =	vld.idx.msk [tilespmem:v18+s4+$0x0], $0xffff  }
0x314: {  	v25 =	vor.u32 $0xB, v1;
	v19 =	vld.idx.msk [tilespmem:v19+s4+$0x0], $0xffff  }
0x315: {  	v24 =	vor.u32 $0xA, v2;
	v27 =	vor.u32 $0xC, v1;
	v20 =	vld.idx.msk [tilespmem:v20+s4+$0x0], $0xffff  }
0x316: {  	v26 =	vor.u32 $0xB, v2;
	v28 =	vor.u32 $0xC, v2;
	v29 =	vor.u32 $0xD, v1;
	v21 =	vld.idx.msk [tilespmem:v21+s4+$0x0], $0xffff  }
0x317: {  	v42 =	vor.u32 $0xD, v2;
	v30 =	vor.u32 $0xE, v1;
	v43 =	vor.u32 $0xE, v2;
	v22 =	vld.idx.msk [tilespmem:v22+s4+$0x0], $0xffff  }
0x318: {  	v2 =	vor.u32 $0xF, v2;
	v23 =	vld.idx.msk [tilespmem:v23+s4+$0x0], $0xffff;
	v7 =	vadd.f32 $0.0e+00, v7;
	v9 =	vadd.f32 $0.0e+00, v9  }
0x319: {  	v25 =	vld.idx.msk [tilespmem:v25+s4+$0x0], $0xffff  }
0x31a: {  	v27 =	vld.idx.msk [tilespmem:v27+s4+$0x0], $0xffff;
	v3 =	vadd.f32 v3, v7;
	v4 =	vadd.f32 v4, v9  }
0x31b: {  	s30 =	simm.s32 $0x30;
	v44 =	vld.idx.msk [tilespmem:v29+s4+$0x0], $0xffff;
	v9 =	vor.u32 $0xF, v1  }
0x31c: {  	v45 =	vld.idx.msk [tilespmem:v30+s4+$0x0], $0xffff;
	v3 =	vadd.f32 v5, v3;
	v1 =	vadd.f32 v6, v4;
	v4 =	vmov s30  }
0x31d: {  	s31 =	simm.s32 $0x20;
	v2 =	vld.idx.msk [tilespmem:v2+s4+$0x0], $0xffff;
	v4 =	vshll.u32 v4, $0x4  }
0x31e: {  	v7 =	vld.idx.msk [tilespmem:v24+s4+$0x0], $0xffff;
	v3 =	vadd.f32 v8, v3;
	v8 =	vmov s31;
	v10 =	vadd.f32 v10, v1  }
0x31f: {  	v5 =	vld.idx.msk [tilespmem:v26+s4+$0x0], $0xffff;
	v1 =	vshll.u32 v8, $0x4;
	v8 =	vor.u32 v0, v4  }
0x320: {  	v6 =	vld.idx.msk [tilespmem:v28+s4+$0x0], $0xffff;
	v1 =	vor.u32 v0, v1;
	v10 =	vadd.f32 v12, v10  }
0x321: {  	v4 =	vld.idx.msk [tilespmem:v42+s4+$0x0], $0xffff;
	v3 =	vadd.f32 v11, v3;
	v11 =	vor.u32 $0x1, v8  }
0x322: {  	v9 =	vld.idx.msk [tilespmem:v9+s4+$0x0], $0xffff;
	v46 =	vor.u32 $0x1, v1;
	v10 =	vadd.f32 v14, v10  }
0x323: {  	v12 =	vld.idx.msk [tilespmem:v43+s4+$0x0], $0xffff;
	v48 =	vor.u32 $0x3, v1;
	v3 =	vadd.f32 v13, v3  }
0x324: {  	v13 =	vor.u32 $0x2, v8;
	v47 =	vld.idx.msk [tilespmem:v8+s4+$0x0], $0xffff;
	v10 =	vadd.f32 v16, v10  }
0x325: {  	v14 =	vor.u32 $0x2, v1;
	v3 =	vadd.f32 v15, v3;
	v16 =	vld.idx.msk [tilespmem:v1+s4+$0x0], $0xffff  }
0x326: {  	v15 =	vor.u32 $0x3, v8;
	v11 =	vld.idx.msk [tilespmem:v11+s4+$0x0], $0xffff;
	v10 =	vadd.f32 v18, v10  }
0x327: {  	v50 =	vor.u32 $0x4, v1;
	v3 =	vadd.f32 v17, v3;
	v49 =	vld.idx.msk [tilespmem:v46+s4+$0x0], $0xffff  }
0x328: {  	v17 =	vor.u32 $0x4, v8;
	v54 =	vld.idx.msk [tilespmem:v48+s4+$0x0], $0xffff;
	v10 =	vadd.f32 v20, v10  }
0x329: {  	v52 =	vor.u32 $0x5, v1;
	v13 =	vld.idx.msk [tilespmem:v13+s4+$0x0], $0xffff;
	v3 =	vadd.f32 v19, v3  }
0x32a: {  	v51 =	vor.u32 $0x5, v8;
	v14 =	vld.idx.msk [tilespmem:v14+s4+$0x0], $0xffff;
	v29 =	vadd.f32 $0.0e+00, v47;
	v10 =	vadd.f32 v22, v10  }
0x32b: {  	v55 =	vor.u32 $0x6, v1;
	v15 =	vld.idx.msk [tilespmem:v15+s4+$0x0], $0xffff;
	v3 =	vadd.f32 v21, v3;
	v16 =	vadd.f32 $0.0e+00, v16  }
0x32c: {  	v53 =	vor.u32 $0x6, v8;
	v56 =	vld.idx.msk [tilespmem:v50+s4+$0x0], $0xffff;
	v11 =	vadd.f32 v11, v29;
	v7 =	vadd.f32 v7, v10  }
0x32d: {  	v57 =	vor.u32 $0x7, v1;
	v17 =	vld.idx.msk [tilespmem:v17+s4+$0x0], $0xffff;
	v3 =	vadd.f32 v23, v3;
	v16 =	vadd.f32 v49, v16  }
0x32e: {  	v58 =	vld.idx.msk [tilespmem:v52+s4+$0x0], $0xffff;
	v10 =	vor.u32 $0x7, v8;
	v11 =	vadd.f32 v13, v11;
	v5 =	vadd.f32 v5, v7  }
0x32f: {  	v13 =	vld.idx.msk [tilespmem:v51+s4+$0x0], $0xffff;
	v7 =	vor.u32 $0x8, v8;
	v3 =	vadd.f32 v25, v3;
	v14 =	vadd.f32 v14, v16  }
0x330: {  	v59 =	vld.idx.msk [tilespmem:v55+s4+$0x0], $0xffff;
	v16 =	vor.u32 $0x8, v1;
	v11 =	vadd.f32 v15, v11;
	v5 =	vadd.f32 v6, v5  }
0x331: {  	v15 =	vld.idx.msk [tilespmem:v53+s4+$0x0], $0xffff;
	v6 =	vor.u32 $0x9, v8;
	v3 =	vadd.f32 v27, v3;
	v14 =	vadd.f32 v54, v14  }
0x332: {  	v60 =	vor.u32 $0x9, v1;
	v18 =	vld.idx.msk [tilespmem:v57+s4+$0x0], $0xffff;
	v11 =	vadd.f32 v17, v11;
	v4 =	vadd.f32 v4, v5  }
0x333: {  	v10 =	vld.idx.msk [tilespmem:v10+s4+$0x0], $0xffff;
	v3 =	vadd.f32 v44, v3;
	v5 =	vadd.f32 v56, v14;
	v14 =	vor.u32 $0xA, v1  }
0x334: {  	v17 =	vor.u32 $0xA, v8;
	v11 =	vadd.f32 v13, v11;
	v7 =	vld.idx.msk [tilespmem:v7+s4+$0x0], $0xffff;
	v4 =	vadd.f32 v12, v4  }
0x335: {  	v13 =	vor.u32 $0xB, v8;
	v3 =	vadd.f32 v45, v3;
	v12 =	vld.idx.msk [tilespmem:v16+s4+$0x0], $0xffff;
	v5 =	vadd.f32 v58, v5  }
0x336: {  	v16 =	vor.u32 $0xB, v1;
	v11 =	vadd.f32 v15, v11;
	v61 =	vld.idx.msk [tilespmem:v6+s4+$0x0], $0xffff;
	v2 =	vadd.f32 v2, v4  }
0x337: {  	v62 =	vor.u32 $0xC, v8;
	v6 =	vadd.f32 v9, v3;
	v9 =	vld.idx.msk [tilespmem:v60+s4+$0x0], $0xffff;
	v15 =	vadd.f32 v59, v5  }
0x338: {  	v11 =	vadd.f32 v10, v11;
	v10 =	vld.idx.msk [tilespmem:v14+s4+$0x0], $0xffff;
	v14 =	vor.u32 $0xC, v1  }
0x339: {  	v5 =	vld.idx.msk [tilespmem:v17+s4+$0x0], $0xffff;
	v4 =	vor.u32 $0xD, v8;
	v17 =	vmul.f32 $5.000000000e-01, v2;
	v15 =	vadd.f32 v18, v15  }
0x33a: {  	s0 =	simm.s32 $0x1A410;
	v63 =	vmul.f32 $5.000000000e-01, v6;
	v6 =	vld.idx.msk [tilespmem:v13+s4+$0x0], $0xffff;
	v13 =	vor.u32 $0xD, v1;
	v7 =	vadd.f32 v7, v11  }
0x33b: {  	v3 =	vor.u32 $0xE, v8;
	v11 =	vld.idx.msk [tilespmem:v16+s4+$0x0], $0xffff;
	[tilespmem:s0+$0xFFFFFFF0] =	vst v17;
	v15 =	vadd.f32 v12, v15  }
0x33c: {  	s6 =	simm.s32 $0x0;
	s1 =	simm.s32 $0x2;
	s2 =	simm.s32 $0x50;
	v2 =	vor.u32 $0xF, v8;
	[tilespmem:s0+$0x0] =	vst v63;
	v12 =	vor.u32 $0xE, v1;
	v8 =	vadd.f32 v61, v7;
	v7 =	vld.idx.msk [tilespmem:v62+s4+$0x0], $0xffff  }
.LBB2_8:
0x33d: {  	s3 =	sadd.s32 $0xFFFFFFF0, s2;
	v16 =	vmov s2;
	s1 =	sadd.s32 $0x2, s1;
	v9 =	vadd.f32 v9, v15;
	v14 =	vld.idx.msk [tilespmem:v14+s4+$0x0], $0xffff  }
0x33e: {  	v17 =	vor.u32 $0xF, v1;
	v15 =	vmov s3;
	v16 =	vshll.u32 v16, $0x4;
	p0 =	slt.u32 s1, $0x1E;
	v18 =	vld.idx.msk [tilespmem:v4+s4+$0x0], $0xffff  }
0x33f: {  	v1 =	vshll.u32 v15, $0x4;
	v15 =	vor.u32 v0, v16;
	v4 =	vadd.f32 v10, v9;
	v9 =	vld.idx.msk [tilespmem:v13+s4+$0x0], $0xffff  }
0x340: {  	v1 =	vor.u32 v0, v1;
	v10 =	vor.u32 $0x1, v15;
	v13 =	vor.u32 $0x2, v15;
	v16 =	vld.idx.msk [tilespmem:v3+s4+$0x0], $0xffff  }
0x341: {  	v19 =	vor.u32 $0x3, v15;
	v20 =	vor.u32 $0x4, v15;
	v3 =	vadd.f32 v11, v4;
	v11 =	vld.idx.msk [tilespmem:v12+s4+$0x0], $0xffff  }
0x342: {  	v21 =	vor.u32 $0x5, v15;
	v22 =	vor.u32 $0x6, v15;
	v12 =	vor.u32 $0x1, v1;
	v23 =	vld.idx.msk [tilespmem:v2+s4+$0x0], $0xffff  }
0x343: {  	v24 =	vor.u32 $0x7, v15;
	v25 =	vor.u32 $0x8, v15;
	v2 =	vadd.f32 v14, v3;
	v14 =	vld.idx.msk [tilespmem:v17+s4+$0x0], $0xffff  }
0x344: {  	v27 =	vor.u32 $0x9, v15;
	v28 =	vor.u32 $0xA, v15;
	v17 =	vor.u32 $0x2, v1;
	v26 =	vld.idx.msk [tilespmem:v15+s4+$0x0], $0xffff  }
0x345: {  	v30 =	vor.u32 $0xB, v15;
	v31 =	vor.u32 $0xC, v15;
	v29 =	vld.idx.msk [tilespmem:v1+s4+$0x0], $0xffff;
	v9 =	vadd.f32 v9, v2  }
0x346: {  	v5 =	vadd.f32 v5, v8;
	v32 =	vor.u32 $0x3, v1;
	v4 =	vor.u32 $0xD, v15;
	v10 =	vld.idx.msk [tilespmem:v10+s4+$0x0], $0xffff  }
0x347: {  	v3 =	vor.u32 $0xE, v15;
	v2 =	vor.u32 $0xF, v15;
	v8 =	vld.idx.msk [tilespmem:v12+s4+$0x0], $0xffff;
	v9 =	vadd.f32 v11, v9  }
0x348: {  	v5 =	vadd.f32 v6, v5;
	v11 =	vor.u32 $0x4, v1;
	v12 =	vld.idx.msk [tilespmem:v13+s4+$0x0], $0xffff  }
0x349: {  	v6 =	vld.idx.msk [tilespmem:v17+s4+$0x0], $0xffff;
	v9 =	vadd.f32 v14, v9  }
0x34a: {  	v5 =	vadd.f32 v7, v5;
	v13 =	vor.u32 $0x5, v1;
	v14 =	vadd.f32 $0.0e+00, v26;
	v15 =	vld.idx.msk [tilespmem:v19+s4+$0x0], $0xffff  }
0x34b: {  	v7 =	vadd.f32 $0.0e+00, v29;
	v17 =	vld.idx.msk [tilespmem:v32+s4+$0x0], $0xffff;
	v9 =	vmul.f32 $5.000000000e-01, v9  }
0x34c: {  	s0 =	sadd.s32 $0x20, s0;
	v5 =	vadd.f32 v18, v5;
	v19 =	vor.u32 $0x6, v1;
	v10 =	vadd.f32 v10, v14;
	v14 =	vld.idx.msk [tilespmem:v20+s4+$0x0], $0xffff  }
0x34d: {  	v7 =	vadd.f32 v8, v7;
	v8 =	vld.idx.msk [tilespmem:v11+s4+$0x0], $0xffff;
	[tilespmem:s0+$0xFFFFFFF0] =	vst v9  }
0x34e: {  	v5 =	vadd.f32 v16, v5;
	v9 =	vor.u32 $0x7, v1;
	v10 =	vadd.f32 v12, v10;
	v11 =	vld.idx.msk [tilespmem:v21+s4+$0x0], $0xffff  }
0x34f: {  	v6 =	vadd.f32 v6, v7;
	v7 =	vld.idx.msk [tilespmem:v13+s4+$0x0], $0xffff  }
0x350: {  	v5 =	vadd.f32 v23, v5;
	v12 =	vor.u32 $0x8, v1;
	v10 =	vadd.f32 v15, v10;
	v13 =	vld.idx.msk [tilespmem:v22+s4+$0x0], $0xffff  }
0x351: {  	v6 =	vadd.f32 v17, v6;
	v15 =	vld.idx.msk [tilespmem:v19+s4+$0x0], $0xffff  }
0x352: {  	v16 =	vor.u32 $0x9, v1;
	v5 =	vmul.f32 $5.000000000e-01, v5;
	v10 =	vadd.f32 v14, v10;
	v17 =	vld.idx.msk [tilespmem:v24+s4+$0x0], $0xffff  }
0x353: {  	v6 =	vadd.f32 v8, v6;
	v8 =	vld.idx.msk [tilespmem:v9+s4+$0x0], $0xffff  }
0x354: {  	v18 =	vor.u32 $0xA, v1;
	v9 =	vadd.f32 v11, v10;
	v11 =	vld.idx.msk [tilespmem:v25+s4+$0x0], $0xffff;
	[tilespmem:s0+$0x0] =	vst v5  }
0x355: {  	v5 =	vadd.f32 v7, v6;
	v7 =	vld.idx.msk [tilespmem:v12+s4+$0x0], $0xffff  }
0x356: {  	v12 =	vor.u32 $0xB, v1;
	v6 =	vadd.f32 v13, v9;
	v19 =	vld.idx.msk [tilespmem:v27+s4+$0x0], $0xffff  }
0x357: {  	v10 =	vadd.f32 v15, v5;
	v9 =	vld.idx.msk [tilespmem:v16+s4+$0x0], $0xffff  }
.Ltmp4:
0x358: {  	v14 =	vor.u32 $0xC, v1;
	v6 =	vadd.f32 v17, v6;
	v5 =	vld.idx.msk [tilespmem:v28+s4+$0x0], $0xffff;
	(pc) =	sbr.rel @p0 .LBB2_8-.Ltmp4, $4  }
0x359: {  	v8 =	vadd.f32 v8, v10;
	v10 =	vld.idx.msk [tilespmem:v18+s4+$0x0], $0xffff  }
0x35a: {  	v13 =	vor.u32 $0xD, v1;
	v16 =	vadd.f32 v11, v6;
	v6 =	vld.idx.msk [tilespmem:v30+s4+$0x0], $0xffff  }
0x35b: {  	v15 =	vadd.f32 v7, v8;
	v11 =	vld.idx.msk [tilespmem:v12+s4+$0x0], $0xffff  }
0x35c: {  	s2 =	sadd.s32 $0x20, s2;
	v12 =	vor.u32 $0xE, v1;
	v8 =	vadd.f32 v19, v16;
	v7 =	vld.idx.msk [tilespmem:v31+s4+$0x0], $0xffff  }
0x35d: {  	_ =	sdelay $0x2  }
0x35e: {  	v9 =	vadd.f32 v9, v15  }
0x35f: {  	v14 =	vld.idx.msk [tilespmem:v14+s4+$0x0], $0xffff;
	v5 =	vadd.f32 v5, v8  }
0x360: {  	v1 =	vor.u32 $0xF, v1;
	v4 =	vld.idx.msk [tilespmem:v4+s4+$0x0], $0xffff;
	v9 =	vadd.f32 v10, v9  }
0x361: {  	v59 =	vld.idx.msk [tilespmem:v13+s4+$0x0], $0xffff;
	v5 =	vadd.f32 v6, v5  }
0x362: {  	v3 =	vld.idx.msk [tilespmem:v3+s4+$0x0], $0xffff;
	v60 =	vadd.f32 v11, v9  }
0x363: {  	v61 =	vld.idx.msk [tilespmem:v12+s4+$0x0], $0xffff;
	v5 =	vadd.f32 v7, v5  }
0x364: {  	v2 =	vld.idx.msk [tilespmem:v2+s4+$0x0], $0xffff;
	v62 =	vadd.f32 v14, v60  }
0x365: {  	v1 =	vld.idx.msk [tilespmem:v1+s4+$0x0], $0xffff;
	v4 =	vadd.f32 v4, v5  }
0x366: {  	v6 =	vadd.f32 v59, v62  }
0x367: {  	v3 =	vadd.f32 v3, v4  }
0x368: {  	v63 =	vadd.f32 v61, v6  }
0x369: {  	v2 =	vadd.f32 v2, v3  }
0x36a: {  	v1 =	vadd.f32 v1, v63  }
0x36b: {  	v2 =	vmul.f32 $5.000000000e-01, v2  }
0x36c: {  	s0 =	sadd.s32 $0x20, s0;
	v1 =	vmul.f32 $5.000000000e-01, v1  }
0x36d: {  	[tilespmem:s0+$0x0] =	vst v2  }
0x36e: {  	[tilespmem:s0+$0xFFFFFFF0] =	vst v1  }
0x36f: {  	s0 =	sld [smem:$0x7FC];
	_ =	sdelay $0x1  }
0x370: {  	s1 =	simm.s32 $0x1A400  }
0x371: {  	[hbm4b:s0+s6] =	stream.linear.scatter [tilespmem:s1], [sflag:$0x3], $0x200, $0x38;
	[tilespmem:$0x1A600] =	vst v63  }
0x372: {  	s1 =	simm.s32 $0x3  }
0x373: {  	_ =	swait.ge [sflag:s1], $0x200  }
0x374: {  	s2 =	sld [smem:$0x7F3]  }
0x375: {  	s31 =	sld [smem:$0x7FD];
	_ =	sdelay $0x1  }
0x376: {  	s2 =	sadd.s32 $0x1, s2  }
0x377: {  	p0 =	sne.s32 s2, s31  }
.Ltmp5:
0x378: {  	_ = 	snop;
	(pc) =	sbr.rel @p0 .LBB2_1-.Ltmp5, $3  }
0x379: {  	_ =	sdelay $0x1  }
0x37a: {  	[sflag:s1] =	ssyncset.done $0x0  }
0x37b: {  	[sflag:s1] =	ssyncadd.s32 $0xFFFFFE00  }
0x37c: {  	_ =	sfence.sel $0x180000  }
0x37d: {  	[bflag:$0x0] =	sbarrier.arrive $0xFFFF  }
0x37e: {  	_ =	strace $0x9000004A  }
0x37f: {  	s0 =	stileid.u32;
	[bflag:$0x2] =	sbarrier.arrive $0xFFFF  }
0x380: {  	p0 =	sne.s32 s0, $0x0;
	s0 =	rddreg [dreg:$0x2]  }
0x381: {  	s0 =	sadd.s32 @!p0 $0x100000, s0  }
0x382: {  	[sflag:s0] =	ssyncadd.tile.s32 @!p0 $0x1;
	_ =	shalt  }
.Lfunc_end2:
_tile_overlayer_lowered:
.L_overlay_start_2:
0x383: {  	(tag) =	ssettag $0x2  }
0x384: {  	s0 =	rddreg [dreg:$0x0];
	s2 =	stileid.u32  }
0x385: {  	s1 =	rddreg [dreg:$0x1];
	p0 =	sne.s32 s2, $0x0  }
0x386: {  	s3 =	rddreg [dreg:$0x2];
	[bflag:$0x3] =	sbarrier.arrive $0xFFFF;
	s2 =	simm.s32 @!p0 $0x1C03  }
0x387: {  	[timem:s3], [sflag:s2] =	dma.local @!p0 [hbm:s0], s1  }
0x388: {  	s0 =	simm.s32 @!p0 $0x3  }
0x389: {  	_ =	swait.ge @!p0 [sflag:s0], s1  }
0x38a: {  	s1 =	ssub.s32 @!p0 $0x0, s1;
	[sflag:s0] =	ssyncset.done @!p0 $0x0  }
0x38b: {  	[sflag:s0] =	ssyncadd.s32 @!p0 s1  }
0x38c: {  	[bflag:$0x3] =	sbarrier.arrive $0xFFFF  }
0x38d: {  	_ =	shalt  }

</sc_bundles>
